<compile_context>
chip_gen: v7x
topology: tpu7x:2x2x1
jax: 0.10.2.dev20260603
libtpu: 0.0.44.dev20260713+nightly
codegen_flags: <defaults>
</compile_context>

<pallas_src>
import jax
import jax.numpy as jnp
from jax import lax
from jax.experimental import pallas as pl
from jax.experimental.pallas import tpu as pltpu
from jax.experimental.pallas import tpu_sc as plsc

_N = 10000
_E = 320000
_DK = 128
_OUT = 128
_C = 40
_H0 = 24
_NC = 2
_NS = 16
_EPW = _E // (_NC * _NS)
_NCH = _EPW // _C
_NP = 10240
_RPT = _NP // _NS
_ZR = 16
_DR = _NP // _DK

_GDN = lax.GatherDimensionNumbers(
    offset_dims=(), collapsed_slice_dims=(0,), start_index_map=(0,))


def _lane_shuffle(v, idx):
    return lax.gather(v, idx[:, None], dimension_numbers=_GDN,
                      slice_sizes=(1,),
                      mode=lax.GatherScatterMode.PROMISE_IN_BOUNDS)


def _sc_kernel_body(x_hbm, k_hbm, dst_hbm, src_hbm, agg_out, den_out,
                    dstc_v, srcc_v, sidx_v, q_v, kk_v, msg_v, z_v, exr_v,
                    iden_v, den_v, agg_sh, den_sh, *sems):
    cid = lax.axis_index("c")
    sid = lax.axis_index("s")
    wid = cid * _NS + sid
    tbase = wid * _EPW
    lanes = lax.iota(jnp.int32, 16)
    sem_g = ((sems[0], sems[1], sems[2], sems[3]),
             (sems[4], sems[5], sems[6], sems[7]))
    sem_m = (sems[8], sems[9])
    sem_i = (sems[10], sems[11])

    def zrow(r, carry):
        for j in range(_DK // 16):
            z_v[r, pl.ds(j * 16, 16)] = jnp.zeros((16,), jnp.float32)
        return carry
    lax.fori_loop(0, _ZR, zrow, None)
    for i in range(_RPT // _ZR):
        pltpu.sync_copy(z_v, agg_sh.at[pl.ds(sid * _RPT + i * _ZR, _ZR)])

    def zden(r, carry):
        for j in range(_DK // 16):
            den_v[r, pl.ds(j * 16, 16)] = jnp.zeros((16,), jnp.float32)
        return carry
    lax.fori_loop(0, _DR, zden, None)

    @pl.when(sid < _DR // 8)
    def _():
        pltpu.sync_copy(z_v.at[pl.ds(0, 8)], den_sh.at[pl.ds(sid * 8, 8)])

    for g in range(_DR // 16):
        iden_v[pl.ds(g * 16, 16)] = lanes + g * 16
    plsc.subcore_barrier()

    _halves = ((0, _H0), (_H0, _C - _H0))

    def issue_idx(c, s):
        base = tbase + c * _C
        pltpu.async_copy(dst_hbm.at[pl.ds(base, _C)], dstc_v.at[s], sem_i[s])
        pltpu.async_copy(src_hbm.at[pl.ds(base, _C)], srcc_v.at[s], sem_i[s])

    def wait_idx(c, s):
        base = tbase + c * _C
        pltpu.make_async_copy(dst_hbm.at[pl.ds(base, _C)], dstc_v.at[s],
                              sem_i[s]).wait()
        pltpu.make_async_copy(src_hbm.at[pl.ds(base, _C)], srcc_v.at[s],
                              sem_i[s]).wait()

    def issue_gathers(s):
        for h, (o, n) in enumerate(_halves):
            pltpu.async_copy(x_hbm.at[dstc_v.at[s, pl.ds(o, n)]],
                             q_v.at[s, pl.ds(o, n)], sem_g[s][h])
            pltpu.async_copy(k_hbm.at[srcc_v.at[s, pl.ds(o, n)]],
                             kk_v.at[s, pl.ds(o, n)], sem_g[s][2 + h])

    def wait_gathers(s):
        for h, (o, n) in enumerate(_halves):
            pltpu.make_async_copy(x_hbm.at[dstc_v.at[s, pl.ds(o, n)]],
                                  q_v.at[s, pl.ds(o, n)],
                                  sem_g[s][h]).wait()
            pltpu.make_async_copy(k_hbm.at[srcc_v.at[s, pl.ds(o, n)]],
                                  kk_v.at[s, pl.ds(o, n)],
                                  sem_g[s][2 + h]).wait()

    def wait_scatter(s):
        pltpu.make_async_copy(msg_v.at[s], agg_sh.at[sidx_v.at[s]],
                              sem_m[s]).wait()

    issue_idx(0, 0)
    issue_idx(1, 1)
    wait_idx(0, 0)
    issue_gathers(0)

    def pair_body(c2, carry):
        for b in range(2):
            s = b
            ns = 1 - b
            c = c2 * 2 + b
            wait_gathers(s)

            def launch_next():
                wait_idx(c + 1, ns)
                issue_gathers(ns)
            if b == 0:
                launch_next()
            else:
                @pl.when(c2 < _NCH // 2 - 1)
                def _():
                    launch_next()

            @pl.when(c2 > 0)
            def _():
                wait_scatter(s)

            def edge_body(e, carry2):
                kvs = []
                acc = None
                for jj in range(_DK // 16):
                    qv = q_v[s, e, pl.ds(jj * 16, 16)]
                    kv = kk_v[s, e, pl.ds(jj * 16, 16)]
                    kvs.append(kv)
                    p = qv * kv
                    acc = p if acc is None else acc + p
                for sh in (1, 2, 4, 8):
                    acc = acc + _lane_shuffle(acc, lanes ^ sh)
                ex = jnp.exp(acc * jnp.float32(1.0 / _DK))
                for jj in range(_DK // 16):
                    msg_v[s, e, pl.ds(jj * 16, 16)] = kvs[jj] * ex
                plsc.store_scatter(exr_v, [jnp.full((16,), e, jnp.int32)],
                                   ex, mask=lanes == 0)
                return carry2
            lax.fori_loop(0, _C, edge_body, None, unroll=4)

            for off, dmask in ((0, None), (16, None), (24, lanes >= 8)):
                dst16 = dstc_v[s, pl.ds(off, 16)]
                exv = exr_v[pl.ds(off, 16)]
                plsc.addupdate_scatter(
                    den_v,
                    [lax.shift_right_logical(dst16, 7), dst16 & 127],
                    exv, mask=dmask)
                sidx_v[s, pl.ds(off, 16)] = dst16
            pltpu.async_copy(msg_v.at[s], agg_sh.at[sidx_v.at[s]],
                             sem_m[s], add=True)

            @pl.when(c2 < _NCH // 2 - 1)
            def _():
                issue_idx(c + 2, s)
        return carry
    lax.fori_loop(0, _NCH // 2, pair_body, None)

    wait_scatter(0)
    wait_scatter(1)

    pltpu.sync_copy(den_v, den_sh.at[iden_v], add=True)
    plsc.subcore_barrier()
    pltpu.sync_copy(agg_sh.at[pl.ds(sid * _RPT, _RPT)],
                    agg_out.at[cid, pl.ds(sid * _RPT, _RPT)])

    @pl.when(sid < _DR // 8)
    def _():
        pltpu.sync_copy(den_sh.at[pl.ds(sid * 8, 8)],
                        den_out.at[cid, pl.ds(sid * 8, 8)])


def _sc_phase(x, k, dst, src):
    mesh = plsc.VectorSubcoreMesh(core_axis_name="c", subcore_axis_name="s")
    kfn = pl.kernel(
        _sc_kernel_body,
        mesh=mesh,
        compiler_params=pltpu.CompilerParams(needs_layout_passes=False),
        out_type=(
            jax.ShapeDtypeStruct((_NC, _NP, _DK), jnp.float32),
            jax.ShapeDtypeStruct((_NC, _DR, _DK), jnp.float32),
        ),
        scratch_types=[
            pltpu.VMEM((2, _C), jnp.int32),
            pltpu.VMEM((2, _C), jnp.int32),
            pltpu.VMEM((2, _C), jnp.int32),
            pltpu.VMEM((2, _C, _DK), jnp.float32),
            pltpu.VMEM((2, _C, _DK), jnp.float32),
            pltpu.VMEM((2, _C, _DK), jnp.float32),
            pltpu.VMEM((_ZR, _DK), jnp.float32),
            pltpu.VMEM((_C,), jnp.float32),
            pltpu.VMEM((_DR,), jnp.int32),
            pltpu.VMEM((_DR, _DK), jnp.float32),
            pltpu.VMEM_SHARED((_NP, _DK), jnp.float32),
            pltpu.VMEM_SHARED((_DR, _DK), jnp.float32),
        ] + [pltpu.SemaphoreType.DMA] * 12,
    )
    return kfn(x, k, dst, src)


def _tc_body(p_ref, d_ref, w_ref, b_ref, o_ref):
    p = p_ref[...]
    agg = p[0] + p[1]
    d = d_ref[...]
    den = d[0] + d[1]
    a = agg / (den + jnp.float32(1e-9))
    o_ref[...] = (
        jnp.dot(a, w_ref[...], preferred_element_type=jnp.float32)
        + b_ref[...]
    )


def _tc_phase(partials, den, w_o, b_o):
    rows = 1024
    grid = _NP // rows
    return pl.pallas_call(
        _tc_body,
        grid=(grid,),
        in_specs=[
            pl.BlockSpec((_NC, rows, _DK), lambda i: (0, i, 0)),
            pl.BlockSpec((_NC, rows, 1), lambda i: (0, i, 0)),
            pl.BlockSpec((_DK, _OUT), lambda i: (0, 0)),
            pl.BlockSpec((1, _OUT), lambda i: (0, 0)),
        ],
        out_specs=pl.BlockSpec((rows, _OUT), lambda i: (i, 0)),
        out_shape=jax.ShapeDtypeStruct((_NP, _OUT), jnp.float32),
    )(partials, den, w_o, b_o)


@jax.jit
def kernel(X, K, edge_index, W_o, b_o):
    partials, den = _sc_phase(X, K, edge_index[0], edge_index[1])
    den3 = den.reshape(_NC, _NP, 1)
    out = _tc_phase(partials, den3, W_o, b_o.reshape(1, _OUT))
    return out[:_N]

# --- scband reference (transcript-rebuilt; emitter-appended) ---
"""Pipeline reference for scband-graph-atn-47845935677671 (READ-ONLY COPY).

The authoritative reference and input builder live on the scoring server;
editing this copy changes nothing except your own understanding.
"""

import jax, jax.numpy as jnp
import numpy as np

N = 10000
E = 320000
DK = 128
OUT_DIM = 128


def setup_inputs(seed: int = 0) -> dict:
    key = jax.random.key(seed)
    k1, k2, k3, k4 = jax.random.split(key, 4)
    X = jax.random.normal(k1, (N, DK), dtype=jnp.float32)
    K = jax.random.normal(k2, (N, DK), dtype=jnp.float32)
    edge_index = jax.random.randint(k3, (2, E), 0, N, dtype=jnp.int32)
    # learned params of the W_o = nn.Dense(out_dim) layer (flax kernel layout [in, out])
    W_o = jax.random.normal(k4, (DK, OUT_DIM), dtype=jnp.float32) / jnp.sqrt(DK)
    b_o = jnp.zeros((OUT_DIM,), dtype=jnp.float32)
    return {"X": X, "K": K, "edge_index": edge_index, "W_o": W_o, "b_o": b_o}


def _sparse_softmax(scores, seg, num_seg):
    # segment-wise (per-destination-neighborhood) numerically-stable softmax
    smax = jax.ops.segment_max(scores, seg, num_segments=num_seg)
    smax = jnp.where(jnp.isfinite(smax), smax, 0.0)
    ex = jnp.exp(scores - smax[seg])
    den = jax.ops.segment_sum(ex, seg, num_segments=num_seg)
    return ex / (den[seg] + 1e-9)


def reference(X, K, edge_index, W_o, b_o):
    # Sparse graph attention on edge list. For edge e = (dst, src):
    #   score_e = <X[dst], K[src]> / dk   (original code scales by dk, not sqrt(dk))
    # softmax over each dst neighborhood, values = K[src], aggregate by dst, project with W_o.
    dst = edge_index[0]
    src = edge_index[1]
    q = jnp.take(X, dst, axis=0)   # [E, dk] gather
    k = jnp.take(K, src, axis=0)   # [E, dk] gather
    scores = jnp.sum(q * k, axis=-1) / DK  # [E]
    alpha = _sparse_softmax(scores, dst, N)  # [E]
    msg = alpha[:, None] * k                 # [E, dk]
    agg = jax.ops.segment_sum(msg, dst, num_segments=N)  # [N, dk] scatter-add
    out = agg @ W_o + b_o                    # [N, out_dim]
    return out

if __name__ == "__main__":
    import jax
    _d = setup_inputs()
    print(jax.jit(kernel)(*tuple(_d.values())))

</pallas_src>

<mosaic_0001>
#map = affine_map<(d0, d1) -> (0, 0)>
#map1 = affine_map<(d0, d1) -> (0)>
#map2 = affine_map<(d0, d1) -> (0, 0, 0)>
module attributes {stable_mosaic.version = 14 : i64} {
  func.func @_sc_kernel_body(%arg0: i32, %arg1: i32, %arg2: memref<10000x128xf32, #tpu.memory_space<hbm>>, %arg3: memref<10000x128xf32, #tpu.memory_space<hbm>>, %arg4: memref<320000xi32, #tpu.memory_space<hbm>>, %arg5: memref<320000xi32, #tpu.memory_space<hbm>>, %arg6: memref<2x10240x128xf32, #tpu.memory_space<hbm>>, %arg7: memref<2x80x128xf32, #tpu.memory_space<hbm>>, %arg8: memref<2x40xi32, #tpu.memory_space<vmem>>, %arg9: memref<2x40xi32, #tpu.memory_space<vmem>>, %arg10: memref<2x40xi32, #tpu.memory_space<vmem>>, %arg11: memref<2x40x128xf32, #tpu.memory_space<vmem>>, %arg12: memref<2x40x128xf32, #tpu.memory_space<vmem>>, %arg13: memref<2x40x128xf32, #tpu.memory_space<vmem>>, %arg14: memref<16x128xf32, #tpu.memory_space<vmem>>, %arg15: memref<40xf32, #tpu.memory_space<vmem>>, %arg16: memref<80xi32, #tpu.memory_space<vmem>>, %arg17: memref<80x128xf32, #tpu.memory_space<vmem>>, %arg18: memref<10240x128xf32, #tpu.memory_space<vmem_shared>>, %arg19: memref<80x128xf32, #tpu.memory_space<vmem_shared>>, %arg20: memref<!tpu.dma_semaphore, #tpu.memory_space<semaphore_mem>>, %arg21: memref<!tpu.dma_semaphore, #tpu.memory_space<semaphore_mem>>, %arg22: memref<!tpu.dma_semaphore, #tpu.memory_space<semaphore_mem>>, %arg23: memref<!tpu.dma_semaphore, #tpu.memory_space<semaphore_mem>>, %arg24: memref<!tpu.dma_semaphore, #tpu.memory_space<semaphore_mem>>, %arg25: memref<!tpu.dma_semaphore, #tpu.memory_space<semaphore_mem>>, %arg26: memref<!tpu.dma_semaphore, #tpu.memory_space<semaphore_mem>>, %arg27: memref<!tpu.dma_semaphore, #tpu.memory_space<semaphore_mem>>, %arg28: memref<!tpu.dma_semaphore, #tpu.memory_space<semaphore_mem>>, %arg29: memref<!tpu.dma_semaphore, #tpu.memory_space<semaphore_mem>>, %arg30: memref<!tpu.dma_semaphore, #tpu.memory_space<semaphore_mem>>, %arg31: memref<!tpu.dma_semaphore, #tpu.memory_space<semaphore_mem>>) attributes {dimension_semantics = [#tpu.dimension_semantics<core_parallel>, #tpu.dimension_semantics<subcore_parallel>], iteration_bounds = array<i64: 2, 16>, scalar_prefetch = 0 : i64, scratch_operands = 24 : i64, tpu.core_type = #tpu.core_type<sc_vector_subcore>, window_params = [{transform_indices = #map}, {transform_indices = #map}, {transform_indices = #map1}, {transform_indices = #map1}, {transform_indices = #map2}, {transform_indices = #map2}]} {
    %mul3A = arith.constant 16 : i32
    %mul3A_0 = arith.muli %arg0, %mul3A : i32
    %add3A = arith.addi %mul3A_0, %arg1 : i32
    %mul3A_1 = arith.constant 10000 : i32
    %mul3A_2 = arith.muli %add3A, %mul3A_1 : i32
    %iota3A = tpu.iota {dimensions = array<i32: 0>} : vector<16xi32>
    %scan3A = arith.constant 0 : i32
    %scan3A_3 = arith.constant 16 : i32
    %scan3A_4 = arith.addi %scan3A, %scan3A_3 : i32
    %scan3A_5 = arith.constant 1 : i32
    scf.for %scan3A_343 = %scan3A to %scan3A_4 step %scan3A_5  : i32 {
      %broadcast_in_dim3A = arith.constant 0.000000e+00 : f32
      %broadcast_in_dim3A_344 = vector.broadcast %broadcast_in_dim3A : f32 to vector<16xf32>
      %swap3A_345 = arith.index_cast %scan3A_343 : i32 to index
      %swap3A_346 = arith.constant 0 : index
      %swap3A_347 = tpu.vector_load %arg14[%swap3A_345, %swap3A_346] {strides = array<i32>} : memref<16x128xf32, #tpu.memory_space<vmem>>, vector<16xf32>,
      tpu.vector_store %arg14[%swap3A_345, %swap3A_346], %broadcast_in_dim3A_344 {strides = array<i32>} : memref<16x128xf32, #tpu.memory_space<vmem>>, vector<16xf32>,
      %broadcast_in_dim3A_348 = arith.constant 0.000000e+00 : f32
      %broadcast_in_dim3A_349 = vector.broadcast %broadcast_in_dim3A_348 : f32 to vector<16xf32>
      %swap3A_350 = arith.index_cast %scan3A_343 : i32 to index
      %swap3A_351 = arith.constant 16 : index
      %swap3A_352 = tpu.vector_load %arg14[%swap3A_350, %swap3A_351] {strides = array<i32>} : memref<16x128xf32, #tpu.memory_space<vmem>>, vector<16xf32>,
      tpu.vector_store %arg14[%swap3A_350, %swap3A_351], %broadcast_in_dim3A_349 {strides = array<i32>} : memref<16x128xf32, #tpu.memory_space<vmem>>, vector<16xf32>,
      %broadcast_in_dim3A_353 = arith.constant 0.000000e+00 : f32
      %broadcast_in_dim3A_354 = vector.broadcast %broadcast_in_dim3A_353 : f32 to vector<16xf32>
      %swap3A_355 = arith.index_cast %scan3A_343 : i32 to index
      %swap3A_356 = arith.constant 32 : index
      %swap3A_357 = tpu.vector_load %arg14[%swap3A_355, %swap3A_356] {strides = array<i32>} : memref<16x128xf32, #tpu.memory_space<vmem>>, vector<16xf32>,
      tpu.vector_store %arg14[%swap3A_355, %swap3A_356], %broadcast_in_dim3A_354 {strides = array<i32>} : memref<16x128xf32, #tpu.memory_space<vmem>>, vector<16xf32>,
      %broadcast_in_dim3A_358 = arith.constant 0.000000e+00 : f32
      %broadcast_in_dim3A_359 = vector.broadcast %broadcast_in_dim3A_358 : f32 to vector<16xf32>
      %swap3A_360 = arith.index_cast %scan3A_343 : i32 to index
      %swap3A_361 = arith.constant 48 : index
      %swap3A_362 = tpu.vector_load %arg14[%swap3A_360, %swap3A_361] {strides = array<i32>} : memref<16x128xf32, #tpu.memory_space<vmem>>, vector<16xf32>,
      tpu.vector_store %arg14[%swap3A_360, %swap3A_361], %broadcast_in_dim3A_359 {strides = array<i32>} : memref<16x128xf32, #tpu.memory_space<vmem>>, vector<16xf32>,
      %broadcast_in_dim3A_363 = arith.constant 0.000000e+00 : f32
      %broadcast_in_dim3A_364 = vector.broadcast %broadcast_in_dim3A_363 : f32 to vector<16xf32>
      %swap3A_365 = arith.index_cast %scan3A_343 : i32 to index
      %swap3A_366 = arith.constant 64 : index
      %swap3A_367 = tpu.vector_load %arg14[%swap3A_365, %swap3A_366] {strides = array<i32>} : memref<16x128xf32, #tpu.memory_space<vmem>>, vector<16xf32>,
      tpu.vector_store %arg14[%swap3A_365, %swap3A_366], %broadcast_in_dim3A_364 {strides = array<i32>} : memref<16x128xf32, #tpu.memory_space<vmem>>, vector<16xf32>,
      %broadcast_in_dim3A_368 = arith.constant 0.000000e+00 : f32
      %broadcast_in_dim3A_369 = vector.broadcast %broadcast_in_dim3A_368 : f32 to vector<16xf32>
      %swap3A_370 = arith.index_cast %scan3A_343 : i32 to index
      %swap3A_371 = arith.constant 80 : index
      %swap3A_372 = tpu.vector_load %arg14[%swap3A_370, %swap3A_371] {strides = array<i32>} : memref<16x128xf32, #tpu.memory_space<vmem>>, vector<16xf32>,
      tpu.vector_store %arg14[%swap3A_370, %swap3A_371], %broadcast_in_dim3A_369 {strides = array<i32>} : memref<16x128xf32, #tpu.memory_space<vmem>>, vector<16xf32>,
      %broadcast_in_dim3A_373 = arith.constant 0.000000e+00 : f32
      %broadcast_in_dim3A_374 = vector.broadcast %broadcast_in_dim3A_373 : f32 to vector<16xf32>
      %swap3A_375 = arith.index_cast %scan3A_343 : i32 to index
      %swap3A_376 = arith.constant 96 : index
      %swap3A_377 = tpu.vector_load %arg14[%swap3A_375, %swap3A_376] {strides = array<i32>} : memref<16x128xf32, #tpu.memory_space<vmem>>, vector<16xf32>,
      tpu.vector_store %arg14[%swap3A_375, %swap3A_376], %broadcast_in_dim3A_374 {strides = array<i32>} : memref<16x128xf32, #tpu.memory_space<vmem>>, vector<16xf32>,
      %broadcast_in_dim3A_378 = arith.constant 0.000000e+00 : f32
      %broadcast_in_dim3A_379 = vector.broadcast %broadcast_in_dim3A_378 : f32 to vector<16xf32>
      %swap3A_380 = arith.index_cast %scan3A_343 : i32 to index
      %swap3A_381 = arith.constant 112 : index
      %swap3A_382 = tpu.vector_load %arg14[%swap3A_380, %swap3A_381] {strides = array<i32>} : memref<16x128xf32, #tpu.memory_space<vmem>>, vector<16xf32>,
      tpu.vector_store %arg14[%swap3A_380, %swap3A_381], %broadcast_in_dim3A_379 {strides = array<i32>} : memref<16x128xf32, #tpu.memory_space<vmem>>, vector<16xf32>,
    }
    %scan3A_6 = arith.constant 16 : i32
    %mul3A_7 = arith.constant 640 : i32
    %mul3A_8 = arith.muli %arg1, %mul3A_7 : i32
    %add3A_9 = arith.constant 0 : i32
    %add3A_10 = arith.addi %mul3A_8, %add3A_9 : i32
    "tpu.region"() ({
      %run_scoped3A = tpu.sem_alloc : memref<!tpu.dma_semaphore, #tpu.memory_space<semaphore_mem>>
      %dma_start3A_343 = arith.constant 0 : i32
      %dma_start3A_344 = tpu.memref_slice %arg18[%add3A_10, %dma_start3A_343] : memref<10240x128xf32, #tpu.memory_space<vmem_shared>> -> memref<16x128xf32, #tpu.memory_space<vmem_shared>>
      %dma_start3A_345 = arith.constant 0 : i32
      %dma_start3A_346 = tpu.memref_slice %arg18[%add3A_10, %dma_start3A_345] : memref<10240x128xf32, #tpu.memory_space<vmem_shared>> -> memref<16x128xf32, #tpu.memory_space<vmem_shared>>
      tpu.enqueue_dma source(%arg14 : memref<16x128xf32, #tpu.memory_space<vmem>>) target(%dma_start3A_346 : memref<16x128xf32, #tpu.memory_space<vmem_shared>>) target_semaphore(%run_scoped3A : memref<!tpu.dma_semaphore, #tpu.memory_space<semaphore_mem>>)
      %dma_wait3A_347 = arith.constant 0 : i32
      %dma_wait3A_348 = tpu.memref_slice %arg18[%add3A_10, %dma_wait3A_347] : memref<10240x128xf32, #tpu.memory_space<vmem_shared>> -> memref<16x128xf32, #tpu.memory_space<vmem_shared>>
      %dma_wait3A_349 = arith.constant 0 : i32
      %dma_wait3A_350 = tpu.memref_slice %arg18[%add3A_10, %dma_wait3A_349] : memref<10240x128xf32, #tpu.memory_space<vmem_shared>> -> memref<16x128xf32, #tpu.memory_space<vmem_shared>>
      tpu.wait_dma2 semaphore(%run_scoped3A : memref<!tpu.dma_semaphore, #tpu.memory_space<semaphore_mem>>) src(%arg14 : memref<16x128xf32, #tpu.memory_space<vmem>>) dst(%dma_wait3A_350 : memref<16x128xf32, #tpu.memory_space<vmem_shared>>)
      tpu.yield
    }) : () -> ()
    %mul3A_11 = arith.constant 640 : i32
    %mul3A_12 = arith.muli %arg1, %mul3A_11 : i32
    %add3A_13 = arith.constant 16 : i32
    %add3A_14 = arith.addi %mul3A_12, %add3A_13 : i32
    "tpu.region"() ({
      %run_scoped3A = tpu.sem_alloc : memref<!tpu.dma_semaphore, #tpu.memory_space<semaphore_mem>>
      %dma_start3A_343 = arith.constant 0 : i32
      %dma_start3A_344 = tpu.memref_slice %arg18[%add3A_14, %dma_start3A_343] : memref<10240x128xf32, #tpu.memory_space<vmem_shared>> -> memref<16x128xf32, #tpu.memory_space<vmem_shared>>
      %dma_start3A_345 = arith.constant 0 : i32
      %dma_start3A_346 = tpu.memref_slice %arg18[%add3A_14, %dma_start3A_345] : memref<10240x128xf32, #tpu.memory_space<vmem_shared>> -> memref<16x128xf32, #tpu.memory_space<vmem_shared>>
      tpu.enqueue_dma source(%arg14 : memref<16x128xf32, #tpu.memory_space<vmem>>) target(%dma_start3A_346 : memref<16x128xf32, #tpu.memory_space<vmem_shared>>) target_semaphore(%run_scoped3A : memref<!tpu.dma_semaphore, #tpu.memory_space<semaphore_mem>>)
      %dma_wait3A_347 = arith.constant 0 : i32
      %dma_wait3A_348 = tpu.memref_slice %arg18[%add3A_14, %dma_wait3A_347] : memref<10240x128xf32, #tpu.memory_space<vmem_shared>> -> memref<16x128xf32, #tpu.memory_space<vmem_shared>>
      %dma_wait3A_349 = arith.constant 0 : i32
      %dma_wait3A_350 = tpu.memref_slice %arg18[%add3A_14, %dma_wait3A_349] : memref<10240x128xf32, #tpu.memory_space<vmem_shared>> -> memref<16x128xf32, #tpu.memory_space<vmem_shared>>
      tpu.wait_dma2 semaphore(%run_scoped3A : memref<!tpu.dma_semaphore, #tpu.memory_space<semaphore_mem>>) src(%arg14 : memref<16x128xf32, #tpu.memory_space<vmem>>) dst(%dma_wait3A_350 : memref<16x128xf32, #tpu.memory_space<vmem_shared>>)
      tpu.yield
    }) : () -> ()
    %mul3A_15 = arith.constant 640 : i32
    %mul3A_16 = arith.muli %arg1, %mul3A_15 : i32
    %add3A_17 = arith.constant 32 : i32
    %add3A_18 = arith.addi %mul3A_16, %add3A_17 : i32
    "tpu.region"() ({
      %run_scoped3A = tpu.sem_alloc : memref<!tpu.dma_semaphore, #tpu.memory_space<semaphore_mem>>
      %dma_start3A_343 = arith.constant 0 : i32
      %dma_start3A_344 = tpu.memref_slice %arg18[%add3A_18, %dma_start3A_343] : memref<10240x128xf32, #tpu.memory_space<vmem_shared>> -> memref<16x128xf32, #tpu.memory_space<vmem_shared>>
      %dma_start3A_345 = arith.constant 0 : i32
      %dma_start3A_346 = tpu.memref_slice %arg18[%add3A_18, %dma_start3A_345] : memref<10240x128xf32, #tpu.memory_space<vmem_shared>> -> memref<16x128xf32, #tpu.memory_space<vmem_shared>>
      tpu.enqueue_dma source(%arg14 : memref<16x128xf32, #tpu.memory_space<vmem>>) target(%dma_start3A_346 : memref<16x128xf32, #tpu.memory_space<vmem_shared>>) target_semaphore(%run_scoped3A : memref<!tpu.dma_semaphore, #tpu.memory_space<semaphore_mem>>)
      %dma_wait3A_347 = arith.constant 0 : i32
      %dma_wait3A_348 = tpu.memref_slice %arg18[%add3A_18, %dma_wait3A_347] : memref<10240x128xf32, #tpu.memory_space<vmem_shared>> -> memref<16x128xf32, #tpu.memory_space<vmem_shared>>
      %dma_wait3A_349 = arith.constant 0 : i32
      %dma_wait3A_350 = tpu.memref_slice %arg18[%add3A_18, %dma_wait3A_349] : memref<10240x128xf32, #tpu.memory_space<vmem_shared>> -> memref<16x128xf32, #tpu.memory_space<vmem_shared>>
      tpu.wait_dma2 semaphore(%run_scoped3A : memref<!tpu.dma_semaphore, #tpu.memory_space<semaphore_mem>>) src(%arg14 : memref<16x128xf32, #tpu.memory_space<vmem>>) dst(%dma_wait3A_350 : memref<16x128xf32, #tpu.memory_space<vmem_shared>>)
      tpu.yield
    }) : () -> ()
    %mul3A_19 = arith.constant 640 : i32
    %mul3A_20 = arith.muli %arg1, %mul3A_19 : i32
    %add3A_21 = arith.constant 48 : i32
    %add3A_22 = arith.addi %mul3A_20, %add3A_21 : i32
    "tpu.region"() ({
      %run_scoped3A = tpu.sem_alloc : memref<!tpu.dma_semaphore, #tpu.memory_space<semaphore_mem>>
      %dma_start3A_343 = arith.constant 0 : i32
      %dma_start3A_344 = tpu.memref_slice %arg18[%add3A_22, %dma_start3A_343] : memref<10240x128xf32, #tpu.memory_space<vmem_shared>> -> memref<16x128xf32, #tpu.memory_space<vmem_shared>>
      %dma_start3A_345 = arith.constant 0 : i32
      %dma_start3A_346 = tpu.memref_slice %arg18[%add3A_22, %dma_start3A_345] : memref<10240x128xf32, #tpu.memory_space<vmem_shared>> -> memref<16x128xf32, #tpu.memory_space<vmem_shared>>
      tpu.enqueue_dma source(%arg14 : memref<16x128xf32, #tpu.memory_space<vmem>>) target(%dma_start3A_346 : memref<16x128xf32, #tpu.memory_space<vmem_shared>>) target_semaphore(%run_scoped3A : memref<!tpu.dma_semaphore, #tpu.memory_space<semaphore_mem>>)
      %dma_wait3A_347 = arith.constant 0 : i32
      %dma_wait3A_348 = tpu.memref_slice %arg18[%add3A_22, %dma_wait3A_347] : memref<10240x128xf32, #tpu.memory_space<vmem_shared>> -> memref<16x128xf32, #tpu.memory_space<vmem_shared>>
      %dma_wait3A_349 = arith.constant 0 : i32
      %dma_wait3A_350 = tpu.memref_slice %arg18[%add3A_22, %dma_wait3A_349] : memref<10240x128xf32, #tpu.memory_space<vmem_shared>> -> memref<16x128xf32, #tpu.memory_space<vmem_shared>>
      tpu.wait_dma2 semaphore(%run_scoped3A : memref<!tpu.dma_semaphore, #tpu.memory_space<semaphore_mem>>) src(%arg14 : memref<16x128xf32, #tpu.memory_space<vmem>>) dst(%dma_wait3A_350 : memref<16x128xf32, #tpu.memory_space<vmem_shared>>)
      tpu.yield
    }) : () -> ()
    %mul3A_23 = arith.constant 640 : i32
    %mul3A_24 = arith.muli %arg1, %mul3A_23 : i32
    %add3A_25 = arith.constant 64 : i32
    %add3A_26 = arith.addi %mul3A_24, %add3A_25 : i32
    "tpu.region"() ({
      %run_scoped3A = tpu.sem_alloc : memref<!tpu.dma_semaphore, #tpu.memory_space<semaphore_mem>>
      %dma_start3A_343 = arith.constant 0 : i32
      %dma_start3A_344 = tpu.memref_slice %arg18[%add3A_26, %dma_start3A_343] : memref<10240x128xf32, #tpu.memory_space<vmem_shared>> -> memref<16x128xf32, #tpu.memory_space<vmem_shared>>
      %dma_start3A_345 = arith.constant 0 : i32
      %dma_start3A_346 = tpu.memref_slice %arg18[%add3A_26, %dma_start3A_345] : memref<10240x128xf32, #tpu.memory_space<vmem_shared>> -> memref<16x128xf32, #tpu.memory_space<vmem_shared>>
      tpu.enqueue_dma source(%arg14 : memref<16x128xf32, #tpu.memory_space<vmem>>) target(%dma_start3A_346 : memref<16x128xf32, #tpu.memory_space<vmem_shared>>) target_semaphore(%run_scoped3A : memref<!tpu.dma_semaphore, #tpu.memory_space<semaphore_mem>>)
      %dma_wait3A_347 = arith.constant 0 : i32
      %dma_wait3A_348 = tpu.memref_slice %arg18[%add3A_26, %dma_wait3A_347] : memref<10240x128xf32, #tpu.memory_space<vmem_shared>> -> memref<16x128xf32, #tpu.memory_space<vmem_shared>>
      %dma_wait3A_349 = arith.constant 0 : i32
      %dma_wait3A_350 = tpu.memref_slice %arg18[%add3A_26, %dma_wait3A_349] : memref<10240x128xf32, #tpu.memory_space<vmem_shared>> -> memref<16x128xf32, #tpu.memory_space<vmem_shared>>
      tpu.wait_dma2 semaphore(%run_scoped3A : memref<!tpu.dma_semaphore, #tpu.memory_space<semaphore_mem>>) src(%arg14 : memref<16x128xf32, #tpu.memory_space<vmem>>) dst(%dma_wait3A_350 : memref<16x128xf32, #tpu.memory_space<vmem_shared>>)
      tpu.yield
    }) : () -> ()
    %mul3A_27 = arith.constant 640 : i32
    %mul3A_28 = arith.muli %arg1, %mul3A_27 : i32
    %add3A_29 = arith.constant 80 : i32
    %add3A_30 = arith.addi %mul3A_28, %add3A_29 : i32
    "tpu.region"() ({
      %run_scoped3A = tpu.sem_alloc : memref<!tpu.dma_semaphore, #tpu.memory_space<semaphore_mem>>
      %dma_start3A_343 = arith.constant 0 : i32
      %dma_start3A_344 = tpu.memref_slice %arg18[%add3A_30, %dma_start3A_343] : memref<10240x128xf32, #tpu.memory_space<vmem_shared>> -> memref<16x128xf32, #tpu.memory_space<vmem_shared>>
      %dma_start3A_345 = arith.constant 0 : i32
      %dma_start3A_346 = tpu.memref_slice %arg18[%add3A_30, %dma_start3A_345] : memref<10240x128xf32, #tpu.memory_space<vmem_shared>> -> memref<16x128xf32, #tpu.memory_space<vmem_shared>>
      tpu.enqueue_dma source(%arg14 : memref<16x128xf32, #tpu.memory_space<vmem>>) target(%dma_start3A_346 : memref<16x128xf32, #tpu.memory_space<vmem_shared>>) target_semaphore(%run_scoped3A : memref<!tpu.dma_semaphore, #tpu.memory_space<semaphore_mem>>)
      %dma_wait3A_347 = arith.constant 0 : i32
      %dma_wait3A_348 = tpu.memref_slice %arg18[%add3A_30, %dma_wait3A_347] : memref<10240x128xf32, #tpu.memory_space<vmem_shared>> -> memref<16x128xf32, #tpu.memory_space<vmem_shared>>
      %dma_wait3A_349 = arith.constant 0 : i32
      %dma_wait3A_350 = tpu.memref_slice %arg18[%add3A_30, %dma_wait3A_349] : memref<10240x128xf32, #tpu.memory_space<vmem_shared>> -> memref<16x128xf32, #tpu.memory_space<vmem_shared>>
      tpu.wait_dma2 semaphore(%run_scoped3A : memref<!tpu.dma_semaphore, #tpu.memory_space<semaphore_mem>>) src(%arg14 : memref<16x128xf32, #tpu.memory_space<vmem>>) dst(%dma_wait3A_350 : memref<16x128xf32, #tpu.memory_space<vmem_shared>>)
      tpu.yield
    }) : () -> ()
    %mul3A_31 = arith.constant 640 : i32
    %mul3A_32 = arith.muli %arg1, %mul3A_31 : i32
    %add3A_33 = arith.constant 96 : i32
    %add3A_34 = arith.addi %mul3A_32, %add3A_33 : i32
    "tpu.region"() ({
      %run_scoped3A = tpu.sem_alloc : memref<!tpu.dma_semaphore, #tpu.memory_space<semaphore_mem>>
      %dma_start3A_343 = arith.constant 0 : i32
      %dma_start3A_344 = tpu.memref_slice %arg18[%add3A_34, %dma_start3A_343] : memref<10240x128xf32, #tpu.memory_space<vmem_shared>> -> memref<16x128xf32, #tpu.memory_space<vmem_shared>>
      %dma_start3A_345 = arith.constant 0 : i32
      %dma_start3A_346 = tpu.memref_slice %arg18[%add3A_34, %dma_start3A_345] : memref<10240x128xf32, #tpu.memory_space<vmem_shared>> -> memref<16x128xf32, #tpu.memory_space<vmem_shared>>
      tpu.enqueue_dma source(%arg14 : memref<16x128xf32, #tpu.memory_space<vmem>>) target(%dma_start3A_346 : memref<16x128xf32, #tpu.memory_space<vmem_shared>>) target_semaphore(%run_scoped3A : memref<!tpu.dma_semaphore, #tpu.memory_space<semaphore_mem>>)
      %dma_wait3A_347 = arith.constant 0 : i32
      %dma_wait3A_348 = tpu.memref_slice %arg18[%add3A_34, %dma_wait3A_347] : memref<10240x128xf32, #tpu.memory_space<vmem_shared>> -> memref<16x128xf32, #tpu.memory_space<vmem_shared>>
      %dma_wait3A_349 = arith.constant 0 : i32
      %dma_wait3A_350 = tpu.memref_slice %arg18[%add3A_34, %dma_wait3A_349] : memref<10240x128xf32, #tpu.memory_space<vmem_shared>> -> memref<16x128xf32, #tpu.memory_space<vmem_shared>>
      tpu.wait_dma2 semaphore(%run_scoped3A : memref<!tpu.dma_semaphore, #tpu.memory_space<semaphore_mem>>) src(%arg14 : memref<16x128xf32, #tpu.memory_space<vmem>>) dst(%dma_wait3A_350 : memref<16x128xf32, #tpu.memory_space<vmem_shared>>)
      tpu.yield
    }) : () -> ()
    %mul3A_35 = arith.constant 640 : i32
    %mul3A_36 = arith.muli %arg1, %mul3A_35 : i32
    %add3A_37 = arith.constant 112 : i32
    %add3A_38 = arith.addi %mul3A_36, %add3A_37 : i32
    "tpu.region"() ({
      %run_scoped3A = tpu.sem_alloc : memref<!tpu.dma_semaphore, #tpu.memory_space<semaphore_mem>>
      %dma_start3A_343 = arith.constant 0 : i32
      %dma_start3A_344 = tpu.memref_slice %arg18[%add3A_38, %dma_start3A_343] : memref<10240x128xf32, #tpu.memory_space<vmem_shared>> -> memref<16x128xf32, #tpu.memory_space<vmem_shared>>
      %dma_start3A_345 = arith.constant 0 : i32
      %dma_start3A_346 = tpu.memref_slice %arg18[%add3A_38, %dma_start3A_345] : memref<10240x128xf32, #tpu.memory_space<vmem_shared>> -> memref<16x128xf32, #tpu.memory_space<vmem_shared>>
      tpu.enqueue_dma source(%arg14 : memref<16x128xf32, #tpu.memory_space<vmem>>) target(%dma_start3A_346 : memref<16x128xf32, #tpu.memory_space<vmem_shared>>) target_semaphore(%run_scoped3A : memref<!tpu.dma_semaphore, #tpu.memory_space<semaphore_mem>>)
      %dma_wait3A_347 = arith.constant 0 : i32
      %dma_wait3A_348 = tpu.memref_slice %arg18[%add3A_38, %dma_wait3A_347] : memref<10240x128xf32, #tpu.memory_space<vmem_shared>> -> memref<16x128xf32, #tpu.memory_space<vmem_shared>>
      %dma_wait3A_349 = arith.constant 0 : i32
      %dma_wait3A_350 = tpu.memref_slice %arg18[%add3A_38, %dma_wait3A_349] : memref<10240x128xf32, #tpu.memory_space<vmem_shared>> -> memref<16x128xf32, #tpu.memory_space<vmem_shared>>
      tpu.wait_dma2 semaphore(%run_scoped3A : memref<!tpu.dma_semaphore, #tpu.memory_space<semaphore_mem>>) src(%arg14 : memref<16x128xf32, #tpu.memory_space<vmem>>) dst(%dma_wait3A_350 : memref<16x128xf32, #tpu.memory_space<vmem_shared>>)
      tpu.yield
    }) : () -> ()
    %mul3A_39 = arith.constant 640 : i32
    %mul3A_40 = arith.muli %arg1, %mul3A_39 : i32
    %add3A_41 = arith.constant 128 : i32
    %add3A_42 = arith.addi %mul3A_40, %add3A_41 : i32
    "tpu.region"() ({
      %run_scoped3A = tpu.sem_alloc : memref<!tpu.dma_semaphore, #tpu.memory_space<semaphore_mem>>
      %dma_start3A_343 = arith.constant 0 : i32
      %dma_start3A_344 = tpu.memref_slice %arg18[%add3A_42, %dma_start3A_343] : memref<10240x128xf32, #tpu.memory_space<vmem_shared>> -> memref<16x128xf32, #tpu.memory_space<vmem_shared>>
      %dma_start3A_345 = arith.constant 0 : i32
      %dma_start3A_346 = tpu.memref_slice %arg18[%add3A_42, %dma_start3A_345] : memref<10240x128xf32, #tpu.memory_space<vmem_shared>> -> memref<16x128xf32, #tpu.memory_space<vmem_shared>>
      tpu.enqueue_dma source(%arg14 : memref<16x128xf32, #tpu.memory_space<vmem>>) target(%dma_start3A_346 : memref<16x128xf32, #tpu.memory_space<vmem_shared>>) target_semaphore(%run_scoped3A : memref<!tpu.dma_semaphore, #tpu.memory_space<semaphore_mem>>)
      %dma_wait3A_347 = arith.constant 0 : i32
      %dma_wait3A_348 = tpu.memref_slice %arg18[%add3A_42, %dma_wait3A_347] : memref<10240x128xf32, #tpu.memory_space<vmem_shared>> -> memref<16x128xf32, #tpu.memory_space<vmem_shared>>
      %dma_wait3A_349 = arith.constant 0 : i32
      %dma_wait3A_350 = tpu.memref_slice %arg18[%add3A_42, %dma_wait3A_349] : memref<10240x128xf32, #tpu.memory_space<vmem_shared>> -> memref<16x128xf32, #tpu.memory_space<vmem_shared>>
      tpu.wait_dma2 semaphore(%run_scoped3A : memref<!tpu.dma_semaphore, #tpu.memory_space<semaphore_mem>>) src(%arg14 : memref<16x128xf32, #tpu.memory_space<vmem>>) dst(%dma_wait3A_350 : memref<16x128xf32, #tpu.memory_space<vmem_shared>>)
      tpu.yield
    }) : () -> ()
    %mul3A_43 = arith.constant 640 : i32
    %mul3A_44 = arith.muli %arg1, %mul3A_43 : i32
    %add3A_45 = arith.constant 144 : i32
    %add3A_46 = arith.addi %mul3A_44, %add3A_45 : i32
    "tpu.region"() ({
      %run_scoped3A = tpu.sem_alloc : memref<!tpu.dma_semaphore, #tpu.memory_space<semaphore_mem>>
      %dma_start3A_343 = arith.constant 0 : i32
      %dma_start3A_344 = tpu.memref_slice %arg18[%add3A_46, %dma_start3A_343] : memref<10240x128xf32, #tpu.memory_space<vmem_shared>> -> memref<16x128xf32, #tpu.memory_space<vmem_shared>>
      %dma_start3A_345 = arith.constant 0 : i32
      %dma_start3A_346 = tpu.memref_slice %arg18[%add3A_46, %dma_start3A_345] : memref<10240x128xf32, #tpu.memory_space<vmem_shared>> -> memref<16x128xf32, #tpu.memory_space<vmem_shared>>
      tpu.enqueue_dma source(%arg14 : memref<16x128xf32, #tpu.memory_space<vmem>>) target(%dma_start3A_346 : memref<16x128xf32, #tpu.memory_space<vmem_shared>>) target_semaphore(%run_scoped3A : memref<!tpu.dma_semaphore, #tpu.memory_space<semaphore_mem>>)
      %dma_wait3A_347 = arith.constant 0 : i32
      %dma_wait3A_348 = tpu.memref_slice %arg18[%add3A_46, %dma_wait3A_347] : memref<10240x128xf32, #tpu.memory_space<vmem_shared>> -> memref<16x128xf32, #tpu.memory_space<vmem_shared>>
      %dma_wait3A_349 = arith.constant 0 : i32
      %dma_wait3A_350 = tpu.memref_slice %arg18[%add3A_46, %dma_wait3A_349] : memref<10240x128xf32, #tpu.memory_space<vmem_shared>> -> memref<16x128xf32, #tpu.memory_space<vmem_shared>>
      tpu.wait_dma2 semaphore(%run_scoped3A : memref<!tpu.dma_semaphore, #tpu.memory_space<semaphore_mem>>) src(%arg14 : memref<16x128xf32, #tpu.memory_space<vmem>>) dst(%dma_wait3A_350 : memref<16x128xf32, #tpu.memory_space<vmem_shared>>)
      tpu.yield
    }) : () -> ()
    %mul3A_47 = arith.constant 640 : i32
    %mul3A_48 = arith.muli %arg1, %mul3A_47 : i32
    %add3A_49 = arith.constant 160 : i32
    %add3A_50 = arith.addi %mul3A_48, %add3A_49 : i32
    "tpu.region"() ({
      %run_scoped3A = tpu.sem_alloc : memref<!tpu.dma_semaphore, #tpu.memory_space<semaphore_mem>>
      %dma_start3A_343 = arith.constant 0 : i32
      %dma_start3A_344 = tpu.memref_slice %arg18[%add3A_50, %dma_start3A_343] : memref<10240x128xf32, #tpu.memory_space<vmem_shared>> -> memref<16x128xf32, #tpu.memory_space<vmem_shared>>
      %dma_start3A_345 = arith.constant 0 : i32
      %dma_start3A_346 = tpu.memref_slice %arg18[%add3A_50, %dma_start3A_345] : memref<10240x128xf32, #tpu.memory_space<vmem_shared>> -> memref<16x128xf32, #tpu.memory_space<vmem_shared>>
      tpu.enqueue_dma source(%arg14 : memref<16x128xf32, #tpu.memory_space<vmem>>) target(%dma_start3A_346 : memref<16x128xf32, #tpu.memory_space<vmem_shared>>) target_semaphore(%run_scoped3A : memref<!tpu.dma_semaphore, #tpu.memory_space<semaphore_mem>>)
      %dma_wait3A_347 = arith.constant 0 : i32
      %dma_wait3A_348 = tpu.memref_slice %arg18[%add3A_50, %dma_wait3A_347] : memref<10240x128xf32, #tpu.memory_space<vmem_shared>> -> memref<16x128xf32, #tpu.memory_space<vmem_shared>>
      %dma_wait3A_349 = arith.constant 0 : i32
      %dma_wait3A_350 = tpu.memref_slice %arg18[%add3A_50, %dma_wait3A_349] : memref<10240x128xf32, #tpu.memory_space<vmem_shared>> -> memref<16x128xf32, #tpu.memory_space<vmem_shared>>
      tpu.wait_dma2 semaphore(%run_scoped3A : memref<!tpu.dma_semaphore, #tpu.memory_space<semaphore_mem>>) src(%arg14 : memref<16x128xf32, #tpu.memory_space<vmem>>) dst(%dma_wait3A_350 : memref<16x128xf32, #tpu.memory_space<vmem_shared>>)
      tpu.yield
    }) : () -> ()
    %mul3A_51 = arith.constant 640 : i32
    %mul3A_52 = arith.muli %arg1, %mul3A_51 : i32
    %add3A_53 = arith.constant 176 : i32
    %add3A_54 = arith.addi %mul3A_52, %add3A_53 : i32
    "tpu.region"() ({
      %run_scoped3A = tpu.sem_alloc : memref<!tpu.dma_semaphore, #tpu.memory_space<semaphore_mem>>
      %dma_start3A_343 = arith.constant 0 : i32
      %dma_start3A_344 = tpu.memref_slice %arg18[%add3A_54, %dma_start3A_343] : memref<10240x128xf32, #tpu.memory_space<vmem_shared>> -> memref<16x128xf32, #tpu.memory_space<vmem_shared>>
      %dma_start3A_345 = arith.constant 0 : i32
      %dma_start3A_346 = tpu.memref_slice %arg18[%add3A_54, %dma_start3A_345] : memref<10240x128xf32, #tpu.memory_space<vmem_shared>> -> memref<16x128xf32, #tpu.memory_space<vmem_shared>>
      tpu.enqueue_dma source(%arg14 : memref<16x128xf32, #tpu.memory_space<vmem>>) target(%dma_start3A_346 : memref<16x128xf32, #tpu.memory_space<vmem_shared>>) target_semaphore(%run_scoped3A : memref<!tpu.dma_semaphore, #tpu.memory_space<semaphore_mem>>)
      %dma_wait3A_347 = arith.constant 0 : i32
      %dma_wait3A_348 = tpu.memref_slice %arg18[%add3A_54, %dma_wait3A_347] : memref<10240x128xf32, #tpu.memory_space<vmem_shared>> -> memref<16x128xf32, #tpu.memory_space<vmem_shared>>
      %dma_wait3A_349 = arith.constant 0 : i32
      %dma_wait3A_350 = tpu.memref_slice %arg18[%add3A_54, %dma_wait3A_349] : memref<10240x128xf32, #tpu.memory_space<vmem_shared>> -> memref<16x128xf32, #tpu.memory_space<vmem_shared>>
      tpu.wait_dma2 semaphore(%run_scoped3A : memref<!tpu.dma_semaphore, #tpu.memory_space<semaphore_mem>>) src(%arg14 : memref<16x128xf32, #tpu.memory_space<vmem>>) dst(%dma_wait3A_350 : memref<16x128xf32, #tpu.memory_space<vmem_shared>>)
      tpu.yield
    }) : () -> ()
    %mul3A_55 = arith.constant 640 : i32
    %mul3A_56 = arith.muli %arg1, %mul3A_55 : i32
    %add3A_57 = arith.constant 192 : i32
    %add3A_58 = arith.addi %mul3A_56, %add3A_57 : i32
    "tpu.region"() ({
      %run_scoped3A = tpu.sem_alloc : memref<!tpu.dma_semaphore, #tpu.memory_space<semaphore_mem>>
      %dma_start3A_343 = arith.constant 0 : i32
      %dma_start3A_344 = tpu.memref_slice %arg18[%add3A_58, %dma_start3A_343] : memref<10240x128xf32, #tpu.memory_space<vmem_shared>> -> memref<16x128xf32, #tpu.memory_space<vmem_shared>>
      %dma_start3A_345 = arith.constant 0 : i32
      %dma_start3A_346 = tpu.memref_slice %arg18[%add3A_58, %dma_start3A_345] : memref<10240x128xf32, #tpu.memory_space<vmem_shared>> -> memref<16x128xf32, #tpu.memory_space<vmem_shared>>
      tpu.enqueue_dma source(%arg14 : memref<16x128xf32, #tpu.memory_space<vmem>>) target(%dma_start3A_346 : memref<16x128xf32, #tpu.memory_space<vmem_shared>>) target_semaphore(%run_scoped3A : memref<!tpu.dma_semaphore, #tpu.memory_space<semaphore_mem>>)
      %dma_wait3A_347 = arith.constant 0 : i32
      %dma_wait3A_348 = tpu.memref_slice %arg18[%add3A_58, %dma_wait3A_347] : memref<10240x128xf32, #tpu.memory_space<vmem_shared>> -> memref<16x128xf32, #tpu.memory_space<vmem_shared>>
      %dma_wait3A_349 = arith.constant 0 : i32
      %dma_wait3A_350 = tpu.memref_slice %arg18[%add3A_58, %dma_wait3A_349] : memref<10240x128xf32, #tpu.memory_space<vmem_shared>> -> memref<16x128xf32, #tpu.memory_space<vmem_shared>>
      tpu.wait_dma2 semaphore(%run_scoped3A : memref<!tpu.dma_semaphore, #tpu.memory_space<semaphore_mem>>) src(%arg14 : memref<16x128xf32, #tpu.memory_space<vmem>>) dst(%dma_wait3A_350 : memref<16x128xf32, #tpu.memory_space<vmem_shared>>)
      tpu.yield
    }) : () -> ()
    %mul3A_59 = arith.constant 640 : i32
    %mul3A_60 = arith.muli %arg1, %mul3A_59 : i32
    %add3A_61 = arith.constant 208 : i32
    %add3A_62 = arith.addi %mul3A_60, %add3A_61 : i32
    "tpu.region"() ({
      %run_scoped3A = tpu.sem_alloc : memref<!tpu.dma_semaphore, #tpu.memory_space<semaphore_mem>>
      %dma_start3A_343 = arith.constant 0 : i32
      %dma_start3A_344 = tpu.memref_slice %arg18[%add3A_62, %dma_start3A_343] : memref<10240x128xf32, #tpu.memory_space<vmem_shared>> -> memref<16x128xf32, #tpu.memory_space<vmem_shared>>
      %dma_start3A_345 = arith.constant 0 : i32
      %dma_start3A_346 = tpu.memref_slice %arg18[%add3A_62, %dma_start3A_345] : memref<10240x128xf32, #tpu.memory_space<vmem_shared>> -> memref<16x128xf32, #tpu.memory_space<vmem_shared>>
      tpu.enqueue_dma source(%arg14 : memref<16x128xf32, #tpu.memory_space<vmem>>) target(%dma_start3A_346 : memref<16x128xf32, #tpu.memory_space<vmem_shared>>) target_semaphore(%run_scoped3A : memref<!tpu.dma_semaphore, #tpu.memory_space<semaphore_mem>>)
      %dma_wait3A_347 = arith.constant 0 : i32
      %dma_wait3A_348 = tpu.memref_slice %arg18[%add3A_62, %dma_wait3A_347] : memref<10240x128xf32, #tpu.memory_space<vmem_shared>> -> memref<16x128xf32, #tpu.memory_space<vmem_shared>>
      %dma_wait3A_349 = arith.constant 0 : i32
      %dma_wait3A_350 = tpu.memref_slice %arg18[%add3A_62, %dma_wait3A_349] : memref<10240x128xf32, #tpu.memory_space<vmem_shared>> -> memref<16x128xf32, #tpu.memory_space<vmem_shared>>
      tpu.wait_dma2 semaphore(%run_scoped3A : memref<!tpu.dma_semaphore, #tpu.memory_space<semaphore_mem>>) src(%arg14 : memref<16x128xf32, #tpu.memory_space<vmem>>) dst(%dma_wait3A_350 : memref<16x128xf32, #tpu.memory_space<vmem_shared>>)
      tpu.yield
    }) : () -> ()
    %mul3A_63 = arith.constant 640 : i32
    %mul3A_64 = arith.muli %arg1, %mul3A_63 : i32
    %add3A_65 = arith.constant 224 : i32
    %add3A_66 = arith.addi %mul3A_64, %add3A_65 : i32
    "tpu.region"() ({
      %run_scoped3A = tpu.sem_alloc : memref<!tpu.dma_semaphore, #tpu.memory_space<semaphore_mem>>
      %dma_start3A_343 = arith.constant 0 : i32
      %dma_start3A_344 = tpu.memref_slice %arg18[%add3A_66, %dma_start3A_343] : memref<10240x128xf32, #tpu.memory_space<vmem_shared>> -> memref<16x128xf32, #tpu.memory_space<vmem_shared>>
      %dma_start3A_345 = arith.constant 0 : i32
      %dma_start3A_346 = tpu.memref_slice %arg18[%add3A_66, %dma_start3A_345] : memref<10240x128xf32, #tpu.memory_space<vmem_shared>> -> memref<16x128xf32, #tpu.memory_space<vmem_shared>>
      tpu.enqueue_dma source(%arg14 : memref<16x128xf32, #tpu.memory_space<vmem>>) target(%dma_start3A_346 : memref<16x128xf32, #tpu.memory_space<vmem_shared>>) target_semaphore(%run_scoped3A : memref<!tpu.dma_semaphore, #tpu.memory_space<semaphore_mem>>)
      %dma_wait3A_347 = arith.constant 0 : i32
      %dma_wait3A_348 = tpu.memref_slice %arg18[%add3A_66, %dma_wait3A_347] : memref<10240x128xf32, #tpu.memory_space<vmem_shared>> -> memref<16x128xf32, #tpu.memory_space<vmem_shared>>
      %dma_wait3A_349 = arith.constant 0 : i32
      %dma_wait3A_350 = tpu.memref_slice %arg18[%add3A_66, %dma_wait3A_349] : memref<10240x128xf32, #tpu.memory_space<vmem_shared>> -> memref<16x128xf32, #tpu.memory_space<vmem_shared>>
      tpu.wait_dma2 semaphore(%run_scoped3A : memref<!tpu.dma_semaphore, #tpu.memory_space<semaphore_mem>>) src(%arg14 : memref<16x128xf32, #tpu.memory_space<vmem>>) dst(%dma_wait3A_350 : memref<16x128xf32, #tpu.memory_space<vmem_shared>>)
      tpu.yield
    }) : () -> ()
    %mul3A_67 = arith.constant 640 : i32
    %mul3A_68 = arith.muli %arg1, %mul3A_67 : i32
    %add3A_69 = arith.constant 240 : i32
    %add3A_70 = arith.addi %mul3A_68, %add3A_69 : i32
    "tpu.region"() ({
      %run_scoped3A = tpu.sem_alloc : memref<!tpu.dma_semaphore, #tpu.memory_space<semaphore_mem>>
      %dma_start3A_343 = arith.constant 0 : i32
      %dma_start3A_344 = tpu.memref_slice %arg18[%add3A_70, %dma_start3A_343] : memref<10240x128xf32, #tpu.memory_space<vmem_shared>> -> memref<16x128xf32, #tpu.memory_space<vmem_shared>>
      %dma_start3A_345 = arith.constant 0 : i32
      %dma_start3A_346 = tpu.memref_slice %arg18[%add3A_70, %dma_start3A_345] : memref<10240x128xf32, #tpu.memory_space<vmem_shared>> -> memref<16x128xf32, #tpu.memory_space<vmem_shared>>
      tpu.enqueue_dma source(%arg14 : memref<16x128xf32, #tpu.memory_space<vmem>>) target(%dma_start3A_346 : memref<16x128xf32, #tpu.memory_space<vmem_shared>>) target_semaphore(%run_scoped3A : memref<!tpu.dma_semaphore, #tpu.memory_space<semaphore_mem>>)
      %dma_wait3A_347 = arith.constant 0 : i32
      %dma_wait3A_348 = tpu.memref_slice %arg18[%add3A_70, %dma_wait3A_347] : memref<10240x128xf32, #tpu.memory_space<vmem_shared>> -> memref<16x128xf32, #tpu.memory_space<vmem_shared>>
      %dma_wait3A_349 = arith.constant 0 : i32
      %dma_wait3A_350 = tpu.memref_slice %arg18[%add3A_70, %dma_wait3A_349] : memref<10240x128xf32, #tpu.memory_space<vmem_shared>> -> memref<16x128xf32, #tpu.memory_space<vmem_shared>>
      tpu.wait_dma2 semaphore(%run_scoped3A : memref<!tpu.dma_semaphore, #tpu.memory_space<semaphore_mem>>) src(%arg14 : memref<16x128xf32, #tpu.memory_space<vmem>>) dst(%dma_wait3A_350 : memref<16x128xf32, #tpu.memory_space<vmem_shared>>)
      tpu.yield
    }) : () -> ()
    %mul3A_71 = arith.constant 640 : i32
    %mul3A_72 = arith.muli %arg1, %mul3A_71 : i32
    %add3A_73 = arith.constant 256 : i32
    %add3A_74 = arith.addi %mul3A_72, %add3A_73 : i32
    "tpu.region"() ({
      %run_scoped3A = tpu.sem_alloc : memref<!tpu.dma_semaphore, #tpu.memory_space<semaphore_mem>>
      %dma_start3A_343 = arith.constant 0 : i32
      %dma_start3A_344 = tpu.memref_slice %arg18[%add3A_74, %dma_start3A_343] : memref<10240x128xf32, #tpu.memory_space<vmem_shared>> -> memref<16x128xf32, #tpu.memory_space<vmem_shared>>
      %dma_start3A_345 = arith.constant 0 : i32
      %dma_start3A_346 = tpu.memref_slice %arg18[%add3A_74, %dma_start3A_345] : memref<10240x128xf32, #tpu.memory_space<vmem_shared>> -> memref<16x128xf32, #tpu.memory_space<vmem_shared>>
      tpu.enqueue_dma source(%arg14 : memref<16x128xf32, #tpu.memory_space<vmem>>) target(%dma_start3A_346 : memref<16x128xf32, #tpu.memory_space<vmem_shared>>) target_semaphore(%run_scoped3A : memref<!tpu.dma_semaphore, #tpu.memory_space<semaphore_mem>>)
      %dma_wait3A_347 = arith.constant 0 : i32
      %dma_wait3A_348 = tpu.memref_slice %arg18[%add3A_74, %dma_wait3A_347] : memref<10240x128xf32, #tpu.memory_space<vmem_shared>> -> memref<16x128xf32, #tpu.memory_space<vmem_shared>>
      %dma_wait3A_349 = arith.constant 0 : i32
      %dma_wait3A_350 = tpu.memref_slice %arg18[%add3A_74, %dma_wait3A_349] : memref<10240x128xf32, #tpu.memory_space<vmem_shared>> -> memref<16x128xf32, #tpu.memory_space<vmem_shared>>
      tpu.wait_dma2 semaphore(%run_scoped3A : memref<!tpu.dma_semaphore, #tpu.memory_space<semaphore_mem>>) src(%arg14 : memref<16x128xf32, #tpu.memory_space<vmem>>) dst(%dma_wait3A_350 : memref<16x128xf32, #tpu.memory_space<vmem_shared>>)
      tpu.yield
    }) : () -> ()
    %mul3A_75 = arith.constant 640 : i32
    %mul3A_76 = arith.muli %arg1, %mul3A_75 : i32
    %add3A_77 = arith.constant 272 : i32
    %add3A_78 = arith.addi %mul3A_76, %add3A_77 : i32
    "tpu.region"() ({
      %run_scoped3A = tpu.sem_alloc : memref<!tpu.dma_semaphore, #tpu.memory_space<semaphore_mem>>
      %dma_start3A_343 = arith.constant 0 : i32
      %dma_start3A_344 = tpu.memref_slice %arg18[%add3A_78, %dma_start3A_343] : memref<10240x128xf32, #tpu.memory_space<vmem_shared>> -> memref<16x128xf32, #tpu.memory_space<vmem_shared>>
      %dma_start3A_345 = arith.constant 0 : i32
      %dma_start3A_346 = tpu.memref_slice %arg18[%add3A_78, %dma_start3A_345] : memref<10240x128xf32, #tpu.memory_space<vmem_shared>> -> memref<16x128xf32, #tpu.memory_space<vmem_shared>>
      tpu.enqueue_dma source(%arg14 : memref<16x128xf32, #tpu.memory_space<vmem>>) target(%dma_start3A_346 : memref<16x128xf32, #tpu.memory_space<vmem_shared>>) target_semaphore(%run_scoped3A : memref<!tpu.dma_semaphore, #tpu.memory_space<semaphore_mem>>)
      %dma_wait3A_347 = arith.constant 0 : i32
      %dma_wait3A_348 = tpu.memref_slice %arg18[%add3A_78, %dma_wait3A_347] : memref<10240x128xf32, #tpu.memory_space<vmem_shared>> -> memref<16x128xf32, #tpu.memory_space<vmem_shared>>
      %dma_wait3A_349 = arith.constant 0 : i32
      %dma_wait3A_350 = tpu.memref_slice %arg18[%add3A_78, %dma_wait3A_349] : memref<10240x128xf32, #tpu.memory_space<vmem_shared>> -> memref<16x128xf32, #tpu.memory_space<vmem_shared>>
      tpu.wait_dma2 semaphore(%run_scoped3A : memref<!tpu.dma_semaphore, #tpu.memory_space<semaphore_mem>>) src(%arg14 : memref<16x128xf32, #tpu.memory_space<vmem>>) dst(%dma_wait3A_350 : memref<16x128xf32, #tpu.memory_space<vmem_shared>>)
      tpu.yield
    }) : () -> ()
    %mul3A_79 = arith.constant 640 : i32
    %mul3A_80 = arith.muli %arg1, %mul3A_79 : i32
    %add3A_81 = arith.constant 288 : i32
    %add3A_82 = arith.addi %mul3A_80, %add3A_81 : i32
    "tpu.region"() ({
      %run_scoped3A = tpu.sem_alloc : memref<!tpu.dma_semaphore, #tpu.memory_space<semaphore_mem>>
      %dma_start3A_343 = arith.constant 0 : i32
      %dma_start3A_344 = tpu.memref_slice %arg18[%add3A_82, %dma_start3A_343] : memref<10240x128xf32, #tpu.memory_space<vmem_shared>> -> memref<16x128xf32, #tpu.memory_space<vmem_shared>>
      %dma_start3A_345 = arith.constant 0 : i32
      %dma_start3A_346 = tpu.memref_slice %arg18[%add3A_82, %dma_start3A_345] : memref<10240x128xf32, #tpu.memory_space<vmem_shared>> -> memref<16x128xf32, #tpu.memory_space<vmem_shared>>
      tpu.enqueue_dma source(%arg14 : memref<16x128xf32, #tpu.memory_space<vmem>>) target(%dma_start3A_346 : memref<16x128xf32, #tpu.memory_space<vmem_shared>>) target_semaphore(%run_scoped3A : memref<!tpu.dma_semaphore, #tpu.memory_space<semaphore_mem>>)
      %dma_wait3A_347 = arith.constant 0 : i32
      %dma_wait3A_348 = tpu.memref_slice %arg18[%add3A_82, %dma_wait3A_347] : memref<10240x128xf32, #tpu.memory_space<vmem_shared>> -> memref<16x128xf32, #tpu.memory_space<vmem_shared>>
      %dma_wait3A_349 = arith.constant 0 : i32
      %dma_wait3A_350 = tpu.memref_slice %arg18[%add3A_82, %dma_wait3A_349] : memref<10240x128xf32, #tpu.memory_space<vmem_shared>> -> memref<16x128xf32, #tpu.memory_space<vmem_shared>>
      tpu.wait_dma2 semaphore(%run_scoped3A : memref<!tpu.dma_semaphore, #tpu.memory_space<semaphore_mem>>) src(%arg14 : memref<16x128xf32, #tpu.memory_space<vmem>>) dst(%dma_wait3A_350 : memref<16x128xf32, #tpu.memory_space<vmem_shared>>)
      tpu.yield
    }) : () -> ()
    %mul3A_83 = arith.constant 640 : i32
    %mul3A_84 = arith.muli %arg1, %mul3A_83 : i32
    %add3A_85 = arith.constant 304 : i32
    %add3A_86 = arith.addi %mul3A_84, %add3A_85 : i32
    "tpu.region"() ({
      %run_scoped3A = tpu.sem_alloc : memref<!tpu.dma_semaphore, #tpu.memory_space<semaphore_mem>>
      %dma_start3A_343 = arith.constant 0 : i32
      %dma_start3A_344 = tpu.memref_slice %arg18[%add3A_86, %dma_start3A_343] : memref<10240x128xf32, #tpu.memory_space<vmem_shared>> -> memref<16x128xf32, #tpu.memory_space<vmem_shared>>
      %dma_start3A_345 = arith.constant 0 : i32
      %dma_start3A_346 = tpu.memref_slice %arg18[%add3A_86, %dma_start3A_345] : memref<10240x128xf32, #tpu.memory_space<vmem_shared>> -> memref<16x128xf32, #tpu.memory_space<vmem_shared>>
      tpu.enqueue_dma source(%arg14 : memref<16x128xf32, #tpu.memory_space<vmem>>) target(%dma_start3A_346 : memref<16x128xf32, #tpu.memory_space<vmem_shared>>) target_semaphore(%run_scoped3A : memref<!tpu.dma_semaphore, #tpu.memory_space<semaphore_mem>>)
      %dma_wait3A_347 = arith.constant 0 : i32
      %dma_wait3A_348 = tpu.memref_slice %arg18[%add3A_86, %dma_wait3A_347] : memref<10240x128xf32, #tpu.memory_space<vmem_shared>> -> memref<16x128xf32, #tpu.memory_space<vmem_shared>>
      %dma_wait3A_349 = arith.constant 0 : i32
      %dma_wait3A_350 = tpu.memref_slice %arg18[%add3A_86, %dma_wait3A_349] : memref<10240x128xf32, #tpu.memory_space<vmem_shared>> -> memref<16x128xf32, #tpu.memory_space<vmem_shared>>
      tpu.wait_dma2 semaphore(%run_scoped3A : memref<!tpu.dma_semaphore, #tpu.memory_space<semaphore_mem>>) src(%arg14 : memref<16x128xf32, #tpu.memory_space<vmem>>) dst(%dma_wait3A_350 : memref<16x128xf32, #tpu.memory_space<vmem_shared>>)
      tpu.yield
    }) : () -> ()
    %mul3A_87 = arith.constant 640 : i32
    %mul3A_88 = arith.muli %arg1, %mul3A_87 : i32
    %add3A_89 = arith.constant 320 : i32
    %add3A_90 = arith.addi %mul3A_88, %add3A_89 : i32
    "tpu.region"() ({
      %run_scoped3A = tpu.sem_alloc : memref<!tpu.dma_semaphore, #tpu.memory_space<semaphore_mem>>
      %dma_start3A_343 = arith.constant 0 : i32
      %dma_start3A_344 = tpu.memref_slice %arg18[%add3A_90, %dma_start3A_343] : memref<10240x128xf32, #tpu.memory_space<vmem_shared>> -> memref<16x128xf32, #tpu.memory_space<vmem_shared>>
      %dma_start3A_345 = arith.constant 0 : i32
      %dma_start3A_346 = tpu.memref_slice %arg18[%add3A_90, %dma_start3A_345] : memref<10240x128xf32, #tpu.memory_space<vmem_shared>> -> memref<16x128xf32, #tpu.memory_space<vmem_shared>>
      tpu.enqueue_dma source(%arg14 : memref<16x128xf32, #tpu.memory_space<vmem>>) target(%dma_start3A_346 : memref<16x128xf32, #tpu.memory_space<vmem_shared>>) target_semaphore(%run_scoped3A : memref<!tpu.dma_semaphore, #tpu.memory_space<semaphore_mem>>)
      %dma_wait3A_347 = arith.constant 0 : i32
      %dma_wait3A_348 = tpu.memref_slice %arg18[%add3A_90, %dma_wait3A_347] : memref<10240x128xf32, #tpu.memory_space<vmem_shared>> -> memref<16x128xf32, #tpu.memory_space<vmem_shared>>
      %dma_wait3A_349 = arith.constant 0 : i32
      %dma_wait3A_350 = tpu.memref_slice %arg18[%add3A_90, %dma_wait3A_349] : memref<10240x128xf32, #tpu.memory_space<vmem_shared>> -> memref<16x128xf32, #tpu.memory_space<vmem_shared>>
      tpu.wait_dma2 semaphore(%run_scoped3A : memref<!tpu.dma_semaphore, #tpu.memory_space<semaphore_mem>>) src(%arg14 : memref<16x128xf32, #tpu.memory_space<vmem>>) dst(%dma_wait3A_350 : memref<16x128xf32, #tpu.memory_space<vmem_shared>>)
      tpu.yield
    }) : () -> ()
    %mul3A_91 = arith.constant 640 : i32
    %mul3A_92 = arith.muli %arg1, %mul3A_91 : i32
    %add3A_93 = arith.constant 336 : i32
    %add3A_94 = arith.addi %mul3A_92, %add3A_93 : i32
    "tpu.region"() ({
      %run_scoped3A = tpu.sem_alloc : memref<!tpu.dma_semaphore, #tpu.memory_space<semaphore_mem>>
      %dma_start3A_343 = arith.constant 0 : i32
      %dma_start3A_344 = tpu.memref_slice %arg18[%add3A_94, %dma_start3A_343] : memref<10240x128xf32, #tpu.memory_space<vmem_shared>> -> memref<16x128xf32, #tpu.memory_space<vmem_shared>>
      %dma_start3A_345 = arith.constant 0 : i32
      %dma_start3A_346 = tpu.memref_slice %arg18[%add3A_94, %dma_start3A_345] : memref<10240x128xf32, #tpu.memory_space<vmem_shared>> -> memref<16x128xf32, #tpu.memory_space<vmem_shared>>
      tpu.enqueue_dma source(%arg14 : memref<16x128xf32, #tpu.memory_space<vmem>>) target(%dma_start3A_346 : memref<16x128xf32, #tpu.memory_space<vmem_shared>>) target_semaphore(%run_scoped3A : memref<!tpu.dma_semaphore, #tpu.memory_space<semaphore_mem>>)
      %dma_wait3A_347 = arith.constant 0 : i32
      %dma_wait3A_348 = tpu.memref_slice %arg18[%add3A_94, %dma_wait3A_347] : memref<10240x128xf32, #tpu.memory_space<vmem_shared>> -> memref<16x128xf32, #tpu.memory_space<vmem_shared>>
      %dma_wait3A_349 = arith.constant 0 : i32
      %dma_wait3A_350 = tpu.memref_slice %arg18[%add3A_94, %dma_wait3A_349] : memref<10240x128xf32, #tpu.memory_space<vmem_shared>> -> memref<16x128xf32, #tpu.memory_space<vmem_shared>>
      tpu.wait_dma2 semaphore(%run_scoped3A : memref<!tpu.dma_semaphore, #tpu.memory_space<semaphore_mem>>) src(%arg14 : memref<16x128xf32, #tpu.memory_space<vmem>>) dst(%dma_wait3A_350 : memref<16x128xf32, #tpu.memory_space<vmem_shared>>)
      tpu.yield
    }) : () -> ()
    %mul3A_95 = arith.constant 640 : i32
    %mul3A_96 = arith.muli %arg1, %mul3A_95 : i32
    %add3A_97 = arith.constant 352 : i32
    %add3A_98 = arith.addi %mul3A_96, %add3A_97 : i32
    "tpu.region"() ({
      %run_scoped3A = tpu.sem_alloc : memref<!tpu.dma_semaphore, #tpu.memory_space<semaphore_mem>>
      %dma_start3A_343 = arith.constant 0 : i32
      %dma_start3A_344 = tpu.memref_slice %arg18[%add3A_98, %dma_start3A_343] : memref<10240x128xf32, #tpu.memory_space<vmem_shared>> -> memref<16x128xf32, #tpu.memory_space<vmem_shared>>
      %dma_start3A_345 = arith.constant 0 : i32
      %dma_start3A_346 = tpu.memref_slice %arg18[%add3A_98, %dma_start3A_345] : memref<10240x128xf32, #tpu.memory_space<vmem_shared>> -> memref<16x128xf32, #tpu.memory_space<vmem_shared>>
      tpu.enqueue_dma source(%arg14 : memref<16x128xf32, #tpu.memory_space<vmem>>) target(%dma_start3A_346 : memref<16x128xf32, #tpu.memory_space<vmem_shared>>) target_semaphore(%run_scoped3A : memref<!tpu.dma_semaphore, #tpu.memory_space<semaphore_mem>>)
      %dma_wait3A_347 = arith.constant 0 : i32
      %dma_wait3A_348 = tpu.memref_slice %arg18[%add3A_98, %dma_wait3A_347] : memref<10240x128xf32, #tpu.memory_space<vmem_shared>> -> memref<16x128xf32, #tpu.memory_space<vmem_shared>>
      %dma_wait3A_349 = arith.constant 0 : i32
      %dma_wait3A_350 = tpu.memref_slice %arg18[%add3A_98, %dma_wait3A_349] : memref<10240x128xf32, #tpu.memory_space<vmem_shared>> -> memref<16x128xf32, #tpu.memory_space<vmem_shared>>
      tpu.wait_dma2 semaphore(%run_scoped3A : memref<!tpu.dma_semaphore, #tpu.memory_space<semaphore_mem>>) src(%arg14 : memref<16x128xf32, #tpu.memory_space<vmem>>) dst(%dma_wait3A_350 : memref<16x128xf32, #tpu.memory_space<vmem_shared>>)
      tpu.yield
    }) : () -> ()
    %mul3A_99 = arith.constant 640 : i32
    %mul3A_100 = arith.muli %arg1, %mul3A_99 : i32
    %add3A_101 = arith.constant 368 : i32
    %add3A_102 = arith.addi %mul3A_100, %add3A_101 : i32
    "tpu.region"() ({
      %run_scoped3A = tpu.sem_alloc : memref<!tpu.dma_semaphore, #tpu.memory_space<semaphore_mem>>
      %dma_start3A_343 = arith.constant 0 : i32
      %dma_start3A_344 = tpu.memref_slice %arg18[%add3A_102, %dma_start3A_343] : memref<10240x128xf32, #tpu.memory_space<vmem_shared>> -> memref<16x128xf32, #tpu.memory_space<vmem_shared>>
      %dma_start3A_345 = arith.constant 0 : i32
      %dma_start3A_346 = tpu.memref_slice %arg18[%add3A_102, %dma_start3A_345] : memref<10240x128xf32, #tpu.memory_space<vmem_shared>> -> memref<16x128xf32, #tpu.memory_space<vmem_shared>>
      tpu.enqueue_dma source(%arg14 : memref<16x128xf32, #tpu.memory_space<vmem>>) target(%dma_start3A_346 : memref<16x128xf32, #tpu.memory_space<vmem_shared>>) target_semaphore(%run_scoped3A : memref<!tpu.dma_semaphore, #tpu.memory_space<semaphore_mem>>)
      %dma_wait3A_347 = arith.constant 0 : i32
      %dma_wait3A_348 = tpu.memref_slice %arg18[%add3A_102, %dma_wait3A_347] : memref<10240x128xf32, #tpu.memory_space<vmem_shared>> -> memref<16x128xf32, #tpu.memory_space<vmem_shared>>
      %dma_wait3A_349 = arith.constant 0 : i32
      %dma_wait3A_350 = tpu.memref_slice %arg18[%add3A_102, %dma_wait3A_349] : memref<10240x128xf32, #tpu.memory_space<vmem_shared>> -> memref<16x128xf32, #tpu.memory_space<vmem_shared>>
      tpu.wait_dma2 semaphore(%run_scoped3A : memref<!tpu.dma_semaphore, #tpu.memory_space<semaphore_mem>>) src(%arg14 : memref<16x128xf32, #tpu.memory_space<vmem>>) dst(%dma_wait3A_350 : memref<16x128xf32, #tpu.memory_space<vmem_shared>>)
      tpu.yield
    }) : () -> ()
    %mul3A_103 = arith.constant 640 : i32
    %mul3A_104 = arith.muli %arg1, %mul3A_103 : i32
    %add3A_105 = arith.constant 384 : i32
    %add3A_106 = arith.addi %mul3A_104, %add3A_105 : i32
    "tpu.region"() ({
      %run_scoped3A = tpu.sem_alloc : memref<!tpu.dma_semaphore, #tpu.memory_space<semaphore_mem>>
      %dma_start3A_343 = arith.constant 0 : i32
      %dma_start3A_344 = tpu.memref_slice %arg18[%add3A_106, %dma_start3A_343] : memref<10240x128xf32, #tpu.memory_space<vmem_shared>> -> memref<16x128xf32, #tpu.memory_space<vmem_shared>>
      %dma_start3A_345 = arith.constant 0 : i32
      %dma_start3A_346 = tpu.memref_slice %arg18[%add3A_106, %dma_start3A_345] : memref<10240x128xf32, #tpu.memory_space<vmem_shared>> -> memref<16x128xf32, #tpu.memory_space<vmem_shared>>
      tpu.enqueue_dma source(%arg14 : memref<16x128xf32, #tpu.memory_space<vmem>>) target(%dma_start3A_346 : memref<16x128xf32, #tpu.memory_space<vmem_shared>>) target_semaphore(%run_scoped3A : memref<!tpu.dma_semaphore, #tpu.memory_space<semaphore_mem>>)
      %dma_wait3A_347 = arith.constant 0 : i32
      %dma_wait3A_348 = tpu.memref_slice %arg18[%add3A_106, %dma_wait3A_347] : memref<10240x128xf32, #tpu.memory_space<vmem_shared>> -> memref<16x128xf32, #tpu.memory_space<vmem_shared>>
      %dma_wait3A_349 = arith.constant 0 : i32
      %dma_wait3A_350 = tpu.memref_slice %arg18[%add3A_106, %dma_wait3A_349] : memref<10240x128xf32, #tpu.memory_space<vmem_shared>> -> memref<16x128xf32, #tpu.memory_space<vmem_shared>>
      tpu.wait_dma2 semaphore(%run_scoped3A : memref<!tpu.dma_semaphore, #tpu.memory_space<semaphore_mem>>) src(%arg14 : memref<16x128xf32, #tpu.memory_space<vmem>>) dst(%dma_wait3A_350 : memref<16x128xf32, #tpu.memory_space<vmem_shared>>)
      tpu.yield
    }) : () -> ()
    %mul3A_107 = arith.constant 640 : i32
    %mul3A_108 = arith.muli %arg1, %mul3A_107 : i32
    %add3A_109 = arith.constant 400 : i32
    %add3A_110 = arith.addi %mul3A_108, %add3A_109 : i32
    "tpu.region"() ({
      %run_scoped3A = tpu.sem_alloc : memref<!tpu.dma_semaphore, #tpu.memory_space<semaphore_mem>>
      %dma_start3A_343 = arith.constant 0 : i32
      %dma_start3A_344 = tpu.memref_slice %arg18[%add3A_110, %dma_start3A_343] : memref<10240x128xf32, #tpu.memory_space<vmem_shared>> -> memref<16x128xf32, #tpu.memory_space<vmem_shared>>
      %dma_start3A_345 = arith.constant 0 : i32
      %dma_start3A_346 = tpu.memref_slice %arg18[%add3A_110, %dma_start3A_345] : memref<10240x128xf32, #tpu.memory_space<vmem_shared>> -> memref<16x128xf32, #tpu.memory_space<vmem_shared>>
      tpu.enqueue_dma source(%arg14 : memref<16x128xf32, #tpu.memory_space<vmem>>) target(%dma_start3A_346 : memref<16x128xf32, #tpu.memory_space<vmem_shared>>) target_semaphore(%run_scoped3A : memref<!tpu.dma_semaphore, #tpu.memory_space<semaphore_mem>>)
      %dma_wait3A_347 = arith.constant 0 : i32
      %dma_wait3A_348 = tpu.memref_slice %arg18[%add3A_110, %dma_wait3A_347] : memref<10240x128xf32, #tpu.memory_space<vmem_shared>> -> memref<16x128xf32, #tpu.memory_space<vmem_shared>>
      %dma_wait3A_349 = arith.constant 0 : i32
      %dma_wait3A_350 = tpu.memref_slice %arg18[%add3A_110, %dma_wait3A_349] : memref<10240x128xf32, #tpu.memory_space<vmem_shared>> -> memref<16x128xf32, #tpu.memory_space<vmem_shared>>
      tpu.wait_dma2 semaphore(%run_scoped3A : memref<!tpu.dma_semaphore, #tpu.memory_space<semaphore_mem>>) src(%arg14 : memref<16x128xf32, #tpu.memory_space<vmem>>) dst(%dma_wait3A_350 : memref<16x128xf32, #tpu.memory_space<vmem_shared>>)
      tpu.yield
    }) : () -> ()
    %mul3A_111 = arith.constant 640 : i32
    %mul3A_112 = arith.muli %arg1, %mul3A_111 : i32
    %add3A_113 = arith.constant 416 : i32
    %add3A_114 = arith.addi %mul3A_112, %add3A_113 : i32
    "tpu.region"() ({
      %run_scoped3A = tpu.sem_alloc : memref<!tpu.dma_semaphore, #tpu.memory_space<semaphore_mem>>
      %dma_start3A_343 = arith.constant 0 : i32
      %dma_start3A_344 = tpu.memref_slice %arg18[%add3A_114, %dma_start3A_343] : memref<10240x128xf32, #tpu.memory_space<vmem_shared>> -> memref<16x128xf32, #tpu.memory_space<vmem_shared>>
      %dma_start3A_345 = arith.constant 0 : i32
      %dma_start3A_346 = tpu.memref_slice %arg18[%add3A_114, %dma_start3A_345] : memref<10240x128xf32, #tpu.memory_space<vmem_shared>> -> memref<16x128xf32, #tpu.memory_space<vmem_shared>>
      tpu.enqueue_dma source(%arg14 : memref<16x128xf32, #tpu.memory_space<vmem>>) target(%dma_start3A_346 : memref<16x128xf32, #tpu.memory_space<vmem_shared>>) target_semaphore(%run_scoped3A : memref<!tpu.dma_semaphore, #tpu.memory_space<semaphore_mem>>)
      %dma_wait3A_347 = arith.constant 0 : i32
      %dma_wait3A_348 = tpu.memref_slice %arg18[%add3A_114, %dma_wait3A_347] : memref<10240x128xf32, #tpu.memory_space<vmem_shared>> -> memref<16x128xf32, #tpu.memory_space<vmem_shared>>
      %dma_wait3A_349 = arith.constant 0 : i32
      %dma_wait3A_350 = tpu.memref_slice %arg18[%add3A_114, %dma_wait3A_349] : memref<10240x128xf32, #tpu.memory_space<vmem_shared>> -> memref<16x128xf32, #tpu.memory_space<vmem_shared>>
      tpu.wait_dma2 semaphore(%run_scoped3A : memref<!tpu.dma_semaphore, #tpu.memory_space<semaphore_mem>>) src(%arg14 : memref<16x128xf32, #tpu.memory_space<vmem>>) dst(%dma_wait3A_350 : memref<16x128xf32, #tpu.memory_space<vmem_shared>>)
      tpu.yield
    }) : () -> ()
    %mul3A_115 = arith.constant 640 : i32
    %mul3A_116 = arith.muli %arg1, %mul3A_115 : i32
    %add3A_117 = arith.constant 432 : i32
    %add3A_118 = arith.addi %mul3A_116, %add3A_117 : i32
    "tpu.region"() ({
      %run_scoped3A = tpu.sem_alloc : memref<!tpu.dma_semaphore, #tpu.memory_space<semaphore_mem>>
      %dma_start3A_343 = arith.constant 0 : i32
      %dma_start3A_344 = tpu.memref_slice %arg18[%add3A_118, %dma_start3A_343] : memref<10240x128xf32, #tpu.memory_space<vmem_shared>> -> memref<16x128xf32, #tpu.memory_space<vmem_shared>>
      %dma_start3A_345 = arith.constant 0 : i32
      %dma_start3A_346 = tpu.memref_slice %arg18[%add3A_118, %dma_start3A_345] : memref<10240x128xf32, #tpu.memory_space<vmem_shared>> -> memref<16x128xf32, #tpu.memory_space<vmem_shared>>
      tpu.enqueue_dma source(%arg14 : memref<16x128xf32, #tpu.memory_space<vmem>>) target(%dma_start3A_346 : memref<16x128xf32, #tpu.memory_space<vmem_shared>>) target_semaphore(%run_scoped3A : memref<!tpu.dma_semaphore, #tpu.memory_space<semaphore_mem>>)
      %dma_wait3A_347 = arith.constant 0 : i32
      %dma_wait3A_348 = tpu.memref_slice %arg18[%add3A_118, %dma_wait3A_347] : memref<10240x128xf32, #tpu.memory_space<vmem_shared>> -> memref<16x128xf32, #tpu.memory_space<vmem_shared>>
      %dma_wait3A_349 = arith.constant 0 : i32
      %dma_wait3A_350 = tpu.memref_slice %arg18[%add3A_118, %dma_wait3A_349] : memref<10240x128xf32, #tpu.memory_space<vmem_shared>> -> memref<16x128xf32, #tpu.memory_space<vmem_shared>>
      tpu.wait_dma2 semaphore(%run_scoped3A : memref<!tpu.dma_semaphore, #tpu.memory_space<semaphore_mem>>) src(%arg14 : memref<16x128xf32, #tpu.memory_space<vmem>>) dst(%dma_wait3A_350 : memref<16x128xf32, #tpu.memory_space<vmem_shared>>)
      tpu.yield
    }) : () -> ()
    %mul3A_119 = arith.constant 640 : i32
    %mul3A_120 = arith.muli %arg1, %mul3A_119 : i32
    %add3A_121 = arith.constant 448 : i32
    %add3A_122 = arith.addi %mul3A_120, %add3A_121 : i32
    "tpu.region"() ({
      %run_scoped3A = tpu.sem_alloc : memref<!tpu.dma_semaphore, #tpu.memory_space<semaphore_mem>>
      %dma_start3A_343 = arith.constant 0 : i32
      %dma_start3A_344 = tpu.memref_slice %arg18[%add3A_122, %dma_start3A_343] : memref<10240x128xf32, #tpu.memory_space<vmem_shared>> -> memref<16x128xf32, #tpu.memory_space<vmem_shared>>
      %dma_start3A_345 = arith.constant 0 : i32
      %dma_start3A_346 = tpu.memref_slice %arg18[%add3A_122, %dma_start3A_345] : memref<10240x128xf32, #tpu.memory_space<vmem_shared>> -> memref<16x128xf32, #tpu.memory_space<vmem_shared>>
      tpu.enqueue_dma source(%arg14 : memref<16x128xf32, #tpu.memory_space<vmem>>) target(%dma_start3A_346 : memref<16x128xf32, #tpu.memory_space<vmem_shared>>) target_semaphore(%run_scoped3A : memref<!tpu.dma_semaphore, #tpu.memory_space<semaphore_mem>>)
      %dma_wait3A_347 = arith.constant 0 : i32
      %dma_wait3A_348 = tpu.memref_slice %arg18[%add3A_122, %dma_wait3A_347] : memref<10240x128xf32, #tpu.memory_space<vmem_shared>> -> memref<16x128xf32, #tpu.memory_space<vmem_shared>>
      %dma_wait3A_349 = arith.constant 0 : i32
      %dma_wait3A_350 = tpu.memref_slice %arg18[%add3A_122, %dma_wait3A_349] : memref<10240x128xf32, #tpu.memory_space<vmem_shared>> -> memref<16x128xf32, #tpu.memory_space<vmem_shared>>
      tpu.wait_dma2 semaphore(%run_scoped3A : memref<!tpu.dma_semaphore, #tpu.memory_space<semaphore_mem>>) src(%arg14 : memref<16x128xf32, #tpu.memory_space<vmem>>) dst(%dma_wait3A_350 : memref<16x128xf32, #tpu.memory_space<vmem_shared>>)
      tpu.yield
    }) : () -> ()
    %mul3A_123 = arith.constant 640 : i32
    %mul3A_124 = arith.muli %arg1, %mul3A_123 : i32
    %add3A_125 = arith.constant 464 : i32
    %add3A_126 = arith.addi %mul3A_124, %add3A_125 : i32
    "tpu.region"() ({
      %run_scoped3A = tpu.sem_alloc : memref<!tpu.dma_semaphore, #tpu.memory_space<semaphore_mem>>
      %dma_start3A_343 = arith.constant 0 : i32
      %dma_start3A_344 = tpu.memref_slice %arg18[%add3A_126, %dma_start3A_343] : memref<10240x128xf32, #tpu.memory_space<vmem_shared>> -> memref<16x128xf32, #tpu.memory_space<vmem_shared>>
      %dma_start3A_345 = arith.constant 0 : i32
      %dma_start3A_346 = tpu.memref_slice %arg18[%add3A_126, %dma_start3A_345] : memref<10240x128xf32, #tpu.memory_space<vmem_shared>> -> memref<16x128xf32, #tpu.memory_space<vmem_shared>>
      tpu.enqueue_dma source(%arg14 : memref<16x128xf32, #tpu.memory_space<vmem>>) target(%dma_start3A_346 : memref<16x128xf32, #tpu.memory_space<vmem_shared>>) target_semaphore(%run_scoped3A : memref<!tpu.dma_semaphore, #tpu.memory_space<semaphore_mem>>)
      %dma_wait3A_347 = arith.constant 0 : i32
      %dma_wait3A_348 = tpu.memref_slice %arg18[%add3A_126, %dma_wait3A_347] : memref<10240x128xf32, #tpu.memory_space<vmem_shared>> -> memref<16x128xf32, #tpu.memory_space<vmem_shared>>
      %dma_wait3A_349 = arith.constant 0 : i32
      %dma_wait3A_350 = tpu.memref_slice %arg18[%add3A_126, %dma_wait3A_349] : memref<10240x128xf32, #tpu.memory_space<vmem_shared>> -> memref<16x128xf32, #tpu.memory_space<vmem_shared>>
      tpu.wait_dma2 semaphore(%run_scoped3A : memref<!tpu.dma_semaphore, #tpu.memory_space<semaphore_mem>>) src(%arg14 : memref<16x128xf32, #tpu.memory_space<vmem>>) dst(%dma_wait3A_350 : memref<16x128xf32, #tpu.memory_space<vmem_shared>>)
      tpu.yield
    }) : () -> ()
    %mul3A_127 = arith.constant 640 : i32
    %mul3A_128 = arith.muli %arg1, %mul3A_127 : i32
    %add3A_129 = arith.constant 480 : i32
    %add3A_130 = arith.addi %mul3A_128, %add3A_129 : i32
    "tpu.region"() ({
      %run_scoped3A = tpu.sem_alloc : memref<!tpu.dma_semaphore, #tpu.memory_space<semaphore_mem>>
      %dma_start3A_343 = arith.constant 0 : i32
      %dma_start3A_344 = tpu.memref_slice %arg18[%add3A_130, %dma_start3A_343] : memref<10240x128xf32, #tpu.memory_space<vmem_shared>> -> memref<16x128xf32, #tpu.memory_space<vmem_shared>>
      %dma_start3A_345 = arith.constant 0 : i32
      %dma_start3A_346 = tpu.memref_slice %arg18[%add3A_130, %dma_start3A_345] : memref<10240x128xf32, #tpu.memory_space<vmem_shared>> -> memref<16x128xf32, #tpu.memory_space<vmem_shared>>
      tpu.enqueue_dma source(%arg14 : memref<16x128xf32, #tpu.memory_space<vmem>>) target(%dma_start3A_346 : memref<16x128xf32, #tpu.memory_space<vmem_shared>>) target_semaphore(%run_scoped3A : memref<!tpu.dma_semaphore, #tpu.memory_space<semaphore_mem>>)
      %dma_wait3A_347 = arith.constant 0 : i32
      %dma_wait3A_348 = tpu.memref_slice %arg18[%add3A_130, %dma_wait3A_347] : memref<10240x128xf32, #tpu.memory_space<vmem_shared>> -> memref<16x128xf32, #tpu.memory_space<vmem_shared>>
      %dma_wait3A_349 = arith.constant 0 : i32
      %dma_wait3A_350 = tpu.memref_slice %arg18[%add3A_130, %dma_wait3A_349] : memref<10240x128xf32, #tpu.memory_space<vmem_shared>> -> memref<16x128xf32, #tpu.memory_space<vmem_shared>>
      tpu.wait_dma2 semaphore(%run_scoped3A : memref<!tpu.dma_semaphore, #tpu.memory_space<semaphore_mem>>) src(%arg14 : memref<16x128xf32, #tpu.memory_space<vmem>>) dst(%dma_wait3A_350 : memref<16x128xf32, #tpu.memory_space<vmem_shared>>)
      tpu.yield
    }) : () -> ()
    %mul3A_131 = arith.constant 640 : i32
    %mul3A_132 = arith.muli %arg1, %mul3A_131 : i32
    %add3A_133 = arith.constant 496 : i32
    %add3A_134 = arith.addi %mul3A_132, %add3A_133 : i32
    "tpu.region"() ({
      %run_scoped3A = tpu.sem_alloc : memref<!tpu.dma_semaphore, #tpu.memory_space<semaphore_mem>>
      %dma_start3A_343 = arith.constant 0 : i32
      %dma_start3A_344 = tpu.memref_slice %arg18[%add3A_134, %dma_start3A_343] : memref<10240x128xf32, #tpu.memory_space<vmem_shared>> -> memref<16x128xf32, #tpu.memory_space<vmem_shared>>
      %dma_start3A_345 = arith.constant 0 : i32
      %dma_start3A_346 = tpu.memref_slice %arg18[%add3A_134, %dma_start3A_345] : memref<10240x128xf32, #tpu.memory_space<vmem_shared>> -> memref<16x128xf32, #tpu.memory_space<vmem_shared>>
      tpu.enqueue_dma source(%arg14 : memref<16x128xf32, #tpu.memory_space<vmem>>) target(%dma_start3A_346 : memref<16x128xf32, #tpu.memory_space<vmem_shared>>) target_semaphore(%run_scoped3A : memref<!tpu.dma_semaphore, #tpu.memory_space<semaphore_mem>>)
      %dma_wait3A_347 = arith.constant 0 : i32
      %dma_wait3A_348 = tpu.memref_slice %arg18[%add3A_134, %dma_wait3A_347] : memref<10240x128xf32, #tpu.memory_space<vmem_shared>> -> memref<16x128xf32, #tpu.memory_space<vmem_shared>>
      %dma_wait3A_349 = arith.constant 0 : i32
      %dma_wait3A_350 = tpu.memref_slice %arg18[%add3A_134, %dma_wait3A_349] : memref<10240x128xf32, #tpu.memory_space<vmem_shared>> -> memref<16x128xf32, #tpu.memory_space<vmem_shared>>
      tpu.wait_dma2 semaphore(%run_scoped3A : memref<!tpu.dma_semaphore, #tpu.memory_space<semaphore_mem>>) src(%arg14 : memref<16x128xf32, #tpu.memory_space<vmem>>) dst(%dma_wait3A_350 : memref<16x128xf32, #tpu.memory_space<vmem_shared>>)
      tpu.yield
    }) : () -> ()
    %mul3A_135 = arith.constant 640 : i32
    %mul3A_136 = arith.muli %arg1, %mul3A_135 : i32
    %add3A_137 = arith.constant 512 : i32
    %add3A_138 = arith.addi %mul3A_136, %add3A_137 : i32
    "tpu.region"() ({
      %run_scoped3A = tpu.sem_alloc : memref<!tpu.dma_semaphore, #tpu.memory_space<semaphore_mem>>
      %dma_start3A_343 = arith.constant 0 : i32
      %dma_start3A_344 = tpu.memref_slice %arg18[%add3A_138, %dma_start3A_343] : memref<10240x128xf32, #tpu.memory_space<vmem_shared>> -> memref<16x128xf32, #tpu.memory_space<vmem_shared>>
      %dma_start3A_345 = arith.constant 0 : i32
      %dma_start3A_346 = tpu.memref_slice %arg18[%add3A_138, %dma_start3A_345] : memref<10240x128xf32, #tpu.memory_space<vmem_shared>> -> memref<16x128xf32, #tpu.memory_space<vmem_shared>>
      tpu.enqueue_dma source(%arg14 : memref<16x128xf32, #tpu.memory_space<vmem>>) target(%dma_start3A_346 : memref<16x128xf32, #tpu.memory_space<vmem_shared>>) target_semaphore(%run_scoped3A : memref<!tpu.dma_semaphore, #tpu.memory_space<semaphore_mem>>)
      %dma_wait3A_347 = arith.constant 0 : i32
      %dma_wait3A_348 = tpu.memref_slice %arg18[%add3A_138, %dma_wait3A_347] : memref<10240x128xf32, #tpu.memory_space<vmem_shared>> -> memref<16x128xf32, #tpu.memory_space<vmem_shared>>
      %dma_wait3A_349 = arith.constant 0 : i32
      %dma_wait3A_350 = tpu.memref_slice %arg18[%add3A_138, %dma_wait3A_349] : memref<10240x128xf32, #tpu.memory_space<vmem_shared>> -> memref<16x128xf32, #tpu.memory_space<vmem_shared>>
      tpu.wait_dma2 semaphore(%run_scoped3A : memref<!tpu.dma_semaphore, #tpu.memory_space<semaphore_mem>>) src(%arg14 : memref<16x128xf32, #tpu.memory_space<vmem>>) dst(%dma_wait3A_350 : memref<16x128xf32, #tpu.memory_space<vmem_shared>>)
      tpu.yield
    }) : () -> ()
    %mul3A_139 = arith.constant 640 : i32
    %mul3A_140 = arith.muli %arg1, %mul3A_139 : i32
    %add3A_141 = arith.constant 528 : i32
    %add3A_142 = arith.addi %mul3A_140, %add3A_141 : i32
    "tpu.region"() ({
      %run_scoped3A = tpu.sem_alloc : memref<!tpu.dma_semaphore, #tpu.memory_space<semaphore_mem>>
      %dma_start3A_343 = arith.constant 0 : i32
      %dma_start3A_344 = tpu.memref_slice %arg18[%add3A_142, %dma_start3A_343] : memref<10240x128xf32, #tpu.memory_space<vmem_shared>> -> memref<16x128xf32, #tpu.memory_space<vmem_shared>>
      %dma_start3A_345 = arith.constant 0 : i32
      %dma_start3A_346 = tpu.memref_slice %arg18[%add3A_142, %dma_start3A_345] : memref<10240x128xf32, #tpu.memory_space<vmem_shared>> -> memref<16x128xf32, #tpu.memory_space<vmem_shared>>
      tpu.enqueue_dma source(%arg14 : memref<16x128xf32, #tpu.memory_space<vmem>>) target(%dma_start3A_346 : memref<16x128xf32, #tpu.memory_space<vmem_shared>>) target_semaphore(%run_scoped3A : memref<!tpu.dma_semaphore, #tpu.memory_space<semaphore_mem>>)
      %dma_wait3A_347 = arith.constant 0 : i32
      %dma_wait3A_348 = tpu.memref_slice %arg18[%add3A_142, %dma_wait3A_347] : memref<10240x128xf32, #tpu.memory_space<vmem_shared>> -> memref<16x128xf32, #tpu.memory_space<vmem_shared>>
      %dma_wait3A_349 = arith.constant 0 : i32
      %dma_wait3A_350 = tpu.memref_slice %arg18[%add3A_142, %dma_wait3A_349] : memref<10240x128xf32, #tpu.memory_space<vmem_shared>> -> memref<16x128xf32, #tpu.memory_space<vmem_shared>>
      tpu.wait_dma2 semaphore(%run_scoped3A : memref<!tpu.dma_semaphore, #tpu.memory_space<semaphore_mem>>) src(%arg14 : memref<16x128xf32, #tpu.memory_space<vmem>>) dst(%dma_wait3A_350 : memref<16x128xf32, #tpu.memory_space<vmem_shared>>)
      tpu.yield
    }) : () -> ()
    %mul3A_143 = arith.constant 640 : i32
    %mul3A_144 = arith.muli %arg1, %mul3A_143 : i32
    %add3A_145 = arith.constant 544 : i32
    %add3A_146 = arith.addi %mul3A_144, %add3A_145 : i32
    "tpu.region"() ({
      %run_scoped3A = tpu.sem_alloc : memref<!tpu.dma_semaphore, #tpu.memory_space<semaphore_mem>>
      %dma_start3A_343 = arith.constant 0 : i32
      %dma_start3A_344 = tpu.memref_slice %arg18[%add3A_146, %dma_start3A_343] : memref<10240x128xf32, #tpu.memory_space<vmem_shared>> -> memref<16x128xf32, #tpu.memory_space<vmem_shared>>
      %dma_start3A_345 = arith.constant 0 : i32
      %dma_start3A_346 = tpu.memref_slice %arg18[%add3A_146, %dma_start3A_345] : memref<10240x128xf32, #tpu.memory_space<vmem_shared>> -> memref<16x128xf32, #tpu.memory_space<vmem_shared>>
      tpu.enqueue_dma source(%arg14 : memref<16x128xf32, #tpu.memory_space<vmem>>) target(%dma_start3A_346 : memref<16x128xf32, #tpu.memory_space<vmem_shared>>) target_semaphore(%run_scoped3A : memref<!tpu.dma_semaphore, #tpu.memory_space<semaphore_mem>>)
      %dma_wait3A_347 = arith.constant 0 : i32
      %dma_wait3A_348 = tpu.memref_slice %arg18[%add3A_146, %dma_wait3A_347] : memref<10240x128xf32, #tpu.memory_space<vmem_shared>> -> memref<16x128xf32, #tpu.memory_space<vmem_shared>>
      %dma_wait3A_349 = arith.constant 0 : i32
      %dma_wait3A_350 = tpu.memref_slice %arg18[%add3A_146, %dma_wait3A_349] : memref<10240x128xf32, #tpu.memory_space<vmem_shared>> -> memref<16x128xf32, #tpu.memory_space<vmem_shared>>
      tpu.wait_dma2 semaphore(%run_scoped3A : memref<!tpu.dma_semaphore, #tpu.memory_space<semaphore_mem>>) src(%arg14 : memref<16x128xf32, #tpu.memory_space<vmem>>) dst(%dma_wait3A_350 : memref<16x128xf32, #tpu.memory_space<vmem_shared>>)
      tpu.yield
    }) : () -> ()
    %mul3A_147 = arith.constant 640 : i32
    %mul3A_148 = arith.muli %arg1, %mul3A_147 : i32
    %add3A_149 = arith.constant 560 : i32
    %add3A_150 = arith.addi %mul3A_148, %add3A_149 : i32
    "tpu.region"() ({
      %run_scoped3A = tpu.sem_alloc : memref<!tpu.dma_semaphore, #tpu.memory_space<semaphore_mem>>
      %dma_start3A_343 = arith.constant 0 : i32
      %dma_start3A_344 = tpu.memref_slice %arg18[%add3A_150, %dma_start3A_343] : memref<10240x128xf32, #tpu.memory_space<vmem_shared>> -> memref<16x128xf32, #tpu.memory_space<vmem_shared>>
      %dma_start3A_345 = arith.constant 0 : i32
      %dma_start3A_346 = tpu.memref_slice %arg18[%add3A_150, %dma_start3A_345] : memref<10240x128xf32, #tpu.memory_space<vmem_shared>> -> memref<16x128xf32, #tpu.memory_space<vmem_shared>>
      tpu.enqueue_dma source(%arg14 : memref<16x128xf32, #tpu.memory_space<vmem>>) target(%dma_start3A_346 : memref<16x128xf32, #tpu.memory_space<vmem_shared>>) target_semaphore(%run_scoped3A : memref<!tpu.dma_semaphore, #tpu.memory_space<semaphore_mem>>)
      %dma_wait3A_347 = arith.constant 0 : i32
      %dma_wait3A_348 = tpu.memref_slice %arg18[%add3A_150, %dma_wait3A_347] : memref<10240x128xf32, #tpu.memory_space<vmem_shared>> -> memref<16x128xf32, #tpu.memory_space<vmem_shared>>
      %dma_wait3A_349 = arith.constant 0 : i32
      %dma_wait3A_350 = tpu.memref_slice %arg18[%add3A_150, %dma_wait3A_349] : memref<10240x128xf32, #tpu.memory_space<vmem_shared>> -> memref<16x128xf32, #tpu.memory_space<vmem_shared>>
      tpu.wait_dma2 semaphore(%run_scoped3A : memref<!tpu.dma_semaphore, #tpu.memory_space<semaphore_mem>>) src(%arg14 : memref<16x128xf32, #tpu.memory_space<vmem>>) dst(%dma_wait3A_350 : memref<16x128xf32, #tpu.memory_space<vmem_shared>>)
      tpu.yield
    }) : () -> ()
    %mul3A_151 = arith.constant 640 : i32
    %mul3A_152 = arith.muli %arg1, %mul3A_151 : i32
    %add3A_153 = arith.constant 576 : i32
    %add3A_154 = arith.addi %mul3A_152, %add3A_153 : i32
    "tpu.region"() ({
      %run_scoped3A = tpu.sem_alloc : memref<!tpu.dma_semaphore, #tpu.memory_space<semaphore_mem>>
      %dma_start3A_343 = arith.constant 0 : i32
      %dma_start3A_344 = tpu.memref_slice %arg18[%add3A_154, %dma_start3A_343] : memref<10240x128xf32, #tpu.memory_space<vmem_shared>> -> memref<16x128xf32, #tpu.memory_space<vmem_shared>>
      %dma_start3A_345 = arith.constant 0 : i32
      %dma_start3A_346 = tpu.memref_slice %arg18[%add3A_154, %dma_start3A_345] : memref<10240x128xf32, #tpu.memory_space<vmem_shared>> -> memref<16x128xf32, #tpu.memory_space<vmem_shared>>
      tpu.enqueue_dma source(%arg14 : memref<16x128xf32, #tpu.memory_space<vmem>>) target(%dma_start3A_346 : memref<16x128xf32, #tpu.memory_space<vmem_shared>>) target_semaphore(%run_scoped3A : memref<!tpu.dma_semaphore, #tpu.memory_space<semaphore_mem>>)
      %dma_wait3A_347 = arith.constant 0 : i32
      %dma_wait3A_348 = tpu.memref_slice %arg18[%add3A_154, %dma_wait3A_347] : memref<10240x128xf32, #tpu.memory_space<vmem_shared>> -> memref<16x128xf32, #tpu.memory_space<vmem_shared>>
      %dma_wait3A_349 = arith.constant 0 : i32
      %dma_wait3A_350 = tpu.memref_slice %arg18[%add3A_154, %dma_wait3A_349] : memref<10240x128xf32, #tpu.memory_space<vmem_shared>> -> memref<16x128xf32, #tpu.memory_space<vmem_shared>>
      tpu.wait_dma2 semaphore(%run_scoped3A : memref<!tpu.dma_semaphore, #tpu.memory_space<semaphore_mem>>) src(%arg14 : memref<16x128xf32, #tpu.memory_space<vmem>>) dst(%dma_wait3A_350 : memref<16x128xf32, #tpu.memory_space<vmem_shared>>)
      tpu.yield
    }) : () -> ()
    %mul3A_155 = arith.constant 640 : i32
    %mul3A_156 = arith.muli %arg1, %mul3A_155 : i32
    %add3A_157 = arith.constant 592 : i32
    %add3A_158 = arith.addi %mul3A_156, %add3A_157 : i32
    "tpu.region"() ({
      %run_scoped3A = tpu.sem_alloc : memref<!tpu.dma_semaphore, #tpu.memory_space<semaphore_mem>>
      %dma_start3A_343 = arith.constant 0 : i32
      %dma_start3A_344 = tpu.memref_slice %arg18[%add3A_158, %dma_start3A_343] : memref<10240x128xf32, #tpu.memory_space<vmem_shared>> -> memref<16x128xf32, #tpu.memory_space<vmem_shared>>
      %dma_start3A_345 = arith.constant 0 : i32
      %dma_start3A_346 = tpu.memref_slice %arg18[%add3A_158, %dma_start3A_345] : memref<10240x128xf32, #tpu.memory_space<vmem_shared>> -> memref<16x128xf32, #tpu.memory_space<vmem_shared>>
      tpu.enqueue_dma source(%arg14 : memref<16x128xf32, #tpu.memory_space<vmem>>) target(%dma_start3A_346 : memref<16x128xf32, #tpu.memory_space<vmem_shared>>) target_semaphore(%run_scoped3A : memref<!tpu.dma_semaphore, #tpu.memory_space<semaphore_mem>>)
      %dma_wait3A_347 = arith.constant 0 : i32
      %dma_wait3A_348 = tpu.memref_slice %arg18[%add3A_158, %dma_wait3A_347] : memref<10240x128xf32, #tpu.memory_space<vmem_shared>> -> memref<16x128xf32, #tpu.memory_space<vmem_shared>>
      %dma_wait3A_349 = arith.constant 0 : i32
      %dma_wait3A_350 = tpu.memref_slice %arg18[%add3A_158, %dma_wait3A_349] : memref<10240x128xf32, #tpu.memory_space<vmem_shared>> -> memref<16x128xf32, #tpu.memory_space<vmem_shared>>
      tpu.wait_dma2 semaphore(%run_scoped3A : memref<!tpu.dma_semaphore, #tpu.memory_space<semaphore_mem>>) src(%arg14 : memref<16x128xf32, #tpu.memory_space<vmem>>) dst(%dma_wait3A_350 : memref<16x128xf32, #tpu.memory_space<vmem_shared>>)
      tpu.yield
    }) : () -> ()
    %mul3A_159 = arith.constant 640 : i32
    %mul3A_160 = arith.muli %arg1, %mul3A_159 : i32
    %add3A_161 = arith.constant 608 : i32
    %add3A_162 = arith.addi %mul3A_160, %add3A_161 : i32
    "tpu.region"() ({
      %run_scoped3A = tpu.sem_alloc : memref<!tpu.dma_semaphore, #tpu.memory_space<semaphore_mem>>
      %dma_start3A_343 = arith.constant 0 : i32
      %dma_start3A_344 = tpu.memref_slice %arg18[%add3A_162, %dma_start3A_343] : memref<10240x128xf32, #tpu.memory_space<vmem_shared>> -> memref<16x128xf32, #tpu.memory_space<vmem_shared>>
      %dma_start3A_345 = arith.constant 0 : i32
      %dma_start3A_346 = tpu.memref_slice %arg18[%add3A_162, %dma_start3A_345] : memref<10240x128xf32, #tpu.memory_space<vmem_shared>> -> memref<16x128xf32, #tpu.memory_space<vmem_shared>>
      tpu.enqueue_dma source(%arg14 : memref<16x128xf32, #tpu.memory_space<vmem>>) target(%dma_start3A_346 : memref<16x128xf32, #tpu.memory_space<vmem_shared>>) target_semaphore(%run_scoped3A : memref<!tpu.dma_semaphore, #tpu.memory_space<semaphore_mem>>)
      %dma_wait3A_347 = arith.constant 0 : i32
      %dma_wait3A_348 = tpu.memref_slice %arg18[%add3A_162, %dma_wait3A_347] : memref<10240x128xf32, #tpu.memory_space<vmem_shared>> -> memref<16x128xf32, #tpu.memory_space<vmem_shared>>
      %dma_wait3A_349 = arith.constant 0 : i32
      %dma_wait3A_350 = tpu.memref_slice %arg18[%add3A_162, %dma_wait3A_349] : memref<10240x128xf32, #tpu.memory_space<vmem_shared>> -> memref<16x128xf32, #tpu.memory_space<vmem_shared>>
      tpu.wait_dma2 semaphore(%run_scoped3A : memref<!tpu.dma_semaphore, #tpu.memory_space<semaphore_mem>>) src(%arg14 : memref<16x128xf32, #tpu.memory_space<vmem>>) dst(%dma_wait3A_350 : memref<16x128xf32, #tpu.memory_space<vmem_shared>>)
      tpu.yield
    }) : () -> ()
    %mul3A_163 = arith.constant 640 : i32
    %mul3A_164 = arith.muli %arg1, %mul3A_163 : i32
    %add3A_165 = arith.constant 624 : i32
    %add3A_166 = arith.addi %mul3A_164, %add3A_165 : i32
    "tpu.region"() ({
      %run_scoped3A = tpu.sem_alloc : memref<!tpu.dma_semaphore, #tpu.memory_space<semaphore_mem>>
      %dma_start3A_343 = arith.constant 0 : i32
      %dma_start3A_344 = tpu.memref_slice %arg18[%add3A_166, %dma_start3A_343] : memref<10240x128xf32, #tpu.memory_space<vmem_shared>> -> memref<16x128xf32, #tpu.memory_space<vmem_shared>>
      %dma_start3A_345 = arith.constant 0 : i32
      %dma_start3A_346 = tpu.memref_slice %arg18[%add3A_166, %dma_start3A_345] : memref<10240x128xf32, #tpu.memory_space<vmem_shared>> -> memref<16x128xf32, #tpu.memory_space<vmem_shared>>
      tpu.enqueue_dma source(%arg14 : memref<16x128xf32, #tpu.memory_space<vmem>>) target(%dma_start3A_346 : memref<16x128xf32, #tpu.memory_space<vmem_shared>>) target_semaphore(%run_scoped3A : memref<!tpu.dma_semaphore, #tpu.memory_space<semaphore_mem>>)
      %dma_wait3A_347 = arith.constant 0 : i32
      %dma_wait3A_348 = tpu.memref_slice %arg18[%add3A_166, %dma_wait3A_347] : memref<10240x128xf32, #tpu.memory_space<vmem_shared>> -> memref<16x128xf32, #tpu.memory_space<vmem_shared>>
      %dma_wait3A_349 = arith.constant 0 : i32
      %dma_wait3A_350 = tpu.memref_slice %arg18[%add3A_166, %dma_wait3A_349] : memref<10240x128xf32, #tpu.memory_space<vmem_shared>> -> memref<16x128xf32, #tpu.memory_space<vmem_shared>>
      tpu.wait_dma2 semaphore(%run_scoped3A : memref<!tpu.dma_semaphore, #tpu.memory_space<semaphore_mem>>) src(%arg14 : memref<16x128xf32, #tpu.memory_space<vmem>>) dst(%dma_wait3A_350 : memref<16x128xf32, #tpu.memory_space<vmem_shared>>)
      tpu.yield
    }) : () -> ()
    %scan3A_167 = arith.constant 0 : i32
    %scan3A_168 = arith.constant 80 : i32
    %scan3A_169 = arith.addi %scan3A_167, %scan3A_168 : i32
    %scan3A_170 = arith.constant 1 : i32
    scf.for %scan3A_343 = %scan3A_167 to %scan3A_169 step %scan3A_170  : i32 {
      %broadcast_in_dim3A = arith.constant 0.000000e+00 : f32
      %broadcast_in_dim3A_344 = vector.broadcast %broadcast_in_dim3A : f32 to vector<16xf32>
      %swap3A_345 = arith.index_cast %scan3A_343 : i32 to index
      %swap3A_346 = arith.constant 0 : index
      %swap3A_347 = tpu.vector_load %arg17[%swap3A_345, %swap3A_346] {strides = array<i32>} : memref<80x128xf32, #tpu.memory_space<vmem>>, vector<16xf32>,
      tpu.vector_store %arg17[%swap3A_345, %swap3A_346], %broadcast_in_dim3A_344 {strides = array<i32>} : memref<80x128xf32, #tpu.memory_space<vmem>>, vector<16xf32>,
      %broadcast_in_dim3A_348 = arith.constant 0.000000e+00 : f32
      %broadcast_in_dim3A_349 = vector.broadcast %broadcast_in_dim3A_348 : f32 to vector<16xf32>
      %swap3A_350 = arith.index_cast %scan3A_343 : i32 to index
      %swap3A_351 = arith.constant 16 : index
      %swap3A_352 = tpu.vector_load %arg17[%swap3A_350, %swap3A_351] {strides = array<i32>} : memref<80x128xf32, #tpu.memory_space<vmem>>, vector<16xf32>,
      tpu.vector_store %arg17[%swap3A_350, %swap3A_351], %broadcast_in_dim3A_349 {strides = array<i32>} : memref<80x128xf32, #tpu.memory_space<vmem>>, vector<16xf32>,
      %broadcast_in_dim3A_353 = arith.constant 0.000000e+00 : f32
      %broadcast_in_dim3A_354 = vector.broadcast %broadcast_in_dim3A_353 : f32 to vector<16xf32>
      %swap3A_355 = arith.index_cast %scan3A_343 : i32 to index
      %swap3A_356 = arith.constant 32 : index
      %swap3A_357 = tpu.vector_load %arg17[%swap3A_355, %swap3A_356] {strides = array<i32>} : memref<80x128xf32, #tpu.memory_space<vmem>>, vector<16xf32>,
      tpu.vector_store %arg17[%swap3A_355, %swap3A_356], %broadcast_in_dim3A_354 {strides = array<i32>} : memref<80x128xf32, #tpu.memory_space<vmem>>, vector<16xf32>,
      %broadcast_in_dim3A_358 = arith.constant 0.000000e+00 : f32
      %broadcast_in_dim3A_359 = vector.broadcast %broadcast_in_dim3A_358 : f32 to vector<16xf32>
      %swap3A_360 = arith.index_cast %scan3A_343 : i32 to index
      %swap3A_361 = arith.constant 48 : index
      %swap3A_362 = tpu.vector_load %arg17[%swap3A_360, %swap3A_361] {strides = array<i32>} : memref<80x128xf32, #tpu.memory_space<vmem>>, vector<16xf32>,
      tpu.vector_store %arg17[%swap3A_360, %swap3A_361], %broadcast_in_dim3A_359 {strides = array<i32>} : memref<80x128xf32, #tpu.memory_space<vmem>>, vector<16xf32>,
      %broadcast_in_dim3A_363 = arith.constant 0.000000e+00 : f32
      %broadcast_in_dim3A_364 = vector.broadcast %broadcast_in_dim3A_363 : f32 to vector<16xf32>
      %swap3A_365 = arith.index_cast %scan3A_343 : i32 to index
      %swap3A_366 = arith.constant 64 : index
      %swap3A_367 = tpu.vector_load %arg17[%swap3A_365, %swap3A_366] {strides = array<i32>} : memref<80x128xf32, #tpu.memory_space<vmem>>, vector<16xf32>,
      tpu.vector_store %arg17[%swap3A_365, %swap3A_366], %broadcast_in_dim3A_364 {strides = array<i32>} : memref<80x128xf32, #tpu.memory_space<vmem>>, vector<16xf32>,
      %broadcast_in_dim3A_368 = arith.constant 0.000000e+00 : f32
      %broadcast_in_dim3A_369 = vector.broadcast %broadcast_in_dim3A_368 : f32 to vector<16xf32>
      %swap3A_370 = arith.index_cast %scan3A_343 : i32 to index
      %swap3A_371 = arith.constant 80 : index
      %swap3A_372 = tpu.vector_load %arg17[%swap3A_370, %swap3A_371] {strides = array<i32>} : memref<80x128xf32, #tpu.memory_space<vmem>>, vector<16xf32>,
      tpu.vector_store %arg17[%swap3A_370, %swap3A_371], %broadcast_in_dim3A_369 {strides = array<i32>} : memref<80x128xf32, #tpu.memory_space<vmem>>, vector<16xf32>,
      %broadcast_in_dim3A_373 = arith.constant 0.000000e+00 : f32
      %broadcast_in_dim3A_374 = vector.broadcast %broadcast_in_dim3A_373 : f32 to vector<16xf32>
      %swap3A_375 = arith.index_cast %scan3A_343 : i32 to index
      %swap3A_376 = arith.constant 96 : index
      %swap3A_377 = tpu.vector_load %arg17[%swap3A_375, %swap3A_376] {strides = array<i32>} : memref<80x128xf32, #tpu.memory_space<vmem>>, vector<16xf32>,
      tpu.vector_store %arg17[%swap3A_375, %swap3A_376], %broadcast_in_dim3A_374 {strides = array<i32>} : memref<80x128xf32, #tpu.memory_space<vmem>>, vector<16xf32>,
      %broadcast_in_dim3A_378 = arith.constant 0.000000e+00 : f32
      %broadcast_in_dim3A_379 = vector.broadcast %broadcast_in_dim3A_378 : f32 to vector<16xf32>
      %swap3A_380 = arith.index_cast %scan3A_343 : i32 to index
      %swap3A_381 = arith.constant 112 : index
      %swap3A_382 = tpu.vector_load %arg17[%swap3A_380, %swap3A_381] {strides = array<i32>} : memref<80x128xf32, #tpu.memory_space<vmem>>, vector<16xf32>,
      tpu.vector_store %arg17[%swap3A_380, %swap3A_381], %broadcast_in_dim3A_379 {strides = array<i32>} : memref<80x128xf32, #tpu.memory_space<vmem>>, vector<16xf32>,
    }
    %scan3A_171 = arith.constant 80 : i32
    %lt3A = arith.constant 10 : i32
    %lt3A_172 = arith.cmpi slt, %arg1, %lt3A : i32
    %convert_element_type3A = arith.extui %lt3A_172 : i1 to i32
    %cond3A = arith.constant 0 : i32
    %cond3A_173 = arith.cmpi ne, %convert_element_type3A, %cond3A : i32
    scf.if %cond3A_173 {
      %mul3A_343 = arith.constant 8 : i32
      %mul3A_344 = arith.muli %arg1, %mul3A_343 : i32
      "tpu.region"() ({
        %run_scoped3A = tpu.sem_alloc : memref<!tpu.dma_semaphore, #tpu.memory_space<semaphore_mem>>
        %dma_start3A_345 = arith.constant 0 : i32
        %dma_start3A_346 = arith.constant 0 : i32
        %dma_start3A_347 = tpu.memref_slice %arg14[%dma_start3A_345, %dma_start3A_346] : memref<16x128xf32, #tpu.memory_space<vmem>> -> memref<8x128xf32, #tpu.memory_space<vmem>>
        %dma_start3A_348 = arith.constant 0 : i32
        %dma_start3A_349 = tpu.memref_slice %arg19[%mul3A_344, %dma_start3A_348] : memref<80x128xf32, #tpu.memory_space<vmem_shared>> -> memref<8x128xf32, #tpu.memory_space<vmem_shared>>
        %dma_start3A_350 = arith.constant 0 : i32
        %dma_start3A_351 = tpu.memref_slice %arg19[%mul3A_344, %dma_start3A_350] : memref<80x128xf32, #tpu.memory_space<vmem_shared>> -> memref<8x128xf32, #tpu.memory_space<vmem_shared>>
        %dma_start3A_352 = arith.constant 0 : i32
        %dma_start3A_353 = arith.constant 0 : i32
        %dma_start3A_354 = tpu.memref_slice %arg14[%dma_start3A_352, %dma_start3A_353] : memref<16x128xf32, #tpu.memory_space<vmem>> -> memref<8x128xf32, #tpu.memory_space<vmem>>
        tpu.enqueue_dma source(%dma_start3A_354 : memref<8x128xf32, #tpu.memory_space<vmem>>) target(%dma_start3A_351 : memref<8x128xf32, #tpu.memory_space<vmem_shared>>) target_semaphore(%run_scoped3A : memref<!tpu.dma_semaphore, #tpu.memory_space<semaphore_mem>>)
        %dma_wait3A_355 = arith.constant 0 : i32
        %dma_wait3A_356 = arith.constant 0 : i32
        %dma_wait3A_357 = tpu.memref_slice %arg14[%dma_wait3A_355, %dma_wait3A_356] : memref<16x128xf32, #tpu.memory_space<vmem>> -> memref<8x128xf32, #tpu.memory_space<vmem>>
        %dma_wait3A_358 = arith.constant 0 : i32
        %dma_wait3A_359 = tpu.memref_slice %arg19[%mul3A_344, %dma_wait3A_358] : memref<80x128xf32, #tpu.memory_space<vmem_shared>> -> memref<8x128xf32, #tpu.memory_space<vmem_shared>>
        %dma_wait3A_360 = arith.constant 0 : i32
        %dma_wait3A_361 = tpu.memref_slice %arg19[%mul3A_344, %dma_wait3A_360] : memref<80x128xf32, #tpu.memory_space<vmem_shared>> -> memref<8x128xf32, #tpu.memory_space<vmem_shared>>
        %dma_wait3A_362 = arith.constant 0 : i32
        %dma_wait3A_363 = arith.constant 0 : i32
        %dma_wait3A_364 = tpu.memref_slice %arg14[%dma_wait3A_362, %dma_wait3A_363] : memref<16x128xf32, #tpu.memory_space<vmem>> -> memref<8x128xf32, #tpu.memory_space<vmem>>
        tpu.wait_dma2 semaphore(%run_scoped3A : memref<!tpu.dma_semaphore, #tpu.memory_space<semaphore_mem>>) src(%dma_wait3A_364 : memref<8x128xf32, #tpu.memory_space<vmem>>) dst(%dma_wait3A_361 : memref<8x128xf32, #tpu.memory_space<vmem_shared>>)
        tpu.yield
      }) : () -> ()
    } else {
    }
    %add3A_174 = arith.constant 0 : i32
    %add3A_175 = vector.broadcast %add3A_174 : i32 to vector<16xi32>
    %add3A_176 = arith.addi %iota3A, %add3A_175 : vector<16xi32>
    %swap3A = arith.constant 0 : index
    %swap3A_177 = tpu.vector_load %arg16[%swap3A] {strides = array<i32>} : memref<80xi32, #tpu.memory_space<vmem>>, vector<16xi32>,
    tpu.vector_store %arg16[%swap3A], %add3A_176 {strides = array<i32>} : memref<80xi32, #tpu.memory_space<vmem>>, vector<16xi32>,
    %add3A_178 = arith.constant 16 : i32
    %add3A_179 = vector.broadcast %add3A_178 : i32 to vector<16xi32>
    %add3A_180 = arith.addi %iota3A, %add3A_179 : vector<16xi32>
    %swap3A_181 = arith.constant 16 : index
    %swap3A_182 = tpu.vector_load %arg16[%swap3A_181] {strides = array<i32>} : memref<80xi32, #tpu.memory_space<vmem>>, vector<16xi32>,
    tpu.vector_store %arg16[%swap3A_181], %add3A_180 {strides = array<i32>} : memref<80xi32, #tpu.memory_space<vmem>>, vector<16xi32>,
    %add3A_183 = arith.constant 32 : i32
    %add3A_184 = vector.broadcast %add3A_183 : i32 to vector<16xi32>
    %add3A_185 = arith.addi %iota3A, %add3A_184 : vector<16xi32>
    %swap3A_186 = arith.constant 32 : index
    %swap3A_187 = tpu.vector_load %arg16[%swap3A_186] {strides = array<i32>} : memref<80xi32, #tpu.memory_space<vmem>>, vector<16xi32>,
    tpu.vector_store %arg16[%swap3A_186], %add3A_185 {strides = array<i32>} : memref<80xi32, #tpu.memory_space<vmem>>, vector<16xi32>,
    %add3A_188 = arith.constant 48 : i32
    %add3A_189 = vector.broadcast %add3A_188 : i32 to vector<16xi32>
    %add3A_190 = arith.addi %iota3A, %add3A_189 : vector<16xi32>
    %swap3A_191 = arith.constant 48 : index
    %swap3A_192 = tpu.vector_load %arg16[%swap3A_191] {strides = array<i32>} : memref<80xi32, #tpu.memory_space<vmem>>, vector<16xi32>,
    tpu.vector_store %arg16[%swap3A_191], %add3A_190 {strides = array<i32>} : memref<80xi32, #tpu.memory_space<vmem>>, vector<16xi32>,
    %add3A_193 = arith.constant 64 : i32
    %add3A_194 = vector.broadcast %add3A_193 : i32 to vector<16xi32>
    %add3A_195 = arith.addi %iota3A, %add3A_194 : vector<16xi32>
    %swap3A_196 = arith.constant 64 : index
    %swap3A_197 = tpu.vector_load %arg16[%swap3A_196] {strides = array<i32>} : memref<80xi32, #tpu.memory_space<vmem>>, vector<16xi32>,
    tpu.vector_store %arg16[%swap3A_196], %add3A_195 {strides = array<i32>} : memref<80xi32, #tpu.memory_space<vmem>>, vector<16xi32>,
    %barrier3A = arith.constant 0 : index
    tpu.barrier barrier_id(%barrier3A)
    %add3A_198 = arith.constant 0 : i32
    %add3A_199 = arith.addi %mul3A_2, %add3A_198 : i32
    %dma_start3A = arith.constant 0 : i32
    %dma_start3A_200 = arith.constant 0 : i32
    %dma_start3A_201 = tpu.memref_slice %arg8[%dma_start3A, %dma_start3A_200] : memref<2x40xi32, #tpu.memory_space<vmem>> -> memref<1x40xi32, #tpu.memory_space<vmem>>
    %dma_start3A_202 = tpu.memref_squeeze %dma_start3A_201 : memref<1x40xi32, #tpu.memory_space<vmem>> -> memref<40xi32, #tpu.memory_space<vmem>>
    %dma_start3A_203 = tpu.memref_slice %arg4[%add3A_199] : memref<320000xi32, #tpu.memory_space<hbm>> -> memref<40xi32, #tpu.memory_space<hbm>>
    %dma_start3A_204 = arith.constant 0 : i32
    %dma_start3A_205 = tpu.memref_slice %arg8[%dma_start3A, %dma_start3A_204] : memref<2x40xi32, #tpu.memory_space<vmem>> -> memref<1x40xi32, #tpu.memory_space<vmem>>
    %dma_start3A_206 = tpu.memref_squeeze %dma_start3A_205 : memref<1x40xi32, #tpu.memory_space<vmem>> -> memref<40xi32, #tpu.memory_space<vmem>>
    %dma_start3A_207 = tpu.memref_slice %arg4[%add3A_199] : memref<320000xi32, #tpu.memory_space<hbm>> -> memref<40xi32, #tpu.memory_space<hbm>>
    tpu.enqueue_dma source(%dma_start3A_207 : memref<40xi32, #tpu.memory_space<hbm>>) target(%dma_start3A_206 : memref<40xi32, #tpu.memory_space<vmem>>) target_semaphore(%arg30 : memref<!tpu.dma_semaphore, #tpu.memory_space<semaphore_mem>>)
    %dma_start3A_208 = arith.constant 0 : i32
    %dma_start3A_209 = arith.constant 0 : i32
    %dma_start3A_210 = tpu.memref_slice %arg9[%dma_start3A_208, %dma_start3A_209] : memref<2x40xi32, #tpu.memory_space<vmem>> -> memref<1x40xi32, #tpu.memory_space<vmem>>
    %dma_start3A_211 = tpu.memref_squeeze %dma_start3A_210 : memref<1x40xi32, #tpu.memory_space<vmem>> -> memref<40xi32, #tpu.memory_space<vmem>>
    %dma_start3A_212 = tpu.memref_slice %arg5[%add3A_199] : memref<320000xi32, #tpu.memory_space<hbm>> -> memref<40xi32, #tpu.memory_space<hbm>>
    %dma_start3A_213 = arith.constant 0 : i32
    %dma_start3A_214 = tpu.memref_slice %arg9[%dma_start3A_208, %dma_start3A_213] : memref<2x40xi32, #tpu.memory_space<vmem>> -> memref<1x40xi32, #tpu.memory_space<vmem>>
    %dma_start3A_215 = tpu.memref_squeeze %dma_start3A_214 : memref<1x40xi32, #tpu.memory_space<vmem>> -> memref<40xi32, #tpu.memory_space<vmem>>
    %dma_start3A_216 = tpu.memref_slice %arg5[%add3A_199] : memref<320000xi32, #tpu.memory_space<hbm>> -> memref<40xi32, #tpu.memory_space<hbm>>
    tpu.enqueue_dma source(%dma_start3A_216 : memref<40xi32, #tpu.memory_space<hbm>>) target(%dma_start3A_215 : memref<40xi32, #tpu.memory_space<vmem>>) target_semaphore(%arg30 : memref<!tpu.dma_semaphore, #tpu.memory_space<semaphore_mem>>)
    %add3A_217 = arith.constant 40 : i32
    %add3A_218 = arith.addi %mul3A_2, %add3A_217 : i32
    %dma_start3A_219 = arith.constant 1 : i32
    %dma_start3A_220 = arith.constant 0 : i32
    %dma_start3A_221 = tpu.memref_slice %arg8[%dma_start3A_219, %dma_start3A_220] : memref<2x40xi32, #tpu.memory_space<vmem>> -> memref<1x40xi32, #tpu.memory_space<vmem>>
    %dma_start3A_222 = tpu.memref_squeeze %dma_start3A_221 : memref<1x40xi32, #tpu.memory_space<vmem>> -> memref<40xi32, #tpu.memory_space<vmem>>
    %dma_start3A_223 = tpu.memref_slice %arg4[%add3A_218] : memref<320000xi32, #tpu.memory_space<hbm>> -> memref<40xi32, #tpu.memory_space<hbm>>
    %dma_start3A_224 = arith.constant 0 : i32
    %dma_start3A_225 = tpu.memref_slice %arg8[%dma_start3A_219, %dma_start3A_224] : memref<2x40xi32, #tpu.memory_space<vmem>> -> memref<1x40xi32, #tpu.memory_space<vmem>>
    %dma_start3A_226 = tpu.memref_squeeze %dma_start3A_225 : memref<1x40xi32, #tpu.memory_space<vmem>> -> memref<40xi32, #tpu.memory_space<vmem>>
    %dma_start3A_227 = tpu.memref_slice %arg4[%add3A_218] : memref<320000xi32, #tpu.memory_space<hbm>> -> memref<40xi32, #tpu.memory_space<hbm>>
    tpu.enqueue_dma source(%dma_start3A_227 : memref<40xi32, #tpu.memory_space<hbm>>) target(%dma_start3A_226 : memref<40xi32, #tpu.memory_space<vmem>>) target_semaphore(%arg31 : memref<!tpu.dma_semaphore, #tpu.memory_space<semaphore_mem>>)
    %dma_start3A_228 = arith.constant 1 : i32
    %dma_start3A_229 = arith.constant 0 : i32
    %dma_start3A_230 = tpu.memref_slice %arg9[%dma_start3A_228, %dma_start3A_229] : memref<2x40xi32, #tpu.memory_space<vmem>> -> memref<1x40xi32, #tpu.memory_space<vmem>>
    %dma_start3A_231 = tpu.memref_squeeze %dma_start3A_230 : memref<1x40xi32, #tpu.memory_space<vmem>> -> memref<40xi32, #tpu.memory_space<vmem>>
    %dma_start3A_232 = tpu.memref_slice %arg5[%add3A_218] : memref<320000xi32, #tpu.memory_space<hbm>> -> memref<40xi32, #tpu.memory_space<hbm>>
    %dma_start3A_233 = arith.constant 0 : i32
    %dma_start3A_234 = tpu.memref_slice %arg9[%dma_start3A_228, %dma_start3A_233] : memref<2x40xi32, #tpu.memory_space<vmem>> -> memref<1x40xi32, #tpu.memory_space<vmem>>
    %dma_start3A_235 = tpu.memref_squeeze %dma_start3A_234 : memref<1x40xi32, #tpu.memory_space<vmem>> -> memref<40xi32, #tpu.memory_space<vmem>>
    %dma_start3A_236 = tpu.memref_slice %arg5[%add3A_218] : memref<320000xi32, #tpu.memory_space<hbm>> -> memref<40xi32, #tpu.memory_space<hbm>>
    tpu.enqueue_dma source(%dma_start3A_236 : memref<40xi32, #tpu.memory_space<hbm>>) target(%dma_start3A_235 : memref<40xi32, #tpu.memory_space<vmem>>) target_semaphore(%arg31 : memref<!tpu.dma_semaphore, #tpu.memory_space<semaphore_mem>>)
    %add3A_237 = arith.constant 0 : i32
    %add3A_238 = arith.addi %mul3A_2, %add3A_237 : i32
    %dma_wait3A = arith.constant 0 : i32
    %dma_wait3A_239 = arith.constant 0 : i32
    %dma_wait3A_240 = tpu.memref_slice %arg8[%dma_wait3A, %dma_wait3A_239] : memref<2x40xi32, #tpu.memory_space<vmem>> -> memref<1x40xi32, #tpu.memory_space<vmem>>
    %dma_wait3A_241 = tpu.memref_squeeze %dma_wait3A_240 : memref<1x40xi32, #tpu.memory_space<vmem>> -> memref<40xi32, #tpu.memory_space<vmem>>
    %dma_wait3A_242 = tpu.memref_slice %arg4[%add3A_238] : memref<320000xi32, #tpu.memory_space<hbm>> -> memref<40xi32, #tpu.memory_space<hbm>>
    %dma_wait3A_243 = arith.constant 0 : i32
    %dma_wait3A_244 = tpu.memref_slice %arg8[%dma_wait3A, %dma_wait3A_243] : memref<2x40xi32, #tpu.memory_space<vmem>> -> memref<1x40xi32, #tpu.memory_space<vmem>>
    %dma_wait3A_245 = tpu.memref_squeeze %dma_wait3A_244 : memref<1x40xi32, #tpu.memory_space<vmem>> -> memref<40xi32, #tpu.memory_space<vmem>>
    %dma_wait3A_246 = tpu.memref_slice %arg4[%add3A_238] : memref<320000xi32, #tpu.memory_space<hbm>> -> memref<40xi32, #tpu.memory_space<hbm>>
    tpu.wait_dma2 semaphore(%arg30 : memref<!tpu.dma_semaphore, #tpu.memory_space<semaphore_mem>>) src(%dma_wait3A_246 : memref<40xi32, #tpu.memory_space<hbm>>) dst(%dma_wait3A_245 : memref<40xi32, #tpu.memory_space<vmem>>)
    %dma_wait3A_247 = arith.constant 0 : i32
    %dma_wait3A_248 = arith.constant 0 : i32
    %dma_wait3A_249 = tpu.memref_slice %arg9[%dma_wait3A_247, %dma_wait3A_248] : memref<2x40xi32, #tpu.memory_space<vmem>> -> memref<1x40xi32, #tpu.memory_space<vmem>>
    %dma_wait3A_250 = tpu.memref_squeeze %dma_wait3A_249 : memref<1x40xi32, #tpu.memory_space<vmem>> -> memref<40xi32, #tpu.memory_space<vmem>>
    %dma_wait3A_251 = tpu.memref_slice %arg5[%add3A_238] : memref<320000xi32, #tpu.memory_space<hbm>> -> memref<40xi32, #tpu.memory_space<hbm>>
    %dma_wait3A_252 = arith.constant 0 : i32
    %dma_wait3A_253 = tpu.memref_slice %arg9[%dma_wait3A_247, %dma_wait3A_252] : memref<2x40xi32, #tpu.memory_space<vmem>> -> memref<1x40xi32, #tpu.memory_space<vmem>>
    %dma_wait3A_254 = tpu.memref_squeeze %dma_wait3A_253 : memref<1x40xi32, #tpu.memory_space<vmem>> -> memref<40xi32, #tpu.memory_space<vmem>>
    %dma_wait3A_255 = tpu.memref_slice %arg5[%add3A_238] : memref<320000xi32, #tpu.memory_space<hbm>> -> memref<40xi32, #tpu.memory_space<hbm>>
    tpu.wait_dma2 semaphore(%arg30 : memref<!tpu.dma_semaphore, #tpu.memory_space<semaphore_mem>>) src(%dma_wait3A_255 : memref<40xi32, #tpu.memory_space<hbm>>) dst(%dma_wait3A_254 : memref<40xi32, #tpu.memory_space<vmem>>)
    %dma_start3A_256 = arith.constant 0 : i32
    %dma_start3A_257 = arith.constant 0 : i32
    %dma_start3A_258 = arith.constant 0 : i32
    %dma_start3A_259 = arith.constant 0 : i32
    %dma_start3A_260 = tpu.memref_slice %arg11[%dma_start3A_257, %dma_start3A_258, %dma_start3A_259] : memref<2x40x128xf32, #tpu.memory_space<vmem>> -> memref<1x24x128xf32, #tpu.memory_space<vmem>>
    %dma_start3A_261 = tpu.memref_squeeze %dma_start3A_260 : memref<1x24x128xf32, #tpu.memory_space<vmem>> -> memref<24x128xf32, #tpu.memory_space<vmem>>
    %dma_start3A_262 = arith.constant 0 : i32
    %dma_start3A_263 = tpu.memref_slice %arg8[%dma_start3A_256, %dma_start3A_262] : memref<2x40xi32, #tpu.memory_space<vmem>> -> memref<1x24xi32, #tpu.memory_space<vmem>>
    %dma_start3A_264 = tpu.memref_squeeze %dma_start3A_263 : memref<1x24xi32, #tpu.memory_space<vmem>> -> memref<24xi32, #tpu.memory_space<vmem>>
    %dma_start3A_265 = arith.constant 0 : i32
    %dma_start3A_266 = arith.constant 0 : i32
    %dma_start3A_267 = tpu.memref_slice %arg2[%dma_start3A_265, %dma_start3A_266] : memref<10000x128xf32, #tpu.memory_space<hbm>> -> memref<10000x128xf32, #tpu.memory_space<hbm>>
    tpu.enqueue_indirect_dma source(%dma_start3A_267 : memref<10000x128xf32, #tpu.memory_space<hbm>>) target(%dma_start3A_261 : memref<24x128xf32, #tpu.memory_space<vmem>>) offsets(%dma_start3A_264 : memref<24xi32, #tpu.memory_space<vmem>>) semaphore(%arg20 : memref<!tpu.dma_semaphore, #tpu.memory_space<semaphore_mem>>)
    %dma_start3A_268 = arith.constant 0 : i32
    %dma_start3A_269 = arith.constant 0 : i32
    %dma_start3A_270 = arith.constant 0 : i32
    %dma_start3A_271 = arith.constant 0 : i32
    %dma_start3A_272 = tpu.memref_slice %arg12[%dma_start3A_269, %dma_start3A_270, %dma_start3A_271] : memref<2x40x128xf32, #tpu.memory_space<vmem>> -> memref<1x24x128xf32, #tpu.memory_space<vmem>>
    %dma_start3A_273 = tpu.memref_squeeze %dma_start3A_272 : memref<1x24x128xf32, #tpu.memory_space<vmem>> -> memref<24x128xf32, #tpu.memory_space<vmem>>
    %dma_start3A_274 = arith.constant 0 : i32
    %dma_start3A_275 = tpu.memref_slice %arg9[%dma_start3A_268, %dma_start3A_274] : memref<2x40xi32, #tpu.memory_space<vmem>> -> memref<1x24xi32, #tpu.memory_space<vmem>>
    %dma_start3A_276 = tpu.memref_squeeze %dma_start3A_275 : memref<1x24xi32, #tpu.memory_space<vmem>> -> memref<24xi32, #tpu.memory_space<vmem>>
    %dma_start3A_277 = arith.constant 0 : i32
    %dma_start3A_278 = arith.constant 0 : i32
    %dma_start3A_279 = tpu.memref_slice %arg3[%dma_start3A_277, %dma_start3A_278] : memref<10000x128xf32, #tpu.memory_space<hbm>> -> memref<10000x128xf32, #tpu.memory_space<hbm>>
    tpu.enqueue_indirect_dma source(%dma_start3A_279 : memref<10000x128xf32, #tpu.memory_space<hbm>>) target(%dma_start3A_273 : memref<24x128xf32, #tpu.memory_space<vmem>>) offsets(%dma_start3A_276 : memref<24xi32, #tpu.memory_space<vmem>>) semaphore(%arg22 : memref<!tpu.dma_semaphore, #tpu.memory_space<semaphore_mem>>)
    %dma_start3A_280 = arith.constant 0 : i32
    %dma_start3A_281 = arith.constant 0 : i32
    %dma_start3A_282 = arith.constant 24 : i32
    %dma_start3A_283 = arith.constant 0 : i32
    %dma_start3A_284 = tpu.memref_slice %arg11[%dma_start3A_281, %dma_start3A_282, %dma_start3A_283] : memref<2x40x128xf32, #tpu.memory_space<vmem>> -> memref<1x16x128xf32, #tpu.memory_space<vmem>>
    %dma_start3A_285 = tpu.memref_squeeze %dma_start3A_284 : memref<1x16x128xf32, #tpu.memory_space<vmem>> -> memref<16x128xf32, #tpu.memory_space<vmem>>
    %dma_start3A_286 = arith.constant 24 : i32
    %dma_start3A_287 = tpu.memref_slice %arg8[%dma_start3A_280, %dma_start3A_286] : memref<2x40xi32, #tpu.memory_space<vmem>> -> memref<1x16xi32, #tpu.memory_space<vmem>>
    %dma_start3A_288 = tpu.memref_squeeze %dma_start3A_287 : memref<1x16xi32, #tpu.memory_space<vmem>> -> memref<16xi32, #tpu.memory_space<vmem>>
    %dma_start3A_289 = arith.constant 0 : i32
    %dma_start3A_290 = arith.constant 0 : i32
    %dma_start3A_291 = tpu.memref_slice %arg2[%dma_start3A_289, %dma_start3A_290] : memref<10000x128xf32, #tpu.memory_space<hbm>> -> memref<10000x128xf32, #tpu.memory_space<hbm>>
    tpu.enqueue_indirect_dma source(%dma_start3A_291 : memref<10000x128xf32, #tpu.memory_space<hbm>>) target(%dma_start3A_285 : memref<16x128xf32, #tpu.memory_space<vmem>>) offsets(%dma_start3A_288 : memref<16xi32, #tpu.memory_space<vmem>>) semaphore(%arg21 : memref<!tpu.dma_semaphore, #tpu.memory_space<semaphore_mem>>)
    %dma_start3A_292 = arith.constant 0 : i32
    %dma_start3A_293 = arith.constant 0 : i32
    %dma_start3A_294 = arith.constant 24 : i32
    %dma_start3A_295 = arith.constant 0 : i32
    %dma_start3A_296 = tpu.memref_slice %arg12[%dma_start3A_293, %dma_start3A_294, %dma_start3A_295] : memref<2x40x128xf32, #tpu.memory_space<vmem>> -> memref<1x16x128xf32, #tpu.memory_space<vmem>>
    %dma_start3A_297 = tpu.memref_squeeze %dma_start3A_296 : memref<1x16x128xf32, #tpu.memory_space<vmem>> -> memref<16x128xf32, #tpu.memory_space<vmem>>
    %dma_start3A_298 = arith.constant 24 : i32
    %dma_start3A_299 = tpu.memref_slice %arg9[%dma_start3A_292, %dma_start3A_298] : memref<2x40xi32, #tpu.memory_space<vmem>> -> memref<1x16xi32, #tpu.memory_space<vmem>>
    %dma_start3A_300 = tpu.memref_squeeze %dma_start3A_299 : memref<1x16xi32, #tpu.memory_space<vmem>> -> memref<16xi32, #tpu.memory_space<vmem>>
    %dma_start3A_301 = arith.constant 0 : i32
    %dma_start3A_302 = arith.constant 0 : i32
    %dma_start3A_303 = tpu.memref_slice %arg3[%dma_start3A_301, %dma_start3A_302] : memref<10000x128xf32, #tpu.memory_space<hbm>> -> memref<10000x128xf32, #tpu.memory_space<hbm>>
    tpu.enqueue_indirect_dma source(%dma_start3A_303 : memref<10000x128xf32, #tpu.memory_space<hbm>>) target(%dma_start3A_297 : memref<16x128xf32, #tpu.memory_space<vmem>>) offsets(%dma_start3A_300 : memref<16xi32, #tpu.memory_space<vmem>>) semaphore(%arg23 : memref<!tpu.dma_semaphore, #tpu.memory_space<semaphore_mem>>)
    %scan3A_304 = arith.constant 0 : i32
    %scan3A_305 = arith.constant 125 : i32
    %scan3A_306 = arith.addi %scan3A_304, %scan3A_305 : i32
    %scan3A_307 = arith.constant 1 : i32
    scf.for %scan3A_343 = %scan3A_304 to %scan3A_306 step %scan3A_307  : i32 {
      %mul3A_344 = arith.constant 2 : i32
      %mul3A_345 = arith.muli %scan3A_343, %mul3A_344 : i32
      %add3A_346 = arith.constant 0 : i32
      %add3A_347 = arith.addi %mul3A_345, %add3A_346 : i32
      %dma_wait3A_348 = arith.constant 0 : i32
      %dma_wait3A_349 = arith.constant 0 : i32
      %dma_wait3A_350 = arith.constant 0 : i32
      %dma_wait3A_351 = arith.constant 0 : i32
      %dma_wait3A_352 = tpu.memref_slice %arg11[%dma_wait3A_349, %dma_wait3A_350, %dma_wait3A_351] : memref<2x40x128xf32, #tpu.memory_space<vmem>> -> memref<1x24x128xf32, #tpu.memory_space<vmem>>
      %dma_wait3A_353 = tpu.memref_squeeze %dma_wait3A_352 : memref<1x24x128xf32, #tpu.memory_space<vmem>> -> memref<24x128xf32, #tpu.memory_space<vmem>>
      %dma_wait3A_354 = arith.constant 0 : i32
      %dma_wait3A_355 = tpu.memref_slice %arg8[%dma_wait3A_348, %dma_wait3A_354] : memref<2x40xi32, #tpu.memory_space<vmem>> -> memref<1x24xi32, #tpu.memory_space<vmem>>
      %dma_wait3A_356 = tpu.memref_squeeze %dma_wait3A_355 : memref<1x24xi32, #tpu.memory_space<vmem>> -> memref<24xi32, #tpu.memory_space<vmem>>
      %dma_wait3A_357 = arith.constant 0 : i32
      %dma_wait3A_358 = arith.constant 0 : i32
      %dma_wait3A_359 = tpu.memref_slice %arg2[%dma_wait3A_357, %dma_wait3A_358] : memref<10000x128xf32, #tpu.memory_space<hbm>> -> memref<10000x128xf32, #tpu.memory_space<hbm>>
      tpu.wait_indirect_dma semaphore(%arg20 : memref<!tpu.dma_semaphore, #tpu.memory_space<semaphore_mem>>) src(%dma_wait3A_359 : memref<10000x128xf32, #tpu.memory_space<hbm>>) dst(%dma_wait3A_353 : memref<24x128xf32, #tpu.memory_space<vmem>>)
      %dma_wait3A_360 = arith.constant 0 : i32
      %dma_wait3A_361 = arith.constant 0 : i32
      %dma_wait3A_362 = arith.constant 0 : i32
      %dma_wait3A_363 = arith.constant 0 : i32
      %dma_wait3A_364 = tpu.memref_slice %arg12[%dma_wait3A_361, %dma_wait3A_362, %dma_wait3A_363] : memref<2x40x128xf32, #tpu.memory_space<vmem>> -> memref<1x24x128xf32, #tpu.memory_space<vmem>>
      %dma_wait3A_365 = tpu.memref_squeeze %dma_wait3A_364 : memref<1x24x128xf32, #tpu.memory_space<vmem>> -> memref<24x128xf32, #tpu.memory_space<vmem>>
      %dma_wait3A_366 = arith.constant 0 : i32
      %dma_wait3A_367 = tpu.memref_slice %arg9[%dma_wait3A_360, %dma_wait3A_366] : memref<2x40xi32, #tpu.memory_space<vmem>> -> memref<1x24xi32, #tpu.memory_space<vmem>>
      %dma_wait3A_368 = tpu.memref_squeeze %dma_wait3A_367 : memref<1x24xi32, #tpu.memory_space<vmem>> -> memref<24xi32, #tpu.memory_space<vmem>>
      %dma_wait3A_369 = arith.constant 0 : i32
      %dma_wait3A_370 = arith.constant 0 : i32
      %dma_wait3A_371 = tpu.memref_slice %arg3[%dma_wait3A_369, %dma_wait3A_370] : memref<10000x128xf32, #tpu.memory_space<hbm>> -> memref<10000x128xf32, #tpu.memory_space<hbm>>
      tpu.wait_indirect_dma semaphore(%arg22 : memref<!tpu.dma_semaphore, #tpu.memory_space<semaphore_mem>>) src(%dma_wait3A_371 : memref<10000x128xf32, #tpu.memory_space<hbm>>) dst(%dma_wait3A_365 : memref<24x128xf32, #tpu.memory_space<vmem>>)
      %dma_wait3A_372 = arith.constant 0 : i32
      %dma_wait3A_373 = arith.constant 0 : i32
      %dma_wait3A_374 = arith.constant 24 : i32
      %dma_wait3A_375 = arith.constant 0 : i32
      %dma_wait3A_376 = tpu.memref_slice %arg11[%dma_wait3A_373, %dma_wait3A_374, %dma_wait3A_375] : memref<2x40x128xf32, #tpu.memory_space<vmem>> -> memref<1x16x128xf32, #tpu.memory_space<vmem>>
      %dma_wait3A_377 = tpu.memref_squeeze %dma_wait3A_376 : memref<1x16x128xf32, #tpu.memory_space<vmem>> -> memref<16x128xf32, #tpu.memory_space<vmem>>
      %dma_wait3A_378 = arith.constant 24 : i32
      %dma_wait3A_379 = tpu.memref_slice %arg8[%dma_wait3A_372, %dma_wait3A_378] : memref<2x40xi32, #tpu.memory_space<vmem>> -> memref<1x16xi32, #tpu.memory_space<vmem>>
      %dma_wait3A_380 = tpu.memref_squeeze %dma_wait3A_379 : memref<1x16xi32, #tpu.memory_space<vmem>> -> memref<16xi32, #tpu.memory_space<vmem>>
      %dma_wait3A_381 = arith.constant 0 : i32
      %dma_wait3A_382 = arith.constant 0 : i32
      %dma_wait3A_383 = tpu.memref_slice %arg2[%dma_wait3A_381, %dma_wait3A_382] : memref<10000x128xf32, #tpu.memory_space<hbm>> -> memref<10000x128xf32, #tpu.memory_space<hbm>>
      tpu.wait_indirect_dma semaphore(%arg21 : memref<!tpu.dma_semaphore, #tpu.memory_space<semaphore_mem>>) src(%dma_wait3A_383 : memref<10000x128xf32, #tpu.memory_space<hbm>>) dst(%dma_wait3A_377 : memref<16x128xf32, #tpu.memory_space<vmem>>)
      %dma_wait3A_384 = arith.constant 0 : i32
      %dma_wait3A_385 = arith.constant 0 : i32
      %dma_wait3A_386 = arith.constant 24 : i32
      %dma_wait3A_387 = arith.constant 0 : i32
      %dma_wait3A_388 = tpu.memref_slice %arg12[%dma_wait3A_385, %dma_wait3A_386, %dma_wait3A_387] : memref<2x40x128xf32, #tpu.memory_space<vmem>> -> memref<1x16x128xf32, #tpu.memory_space<vmem>>
      %dma_wait3A_389 = tpu.memref_squeeze %dma_wait3A_388 : memref<1x16x128xf32, #tpu.memory_space<vmem>> -> memref<16x128xf32, #tpu.memory_space<vmem>>
      %dma_wait3A_390 = arith.constant 24 : i32
      %dma_wait3A_391 = tpu.memref_slice %arg9[%dma_wait3A_384, %dma_wait3A_390] : memref<2x40xi32, #tpu.memory_space<vmem>> -> memref<1x16xi32, #tpu.memory_space<vmem>>
      %dma_wait3A_392 = tpu.memref_squeeze %dma_wait3A_391 : memref<1x16xi32, #tpu.memory_space<vmem>> -> memref<16xi32, #tpu.memory_space<vmem>>
      %dma_wait3A_393 = arith.constant 0 : i32
      %dma_wait3A_394 = arith.constant 0 : i32
      %dma_wait3A_395 = tpu.memref_slice %arg3[%dma_wait3A_393, %dma_wait3A_394] : memref<10000x128xf32, #tpu.memory_space<hbm>> -> memref<10000x128xf32, #tpu.memory_space<hbm>>
      tpu.wait_indirect_dma semaphore(%arg23 : memref<!tpu.dma_semaphore, #tpu.memory_space<semaphore_mem>>) src(%dma_wait3A_395 : memref<10000x128xf32, #tpu.memory_space<hbm>>) dst(%dma_wait3A_389 : memref<16x128xf32, #tpu.memory_space<vmem>>)
      %add3A_396 = arith.constant 1 : i32
      %add3A_397 = arith.addi %add3A_347, %add3A_396 : i32
      %mul3A_398 = arith.constant 40 : i32
      %mul3A_399 = arith.muli %add3A_397, %mul3A_398 : i32
      %add3A_400 = arith.addi %mul3A_2, %mul3A_399 : i32
      %dma_wait3A_401 = arith.constant 1 : i32
      %dma_wait3A_402 = arith.constant 0 : i32
      %dma_wait3A_403 = tpu.memref_slice %arg8[%dma_wait3A_401, %dma_wait3A_402] : memref<2x40xi32, #tpu.memory_space<vmem>> -> memref<1x40xi32, #tpu.memory_space<vmem>>
      %dma_wait3A_404 = tpu.memref_squeeze %dma_wait3A_403 : memref<1x40xi32, #tpu.memory_space<vmem>> -> memref<40xi32, #tpu.memory_space<vmem>>
      %dma_wait3A_405 = tpu.memref_slice %arg4[%add3A_400] : memref<320000xi32, #tpu.memory_space<hbm>> -> memref<40xi32, #tpu.memory_space<hbm>>
      %dma_wait3A_406 = arith.constant 0 : i32
      %dma_wait3A_407 = tpu.memref_slice %arg8[%dma_wait3A_401, %dma_wait3A_406] : memref<2x40xi32, #tpu.memory_space<vmem>> -> memref<1x40xi32, #tpu.memory_space<vmem>>
      %dma_wait3A_408 = tpu.memref_squeeze %dma_wait3A_407 : memref<1x40xi32, #tpu.memory_space<vmem>> -> memref<40xi32, #tpu.memory_space<vmem>>
      %dma_wait3A_409 = tpu.memref_slice %arg4[%add3A_400] : memref<320000xi32, #tpu.memory_space<hbm>> -> memref<40xi32, #tpu.memory_space<hbm>>
      tpu.wait_dma2 semaphore(%arg31 : memref<!tpu.dma_semaphore, #tpu.memory_space<semaphore_mem>>) src(%dma_wait3A_409 : memref<40xi32, #tpu.memory_space<hbm>>) dst(%dma_wait3A_408 : memref<40xi32, #tpu.memory_space<vmem>>)
      %dma_wait3A_410 = arith.constant 1 : i32
      %dma_wait3A_411 = arith.constant 0 : i32
      %dma_wait3A_412 = tpu.memref_slice %arg9[%dma_wait3A_410, %dma_wait3A_411] : memref<2x40xi32, #tpu.memory_space<vmem>> -> memref<1x40xi32, #tpu.memory_space<vmem>>
      %dma_wait3A_413 = tpu.memref_squeeze %dma_wait3A_412 : memref<1x40xi32, #tpu.memory_space<vmem>> -> memref<40xi32, #tpu.memory_space<vmem>>
      %dma_wait3A_414 = tpu.memref_slice %arg5[%add3A_400] : memref<320000xi32, #tpu.memory_space<hbm>> -> memref<40xi32, #tpu.memory_space<hbm>>
      %dma_wait3A_415 = arith.constant 0 : i32
      %dma_wait3A_416 = tpu.memref_slice %arg9[%dma_wait3A_410, %dma_wait3A_415] : memref<2x40xi32, #tpu.memory_space<vmem>> -> memref<1x40xi32, #tpu.memory_space<vmem>>
      %dma_wait3A_417 = tpu.memref_squeeze %dma_wait3A_416 : memref<1x40xi32, #tpu.memory_space<vmem>> -> memref<40xi32, #tpu.memory_space<vmem>>
      %dma_wait3A_418 = tpu.memref_slice %arg5[%add3A_400] : memref<320000xi32, #tpu.memory_space<hbm>> -> memref<40xi32, #tpu.memory_space<hbm>>
      tpu.wait_dma2 semaphore(%arg31 : memref<!tpu.dma_semaphore, #tpu.memory_space<semaphore_mem>>) src(%dma_wait3A_418 : memref<40xi32, #tpu.memory_space<hbm>>) dst(%dma_wait3A_417 : memref<40xi32, #tpu.memory_space<vmem>>)
      %dma_start3A_419 = arith.constant 1 : i32
      %dma_start3A_420 = arith.constant 1 : i32
      %dma_start3A_421 = arith.constant 0 : i32
      %dma_start3A_422 = arith.constant 0 : i32
      %dma_start3A_423 = tpu.memref_slice %arg11[%dma_start3A_420, %dma_start3A_421, %dma_start3A_422] : memref<2x40x128xf32, #tpu.memory_space<vmem>> -> memref<1x24x128xf32, #tpu.memory_space<vmem>>
      %dma_start3A_424 = tpu.memref_squeeze %dma_start3A_423 : memref<1x24x128xf32, #tpu.memory_space<vmem>> -> memref<24x128xf32, #tpu.memory_space<vmem>>
      %dma_start3A_425 = arith.constant 0 : i32
      %dma_start3A_426 = tpu.memref_slice %arg8[%dma_start3A_419, %dma_start3A_425] : memref<2x40xi32, #tpu.memory_space<vmem>> -> memref<1x24xi32, #tpu.memory_space<vmem>>
      %dma_start3A_427 = tpu.memref_squeeze %dma_start3A_426 : memref<1x24xi32, #tpu.memory_space<vmem>> -> memref<24xi32, #tpu.memory_space<vmem>>
      %dma_start3A_428 = arith.constant 0 : i32
      %dma_start3A_429 = arith.constant 0 : i32
      %dma_start3A_430 = tpu.memref_slice %arg2[%dma_start3A_428, %dma_start3A_429] : memref<10000x128xf32, #tpu.memory_space<hbm>> -> memref<10000x128xf32, #tpu.memory_space<hbm>>
      tpu.enqueue_indirect_dma source(%dma_start3A_430 : memref<10000x128xf32, #tpu.memory_space<hbm>>) target(%dma_start3A_424 : memref<24x128xf32, #tpu.memory_space<vmem>>) offsets(%dma_start3A_427 : memref<24xi32, #tpu.memory_space<vmem>>) semaphore(%arg24 : memref<!tpu.dma_semaphore, #tpu.memory_space<semaphore_mem>>)
      %dma_start3A_431 = arith.constant 1 : i32
      %dma_start3A_432 = arith.constant 1 : i32
      %dma_start3A_433 = arith.constant 0 : i32
      %dma_start3A_434 = arith.constant 0 : i32
      %dma_start3A_435 = tpu.memref_slice %arg12[%dma_start3A_432, %dma_start3A_433, %dma_start3A_434] : memref<2x40x128xf32, #tpu.memory_space<vmem>> -> memref<1x24x128xf32, #tpu.memory_space<vmem>>
      %dma_start3A_436 = tpu.memref_squeeze %dma_start3A_435 : memref<1x24x128xf32, #tpu.memory_space<vmem>> -> memref<24x128xf32, #tpu.memory_space<vmem>>
      %dma_start3A_437 = arith.constant 0 : i32
      %dma_start3A_438 = tpu.memref_slice %arg9[%dma_start3A_431, %dma_start3A_437] : memref<2x40xi32, #tpu.memory_space<vmem>> -> memref<1x24xi32, #tpu.memory_space<vmem>>
      %dma_start3A_439 = tpu.memref_squeeze %dma_start3A_438 : memref<1x24xi32, #tpu.memory_space<vmem>> -> memref<24xi32, #tpu.memory_space<vmem>>
      %dma_start3A_440 = arith.constant 0 : i32
      %dma_start3A_441 = arith.constant 0 : i32
      %dma_start3A_442 = tpu.memref_slice %arg3[%dma_start3A_440, %dma_start3A_441] : memref<10000x128xf32, #tpu.memory_space<hbm>> -> memref<10000x128xf32, #tpu.memory_space<hbm>>
      tpu.enqueue_indirect_dma source(%dma_start3A_442 : memref<10000x128xf32, #tpu.memory_space<hbm>>) target(%dma_start3A_436 : memref<24x128xf32, #tpu.memory_space<vmem>>) offsets(%dma_start3A_439 : memref<24xi32, #tpu.memory_space<vmem>>) semaphore(%arg26 : memref<!tpu.dma_semaphore, #tpu.memory_space<semaphore_mem>>)
      %dma_start3A_443 = arith.constant 1 : i32
      %dma_start3A_444 = arith.constant 1 : i32
      %dma_start3A_445 = arith.constant 24 : i32
      %dma_start3A_446 = arith.constant 0 : i32
      %dma_start3A_447 = tpu.memref_slice %arg11[%dma_start3A_444, %dma_start3A_445, %dma_start3A_446] : memref<2x40x128xf32, #tpu.memory_space<vmem>> -> memref<1x16x128xf32, #tpu.memory_space<vmem>>
      %dma_start3A_448 = tpu.memref_squeeze %dma_start3A_447 : memref<1x16x128xf32, #tpu.memory_space<vmem>> -> memref<16x128xf32, #tpu.memory_space<vmem>>
      %dma_start3A_449 = arith.constant 24 : i32
      %dma_start3A_450 = tpu.memref_slice %arg8[%dma_start3A_443, %dma_start3A_449] : memref<2x40xi32, #tpu.memory_space<vmem>> -> memref<1x16xi32, #tpu.memory_space<vmem>>
      %dma_start3A_451 = tpu.memref_squeeze %dma_start3A_450 : memref<1x16xi32, #tpu.memory_space<vmem>> -> memref<16xi32, #tpu.memory_space<vmem>>
      %dma_start3A_452 = arith.constant 0 : i32
      %dma_start3A_453 = arith.constant 0 : i32
      %dma_start3A_454 = tpu.memref_slice %arg2[%dma_start3A_452, %dma_start3A_453] : memref<10000x128xf32, #tpu.memory_space<hbm>> -> memref<10000x128xf32, #tpu.memory_space<hbm>>
      tpu.enqueue_indirect_dma source(%dma_start3A_454 : memref<10000x128xf32, #tpu.memory_space<hbm>>) target(%dma_start3A_448 : memref<16x128xf32, #tpu.memory_space<vmem>>) offsets(%dma_start3A_451 : memref<16xi32, #tpu.memory_space<vmem>>) semaphore(%arg25 : memref<!tpu.dma_semaphore, #tpu.memory_space<semaphore_mem>>)
      %dma_start3A_455 = arith.constant 1 : i32
      %dma_start3A_456 = arith.constant 1 : i32
      %dma_start3A_457 = arith.constant 24 : i32
      %dma_start3A_458 = arith.constant 0 : i32
      %dma_start3A_459 = tpu.memref_slice %arg12[%dma_start3A_456, %dma_start3A_457, %dma_start3A_458] : memref<2x40x128xf32, #tpu.memory_space<vmem>> -> memref<1x16x128xf32, #tpu.memory_space<vmem>>
      %dma_start3A_460 = tpu.memref_squeeze %dma_start3A_459 : memref<1x16x128xf32, #tpu.memory_space<vmem>> -> memref<16x128xf32, #tpu.memory_space<vmem>>
      %dma_start3A_461 = arith.constant 24 : i32
      %dma_start3A_462 = tpu.memref_slice %arg9[%dma_start3A_455, %dma_start3A_461] : memref<2x40xi32, #tpu.memory_space<vmem>> -> memref<1x16xi32, #tpu.memory_space<vmem>>
      %dma_start3A_463 = tpu.memref_squeeze %dma_start3A_462 : memref<1x16xi32, #tpu.memory_space<vmem>> -> memref<16xi32, #tpu.memory_space<vmem>>
      %dma_start3A_464 = arith.constant 0 : i32
      %dma_start3A_465 = arith.constant 0 : i32
      %dma_start3A_466 = tpu.memref_slice %arg3[%dma_start3A_464, %dma_start3A_465] : memref<10000x128xf32, #tpu.memory_space<hbm>> -> memref<10000x128xf32, #tpu.memory_space<hbm>>
      tpu.enqueue_indirect_dma source(%dma_start3A_466 : memref<10000x128xf32, #tpu.memory_space<hbm>>) target(%dma_start3A_460 : memref<16x128xf32, #tpu.memory_space<vmem>>) offsets(%dma_start3A_463 : memref<16xi32, #tpu.memory_space<vmem>>) semaphore(%arg27 : memref<!tpu.dma_semaphore, #tpu.memory_space<semaphore_mem>>)
      %gt3A = arith.constant 0 : i32
      %gt3A_467 = arith.cmpi sgt, %scan3A_343, %gt3A : i32
      %convert_element_type3A_468 = arith.extui %gt3A_467 : i1 to i32
      %cond3A_469 = arith.constant 0 : i32
      %cond3A_470 = arith.cmpi ne, %convert_element_type3A_468, %cond3A_469 : i32
      scf.if %cond3A_470 {
        %dma_wait3A_675 = arith.constant 0 : i32
        %dma_wait3A_676 = arith.constant 0 : i32
        %dma_wait3A_677 = arith.constant 0 : i32
        %dma_wait3A_678 = arith.constant 0 : i32
        %dma_wait3A_679 = tpu.memref_slice %arg13[%dma_wait3A_675, %dma_wait3A_677, %dma_wait3A_678] : memref<2x40x128xf32, #tpu.memory_space<vmem>> -> memref<1x40x128xf32, #tpu.memory_space<vmem>>
        %dma_wait3A_680 = tpu.memref_squeeze %dma_wait3A_679 : memref<1x40x128xf32, #tpu.memory_space<vmem>> -> memref<40x128xf32, #tpu.memory_space<vmem>>
        %dma_wait3A_681 = arith.constant 0 : i32
        %dma_wait3A_682 = tpu.memref_slice %arg10[%dma_wait3A_676, %dma_wait3A_681] : memref<2x40xi32, #tpu.memory_space<vmem>> -> memref<1x40xi32, #tpu.memory_space<vmem>>
        %dma_wait3A_683 = tpu.memref_squeeze %dma_wait3A_682 : memref<1x40xi32, #tpu.memory_space<vmem>> -> memref<40xi32, #tpu.memory_space<vmem>>
        %dma_wait3A_684 = arith.constant 0 : i32
        %dma_wait3A_685 = arith.constant 0 : i32
        %dma_wait3A_686 = tpu.memref_slice %arg18[%dma_wait3A_684, %dma_wait3A_685] : memref<10240x128xf32, #tpu.memory_space<vmem_shared>> -> memref<10240x128xf32, #tpu.memory_space<vmem_shared>>
        tpu.wait_indirect_dma semaphore(%arg28 : memref<!tpu.dma_semaphore, #tpu.memory_space<semaphore_mem>>) src(%dma_wait3A_680 : memref<40x128xf32, #tpu.memory_space<vmem>>) dst(%dma_wait3A_686 : memref<10240x128xf32, #tpu.memory_space<vmem_shared>>)
      } else {
      }
      %scan3A_471 = arith.constant 0 : i32
      %scan3A_472 = arith.constant 40 : i32
      %scan3A_473 = arith.addi %scan3A_471, %scan3A_472 : i32
      %scan3A_474 = arith.constant 4 : i32
      scf.for %scan3A_675 = %scan3A_471 to %scan3A_473 step %scan3A_474  : i32 {
        %get3A_676 = arith.constant 0 : i32
        %get3A_677 = arith.index_cast %get3A_676 : i32 to index
        %get3A_678 = arith.index_cast %scan3A_675 : i32 to index
        %get3A_679 = arith.constant 0 : index
        %get3A_680 = tpu.vector_load %arg11[%get3A_677, %get3A_678, %get3A_679] {strides = array<i32>} : memref<2x40x128xf32, #tpu.memory_space<vmem>>, vector<16xf32>,
        %get3A_681 = arith.constant 0 : i32
        %get3A_682 = arith.index_cast %get3A_681 : i32 to index
        %get3A_683 = arith.index_cast %scan3A_675 : i32 to index
        %get3A_684 = arith.constant 0 : index
        %get3A_685 = tpu.vector_load %arg12[%get3A_682, %get3A_683, %get3A_684] {strides = array<i32>} : memref<2x40x128xf32, #tpu.memory_space<vmem>>, vector<16xf32>,
        %mul3A_686 = arith.mulf %get3A_680, %get3A_685 : vector<16xf32>
        %get3A_687 = arith.constant 0 : i32
        %get3A_688 = arith.index_cast %get3A_687 : i32 to index
        %get3A_689 = arith.index_cast %scan3A_675 : i32 to index
        %get3A_690 = arith.constant 16 : index
        %get3A_691 = tpu.vector_load %arg11[%get3A_688, %get3A_689, %get3A_690] {strides = array<i32>} : memref<2x40x128xf32, #tpu.memory_space<vmem>>, vector<16xf32>,
        %get3A_692 = arith.constant 0 : i32
        %get3A_693 = arith.index_cast %get3A_692 : i32 to index
        %get3A_694 = arith.index_cast %scan3A_675 : i32 to index
        %get3A_695 = arith.constant 16 : index
        %get3A_696 = tpu.vector_load %arg12[%get3A_693, %get3A_694, %get3A_695] {strides = array<i32>} : memref<2x40x128xf32, #tpu.memory_space<vmem>>, vector<16xf32>,
        %mul3A_697 = arith.mulf %get3A_691, %get3A_696 : vector<16xf32>
        %add3A_698 = arith.addf %mul3A_686, %mul3A_697 : vector<16xf32>
        %get3A_699 = arith.constant 0 : i32
        %get3A_700 = arith.index_cast %get3A_699 : i32 to index
        %get3A_701 = arith.index_cast %scan3A_675 : i32 to index
        %get3A_702 = arith.constant 32 : index
        %get3A_703 = tpu.vector_load %arg11[%get3A_700, %get3A_701, %get3A_702] {strides = array<i32>} : memref<2x40x128xf32, #tpu.memory_space<vmem>>, vector<16xf32>,
        %get3A_704 = arith.constant 0 : i32
        %get3A_705 = arith.index_cast %get3A_704 : i32 to index
        %get3A_706 = arith.index_cast %scan3A_675 : i32 to index
        %get3A_707 = arith.constant 32 : index
        %get3A_708 = tpu.vector_load %arg12[%get3A_705, %get3A_706, %get3A_707] {strides = array<i32>} : memref<2x40x128xf32, #tpu.memory_space<vmem>>, vector<16xf32>,
        %mul3A_709 = arith.mulf %get3A_703, %get3A_708 : vector<16xf32>
        %add3A_710 = arith.addf %add3A_698, %mul3A_709 : vector<16xf32>
        %get3A_711 = arith.constant 0 : i32
        %get3A_712 = arith.index_cast %get3A_711 : i32 to index
        %get3A_713 = arith.index_cast %scan3A_675 : i32 to index
        %get3A_714 = arith.constant 48 : index
        %get3A_715 = tpu.vector_load %arg11[%get3A_712, %get3A_713, %get3A_714] {strides = array<i32>} : memref<2x40x128xf32, #tpu.memory_space<vmem>>, vector<16xf32>,
        %get3A_716 = arith.constant 0 : i32
        %get3A_717 = arith.index_cast %get3A_716 : i32 to index
        %get3A_718 = arith.index_cast %scan3A_675 : i32 to index
        %get3A_719 = arith.constant 48 : index
        %get3A_720 = tpu.vector_load %arg12[%get3A_717, %get3A_718, %get3A_719] {strides = array<i32>} : memref<2x40x128xf32, #tpu.memory_space<vmem>>, vector<16xf32>,
        %mul3A_721 = arith.mulf %get3A_715, %get3A_720 : vector<16xf32>
        %add3A_722 = arith.addf %add3A_710, %mul3A_721 : vector<16xf32>
        %get3A_723 = arith.constant 0 : i32
        %get3A_724 = arith.index_cast %get3A_723 : i32 to index
        %get3A_725 = arith.index_cast %scan3A_675 : i32 to index
        %get3A_726 = arith.constant 64 : index
        %get3A_727 = tpu.vector_load %arg11[%get3A_724, %get3A_725, %get3A_726] {strides = array<i32>} : memref<2x40x128xf32, #tpu.memory_space<vmem>>, vector<16xf32>,
        %get3A_728 = arith.constant 0 : i32
        %get3A_729 = arith.index_cast %get3A_728 : i32 to index
        %get3A_730 = arith.index_cast %scan3A_675 : i32 to index
        %get3A_731 = arith.constant 64 : index
        %get3A_732 = tpu.vector_load %arg12[%get3A_729, %get3A_730, %get3A_731] {strides = array<i32>} : memref<2x40x128xf32, #tpu.memory_space<vmem>>, vector<16xf32>,
        %mul3A_733 = arith.mulf %get3A_727, %get3A_732 : vector<16xf32>
        %add3A_734 = arith.addf %add3A_722, %mul3A_733 : vector<16xf32>
        %get3A_735 = arith.constant 0 : i32
        %get3A_736 = arith.index_cast %get3A_735 : i32 to index
        %get3A_737 = arith.index_cast %scan3A_675 : i32 to index
        %get3A_738 = arith.constant 80 : index
        %get3A_739 = tpu.vector_load %arg11[%get3A_736, %get3A_737, %get3A_738] {strides = array<i32>} : memref<2x40x128xf32, #tpu.memory_space<vmem>>, vector<16xf32>,
        %get3A_740 = arith.constant 0 : i32
        %get3A_741 = arith.index_cast %get3A_740 : i32 to index
        %get3A_742 = arith.index_cast %scan3A_675 : i32 to index
        %get3A_743 = arith.constant 80 : index
        %get3A_744 = tpu.vector_load %arg12[%get3A_741, %get3A_742, %get3A_743] {strides = array<i32>} : memref<2x40x128xf32, #tpu.memory_space<vmem>>, vector<16xf32>,
        %mul3A_745 = arith.mulf %get3A_739, %get3A_744 : vector<16xf32>
        %add3A_746 = arith.addf %add3A_734, %mul3A_745 : vector<16xf32>
        %get3A_747 = arith.constant 0 : i32
        %get3A_748 = arith.index_cast %get3A_747 : i32 to index
        %get3A_749 = arith.index_cast %scan3A_675 : i32 to index
        %get3A_750 = arith.constant 96 : index
        %get3A_751 = tpu.vector_load %arg11[%get3A_748, %get3A_749, %get3A_750] {strides = array<i32>} : memref<2x40x128xf32, #tpu.memory_space<vmem>>, vector<16xf32>,
        %get3A_752 = arith.constant 0 : i32
        %get3A_753 = arith.index_cast %get3A_752 : i32 to index
        %get3A_754 = arith.index_cast %scan3A_675 : i32 to index
        %get3A_755 = arith.constant 96 : index
        %get3A_756 = tpu.vector_load %arg12[%get3A_753, %get3A_754, %get3A_755] {strides = array<i32>} : memref<2x40x128xf32, #tpu.memory_space<vmem>>, vector<16xf32>,
        %mul3A_757 = arith.mulf %get3A_751, %get3A_756 : vector<16xf32>
        %add3A_758 = arith.addf %add3A_746, %mul3A_757 : vector<16xf32>
        %get3A_759 = arith.constant 0 : i32
        %get3A_760 = arith.index_cast %get3A_759 : i32 to index
        %get3A_761 = arith.index_cast %scan3A_675 : i32 to index
        %get3A_762 = arith.constant 112 : index
        %get3A_763 = tpu.vector_load %arg11[%get3A_760, %get3A_761, %get3A_762] {strides = array<i32>} : memref<2x40x128xf32, #tpu.memory_space<vmem>>, vector<16xf32>,
        %get3A_764 = arith.constant 0 : i32
        %get3A_765 = arith.index_cast %get3A_764 : i32 to index
        %get3A_766 = arith.index_cast %scan3A_675 : i32 to index
        %get3A_767 = arith.constant 112 : index
        %get3A_768 = tpu.vector_load %arg12[%get3A_765, %get3A_766, %get3A_767] {strides = array<i32>} : memref<2x40x128xf32, #tpu.memory_space<vmem>>, vector<16xf32>,
        %mul3A_769 = arith.mulf %get3A_763, %get3A_768 : vector<16xf32>
        %add3A_770 = arith.addf %add3A_758, %mul3A_769 : vector<16xf32>
        %xor3A = arith.constant 1 : i32
        %xor3A_771 = vector.broadcast %xor3A : i32 to vector<16xi32>
        %xor3A_772 = arith.xori %iota3A, %xor3A_771 : vector<16xi32>
        %broadcast_in_dim3A = vector.shape_cast %xor3A_772 : vector<16xi32> to vector<16x1xi32>
        %gather3A = vector.shape_cast %broadcast_in_dim3A : vector<16x1xi32> to vector<16xi32>
        %gather3A_773 = tpu.dynamic_gather %add3A_770[%gather3A] in [0] : vector<16xf32>, vector<16xi32> -> vector<16xf32>
        %add3A_774 = arith.addf %add3A_770, %gather3A_773 : vector<16xf32>
        %xor3A_775 = arith.constant 2 : i32
        %xor3A_776 = vector.broadcast %xor3A_775 : i32 to vector<16xi32>
        %xor3A_777 = arith.xori %iota3A, %xor3A_776 : vector<16xi32>
        %broadcast_in_dim3A_778 = vector.shape_cast %xor3A_777 : vector<16xi32> to vector<16x1xi32>
        %gather3A_779 = vector.shape_cast %broadcast_in_dim3A_778 : vector<16x1xi32> to vector<16xi32>
        %gather3A_780 = tpu.dynamic_gather %add3A_774[%gather3A_779] in [0] : vector<16xf32>, vector<16xi32> -> vector<16xf32>
        %add3A_781 = arith.addf %add3A_774, %gather3A_780 : vector<16xf32>
        %xor3A_782 = arith.constant 4 : i32
        %xor3A_783 = vector.broadcast %xor3A_782 : i32 to vector<16xi32>
        %xor3A_784 = arith.xori %iota3A, %xor3A_783 : vector<16xi32>
        %broadcast_in_dim3A_785 = vector.shape_cast %xor3A_784 : vector<16xi32> to vector<16x1xi32>
        %gather3A_786 = vector.shape_cast %broadcast_in_dim3A_785 : vector<16x1xi32> to vector<16xi32>
        %gather3A_787 = tpu.dynamic_gather %add3A_781[%gather3A_786] in [0] : vector<16xf32>, vector<16xi32> -> vector<16xf32>
        %add3A_788 = arith.addf %add3A_781, %gather3A_787 : vector<16xf32>
        %xor3A_789 = arith.constant 8 : i32
        %xor3A_790 = vector.broadcast %xor3A_789 : i32 to vector<16xi32>
        %xor3A_791 = arith.xori %iota3A, %xor3A_790 : vector<16xi32>
        %broadcast_in_dim3A_792 = vector.shape_cast %xor3A_791 : vector<16xi32> to vector<16x1xi32>
        %gather3A_793 = vector.shape_cast %broadcast_in_dim3A_792 : vector<16x1xi32> to vector<16xi32>
        %gather3A_794 = tpu.dynamic_gather %add3A_788[%gather3A_793] in [0] : vector<16xf32>, vector<16xi32> -> vector<16xf32>
        %add3A_795 = arith.addf %add3A_788, %gather3A_794 : vector<16xf32>
        %mul3A_796 = arith.constant 7.812500e-03 : f32
        %mul3A_797 = vector.broadcast %mul3A_796 : f32 to vector<16xf32>
        %mul3A_798 = arith.mulf %add3A_795, %mul3A_797 : vector<16xf32>
        %exp3A = math.exp %mul3A_798 : vector<16xf32>
        %mul3A_799 = arith.mulf %get3A_685, %exp3A : vector<16xf32>
        %swap3A_800 = arith.constant 0 : i32
        %swap3A_801 = arith.index_cast %swap3A_800 : i32 to index
        %swap3A_802 = arith.index_cast %scan3A_675 : i32 to index
        %swap3A_803 = arith.constant 0 : index
        %swap3A_804 = tpu.vector_load %arg13[%swap3A_801, %swap3A_802, %swap3A_803] {strides = array<i32>} : memref<2x40x128xf32, #tpu.memory_space<vmem>>, vector<16xf32>,
        tpu.vector_store %arg13[%swap3A_801, %swap3A_802, %swap3A_803], %mul3A_799 {strides = array<i32>} : memref<2x40x128xf32, #tpu.memory_space<vmem>>, vector<16xf32>,
        %mul3A_805 = arith.mulf %get3A_696, %exp3A : vector<16xf32>
        %swap3A_806 = arith.constant 0 : i32
        %swap3A_807 = arith.index_cast %swap3A_806 : i32 to index
        %swap3A_808 = arith.index_cast %scan3A_675 : i32 to index
        %swap3A_809 = arith.constant 16 : index
        %swap3A_810 = tpu.vector_load %arg13[%swap3A_807, %swap3A_808, %swap3A_809] {strides = array<i32>} : memref<2x40x128xf32, #tpu.memory_space<vmem>>, vector<16xf32>,
        tpu.vector_store %arg13[%swap3A_807, %swap3A_808, %swap3A_809], %mul3A_805 {strides = array<i32>} : memref<2x40x128xf32, #tpu.memory_space<vmem>>, vector<16xf32>,
        %mul3A_811 = arith.mulf %get3A_708, %exp3A : vector<16xf32>
        %swap3A_812 = arith.constant 0 : i32
        %swap3A_813 = arith.index_cast %swap3A_812 : i32 to index
        %swap3A_814 = arith.index_cast %scan3A_675 : i32 to index
        %swap3A_815 = arith.constant 32 : index
        %swap3A_816 = tpu.vector_load %arg13[%swap3A_813, %swap3A_814, %swap3A_815] {strides = array<i32>} : memref<2x40x128xf32, #tpu.memory_space<vmem>>, vector<16xf32>,
        tpu.vector_store %arg13[%swap3A_813, %swap3A_814, %swap3A_815], %mul3A_811 {strides = array<i32>} : memref<2x40x128xf32, #tpu.memory_space<vmem>>, vector<16xf32>,
        %mul3A_817 = arith.mulf %get3A_720, %exp3A : vector<16xf32>
        %swap3A_818 = arith.constant 0 : i32
        %swap3A_819 = arith.index_cast %swap3A_818 : i32 to index
        %swap3A_820 = arith.index_cast %scan3A_675 : i32 to index
        %swap3A_821 = arith.constant 48 : index
        %swap3A_822 = tpu.vector_load %arg13[%swap3A_819, %swap3A_820, %swap3A_821] {strides = array<i32>} : memref<2x40x128xf32, #tpu.memory_space<vmem>>, vector<16xf32>,
        tpu.vector_store %arg13[%swap3A_819, %swap3A_820, %swap3A_821], %mul3A_817 {strides = array<i32>} : memref<2x40x128xf32, #tpu.memory_space<vmem>>, vector<16xf32>,
        %mul3A_823 = arith.mulf %get3A_732, %exp3A : vector<16xf32>
        %swap3A_824 = arith.constant 0 : i32
        %swap3A_825 = arith.index_cast %swap3A_824 : i32 to index
        %swap3A_826 = arith.index_cast %scan3A_675 : i32 to index
        %swap3A_827 = arith.constant 64 : index
        %swap3A_828 = tpu.vector_load %arg13[%swap3A_825, %swap3A_826, %swap3A_827] {strides = array<i32>} : memref<2x40x128xf32, #tpu.memory_space<vmem>>, vector<16xf32>,
        tpu.vector_store %arg13[%swap3A_825, %swap3A_826, %swap3A_827], %mul3A_823 {strides = array<i32>} : memref<2x40x128xf32, #tpu.memory_space<vmem>>, vector<16xf32>,
        %mul3A_829 = arith.mulf %get3A_744, %exp3A : vector<16xf32>
        %swap3A_830 = arith.constant 0 : i32
        %swap3A_831 = arith.index_cast %swap3A_830 : i32 to index
        %swap3A_832 = arith.index_cast %scan3A_675 : i32 to index
        %swap3A_833 = arith.constant 80 : index
        %swap3A_834 = tpu.vector_load %arg13[%swap3A_831, %swap3A_832, %swap3A_833] {strides = array<i32>} : memref<2x40x128xf32, #tpu.memory_space<vmem>>, vector<16xf32>,
        tpu.vector_store %arg13[%swap3A_831, %swap3A_832, %swap3A_833], %mul3A_829 {strides = array<i32>} : memref<2x40x128xf32, #tpu.memory_space<vmem>>, vector<16xf32>,
        %mul3A_835 = arith.mulf %get3A_756, %exp3A : vector<16xf32>
        %swap3A_836 = arith.constant 0 : i32
        %swap3A_837 = arith.index_cast %swap3A_836 : i32 to index
        %swap3A_838 = arith.index_cast %scan3A_675 : i32 to index
        %swap3A_839 = arith.constant 96 : index
        %swap3A_840 = tpu.vector_load %arg13[%swap3A_837, %swap3A_838, %swap3A_839] {strides = array<i32>} : memref<2x40x128xf32, #tpu.memory_space<vmem>>, vector<16xf32>,
        tpu.vector_store %arg13[%swap3A_837, %swap3A_838, %swap3A_839], %mul3A_835 {strides = array<i32>} : memref<2x40x128xf32, #tpu.memory_space<vmem>>, vector<16xf32>,
        %mul3A_841 = arith.mulf %get3A_768, %exp3A : vector<16xf32>
        %swap3A_842 = arith.constant 0 : i32
        %swap3A_843 = arith.index_cast %swap3A_842 : i32 to index
        %swap3A_844 = arith.index_cast %scan3A_675 : i32 to index
        %swap3A_845 = arith.constant 112 : index
        %swap3A_846 = tpu.vector_load %arg13[%swap3A_843, %swap3A_844, %swap3A_845] {strides = array<i32>} : memref<2x40x128xf32, #tpu.memory_space<vmem>>, vector<16xf32>,
        tpu.vector_store %arg13[%swap3A_843, %swap3A_844, %swap3A_845], %mul3A_841 {strides = array<i32>} : memref<2x40x128xf32, #tpu.memory_space<vmem>>, vector<16xf32>,
        %broadcast_in_dim3A_847 = vector.broadcast %scan3A_675 : i32 to vector<16xi32>
        %eq3A = arith.constant 0 : i32
        %eq3A_848 = vector.broadcast %eq3A : i32 to vector<16xi32>
        %eq3A_849 = arith.cmpi eq, %iota3A, %eq3A_848 : vector<16xi32>
        tpu.vector_store_idx %arg15[%broadcast_in_dim3A_847], %exp3A masked %eq3A_849 : memref<40xf32, #tpu.memory_space<vmem>>[vector<16xi32>], vector<16xf32>, vector<16xi1>
        %scan3A_850 = arith.constant 1 : i32
        %scan3A_851 = arith.addi %scan3A_675, %scan3A_850 : i32
        %get3A_852 = arith.constant 0 : i32
        %get3A_853 = arith.index_cast %get3A_852 : i32 to index
        %get3A_854 = arith.index_cast %scan3A_851 : i32 to index
        %get3A_855 = arith.constant 0 : index
        %get3A_856 = tpu.vector_load %arg11[%get3A_853, %get3A_854, %get3A_855] {strides = array<i32>} : memref<2x40x128xf32, #tpu.memory_space<vmem>>, vector<16xf32>,
        %get3A_857 = arith.constant 0 : i32
        %get3A_858 = arith.index_cast %get3A_857 : i32 to index
        %get3A_859 = arith.index_cast %scan3A_851 : i32 to index
        %get3A_860 = arith.constant 0 : index
        %get3A_861 = tpu.vector_load %arg12[%get3A_858, %get3A_859, %get3A_860] {strides = array<i32>} : memref<2x40x128xf32, #tpu.memory_space<vmem>>, vector<16xf32>,
        %mul3A_862 = arith.mulf %get3A_856, %get3A_861 : vector<16xf32>
        %get3A_863 = arith.constant 0 : i32
        %get3A_864 = arith.index_cast %get3A_863 : i32 to index
        %get3A_865 = arith.index_cast %scan3A_851 : i32 to index
        %get3A_866 = arith.constant 16 : index
        %get3A_867 = tpu.vector_load %arg11[%get3A_864, %get3A_865, %get3A_866] {strides = array<i32>} : memref<2x40x128xf32, #tpu.memory_space<vmem>>, vector<16xf32>,
        %get3A_868 = arith.constant 0 : i32
        %get3A_869 = arith.index_cast %get3A_868 : i32 to index
        %get3A_870 = arith.index_cast %scan3A_851 : i32 to index
        %get3A_871 = arith.constant 16 : index
        %get3A_872 = tpu.vector_load %arg12[%get3A_869, %get3A_870, %get3A_871] {strides = array<i32>} : memref<2x40x128xf32, #tpu.memory_space<vmem>>, vector<16xf32>,
        %mul3A_873 = arith.mulf %get3A_867, %get3A_872 : vector<16xf32>
        %add3A_874 = arith.addf %mul3A_862, %mul3A_873 : vector<16xf32>
        %get3A_875 = arith.constant 0 : i32
        %get3A_876 = arith.index_cast %get3A_875 : i32 to index
        %get3A_877 = arith.index_cast %scan3A_851 : i32 to index
        %get3A_878 = arith.constant 32 : index
        %get3A_879 = tpu.vector_load %arg11[%get3A_876, %get3A_877, %get3A_878] {strides = array<i32>} : memref<2x40x128xf32, #tpu.memory_space<vmem>>, vector<16xf32>,
        %get3A_880 = arith.constant 0 : i32
        %get3A_881 = arith.index_cast %get3A_880 : i32 to index
        %get3A_882 = arith.index_cast %scan3A_851 : i32 to index
        %get3A_883 = arith.constant 32 : index
        %get3A_884 = tpu.vector_load %arg12[%get3A_881, %get3A_882, %get3A_883] {strides = array<i32>} : memref<2x40x128xf32, #tpu.memory_space<vmem>>, vector<16xf32>,
        %mul3A_885 = arith.mulf %get3A_879, %get3A_884 : vector<16xf32>
        %add3A_886 = arith.addf %add3A_874, %mul3A_885 : vector<16xf32>
        %get3A_887 = arith.constant 0 : i32
        %get3A_888 = arith.index_cast %get3A_887 : i32 to index
        %get3A_889 = arith.index_cast %scan3A_851 : i32 to index
        %get3A_890 = arith.constant 48 : index
        %get3A_891 = tpu.vector_load %arg11[%get3A_888, %get3A_889, %get3A_890] {strides = array<i32>} : memref<2x40x128xf32, #tpu.memory_space<vmem>>, vector<16xf32>,
        %get3A_892 = arith.constant 0 : i32
        %get3A_893 = arith.index_cast %get3A_892 : i32 to index
        %get3A_894 = arith.index_cast %scan3A_851 : i32 to index
        %get3A_895 = arith.constant 48 : index
        %get3A_896 = tpu.vector_load %arg12[%get3A_893, %get3A_894, %get3A_895] {strides = array<i32>} : memref<2x40x128xf32, #tpu.memory_space<vmem>>, vector<16xf32>,
        %mul3A_897 = arith.mulf %get3A_891, %get3A_896 : vector<16xf32>
        %add3A_898 = arith.addf %add3A_886, %mul3A_897 : vector<16xf32>
        %get3A_899 = arith.constant 0 : i32
        %get3A_900 = arith.index_cast %get3A_899 : i32 to index
        %get3A_901 = arith.index_cast %scan3A_851 : i32 to index
        %get3A_902 = arith.constant 64 : index
        %get3A_903 = tpu.vector_load %arg11[%get3A_900, %get3A_901, %get3A_902] {strides = array<i32>} : memref<2x40x128xf32, #tpu.memory_space<vmem>>, vector<16xf32>,
        %get3A_904 = arith.constant 0 : i32
        %get3A_905 = arith.index_cast %get3A_904 : i32 to index
        %get3A_906 = arith.index_cast %scan3A_851 : i32 to index
        %get3A_907 = arith.constant 64 : index
        %get3A_908 = tpu.vector_load %arg12[%get3A_905, %get3A_906, %get3A_907] {strides = array<i32>} : memref<2x40x128xf32, #tpu.memory_space<vmem>>, vector<16xf32>,
        %mul3A_909 = arith.mulf %get3A_903, %get3A_908 : vector<16xf32>
        %add3A_910 = arith.addf %add3A_898, %mul3A_909 : vector<16xf32>
        %get3A_911 = arith.constant 0 : i32
        %get3A_912 = arith.index_cast %get3A_911 : i32 to index
        %get3A_913 = arith.index_cast %scan3A_851 : i32 to index
        %get3A_914 = arith.constant 80 : index
        %get3A_915 = tpu.vector_load %arg11[%get3A_912, %get3A_913, %get3A_914] {strides = array<i32>} : memref<2x40x128xf32, #tpu.memory_space<vmem>>, vector<16xf32>,
        %get3A_916 = arith.constant 0 : i32
        %get3A_917 = arith.index_cast %get3A_916 : i32 to index
        %get3A_918 = arith.index_cast %scan3A_851 : i32 to index
        %get3A_919 = arith.constant 80 : index
        %get3A_920 = tpu.vector_load %arg12[%get3A_917, %get3A_918, %get3A_919] {strides = array<i32>} : memref<2x40x128xf32, #tpu.memory_space<vmem>>, vector<16xf32>,
        %mul3A_921 = arith.mulf %get3A_915, %get3A_920 : vector<16xf32>
        %add3A_922 = arith.addf %add3A_910, %mul3A_921 : vector<16xf32>
        %get3A_923 = arith.constant 0 : i32
        %get3A_924 = arith.index_cast %get3A_923 : i32 to index
        %get3A_925 = arith.index_cast %scan3A_851 : i32 to index
        %get3A_926 = arith.constant 96 : index
        %get3A_927 = tpu.vector_load %arg11[%get3A_924, %get3A_925, %get3A_926] {strides = array<i32>} : memref<2x40x128xf32, #tpu.memory_space<vmem>>, vector<16xf32>,
        %get3A_928 = arith.constant 0 : i32
        %get3A_929 = arith.index_cast %get3A_928 : i32 to index
        %get3A_930 = arith.index_cast %scan3A_851 : i32 to index
        %get3A_931 = arith.constant 96 : index
        %get3A_932 = tpu.vector_load %arg12[%get3A_929, %get3A_930, %get3A_931] {strides = array<i32>} : memref<2x40x128xf32, #tpu.memory_space<vmem>>, vector<16xf32>,
        %mul3A_933 = arith.mulf %get3A_927, %get3A_932 : vector<16xf32>
        %add3A_934 = arith.addf %add3A_922, %mul3A_933 : vector<16xf32>
        %get3A_935 = arith.constant 0 : i32
        %get3A_936 = arith.index_cast %get3A_935 : i32 to index
        %get3A_937 = arith.index_cast %scan3A_851 : i32 to index
        %get3A_938 = arith.constant 112 : index
        %get3A_939 = tpu.vector_load %arg11[%get3A_936, %get3A_937, %get3A_938] {strides = array<i32>} : memref<2x40x128xf32, #tpu.memory_space<vmem>>, vector<16xf32>,
        %get3A_940 = arith.constant 0 : i32
        %get3A_941 = arith.index_cast %get3A_940 : i32 to index
        %get3A_942 = arith.index_cast %scan3A_851 : i32 to index
        %get3A_943 = arith.constant 112 : index
        %get3A_944 = tpu.vector_load %arg12[%get3A_941, %get3A_942, %get3A_943] {strides = array<i32>} : memref<2x40x128xf32, #tpu.memory_space<vmem>>, vector<16xf32>,
        %mul3A_945 = arith.mulf %get3A_939, %get3A_944 : vector<16xf32>
        %add3A_946 = arith.addf %add3A_934, %mul3A_945 : vector<16xf32>
        %xor3A_947 = arith.constant 1 : i32
        %xor3A_948 = vector.broadcast %xor3A_947 : i32 to vector<16xi32>
        %xor3A_949 = arith.xori %iota3A, %xor3A_948 : vector<16xi32>
        %broadcast_in_dim3A_950 = vector.shape_cast %xor3A_949 : vector<16xi32> to vector<16x1xi32>
        %gather3A_951 = vector.shape_cast %broadcast_in_dim3A_950 : vector<16x1xi32> to vector<16xi32>
        %gather3A_952 = tpu.dynamic_gather %add3A_946[%gather3A_951] in [0] : vector<16xf32>, vector<16xi32> -> vector<16xf32>
        %add3A_953 = arith.addf %add3A_946, %gather3A_952 : vector<16xf32>
        %xor3A_954 = arith.constant 2 : i32
        %xor3A_955 = vector.broadcast %xor3A_954 : i32 to vector<16xi32>
        %xor3A_956 = arith.xori %iota3A, %xor3A_955 : vector<16xi32>
        %broadcast_in_dim3A_957 = vector.shape_cast %xor3A_956 : vector<16xi32> to vector<16x1xi32>
        %gather3A_958 = vector.shape_cast %broadcast_in_dim3A_957 : vector<16x1xi32> to vector<16xi32>
        %gather3A_959 = tpu.dynamic_gather %add3A_953[%gather3A_958] in [0] : vector<16xf32>, vector<16xi32> -> vector<16xf32>
        %add3A_960 = arith.addf %add3A_953, %gather3A_959 : vector<16xf32>
        %xor3A_961 = arith.constant 4 : i32
        %xor3A_962 = vector.broadcast %xor3A_961 : i32 to vector<16xi32>
        %xor3A_963 = arith.xori %iota3A, %xor3A_962 : vector<16xi32>
        %broadcast_in_dim3A_964 = vector.shape_cast %xor3A_963 : vector<16xi32> to vector<16x1xi32>
        %gather3A_965 = vector.shape_cast %broadcast_in_dim3A_964 : vector<16x1xi32> to vector<16xi32>
        %gather3A_966 = tpu.dynamic_gather %add3A_960[%gather3A_965] in [0] : vector<16xf32>, vector<16xi32> -> vector<16xf32>
        %add3A_967 = arith.addf %add3A_960, %gather3A_966 : vector<16xf32>
        %xor3A_968 = arith.constant 8 : i32
        %xor3A_969 = vector.broadcast %xor3A_968 : i32 to vector<16xi32>
        %xor3A_970 = arith.xori %iota3A, %xor3A_969 : vector<16xi32>
        %broadcast_in_dim3A_971 = vector.shape_cast %xor3A_970 : vector<16xi32> to vector<16x1xi32>
        %gather3A_972 = vector.shape_cast %broadcast_in_dim3A_971 : vector<16x1xi32> to vector<16xi32>
        %gather3A_973 = tpu.dynamic_gather %add3A_967[%gather3A_972] in [0] : vector<16xf32>, vector<16xi32> -> vector<16xf32>
        %add3A_974 = arith.addf %add3A_967, %gather3A_973 : vector<16xf32>
        %mul3A_975 = arith.constant 7.812500e-03 : f32
        %mul3A_976 = vector.broadcast %mul3A_975 : f32 to vector<16xf32>
        %mul3A_977 = arith.mulf %add3A_974, %mul3A_976 : vector<16xf32>
        %exp3A_978 = math.exp %mul3A_977 : vector<16xf32>
        %mul3A_979 = arith.mulf %get3A_861, %exp3A_978 : vector<16xf32>
        %swap3A_980 = arith.constant 0 : i32
        %swap3A_981 = arith.index_cast %swap3A_980 : i32 to index
        %swap3A_982 = arith.index_cast %scan3A_851 : i32 to index
        %swap3A_983 = arith.constant 0 : index
        %swap3A_984 = tpu.vector_load %arg13[%swap3A_981, %swap3A_982, %swap3A_983] {strides = array<i32>} : memref<2x40x128xf32, #tpu.memory_space<vmem>>, vector<16xf32>,
        tpu.vector_store %arg13[%swap3A_981, %swap3A_982, %swap3A_983], %mul3A_979 {strides = array<i32>} : memref<2x40x128xf32, #tpu.memory_space<vmem>>, vector<16xf32>,
        %mul3A_985 = arith.mulf %get3A_872, %exp3A_978 : vector<16xf32>
        %swap3A_986 = arith.constant 0 : i32
        %swap3A_987 = arith.index_cast %swap3A_986 : i32 to index
        %swap3A_988 = arith.index_cast %scan3A_851 : i32 to index
        %swap3A_989 = arith.constant 16 : index
        %swap3A_990 = tpu.vector_load %arg13[%swap3A_987, %swap3A_988, %swap3A_989] {strides = array<i32>} : memref<2x40x128xf32, #tpu.memory_space<vmem>>, vector<16xf32>,
        tpu.vector_store %arg13[%swap3A_987, %swap3A_988, %swap3A_989], %mul3A_985 {strides = array<i32>} : memref<2x40x128xf32, #tpu.memory_space<vmem>>, vector<16xf32>,
        %mul3A_991 = arith.mulf %get3A_884, %exp3A_978 : vector<16xf32>
        %swap3A_992 = arith.constant 0 : i32
        %swap3A_993 = arith.index_cast %swap3A_992 : i32 to index
        %swap3A_994 = arith.index_cast %scan3A_851 : i32 to index
        %swap3A_995 = arith.constant 32 : index
        %swap3A_996 = tpu.vector_load %arg13[%swap3A_993, %swap3A_994, %swap3A_995] {strides = array<i32>} : memref<2x40x128xf32, #tpu.memory_space<vmem>>, vector<16xf32>,
        tpu.vector_store %arg13[%swap3A_993, %swap3A_994, %swap3A_995], %mul3A_991 {strides = array<i32>} : memref<2x40x128xf32, #tpu.memory_space<vmem>>, vector<16xf32>,
        %mul3A_997 = arith.mulf %get3A_896, %exp3A_978 : vector<16xf32>
        %swap3A_998 = arith.constant 0 : i32
        %swap3A_999 = arith.index_cast %swap3A_998 : i32 to index
        %swap3A_1000 = arith.index_cast %scan3A_851 : i32 to index
        %swap3A_1001 = arith.constant 48 : index
        %swap3A_1002 = tpu.vector_load %arg13[%swap3A_999, %swap3A_1000, %swap3A_1001] {strides = array<i32>} : memref<2x40x128xf32, #tpu.memory_space<vmem>>, vector<16xf32>,
        tpu.vector_store %arg13[%swap3A_999, %swap3A_1000, %swap3A_1001], %mul3A_997 {strides = array<i32>} : memref<2x40x128xf32, #tpu.memory_space<vmem>>, vector<16xf32>,
        %mul3A_1003 = arith.mulf %get3A_908, %exp3A_978 : vector<16xf32>
        %swap3A_1004 = arith.constant 0 : i32
        %swap3A_1005 = arith.index_cast %swap3A_1004 : i32 to index
        %swap3A_1006 = arith.index_cast %scan3A_851 : i32 to index
        %swap3A_1007 = arith.constant 64 : index
        %swap3A_1008 = tpu.vector_load %arg13[%swap3A_1005, %swap3A_1006, %swap3A_1007] {strides = array<i32>} : memref<2x40x128xf32, #tpu.memory_space<vmem>>, vector<16xf32>,
        tpu.vector_store %arg13[%swap3A_1005, %swap3A_1006, %swap3A_1007], %mul3A_1003 {strides = array<i32>} : memref<2x40x128xf32, #tpu.memory_space<vmem>>, vector<16xf32>,
        %mul3A_1009 = arith.mulf %get3A_920, %exp3A_978 : vector<16xf32>
        %swap3A_1010 = arith.constant 0 : i32
        %swap3A_1011 = arith.index_cast %swap3A_1010 : i32 to index
        %swap3A_1012 = arith.index_cast %scan3A_851 : i32 to index
        %swap3A_1013 = arith.constant 80 : index
        %swap3A_1014 = tpu.vector_load %arg13[%swap3A_1011, %swap3A_1012, %swap3A_1013] {strides = array<i32>} : memref<2x40x128xf32, #tpu.memory_space<vmem>>, vector<16xf32>,
        tpu.vector_store %arg13[%swap3A_1011, %swap3A_1012, %swap3A_1013], %mul3A_1009 {strides = array<i32>} : memref<2x40x128xf32, #tpu.memory_space<vmem>>, vector<16xf32>,
        %mul3A_1015 = arith.mulf %get3A_932, %exp3A_978 : vector<16xf32>
        %swap3A_1016 = arith.constant 0 : i32
        %swap3A_1017 = arith.index_cast %swap3A_1016 : i32 to index
        %swap3A_1018 = arith.index_cast %scan3A_851 : i32 to index
        %swap3A_1019 = arith.constant 96 : index
        %swap3A_1020 = tpu.vector_load %arg13[%swap3A_1017, %swap3A_1018, %swap3A_1019] {strides = array<i32>} : memref<2x40x128xf32, #tpu.memory_space<vmem>>, vector<16xf32>,
        tpu.vector_store %arg13[%swap3A_1017, %swap3A_1018, %swap3A_1019], %mul3A_1015 {strides = array<i32>} : memref<2x40x128xf32, #tpu.memory_space<vmem>>, vector<16xf32>,
        %mul3A_1021 = arith.mulf %get3A_944, %exp3A_978 : vector<16xf32>
        %swap3A_1022 = arith.constant 0 : i32
        %swap3A_1023 = arith.index_cast %swap3A_1022 : i32 to index
        %swap3A_1024 = arith.index_cast %scan3A_851 : i32 to index
        %swap3A_1025 = arith.constant 112 : index
        %swap3A_1026 = tpu.vector_load %arg13[%swap3A_1023, %swap3A_1024, %swap3A_1025] {strides = array<i32>} : memref<2x40x128xf32, #tpu.memory_space<vmem>>, vector<16xf32>,
        tpu.vector_store %arg13[%swap3A_1023, %swap3A_1024, %swap3A_1025], %mul3A_1021 {strides = array<i32>} : memref<2x40x128xf32, #tpu.memory_space<vmem>>, vector<16xf32>,
        %broadcast_in_dim3A_1027 = vector.broadcast %scan3A_851 : i32 to vector<16xi32>
        %eq3A_1028 = arith.constant 0 : i32
        %eq3A_1029 = vector.broadcast %eq3A_1028 : i32 to vector<16xi32>
        %eq3A_1030 = arith.cmpi eq, %iota3A, %eq3A_1029 : vector<16xi32>
        tpu.vector_store_idx %arg15[%broadcast_in_dim3A_1027], %exp3A_978 masked %eq3A_1030 : memref<40xf32, #tpu.memory_space<vmem>>[vector<16xi32>], vector<16xf32>, vector<16xi1>
        %scan3A_1031 = arith.constant 2 : i32
        %scan3A_1032 = arith.addi %scan3A_675, %scan3A_1031 : i32
        %get3A_1033 = arith.constant 0 : i32
        %get3A_1034 = arith.index_cast %get3A_1033 : i32 to index
        %get3A_1035 = arith.index_cast %scan3A_1032 : i32 to index
        %get3A_1036 = arith.constant 0 : index
        %get3A_1037 = tpu.vector_load %arg11[%get3A_1034, %get3A_1035, %get3A_1036] {strides = array<i32>} : memref<2x40x128xf32, #tpu.memory_space<vmem>>, vector<16xf32>,
        %get3A_1038 = arith.constant 0 : i32
        %get3A_1039 = arith.index_cast %get3A_1038 : i32 to index
        %get3A_1040 = arith.index_cast %scan3A_1032 : i32 to index
        %get3A_1041 = arith.constant 0 : index
        %get3A_1042 = tpu.vector_load %arg12[%get3A_1039, %get3A_1040, %get3A_1041] {strides = array<i32>} : memref<2x40x128xf32, #tpu.memory_space<vmem>>, vector<16xf32>,
        %mul3A_1043 = arith.mulf %get3A_1037, %get3A_1042 : vector<16xf32>
        %get3A_1044 = arith.constant 0 : i32
        %get3A_1045 = arith.index_cast %get3A_1044 : i32 to index
        %get3A_1046 = arith.index_cast %scan3A_1032 : i32 to index
        %get3A_1047 = arith.constant 16 : index
        %get3A_1048 = tpu.vector_load %arg11[%get3A_1045, %get3A_1046, %get3A_1047] {strides = array<i32>} : memref<2x40x128xf32, #tpu.memory_space<vmem>>, vector<16xf32>,
        %get3A_1049 = arith.constant 0 : i32
        %get3A_1050 = arith.index_cast %get3A_1049 : i32 to index
        %get3A_1051 = arith.index_cast %scan3A_1032 : i32 to index
        %get3A_1052 = arith.constant 16 : index
        %get3A_1053 = tpu.vector_load %arg12[%get3A_1050, %get3A_1051, %get3A_1052] {strides = array<i32>} : memref<2x40x128xf32, #tpu.memory_space<vmem>>, vector<16xf32>,
        %mul3A_1054 = arith.mulf %get3A_1048, %get3A_1053 : vector<16xf32>
        %add3A_1055 = arith.addf %mul3A_1043, %mul3A_1054 : vector<16xf32>
        %get3A_1056 = arith.constant 0 : i32
        %get3A_1057 = arith.index_cast %get3A_1056 : i32 to index
        %get3A_1058 = arith.index_cast %scan3A_1032 : i32 to index
        %get3A_1059 = arith.constant 32 : index
        %get3A_1060 = tpu.vector_load %arg11[%get3A_1057, %get3A_1058, %get3A_1059] {strides = array<i32>} : memref<2x40x128xf32, #tpu.memory_space<vmem>>, vector<16xf32>,
        %get3A_1061 = arith.constant 0 : i32
        %get3A_1062 = arith.index_cast %get3A_1061 : i32 to index
        %get3A_1063 = arith.index_cast %scan3A_1032 : i32 to index
        %get3A_1064 = arith.constant 32 : index
        %get3A_1065 = tpu.vector_load %arg12[%get3A_1062, %get3A_1063, %get3A_1064] {strides = array<i32>} : memref<2x40x128xf32, #tpu.memory_space<vmem>>, vector<16xf32>,
        %mul3A_1066 = arith.mulf %get3A_1060, %get3A_1065 : vector<16xf32>
        %add3A_1067 = arith.addf %add3A_1055, %mul3A_1066 : vector<16xf32>
        %get3A_1068 = arith.constant 0 : i32
        %get3A_1069 = arith.index_cast %get3A_1068 : i32 to index
        %get3A_1070 = arith.index_cast %scan3A_1032 : i32 to index
        %get3A_1071 = arith.constant 48 : index
        %get3A_1072 = tpu.vector_load %arg11[%get3A_1069, %get3A_1070, %get3A_1071] {strides = array<i32>} : memref<2x40x128xf32, #tpu.memory_space<vmem>>, vector<16xf32>,
        %get3A_1073 = arith.constant 0 : i32
        %get3A_1074 = arith.index_cast %get3A_1073 : i32 to index
        %get3A_1075 = arith.index_cast %scan3A_1032 : i32 to index
        %get3A_1076 = arith.constant 48 : index
        %get3A_1077 = tpu.vector_load %arg12[%get3A_1074, %get3A_1075, %get3A_1076] {strides = array<i32>} : memref<2x40x128xf32, #tpu.memory_space<vmem>>, vector<16xf32>,
        %mul3A_1078 = arith.mulf %get3A_1072, %get3A_1077 : vector<16xf32>
        %add3A_1079 = arith.addf %add3A_1067, %mul3A_1078 : vector<16xf32>
        %get3A_1080 = arith.constant 0 : i32
        %get3A_1081 = arith.index_cast %get3A_1080 : i32 to index
        %get3A_1082 = arith.index_cast %scan3A_1032 : i32 to index
        %get3A_1083 = arith.constant 64 : index
        %get3A_1084 = tpu.vector_load %arg11[%get3A_1081, %get3A_1082, %get3A_1083] {strides = array<i32>} : memref<2x40x128xf32, #tpu.memory_space<vmem>>, vector<16xf32>,
        %get3A_1085 = arith.constant 0 : i32
        %get3A_1086 = arith.index_cast %get3A_1085 : i32 to index
        %get3A_1087 = arith.index_cast %scan3A_1032 : i32 to index
        %get3A_1088 = arith.constant 64 : index
        %get3A_1089 = tpu.vector_load %arg12[%get3A_1086, %get3A_1087, %get3A_1088] {strides = array<i32>} : memref<2x40x128xf32, #tpu.memory_space<vmem>>, vector<16xf32>,
        %mul3A_1090 = arith.mulf %get3A_1084, %get3A_1089 : vector<16xf32>
        %add3A_1091 = arith.addf %add3A_1079, %mul3A_1090 : vector<16xf32>
        %get3A_1092 = arith.constant 0 : i32
        %get3A_1093 = arith.index_cast %get3A_1092 : i32 to index
        %get3A_1094 = arith.index_cast %scan3A_1032 : i32 to index
        %get3A_1095 = arith.constant 80 : index
        %get3A_1096 = tpu.vector_load %arg11[%get3A_1093, %get3A_1094, %get3A_1095] {strides = array<i32>} : memref<2x40x128xf32, #tpu.memory_space<vmem>>, vector<16xf32>,
        %get3A_1097 = arith.constant 0 : i32
        %get3A_1098 = arith.index_cast %get3A_1097 : i32 to index
        %get3A_1099 = arith.index_cast %scan3A_1032 : i32 to index
        %get3A_1100 = arith.constant 80 : index
        %get3A_1101 = tpu.vector_load %arg12[%get3A_1098, %get3A_1099, %get3A_1100] {strides = array<i32>} : memref<2x40x128xf32, #tpu.memory_space<vmem>>, vector<16xf32>,
        %mul3A_1102 = arith.mulf %get3A_1096, %get3A_1101 : vector<16xf32>
        %add3A_1103 = arith.addf %add3A_1091, %mul3A_1102 : vector<16xf32>
        %get3A_1104 = arith.constant 0 : i32
        %get3A_1105 = arith.index_cast %get3A_1104 : i32 to index
        %get3A_1106 = arith.index_cast %scan3A_1032 : i32 to index
        %get3A_1107 = arith.constant 96 : index
        %get3A_1108 = tpu.vector_load %arg11[%get3A_1105, %get3A_1106, %get3A_1107] {strides = array<i32>} : memref<2x40x128xf32, #tpu.memory_space<vmem>>, vector<16xf32>,
        %get3A_1109 = arith.constant 0 : i32
        %get3A_1110 = arith.index_cast %get3A_1109 : i32 to index
        %get3A_1111 = arith.index_cast %scan3A_1032 : i32 to index
        %get3A_1112 = arith.constant 96 : index
        %get3A_1113 = tpu.vector_load %arg12[%get3A_1110, %get3A_1111, %get3A_1112] {strides = array<i32>} : memref<2x40x128xf32, #tpu.memory_space<vmem>>, vector<16xf32>,
        %mul3A_1114 = arith.mulf %get3A_1108, %get3A_1113 : vector<16xf32>
        %add3A_1115 = arith.addf %add3A_1103, %mul3A_1114 : vector<16xf32>
        %get3A_1116 = arith.constant 0 : i32
        %get3A_1117 = arith.index_cast %get3A_1116 : i32 to index
        %get3A_1118 = arith.index_cast %scan3A_1032 : i32 to index
        %get3A_1119 = arith.constant 112 : index
        %get3A_1120 = tpu.vector_load %arg11[%get3A_1117, %get3A_1118, %get3A_1119] {strides = array<i32>} : memref<2x40x128xf32, #tpu.memory_space<vmem>>, vector<16xf32>,
        %get3A_1121 = arith.constant 0 : i32
        %get3A_1122 = arith.index_cast %get3A_1121 : i32 to index
        %get3A_1123 = arith.index_cast %scan3A_1032 : i32 to index
        %get3A_1124 = arith.constant 112 : index
        %get3A_1125 = tpu.vector_load %arg12[%get3A_1122, %get3A_1123, %get3A_1124] {strides = array<i32>} : memref<2x40x128xf32, #tpu.memory_space<vmem>>, vector<16xf32>,
        %mul3A_1126 = arith.mulf %get3A_1120, %get3A_1125 : vector<16xf32>
        %add3A_1127 = arith.addf %add3A_1115, %mul3A_1126 : vector<16xf32>
        %xor3A_1128 = arith.constant 1 : i32
        %xor3A_1129 = vector.broadcast %xor3A_1128 : i32 to vector<16xi32>
        %xor3A_1130 = arith.xori %iota3A, %xor3A_1129 : vector<16xi32>
        %broadcast_in_dim3A_1131 = vector.shape_cast %xor3A_1130 : vector<16xi32> to vector<16x1xi32>
        %gather3A_1132 = vector.shape_cast %broadcast_in_dim3A_1131 : vector<16x1xi32> to vector<16xi32>
        %gather3A_1133 = tpu.dynamic_gather %add3A_1127[%gather3A_1132] in [0] : vector<16xf32>, vector<16xi32> -> vector<16xf32>
        %add3A_1134 = arith.addf %add3A_1127, %gather3A_1133 : vector<16xf32>
        %xor3A_1135 = arith.constant 2 : i32
        %xor3A_1136 = vector.broadcast %xor3A_1135 : i32 to vector<16xi32>
        %xor3A_1137 = arith.xori %iota3A, %xor3A_1136 : vector<16xi32>
        %broadcast_in_dim3A_1138 = vector.shape_cast %xor3A_1137 : vector<16xi32> to vector<16x1xi32>
        %gather3A_1139 = vector.shape_cast %broadcast_in_dim3A_1138 : vector<16x1xi32> to vector<16xi32>
        %gather3A_1140 = tpu.dynamic_gather %add3A_1134[%gather3A_1139] in [0] : vector<16xf32>, vector<16xi32> -> vector<16xf32>
        %add3A_1141 = arith.addf %add3A_1134, %gather3A_1140 : vector<16xf32>
        %xor3A_1142 = arith.constant 4 : i32
        %xor3A_1143 = vector.broadcast %xor3A_1142 : i32 to vector<16xi32>
        %xor3A_1144 = arith.xori %iota3A, %xor3A_1143 : vector<16xi32>
        %broadcast_in_dim3A_1145 = vector.shape_cast %xor3A_1144 : vector<16xi32> to vector<16x1xi32>
        %gather3A_1146 = vector.shape_cast %broadcast_in_dim3A_1145 : vector<16x1xi32> to vector<16xi32>
        %gather3A_1147 = tpu.dynamic_gather %add3A_1141[%gather3A_1146] in [0] : vector<16xf32>, vector<16xi32> -> vector<16xf32>
        %add3A_1148 = arith.addf %add3A_1141, %gather3A_1147 : vector<16xf32>
        %xor3A_1149 = arith.constant 8 : i32
        %xor3A_1150 = vector.broadcast %xor3A_1149 : i32 to vector<16xi32>
        %xor3A_1151 = arith.xori %iota3A, %xor3A_1150 : vector<16xi32>
        %broadcast_in_dim3A_1152 = vector.shape_cast %xor3A_1151 : vector<16xi32> to vector<16x1xi32>
        %gather3A_1153 = vector.shape_cast %broadcast_in_dim3A_1152 : vector<16x1xi32> to vector<16xi32>
        %gather3A_1154 = tpu.dynamic_gather %add3A_1148[%gather3A_1153] in [0] : vector<16xf32>, vector<16xi32> -> vector<16xf32>
        %add3A_1155 = arith.addf %add3A_1148, %gather3A_1154 : vector<16xf32>
        %mul3A_1156 = arith.constant 7.812500e-03 : f32
        %mul3A_1157 = vector.broadcast %mul3A_1156 : f32 to vector<16xf32>
        %mul3A_1158 = arith.mulf %add3A_1155, %mul3A_1157 : vector<16xf32>
        %exp3A_1159 = math.exp %mul3A_1158 : vector<16xf32>
        %mul3A_1160 = arith.mulf %get3A_1042, %exp3A_1159 : vector<16xf32>
        %swap3A_1161 = arith.constant 0 : i32
        %swap3A_1162 = arith.index_cast %swap3A_1161 : i32 to index
        %swap3A_1163 = arith.index_cast %scan3A_1032 : i32 to index
        %swap3A_1164 = arith.constant 0 : index
        %swap3A_1165 = tpu.vector_load %arg13[%swap3A_1162, %swap3A_1163, %swap3A_1164] {strides = array<i32>} : memref<2x40x128xf32, #tpu.memory_space<vmem>>, vector<16xf32>,
        tpu.vector_store %arg13[%swap3A_1162, %swap3A_1163, %swap3A_1164], %mul3A_1160 {strides = array<i32>} : memref<2x40x128xf32, #tpu.memory_space<vmem>>, vector<16xf32>,
        %mul3A_1166 = arith.mulf %get3A_1053, %exp3A_1159 : vector<16xf32>
        %swap3A_1167 = arith.constant 0 : i32
        %swap3A_1168 = arith.index_cast %swap3A_1167 : i32 to index
        %swap3A_1169 = arith.index_cast %scan3A_1032 : i32 to index
        %swap3A_1170 = arith.constant 16 : index
        %swap3A_1171 = tpu.vector_load %arg13[%swap3A_1168, %swap3A_1169, %swap3A_1170] {strides = array<i32>} : memref<2x40x128xf32, #tpu.memory_space<vmem>>, vector<16xf32>,
        tpu.vector_store %arg13[%swap3A_1168, %swap3A_1169, %swap3A_1170], %mul3A_1166 {strides = array<i32>} : memref<2x40x128xf32, #tpu.memory_space<vmem>>, vector<16xf32>,
        %mul3A_1172 = arith.mulf %get3A_1065, %exp3A_1159 : vector<16xf32>
        %swap3A_1173 = arith.constant 0 : i32
        %swap3A_1174 = arith.index_cast %swap3A_1173 : i32 to index
        %swap3A_1175 = arith.index_cast %scan3A_1032 : i32 to index
        %swap3A_1176 = arith.constant 32 : index
        %swap3A_1177 = tpu.vector_load %arg13[%swap3A_1174, %swap3A_1175, %swap3A_1176] {strides = array<i32>} : memref<2x40x128xf32, #tpu.memory_space<vmem>>, vector<16xf32>,
        tpu.vector_store %arg13[%swap3A_1174, %swap3A_1175, %swap3A_1176], %mul3A_1172 {strides = array<i32>} : memref<2x40x128xf32, #tpu.memory_space<vmem>>, vector<16xf32>,
        %mul3A_1178 = arith.mulf %get3A_1077, %exp3A_1159 : vector<16xf32>
        %swap3A_1179 = arith.constant 0 : i32
        %swap3A_1180 = arith.index_cast %swap3A_1179 : i32 to index
        %swap3A_1181 = arith.index_cast %scan3A_1032 : i32 to index
        %swap3A_1182 = arith.constant 48 : index
        %swap3A_1183 = tpu.vector_load %arg13[%swap3A_1180, %swap3A_1181, %swap3A_1182] {strides = array<i32>} : memref<2x40x128xf32, #tpu.memory_space<vmem>>, vector<16xf32>,
        tpu.vector_store %arg13[%swap3A_1180, %swap3A_1181, %swap3A_1182], %mul3A_1178 {strides = array<i32>} : memref<2x40x128xf32, #tpu.memory_space<vmem>>, vector<16xf32>,
        %mul3A_1184 = arith.mulf %get3A_1089, %exp3A_1159 : vector<16xf32>
        %swap3A_1185 = arith.constant 0 : i32
        %swap3A_1186 = arith.index_cast %swap3A_1185 : i32 to index
        %swap3A_1187 = arith.index_cast %scan3A_1032 : i32 to index
        %swap3A_1188 = arith.constant 64 : index
        %swap3A_1189 = tpu.vector_load %arg13[%swap3A_1186, %swap3A_1187, %swap3A_1188] {strides = array<i32>} : memref<2x40x128xf32, #tpu.memory_space<vmem>>, vector<16xf32>,
        tpu.vector_store %arg13[%swap3A_1186, %swap3A_1187, %swap3A_1188], %mul3A_1184 {strides = array<i32>} : memref<2x40x128xf32, #tpu.memory_space<vmem>>, vector<16xf32>,
        %mul3A_1190 = arith.mulf %get3A_1101, %exp3A_1159 : vector<16xf32>
        %swap3A_1191 = arith.constant 0 : i32
        %swap3A_1192 = arith.index_cast %swap3A_1191 : i32 to index
        %swap3A_1193 = arith.index_cast %scan3A_1032 : i32 to index
        %swap3A_1194 = arith.constant 80 : index
        %swap3A_1195 = tpu.vector_load %arg13[%swap3A_1192, %swap3A_1193, %swap3A_1194] {strides = array<i32>} : memref<2x40x128xf32, #tpu.memory_space<vmem>>, vector<16xf32>,
        tpu.vector_store %arg13[%swap3A_1192, %swap3A_1193, %swap3A_1194], %mul3A_1190 {strides = array<i32>} : memref<2x40x128xf32, #tpu.memory_space<vmem>>, vector<16xf32>,
        %mul3A_1196 = arith.mulf %get3A_1113, %exp3A_1159 : vector<16xf32>
        %swap3A_1197 = arith.constant 0 : i32
        %swap3A_1198 = arith.index_cast %swap3A_1197 : i32 to index
        %swap3A_1199 = arith.index_cast %scan3A_1032 : i32 to index
        %swap3A_1200 = arith.constant 96 : index
        %swap3A_1201 = tpu.vector_load %arg13[%swap3A_1198, %swap3A_1199, %swap3A_1200] {strides = array<i32>} : memref<2x40x128xf32, #tpu.memory_space<vmem>>, vector<16xf32>,
        tpu.vector_store %arg13[%swap3A_1198, %swap3A_1199, %swap3A_1200], %mul3A_1196 {strides = array<i32>} : memref<2x40x128xf32, #tpu.memory_space<vmem>>, vector<16xf32>,
        %mul3A_1202 = arith.mulf %get3A_1125, %exp3A_1159 : vector<16xf32>
        %swap3A_1203 = arith.constant 0 : i32
        %swap3A_1204 = arith.index_cast %swap3A_1203 : i32 to index
        %swap3A_1205 = arith.index_cast %scan3A_1032 : i32 to index
        %swap3A_1206 = arith.constant 112 : index
        %swap3A_1207 = tpu.vector_load %arg13[%swap3A_1204, %swap3A_1205, %swap3A_1206] {strides = array<i32>} : memref<2x40x128xf32, #tpu.memory_space<vmem>>, vector<16xf32>,
        tpu.vector_store %arg13[%swap3A_1204, %swap3A_1205, %swap3A_1206], %mul3A_1202 {strides = array<i32>} : memref<2x40x128xf32, #tpu.memory_space<vmem>>, vector<16xf32>,
        %broadcast_in_dim3A_1208 = vector.broadcast %scan3A_1032 : i32 to vector<16xi32>
        %eq3A_1209 = arith.constant 0 : i32
        %eq3A_1210 = vector.broadcast %eq3A_1209 : i32 to vector<16xi32>
        %eq3A_1211 = arith.cmpi eq, %iota3A, %eq3A_1210 : vector<16xi32>
        tpu.vector_store_idx %arg15[%broadcast_in_dim3A_1208], %exp3A_1159 masked %eq3A_1211 : memref<40xf32, #tpu.memory_space<vmem>>[vector<16xi32>], vector<16xf32>, vector<16xi1>
        %scan3A_1212 = arith.constant 3 : i32
        %scan3A_1213 = arith.addi %scan3A_675, %scan3A_1212 : i32
        %get3A_1214 = arith.constant 0 : i32
        %get3A_1215 = arith.index_cast %get3A_1214 : i32 to index
        %get3A_1216 = arith.index_cast %scan3A_1213 : i32 to index
        %get3A_1217 = arith.constant 0 : index
        %get3A_1218 = tpu.vector_load %arg11[%get3A_1215, %get3A_1216, %get3A_1217] {strides = array<i32>} : memref<2x40x128xf32, #tpu.memory_space<vmem>>, vector<16xf32>,
        %get3A_1219 = arith.constant 0 : i32
        %get3A_1220 = arith.index_cast %get3A_1219 : i32 to index
        %get3A_1221 = arith.index_cast %scan3A_1213 : i32 to index
        %get3A_1222 = arith.constant 0 : index
        %get3A_1223 = tpu.vector_load %arg12[%get3A_1220, %get3A_1221, %get3A_1222] {strides = array<i32>} : memref<2x40x128xf32, #tpu.memory_space<vmem>>, vector<16xf32>,
        %mul3A_1224 = arith.mulf %get3A_1218, %get3A_1223 : vector<16xf32>
        %get3A_1225 = arith.constant 0 : i32
        %get3A_1226 = arith.index_cast %get3A_1225 : i32 to index
        %get3A_1227 = arith.index_cast %scan3A_1213 : i32 to index
        %get3A_1228 = arith.constant 16 : index
        %get3A_1229 = tpu.vector_load %arg11[%get3A_1226, %get3A_1227, %get3A_1228] {strides = array<i32>} : memref<2x40x128xf32, #tpu.memory_space<vmem>>, vector<16xf32>,
        %get3A_1230 = arith.constant 0 : i32
        %get3A_1231 = arith.index_cast %get3A_1230 : i32 to index
        %get3A_1232 = arith.index_cast %scan3A_1213 : i32 to index
        %get3A_1233 = arith.constant 16 : index
        %get3A_1234 = tpu.vector_load %arg12[%get3A_1231, %get3A_1232, %get3A_1233] {strides = array<i32>} : memref<2x40x128xf32, #tpu.memory_space<vmem>>, vector<16xf32>,
        %mul3A_1235 = arith.mulf %get3A_1229, %get3A_1234 : vector<16xf32>
        %add3A_1236 = arith.addf %mul3A_1224, %mul3A_1235 : vector<16xf32>
        %get3A_1237 = arith.constant 0 : i32
        %get3A_1238 = arith.index_cast %get3A_1237 : i32 to index
        %get3A_1239 = arith.index_cast %scan3A_1213 : i32 to index
        %get3A_1240 = arith.constant 32 : index
        %get3A_1241 = tpu.vector_load %arg11[%get3A_1238, %get3A_1239, %get3A_1240] {strides = array<i32>} : memref<2x40x128xf32, #tpu.memory_space<vmem>>, vector<16xf32>,
        %get3A_1242 = arith.constant 0 : i32
        %get3A_1243 = arith.index_cast %get3A_1242 : i32 to index
        %get3A_1244 = arith.index_cast %scan3A_1213 : i32 to index
        %get3A_1245 = arith.constant 32 : index
        %get3A_1246 = tpu.vector_load %arg12[%get3A_1243, %get3A_1244, %get3A_1245] {strides = array<i32>} : memref<2x40x128xf32, #tpu.memory_space<vmem>>, vector<16xf32>,
        %mul3A_1247 = arith.mulf %get3A_1241, %get3A_1246 : vector<16xf32>
        %add3A_1248 = arith.addf %add3A_1236, %mul3A_1247 : vector<16xf32>
        %get3A_1249 = arith.constant 0 : i32
        %get3A_1250 = arith.index_cast %get3A_1249 : i32 to index
        %get3A_1251 = arith.index_cast %scan3A_1213 : i32 to index
        %get3A_1252 = arith.constant 48 : index
        %get3A_1253 = tpu.vector_load %arg11[%get3A_1250, %get3A_1251, %get3A_1252] {strides = array<i32>} : memref<2x40x128xf32, #tpu.memory_space<vmem>>, vector<16xf32>,
        %get3A_1254 = arith.constant 0 : i32
        %get3A_1255 = arith.index_cast %get3A_1254 : i32 to index
        %get3A_1256 = arith.index_cast %scan3A_1213 : i32 to index
        %get3A_1257 = arith.constant 48 : index
        %get3A_1258 = tpu.vector_load %arg12[%get3A_1255, %get3A_1256, %get3A_1257] {strides = array<i32>} : memref<2x40x128xf32, #tpu.memory_space<vmem>>, vector<16xf32>,
        %mul3A_1259 = arith.mulf %get3A_1253, %get3A_1258 : vector<16xf32>
        %add3A_1260 = arith.addf %add3A_1248, %mul3A_1259 : vector<16xf32>
        %get3A_1261 = arith.constant 0 : i32
        %get3A_1262 = arith.index_cast %get3A_1261 : i32 to index
        %get3A_1263 = arith.index_cast %scan3A_1213 : i32 to index
        %get3A_1264 = arith.constant 64 : index
        %get3A_1265 = tpu.vector_load %arg11[%get3A_1262, %get3A_1263, %get3A_1264] {strides = array<i32>} : memref<2x40x128xf32, #tpu.memory_space<vmem>>, vector<16xf32>,
        %get3A_1266 = arith.constant 0 : i32
        %get3A_1267 = arith.index_cast %get3A_1266 : i32 to index
        %get3A_1268 = arith.index_cast %scan3A_1213 : i32 to index
        %get3A_1269 = arith.constant 64 : index
        %get3A_1270 = tpu.vector_load %arg12[%get3A_1267, %get3A_1268, %get3A_1269] {strides = array<i32>} : memref<2x40x128xf32, #tpu.memory_space<vmem>>, vector<16xf32>,
        %mul3A_1271 = arith.mulf %get3A_1265, %get3A_1270 : vector<16xf32>
        %add3A_1272 = arith.addf %add3A_1260, %mul3A_1271 : vector<16xf32>
        %get3A_1273 = arith.constant 0 : i32
        %get3A_1274 = arith.index_cast %get3A_1273 : i32 to index
        %get3A_1275 = arith.index_cast %scan3A_1213 : i32 to index
        %get3A_1276 = arith.constant 80 : index
        %get3A_1277 = tpu.vector_load %arg11[%get3A_1274, %get3A_1275, %get3A_1276] {strides = array<i32>} : memref<2x40x128xf32, #tpu.memory_space<vmem>>, vector<16xf32>,
        %get3A_1278 = arith.constant 0 : i32
        %get3A_1279 = arith.index_cast %get3A_1278 : i32 to index
        %get3A_1280 = arith.index_cast %scan3A_1213 : i32 to index
        %get3A_1281 = arith.constant 80 : index
        %get3A_1282 = tpu.vector_load %arg12[%get3A_1279, %get3A_1280, %get3A_1281] {strides = array<i32>} : memref<2x40x128xf32, #tpu.memory_space<vmem>>, vector<16xf32>,
        %mul3A_1283 = arith.mulf %get3A_1277, %get3A_1282 : vector<16xf32>
        %add3A_1284 = arith.addf %add3A_1272, %mul3A_1283 : vector<16xf32>
        %get3A_1285 = arith.constant 0 : i32
        %get3A_1286 = arith.index_cast %get3A_1285 : i32 to index
        %get3A_1287 = arith.index_cast %scan3A_1213 : i32 to index
        %get3A_1288 = arith.constant 96 : index
        %get3A_1289 = tpu.vector_load %arg11[%get3A_1286, %get3A_1287, %get3A_1288] {strides = array<i32>} : memref<2x40x128xf32, #tpu.memory_space<vmem>>, vector<16xf32>,
        %get3A_1290 = arith.constant 0 : i32
        %get3A_1291 = arith.index_cast %get3A_1290 : i32 to index
        %get3A_1292 = arith.index_cast %scan3A_1213 : i32 to index
        %get3A_1293 = arith.constant 96 : index
        %get3A_1294 = tpu.vector_load %arg12[%get3A_1291, %get3A_1292, %get3A_1293] {strides = array<i32>} : memref<2x40x128xf32, #tpu.memory_space<vmem>>, vector<16xf32>,
        %mul3A_1295 = arith.mulf %get3A_1289, %get3A_1294 : vector<16xf32>
        %add3A_1296 = arith.addf %add3A_1284, %mul3A_1295 : vector<16xf32>
        %get3A_1297 = arith.constant 0 : i32
        %get3A_1298 = arith.index_cast %get3A_1297 : i32 to index
        %get3A_1299 = arith.index_cast %scan3A_1213 : i32 to index
        %get3A_1300 = arith.constant 112 : index
        %get3A_1301 = tpu.vector_load %arg11[%get3A_1298, %get3A_1299, %get3A_1300] {strides = array<i32>} : memref<2x40x128xf32, #tpu.memory_space<vmem>>, vector<16xf32>,
        %get3A_1302 = arith.constant 0 : i32
        %get3A_1303 = arith.index_cast %get3A_1302 : i32 to index
        %get3A_1304 = arith.index_cast %scan3A_1213 : i32 to index
        %get3A_1305 = arith.constant 112 : index
        %get3A_1306 = tpu.vector_load %arg12[%get3A_1303, %get3A_1304, %get3A_1305] {strides = array<i32>} : memref<2x40x128xf32, #tpu.memory_space<vmem>>, vector<16xf32>,
        %mul3A_1307 = arith.mulf %get3A_1301, %get3A_1306 : vector<16xf32>
        %add3A_1308 = arith.addf %add3A_1296, %mul3A_1307 : vector<16xf32>
        %xor3A_1309 = arith.constant 1 : i32
        %xor3A_1310 = vector.broadcast %xor3A_1309 : i32 to vector<16xi32>
        %xor3A_1311 = arith.xori %iota3A, %xor3A_1310 : vector<16xi32>
        %broadcast_in_dim3A_1312 = vector.shape_cast %xor3A_1311 : vector<16xi32> to vector<16x1xi32>
        %gather3A_1313 = vector.shape_cast %broadcast_in_dim3A_1312 : vector<16x1xi32> to vector<16xi32>
        %gather3A_1314 = tpu.dynamic_gather %add3A_1308[%gather3A_1313] in [0] : vector<16xf32>, vector<16xi32> -> vector<16xf32>
        %add3A_1315 = arith.addf %add3A_1308, %gather3A_1314 : vector<16xf32>
        %xor3A_1316 = arith.constant 2 : i32
        %xor3A_1317 = vector.broadcast %xor3A_1316 : i32 to vector<16xi32>
        %xor3A_1318 = arith.xori %iota3A, %xor3A_1317 : vector<16xi32>
        %broadcast_in_dim3A_1319 = vector.shape_cast %xor3A_1318 : vector<16xi32> to vector<16x1xi32>
        %gather3A_1320 = vector.shape_cast %broadcast_in_dim3A_1319 : vector<16x1xi32> to vector<16xi32>
        %gather3A_1321 = tpu.dynamic_gather %add3A_1315[%gather3A_1320] in [0] : vector<16xf32>, vector<16xi32> -> vector<16xf32>
        %add3A_1322 = arith.addf %add3A_1315, %gather3A_1321 : vector<16xf32>
        %xor3A_1323 = arith.constant 4 : i32
        %xor3A_1324 = vector.broadcast %xor3A_1323 : i32 to vector<16xi32>
        %xor3A_1325 = arith.xori %iota3A, %xor3A_1324 : vector<16xi32>
        %broadcast_in_dim3A_1326 = vector.shape_cast %xor3A_1325 : vector<16xi32> to vector<16x1xi32>
        %gather3A_1327 = vector.shape_cast %broadcast_in_dim3A_1326 : vector<16x1xi32> to vector<16xi32>
        %gather3A_1328 = tpu.dynamic_gather %add3A_1322[%gather3A_1327] in [0] : vector<16xf32>, vector<16xi32> -> vector<16xf32>
        %add3A_1329 = arith.addf %add3A_1322, %gather3A_1328 : vector<16xf32>
        %xor3A_1330 = arith.constant 8 : i32
        %xor3A_1331 = vector.broadcast %xor3A_1330 : i32 to vector<16xi32>
        %xor3A_1332 = arith.xori %iota3A, %xor3A_1331 : vector<16xi32>
        %broadcast_in_dim3A_1333 = vector.shape_cast %xor3A_1332 : vector<16xi32> to vector<16x1xi32>
        %gather3A_1334 = vector.shape_cast %broadcast_in_dim3A_1333 : vector<16x1xi32> to vector<16xi32>
        %gather3A_1335 = tpu.dynamic_gather %add3A_1329[%gather3A_1334] in [0] : vector<16xf32>, vector<16xi32> -> vector<16xf32>
        %add3A_1336 = arith.addf %add3A_1329, %gather3A_1335 : vector<16xf32>
        %mul3A_1337 = arith.constant 7.812500e-03 : f32
        %mul3A_1338 = vector.broadcast %mul3A_1337 : f32 to vector<16xf32>
        %mul3A_1339 = arith.mulf %add3A_1336, %mul3A_1338 : vector<16xf32>
        %exp3A_1340 = math.exp %mul3A_1339 : vector<16xf32>
        %mul3A_1341 = arith.mulf %get3A_1223, %exp3A_1340 : vector<16xf32>
        %swap3A_1342 = arith.constant 0 : i32
        %swap3A_1343 = arith.index_cast %swap3A_1342 : i32 to index
        %swap3A_1344 = arith.index_cast %scan3A_1213 : i32 to index
        %swap3A_1345 = arith.constant 0 : index
        %swap3A_1346 = tpu.vector_load %arg13[%swap3A_1343, %swap3A_1344, %swap3A_1345] {strides = array<i32>} : memref<2x40x128xf32, #tpu.memory_space<vmem>>, vector<16xf32>,
        tpu.vector_store %arg13[%swap3A_1343, %swap3A_1344, %swap3A_1345], %mul3A_1341 {strides = array<i32>} : memref<2x40x128xf32, #tpu.memory_space<vmem>>, vector<16xf32>,
        %mul3A_1347 = arith.mulf %get3A_1234, %exp3A_1340 : vector<16xf32>
        %swap3A_1348 = arith.constant 0 : i32
        %swap3A_1349 = arith.index_cast %swap3A_1348 : i32 to index
        %swap3A_1350 = arith.index_cast %scan3A_1213 : i32 to index
        %swap3A_1351 = arith.constant 16 : index
        %swap3A_1352 = tpu.vector_load %arg13[%swap3A_1349, %swap3A_1350, %swap3A_1351] {strides = array<i32>} : memref<2x40x128xf32, #tpu.memory_space<vmem>>, vector<16xf32>,
        tpu.vector_store %arg13[%swap3A_1349, %swap3A_1350, %swap3A_1351], %mul3A_1347 {strides = array<i32>} : memref<2x40x128xf32, #tpu.memory_space<vmem>>, vector<16xf32>,
        %mul3A_1353 = arith.mulf %get3A_1246, %exp3A_1340 : vector<16xf32>
        %swap3A_1354 = arith.constant 0 : i32
        %swap3A_1355 = arith.index_cast %swap3A_1354 : i32 to index
        %swap3A_1356 = arith.index_cast %scan3A_1213 : i32 to index
        %swap3A_1357 = arith.constant 32 : index
        %swap3A_1358 = tpu.vector_load %arg13[%swap3A_1355, %swap3A_1356, %swap3A_1357] {strides = array<i32>} : memref<2x40x128xf32, #tpu.memory_space<vmem>>, vector<16xf32>,
        tpu.vector_store %arg13[%swap3A_1355, %swap3A_1356, %swap3A_1357], %mul3A_1353 {strides = array<i32>} : memref<2x40x128xf32, #tpu.memory_space<vmem>>, vector<16xf32>,
        %mul3A_1359 = arith.mulf %get3A_1258, %exp3A_1340 : vector<16xf32>
        %swap3A_1360 = arith.constant 0 : i32
        %swap3A_1361 = arith.index_cast %swap3A_1360 : i32 to index
        %swap3A_1362 = arith.index_cast %scan3A_1213 : i32 to index
        %swap3A_1363 = arith.constant 48 : index
        %swap3A_1364 = tpu.vector_load %arg13[%swap3A_1361, %swap3A_1362, %swap3A_1363] {strides = array<i32>} : memref<2x40x128xf32, #tpu.memory_space<vmem>>, vector<16xf32>,
        tpu.vector_store %arg13[%swap3A_1361, %swap3A_1362, %swap3A_1363], %mul3A_1359 {strides = array<i32>} : memref<2x40x128xf32, #tpu.memory_space<vmem>>, vector<16xf32>,
        %mul3A_1365 = arith.mulf %get3A_1270, %exp3A_1340 : vector<16xf32>
        %swap3A_1366 = arith.constant 0 : i32
        %swap3A_1367 = arith.index_cast %swap3A_1366 : i32 to index
        %swap3A_1368 = arith.index_cast %scan3A_1213 : i32 to index
        %swap3A_1369 = arith.constant 64 : index
        %swap3A_1370 = tpu.vector_load %arg13[%swap3A_1367, %swap3A_1368, %swap3A_1369] {strides = array<i32>} : memref<2x40x128xf32, #tpu.memory_space<vmem>>, vector<16xf32>,
        tpu.vector_store %arg13[%swap3A_1367, %swap3A_1368, %swap3A_1369], %mul3A_1365 {strides = array<i32>} : memref<2x40x128xf32, #tpu.memory_space<vmem>>, vector<16xf32>,
        %mul3A_1371 = arith.mulf %get3A_1282, %exp3A_1340 : vector<16xf32>
        %swap3A_1372 = arith.constant 0 : i32
        %swap3A_1373 = arith.index_cast %swap3A_1372 : i32 to index
        %swap3A_1374 = arith.index_cast %scan3A_1213 : i32 to index
        %swap3A_1375 = arith.constant 80 : index
        %swap3A_1376 = tpu.vector_load %arg13[%swap3A_1373, %swap3A_1374, %swap3A_1375] {strides = array<i32>} : memref<2x40x128xf32, #tpu.memory_space<vmem>>, vector<16xf32>,
        tpu.vector_store %arg13[%swap3A_1373, %swap3A_1374, %swap3A_1375], %mul3A_1371 {strides = array<i32>} : memref<2x40x128xf32, #tpu.memory_space<vmem>>, vector<16xf32>,
        %mul3A_1377 = arith.mulf %get3A_1294, %exp3A_1340 : vector<16xf32>
        %swap3A_1378 = arith.constant 0 : i32
        %swap3A_1379 = arith.index_cast %swap3A_1378 : i32 to index
        %swap3A_1380 = arith.index_cast %scan3A_1213 : i32 to index
        %swap3A_1381 = arith.constant 96 : index
        %swap3A_1382 = tpu.vector_load %arg13[%swap3A_1379, %swap3A_1380, %swap3A_1381] {strides = array<i32>} : memref<2x40x128xf32, #tpu.memory_space<vmem>>, vector<16xf32>,
        tpu.vector_store %arg13[%swap3A_1379, %swap3A_1380, %swap3A_1381], %mul3A_1377 {strides = array<i32>} : memref<2x40x128xf32, #tpu.memory_space<vmem>>, vector<16xf32>,
        %mul3A_1383 = arith.mulf %get3A_1306, %exp3A_1340 : vector<16xf32>
        %swap3A_1384 = arith.constant 0 : i32
        %swap3A_1385 = arith.index_cast %swap3A_1384 : i32 to index
        %swap3A_1386 = arith.index_cast %scan3A_1213 : i32 to index
        %swap3A_1387 = arith.constant 112 : index
        %swap3A_1388 = tpu.vector_load %arg13[%swap3A_1385, %swap3A_1386, %swap3A_1387] {strides = array<i32>} : memref<2x40x128xf32, #tpu.memory_space<vmem>>, vector<16xf32>,
        tpu.vector_store %arg13[%swap3A_1385, %swap3A_1386, %swap3A_1387], %mul3A_1383 {strides = array<i32>} : memref<2x40x128xf32, #tpu.memory_space<vmem>>, vector<16xf32>,
        %broadcast_in_dim3A_1389 = vector.broadcast %scan3A_1213 : i32 to vector<16xi32>
        %eq3A_1390 = arith.constant 0 : i32
        %eq3A_1391 = vector.broadcast %eq3A_1390 : i32 to vector<16xi32>
        %eq3A_1392 = arith.cmpi eq, %iota3A, %eq3A_1391 : vector<16xi32>
        tpu.vector_store_idx %arg15[%broadcast_in_dim3A_1389], %exp3A_1340 masked %eq3A_1392 : memref<40xf32, #tpu.memory_space<vmem>>[vector<16xi32>], vector<16xf32>, vector<16xi1>
      }
      %scan3A_475 = arith.constant 40 : i32
      %ge3A = arith.constant 8 : i32
      %ge3A_476 = vector.broadcast %ge3A : i32 to vector<16xi32>
      %ge3A_477 = arith.cmpi sge, %iota3A, %ge3A_476 : vector<16xi32>
      %get3A = arith.constant 0 : i32
      %get3A_478 = arith.index_cast %get3A : i32 to index
      %get3A_479 = arith.constant 0 : index
      %get3A_480 = tpu.vector_load %arg8[%get3A_478, %get3A_479] {strides = array<i32>} : memref<2x40xi32, #tpu.memory_space<vmem>>, vector<16xi32>,
      %get3A_481 = arith.constant 0 : index
      %get3A_482 = tpu.vector_load %arg15[%get3A_481] {strides = array<i32>} : memref<40xf32, #tpu.memory_space<vmem>>, vector<16xf32>,
      %shift_right_logical3A = arith.constant 7 : i32
      %shift_right_logical3A_483 = vector.broadcast %shift_right_logical3A : i32 to vector<16xi32>
      %shift_right_logical3A_484 = arith.shrui %get3A_480, %shift_right_logical3A_483 : vector<16xi32>
      %and3A = arith.constant 127 : i32
      %and3A_485 = vector.broadcast %and3A : i32 to vector<16xi32>
      %and3A_486 = arith.andi %get3A_480, %and3A_485 : vector<16xi32>
      tpu.vector_store_idx %arg17[%shift_right_logical3A_484, %and3A_486], %get3A_482 {add = true} : memref<80x128xf32, #tpu.memory_space<vmem>>[vector<16xi32>, vector<16xi32>], vector<16xf32>,
      %swap3A_487 = arith.constant 0 : i32
      %swap3A_488 = arith.index_cast %swap3A_487 : i32 to index
      %swap3A_489 = arith.constant 0 : index
      %swap3A_490 = tpu.vector_load %arg10[%swap3A_488, %swap3A_489] {strides = array<i32>} : memref<2x40xi32, #tpu.memory_space<vmem>>, vector<16xi32>,
      tpu.vector_store %arg10[%swap3A_488, %swap3A_489], %get3A_480 {strides = array<i32>} : memref<2x40xi32, #tpu.memory_space<vmem>>, vector<16xi32>,
      %get3A_491 = arith.constant 0 : i32
      %get3A_492 = arith.index_cast %get3A_491 : i32 to index
      %get3A_493 = arith.constant 16 : index
      %get3A_494 = tpu.vector_load %arg8[%get3A_492, %get3A_493] {strides = array<i32>} : memref<2x40xi32, #tpu.memory_space<vmem>>, vector<16xi32>,
      %get3A_495 = arith.constant 16 : index
      %get3A_496 = tpu.vector_load %arg15[%get3A_495] {strides = array<i32>} : memref<40xf32, #tpu.memory_space<vmem>>, vector<16xf32>,
      %shift_right_logical3A_497 = arith.constant 7 : i32
      %shift_right_logical3A_498 = vector.broadcast %shift_right_logical3A_497 : i32 to vector<16xi32>
      %shift_right_logical3A_499 = arith.shrui %get3A_494, %shift_right_logical3A_498 : vector<16xi32>
      %and3A_500 = arith.constant 127 : i32
      %and3A_501 = vector.broadcast %and3A_500 : i32 to vector<16xi32>
      %and3A_502 = arith.andi %get3A_494, %and3A_501 : vector<16xi32>
      tpu.vector_store_idx %arg17[%shift_right_logical3A_499, %and3A_502], %get3A_496 {add = true} : memref<80x128xf32, #tpu.memory_space<vmem>>[vector<16xi32>, vector<16xi32>], vector<16xf32>,
      %swap3A_503 = arith.constant 0 : i32
      %swap3A_504 = arith.index_cast %swap3A_503 : i32 to index
      %swap3A_505 = arith.constant 16 : index
      %swap3A_506 = tpu.vector_load %arg10[%swap3A_504, %swap3A_505] {strides = array<i32>} : memref<2x40xi32, #tpu.memory_space<vmem>>, vector<16xi32>,
      tpu.vector_store %arg10[%swap3A_504, %swap3A_505], %get3A_494 {strides = array<i32>} : memref<2x40xi32, #tpu.memory_space<vmem>>, vector<16xi32>,
      %get3A_507 = arith.constant 0 : i32
      %get3A_508 = arith.index_cast %get3A_507 : i32 to index
      %get3A_509 = arith.constant 24 : index
      %get3A_510 = tpu.vector_load %arg8[%get3A_508, %get3A_509] {strides = array<i32>} : memref<2x40xi32, #tpu.memory_space<vmem>>, vector<16xi32>,
      %get3A_511 = arith.constant 24 : index
      %get3A_512 = tpu.vector_load %arg15[%get3A_511] {strides = array<i32>} : memref<40xf32, #tpu.memory_space<vmem>>, vector<16xf32>,
      %shift_right_logical3A_513 = arith.constant 7 : i32
      %shift_right_logical3A_514 = vector.broadcast %shift_right_logical3A_513 : i32 to vector<16xi32>
      %shift_right_logical3A_515 = arith.shrui %get3A_510, %shift_right_logical3A_514 : vector<16xi32>
      %and3A_516 = arith.constant 127 : i32
      %and3A_517 = vector.broadcast %and3A_516 : i32 to vector<16xi32>
      %and3A_518 = arith.andi %get3A_510, %and3A_517 : vector<16xi32>
      tpu.vector_store_idx %arg17[%shift_right_logical3A_515, %and3A_518], %get3A_512 masked %ge3A_477 {add = true} : memref<80x128xf32, #tpu.memory_space<vmem>>[vector<16xi32>, vector<16xi32>], vector<16xf32>, vector<16xi1>
      %swap3A_519 = arith.constant 0 : i32
      %swap3A_520 = arith.index_cast %swap3A_519 : i32 to index
      %swap3A_521 = arith.constant 24 : index
      %swap3A_522 = tpu.vector_load %arg10[%swap3A_520, %swap3A_521] {strides = array<i32>} : memref<2x40xi32, #tpu.memory_space<vmem>>, vector<16xi32>,
      tpu.vector_store %arg10[%swap3A_520, %swap3A_521], %get3A_510 {strides = array<i32>} : memref<2x40xi32, #tpu.memory_space<vmem>>, vector<16xi32>,
      %dma_start3A_523 = arith.constant 0 : i32
      %dma_start3A_524 = arith.constant 0 : i32
      %dma_start3A_525 = arith.constant 0 : i32
      %dma_start3A_526 = arith.constant 0 : i32
      %dma_start3A_527 = tpu.memref_slice %arg13[%dma_start3A_523, %dma_start3A_525, %dma_start3A_526] : memref<2x40x128xf32, #tpu.memory_space<vmem>> -> memref<1x40x128xf32, #tpu.memory_space<vmem>>
      %dma_start3A_528 = tpu.memref_squeeze %dma_start3A_527 : memref<1x40x128xf32, #tpu.memory_space<vmem>> -> memref<40x128xf32, #tpu.memory_space<vmem>>
      %dma_start3A_529 = arith.constant 0 : i32
      %dma_start3A_530 = tpu.memref_slice %arg10[%dma_start3A_524, %dma_start3A_529] : memref<2x40xi32, #tpu.memory_space<vmem>> -> memref<1x40xi32, #tpu.memory_space<vmem>>
      %dma_start3A_531 = tpu.memref_squeeze %dma_start3A_530 : memref<1x40xi32, #tpu.memory_space<vmem>> -> memref<40xi32, #tpu.memory_space<vmem>>
      %dma_start3A_532 = arith.constant 0 : i32
      %dma_start3A_533 = arith.constant 0 : i32
      %dma_start3A_534 = tpu.memref_slice %arg18[%dma_start3A_532, %dma_start3A_533] : memref<10240x128xf32, #tpu.memory_space<vmem_shared>> -> memref<10240x128xf32, #tpu.memory_space<vmem_shared>>
      tpu.enqueue_indirect_dma source(%dma_start3A_528 : memref<40x128xf32, #tpu.memory_space<vmem>>) target(%dma_start3A_534 : memref<10240x128xf32, #tpu.memory_space<vmem_shared>>) offsets(%dma_start3A_531 : memref<40xi32, #tpu.memory_space<vmem>>) semaphore(%arg28 : memref<!tpu.dma_semaphore, #tpu.memory_space<semaphore_mem>>) {add = true}
      %lt3A_535 = arith.constant 124 : i32
      %lt3A_536 = arith.cmpi slt, %scan3A_343, %lt3A_535 : i32
      %convert_element_type3A_537 = arith.extui %lt3A_536 : i1 to i32
      %cond3A_538 = arith.constant 0 : i32
      %cond3A_539 = arith.cmpi ne, %convert_element_type3A_537, %cond3A_538 : i32
      scf.if %cond3A_539 {
        %add3A_675 = arith.constant 2 : i32
        %add3A_676 = arith.addi %add3A_347, %add3A_675 : i32
        %mul3A_677 = arith.constant 40 : i32
        %mul3A_678 = arith.muli %add3A_676, %mul3A_677 : i32
        %add3A_679 = arith.addi %mul3A_2, %mul3A_678 : i32
        %dma_start3A_680 = arith.constant 0 : i32
        %dma_start3A_681 = arith.constant 0 : i32
        %dma_start3A_682 = tpu.memref_slice %arg8[%dma_start3A_680, %dma_start3A_681] : memref<2x40xi32, #tpu.memory_space<vmem>> -> memref<1x40xi32, #tpu.memory_space<vmem>>
        %dma_start3A_683 = tpu.memref_squeeze %dma_start3A_682 : memref<1x40xi32, #tpu.memory_space<vmem>> -> memref<40xi32, #tpu.memory_space<vmem>>
        %dma_start3A_684 = tpu.memref_slice %arg4[%add3A_679] : memref<320000xi32, #tpu.memory_space<hbm>> -> memref<40xi32, #tpu.memory_space<hbm>>
        %dma_start3A_685 = arith.constant 0 : i32
        %dma_start3A_686 = tpu.memref_slice %arg8[%dma_start3A_680, %dma_start3A_685] : memref<2x40xi32, #tpu.memory_space<vmem>> -> memref<1x40xi32, #tpu.memory_space<vmem>>
        %dma_start3A_687 = tpu.memref_squeeze %dma_start3A_686 : memref<1x40xi32, #tpu.memory_space<vmem>> -> memref<40xi32, #tpu.memory_space<vmem>>
        %dma_start3A_688 = tpu.memref_slice %arg4[%add3A_679] : memref<320000xi32, #tpu.memory_space<hbm>> -> memref<40xi32, #tpu.memory_space<hbm>>
        tpu.enqueue_dma source(%dma_start3A_688 : memref<40xi32, #tpu.memory_space<hbm>>) target(%dma_start3A_687 : memref<40xi32, #tpu.memory_space<vmem>>) target_semaphore(%arg30 : memref<!tpu.dma_semaphore, #tpu.memory_space<semaphore_mem>>)
        %dma_start3A_689 = arith.constant 0 : i32
        %dma_start3A_690 = arith.constant 0 : i32
        %dma_start3A_691 = tpu.memref_slice %arg9[%dma_start3A_689, %dma_start3A_690] : memref<2x40xi32, #tpu.memory_space<vmem>> -> memref<1x40xi32, #tpu.memory_space<vmem>>
        %dma_start3A_692 = tpu.memref_squeeze %dma_start3A_691 : memref<1x40xi32, #tpu.memory_space<vmem>> -> memref<40xi32, #tpu.memory_space<vmem>>
        %dma_start3A_693 = tpu.memref_slice %arg5[%add3A_679] : memref<320000xi32, #tpu.memory_space<hbm>> -> memref<40xi32, #tpu.memory_space<hbm>>
        %dma_start3A_694 = arith.constant 0 : i32
        %dma_start3A_695 = tpu.memref_slice %arg9[%dma_start3A_689, %dma_start3A_694] : memref<2x40xi32, #tpu.memory_space<vmem>> -> memref<1x40xi32, #tpu.memory_space<vmem>>
        %dma_start3A_696 = tpu.memref_squeeze %dma_start3A_695 : memref<1x40xi32, #tpu.memory_space<vmem>> -> memref<40xi32, #tpu.memory_space<vmem>>
        %dma_start3A_697 = tpu.memref_slice %arg5[%add3A_679] : memref<320000xi32, #tpu.memory_space<hbm>> -> memref<40xi32, #tpu.memory_space<hbm>>
        tpu.enqueue_dma source(%dma_start3A_697 : memref<40xi32, #tpu.memory_space<hbm>>) target(%dma_start3A_696 : memref<40xi32, #tpu.memory_space<vmem>>) target_semaphore(%arg30 : memref<!tpu.dma_semaphore, #tpu.memory_space<semaphore_mem>>)
      } else {
      }
      %mul3A_540 = arith.constant 2 : i32
      %mul3A_541 = arith.muli %scan3A_343, %mul3A_540 : i32
      %add3A_542 = arith.constant 1 : i32
      %add3A_543 = arith.addi %mul3A_541, %add3A_542 : i32
      %dma_wait3A_544 = arith.constant 1 : i32
      %dma_wait3A_545 = arith.constant 1 : i32
      %dma_wait3A_546 = arith.constant 0 : i32
      %dma_wait3A_547 = arith.constant 0 : i32
      %dma_wait3A_548 = tpu.memref_slice %arg11[%dma_wait3A_545, %dma_wait3A_546, %dma_wait3A_547] : memref<2x40x128xf32, #tpu.memory_space<vmem>> -> memref<1x24x128xf32, #tpu.memory_space<vmem>>
      %dma_wait3A_549 = tpu.memref_squeeze %dma_wait3A_548 : memref<1x24x128xf32, #tpu.memory_space<vmem>> -> memref<24x128xf32, #tpu.memory_space<vmem>>
      %dma_wait3A_550 = arith.constant 0 : i32
      %dma_wait3A_551 = tpu.memref_slice %arg8[%dma_wait3A_544, %dma_wait3A_550] : memref<2x40xi32, #tpu.memory_space<vmem>> -> memref<1x24xi32, #tpu.memory_space<vmem>>
      %dma_wait3A_552 = tpu.memref_squeeze %dma_wait3A_551 : memref<1x24xi32, #tpu.memory_space<vmem>> -> memref<24xi32, #tpu.memory_space<vmem>>
      %dma_wait3A_553 = arith.constant 0 : i32
      %dma_wait3A_554 = arith.constant 0 : i32
      %dma_wait3A_555 = tpu.memref_slice %arg2[%dma_wait3A_553, %dma_wait3A_554] : memref<10000x128xf32, #tpu.memory_space<hbm>> -> memref<10000x128xf32, #tpu.memory_space<hbm>>
      tpu.wait_indirect_dma semaphore(%arg24 : memref<!tpu.dma_semaphore, #tpu.memory_space<semaphore_mem>>) src(%dma_wait3A_555 : memref<10000x128xf32, #tpu.memory_space<hbm>>) dst(%dma_wait3A_549 : memref<24x128xf32, #tpu.memory_space<vmem>>)
      %dma_wait3A_556 = arith.constant 1 : i32
      %dma_wait3A_557 = arith.constant 1 : i32
      %dma_wait3A_558 = arith.constant 0 : i32
      %dma_wait3A_559 = arith.constant 0 : i32
      %dma_wait3A_560 = tpu.memref_slice %arg12[%dma_wait3A_557, %dma_wait3A_558, %dma_wait3A_559] : memref<2x40x128xf32, #tpu.memory_space<vmem>> -> memref<1x24x128xf32, #tpu.memory_space<vmem>>
      %dma_wait3A_561 = tpu.memref_squeeze %dma_wait3A_560 : memref<1x24x128xf32, #tpu.memory_space<vmem>> -> memref<24x128xf32, #tpu.memory_space<vmem>>
      %dma_wait3A_562 = arith.constant 0 : i32
      %dma_wait3A_563 = tpu.memref_slice %arg9[%dma_wait3A_556, %dma_wait3A_562] : memref<2x40xi32, #tpu.memory_space<vmem>> -> memref<1x24xi32, #tpu.memory_space<vmem>>
      %dma_wait3A_564 = tpu.memref_squeeze %dma_wait3A_563 : memref<1x24xi32, #tpu.memory_space<vmem>> -> memref<24xi32, #tpu.memory_space<vmem>>
      %dma_wait3A_565 = arith.constant 0 : i32
      %dma_wait3A_566 = arith.constant 0 : i32
      %dma_wait3A_567 = tpu.memref_slice %arg3[%dma_wait3A_565, %dma_wait3A_566] : memref<10000x128xf32, #tpu.memory_space<hbm>> -> memref<10000x128xf32, #tpu.memory_space<hbm>>
      tpu.wait_indirect_dma semaphore(%arg26 : memref<!tpu.dma_semaphore, #tpu.memory_space<semaphore_mem>>) src(%dma_wait3A_567 : memref<10000x128xf32, #tpu.memory_space<hbm>>) dst(%dma_wait3A_561 : memref<24x128xf32, #tpu.memory_space<vmem>>)
      %dma_wait3A_568 = arith.constant 1 : i32
      %dma_wait3A_569 = arith.constant 1 : i32
      %dma_wait3A_570 = arith.constant 24 : i32
      %dma_wait3A_571 = arith.constant 0 : i32
      %dma_wait3A_572 = tpu.memref_slice %arg11[%dma_wait3A_569, %dma_wait3A_570, %dma_wait3A_571] : memref<2x40x128xf32, #tpu.memory_space<vmem>> -> memref<1x16x128xf32, #tpu.memory_space<vmem>>
      %dma_wait3A_573 = tpu.memref_squeeze %dma_wait3A_572 : memref<1x16x128xf32, #tpu.memory_space<vmem>> -> memref<16x128xf32, #tpu.memory_space<vmem>>
      %dma_wait3A_574 = arith.constant 24 : i32
      %dma_wait3A_575 = tpu.memref_slice %arg8[%dma_wait3A_568, %dma_wait3A_574] : memref<2x40xi32, #tpu.memory_space<vmem>> -> memref<1x16xi32, #tpu.memory_space<vmem>>
      %dma_wait3A_576 = tpu.memref_squeeze %dma_wait3A_575 : memref<1x16xi32, #tpu.memory_space<vmem>> -> memref<16xi32, #tpu.memory_space<vmem>>
      %dma_wait3A_577 = arith.constant 0 : i32
      %dma_wait3A_578 = arith.constant 0 : i32
      %dma_wait3A_579 = tpu.memref_slice %arg2[%dma_wait3A_577, %dma_wait3A_578] : memref<10000x128xf32, #tpu.memory_space<hbm>> -> memref<10000x128xf32, #tpu.memory_space<hbm>>
      tpu.wait_indirect_dma semaphore(%arg25 : memref<!tpu.dma_semaphore, #tpu.memory_space<semaphore_mem>>) src(%dma_wait3A_579 : memref<10000x128xf32, #tpu.memory_space<hbm>>) dst(%dma_wait3A_573 : memref<16x128xf32, #tpu.memory_space<vmem>>)
      %dma_wait3A_580 = arith.constant 1 : i32
      %dma_wait3A_581 = arith.constant 1 : i32
      %dma_wait3A_582 = arith.constant 24 : i32
      %dma_wait3A_583 = arith.constant 0 : i32
      %dma_wait3A_584 = tpu.memref_slice %arg12[%dma_wait3A_581, %dma_wait3A_582, %dma_wait3A_583] : memref<2x40x128xf32, #tpu.memory_space<vmem>> -> memref<1x16x128xf32, #tpu.memory_space<vmem>>
      %dma_wait3A_585 = tpu.memref_squeeze %dma_wait3A_584 : memref<1x16x128xf32, #tpu.memory_space<vmem>> -> memref<16x128xf32, #tpu.memory_space<vmem>>
      %dma_wait3A_586 = arith.constant 24 : i32
      %dma_wait3A_587 = tpu.memref_slice %arg9[%dma_wait3A_580, %dma_wait3A_586] : memref<2x40xi32, #tpu.memory_space<vmem>> -> memref<1x16xi32, #tpu.memory_space<vmem>>
      %dma_wait3A_588 = tpu.memref_squeeze %dma_wait3A_587 : memref<1x16xi32, #tpu.memory_space<vmem>> -> memref<16xi32, #tpu.memory_space<vmem>>
      %dma_wait3A_589 = arith.constant 0 : i32
      %dma_wait3A_590 = arith.constant 0 : i32
      %dma_wait3A_591 = tpu.memref_slice %arg3[%dma_wait3A_589, %dma_wait3A_590] : memref<10000x128xf32, #tpu.memory_space<hbm>> -> memref<10000x128xf32, #tpu.memory_space<hbm>>
      tpu.wait_indirect_dma semaphore(%arg27 : memref<!tpu.dma_semaphore, #tpu.memory_space<semaphore_mem>>) src(%dma_wait3A_591 : memref<10000x128xf32, #tpu.memory_space<hbm>>) dst(%dma_wait3A_585 : memref<16x128xf32, #tpu.memory_space<vmem>>)
      %lt3A_592 = arith.constant 124 : i32
      %lt3A_593 = arith.cmpi slt, %scan3A_343, %lt3A_592 : i32
      %convert_element_type3A_594 = arith.extui %lt3A_593 : i1 to i32
      %cond3A_595 = arith.constant 0 : i32
      %cond3A_596 = arith.cmpi ne, %convert_element_type3A_594, %cond3A_595 : i32
      scf.if %cond3A_596 {
        %add3A_675 = arith.constant 1 : i32
        %add3A_676 = arith.addi %add3A_543, %add3A_675 : i32
        %mul3A_677 = arith.constant 40 : i32
        %mul3A_678 = arith.muli %add3A_676, %mul3A_677 : i32
        %add3A_679 = arith.addi %mul3A_2, %mul3A_678 : i32
        %dma_wait3A_680 = arith.constant 0 : i32
        %dma_wait3A_681 = arith.constant 0 : i32
        %dma_wait3A_682 = tpu.memref_slice %arg8[%dma_wait3A_680, %dma_wait3A_681] : memref<2x40xi32, #tpu.memory_space<vmem>> -> memref<1x40xi32, #tpu.memory_space<vmem>>
        %dma_wait3A_683 = tpu.memref_squeeze %dma_wait3A_682 : memref<1x40xi32, #tpu.memory_space<vmem>> -> memref<40xi32, #tpu.memory_space<vmem>>
        %dma_wait3A_684 = tpu.memref_slice %arg4[%add3A_679] : memref<320000xi32, #tpu.memory_space<hbm>> -> memref<40xi32, #tpu.memory_space<hbm>>
        %dma_wait3A_685 = arith.constant 0 : i32
        %dma_wait3A_686 = tpu.memref_slice %arg8[%dma_wait3A_680, %dma_wait3A_685] : memref<2x40xi32, #tpu.memory_space<vmem>> -> memref<1x40xi32, #tpu.memory_space<vmem>>
        %dma_wait3A_687 = tpu.memref_squeeze %dma_wait3A_686 : memref<1x40xi32, #tpu.memory_space<vmem>> -> memref<40xi32, #tpu.memory_space<vmem>>
        %dma_wait3A_688 = tpu.memref_slice %arg4[%add3A_679] : memref<320000xi32, #tpu.memory_space<hbm>> -> memref<40xi32, #tpu.memory_space<hbm>>
        tpu.wait_dma2 semaphore(%arg30 : memref<!tpu.dma_semaphore, #tpu.memory_space<semaphore_mem>>) src(%dma_wait3A_688 : memref<40xi32, #tpu.memory_space<hbm>>) dst(%dma_wait3A_687 : memref<40xi32, #tpu.memory_space<vmem>>)
        %dma_wait3A_689 = arith.constant 0 : i32
        %dma_wait3A_690 = arith.constant 0 : i32
        %dma_wait3A_691 = tpu.memref_slice %arg9[%dma_wait3A_689, %dma_wait3A_690] : memref<2x40xi32, #tpu.memory_space<vmem>> -> memref<1x40xi32, #tpu.memory_space<vmem>>
        %dma_wait3A_692 = tpu.memref_squeeze %dma_wait3A_691 : memref<1x40xi32, #tpu.memory_space<vmem>> -> memref<40xi32, #tpu.memory_space<vmem>>
        %dma_wait3A_693 = tpu.memref_slice %arg5[%add3A_679] : memref<320000xi32, #tpu.memory_space<hbm>> -> memref<40xi32, #tpu.memory_space<hbm>>
        %dma_wait3A_694 = arith.constant 0 : i32
        %dma_wait3A_695 = tpu.memref_slice %arg9[%dma_wait3A_689, %dma_wait3A_694] : memref<2x40xi32, #tpu.memory_space<vmem>> -> memref<1x40xi32, #tpu.memory_space<vmem>>
        %dma_wait3A_696 = tpu.memref_squeeze %dma_wait3A_695 : memref<1x40xi32, #tpu.memory_space<vmem>> -> memref<40xi32, #tpu.memory_space<vmem>>
        %dma_wait3A_697 = tpu.memref_slice %arg5[%add3A_679] : memref<320000xi32, #tpu.memory_space<hbm>> -> memref<40xi32, #tpu.memory_space<hbm>>
        tpu.wait_dma2 semaphore(%arg30 : memref<!tpu.dma_semaphore, #tpu.memory_space<semaphore_mem>>) src(%dma_wait3A_697 : memref<40xi32, #tpu.memory_space<hbm>>) dst(%dma_wait3A_696 : memref<40xi32, #tpu.memory_space<vmem>>)
        %dma_start3A_698 = arith.constant 0 : i32
        %dma_start3A_699 = arith.constant 0 : i32
        %dma_start3A_700 = arith.constant 0 : i32
        %dma_start3A_701 = arith.constant 0 : i32
        %dma_start3A_702 = tpu.memref_slice %arg11[%dma_start3A_699, %dma_start3A_700, %dma_start3A_701] : memref<2x40x128xf32, #tpu.memory_space<vmem>> -> memref<1x24x128xf32, #tpu.memory_space<vmem>>
        %dma_start3A_703 = tpu.memref_squeeze %dma_start3A_702 : memref<1x24x128xf32, #tpu.memory_space<vmem>> -> memref<24x128xf32, #tpu.memory_space<vmem>>
        %dma_start3A_704 = arith.constant 0 : i32
        %dma_start3A_705 = tpu.memref_slice %arg8[%dma_start3A_698, %dma_start3A_704] : memref<2x40xi32, #tpu.memory_space<vmem>> -> memref<1x24xi32, #tpu.memory_space<vmem>>
        %dma_start3A_706 = tpu.memref_squeeze %dma_start3A_705 : memref<1x24xi32, #tpu.memory_space<vmem>> -> memref<24xi32, #tpu.memory_space<vmem>>
        %dma_start3A_707 = arith.constant 0 : i32
        %dma_start3A_708 = arith.constant 0 : i32
        %dma_start3A_709 = tpu.memref_slice %arg2[%dma_start3A_707, %dma_start3A_708] : memref<10000x128xf32, #tpu.memory_space<hbm>> -> memref<10000x128xf32, #tpu.memory_space<hbm>>
        tpu.enqueue_indirect_dma source(%dma_start3A_709 : memref<10000x128xf32, #tpu.memory_space<hbm>>) target(%dma_start3A_703 : memref<24x128xf32, #tpu.memory_space<vmem>>) offsets(%dma_start3A_706 : memref<24xi32, #tpu.memory_space<vmem>>) semaphore(%arg20 : memref<!tpu.dma_semaphore, #tpu.memory_space<semaphore_mem>>)
        %dma_start3A_710 = arith.constant 0 : i32
        %dma_start3A_711 = arith.constant 0 : i32
        %dma_start3A_712 = arith.constant 0 : i32
        %dma_start3A_713 = arith.constant 0 : i32
        %dma_start3A_714 = tpu.memref_slice %arg12[%dma_start3A_711, %dma_start3A_712, %dma_start3A_713] : memref<2x40x128xf32, #tpu.memory_space<vmem>> -> memref<1x24x128xf32, #tpu.memory_space<vmem>>
        %dma_start3A_715 = tpu.memref_squeeze %dma_start3A_714 : memref<1x24x128xf32, #tpu.memory_space<vmem>> -> memref<24x128xf32, #tpu.memory_space<vmem>>
        %dma_start3A_716 = arith.constant 0 : i32
        %dma_start3A_717 = tpu.memref_slice %arg9[%dma_start3A_710, %dma_start3A_716] : memref<2x40xi32, #tpu.memory_space<vmem>> -> memref<1x24xi32, #tpu.memory_space<vmem>>
        %dma_start3A_718 = tpu.memref_squeeze %dma_start3A_717 : memref<1x24xi32, #tpu.memory_space<vmem>> -> memref<24xi32, #tpu.memory_space<vmem>>
        %dma_start3A_719 = arith.constant 0 : i32
        %dma_start3A_720 = arith.constant 0 : i32
        %dma_start3A_721 = tpu.memref_slice %arg3[%dma_start3A_719, %dma_start3A_720] : memref<10000x128xf32, #tpu.memory_space<hbm>> -> memref<10000x128xf32, #tpu.memory_space<hbm>>
        tpu.enqueue_indirect_dma source(%dma_start3A_721 : memref<10000x128xf32, #tpu.memory_space<hbm>>) target(%dma_start3A_715 : memref<24x128xf32, #tpu.memory_space<vmem>>) offsets(%dma_start3A_718 : memref<24xi32, #tpu.memory_space<vmem>>) semaphore(%arg22 : memref<!tpu.dma_semaphore, #tpu.memory_space<semaphore_mem>>)
        %dma_start3A_722 = arith.constant 0 : i32
        %dma_start3A_723 = arith.constant 0 : i32
        %dma_start3A_724 = arith.constant 24 : i32
        %dma_start3A_725 = arith.constant 0 : i32
        %dma_start3A_726 = tpu.memref_slice %arg11[%dma_start3A_723, %dma_start3A_724, %dma_start3A_725] : memref<2x40x128xf32, #tpu.memory_space<vmem>> -> memref<1x16x128xf32, #tpu.memory_space<vmem>>
        %dma_start3A_727 = tpu.memref_squeeze %dma_start3A_726 : memref<1x16x128xf32, #tpu.memory_space<vmem>> -> memref<16x128xf32, #tpu.memory_space<vmem>>
        %dma_start3A_728 = arith.constant 24 : i32
        %dma_start3A_729 = tpu.memref_slice %arg8[%dma_start3A_722, %dma_start3A_728] : memref<2x40xi32, #tpu.memory_space<vmem>> -> memref<1x16xi32, #tpu.memory_space<vmem>>
        %dma_start3A_730 = tpu.memref_squeeze %dma_start3A_729 : memref<1x16xi32, #tpu.memory_space<vmem>> -> memref<16xi32, #tpu.memory_space<vmem>>
        %dma_start3A_731 = arith.constant 0 : i32
        %dma_start3A_732 = arith.constant 0 : i32
        %dma_start3A_733 = tpu.memref_slice %arg2[%dma_start3A_731, %dma_start3A_732] : memref<10000x128xf32, #tpu.memory_space<hbm>> -> memref<10000x128xf32, #tpu.memory_space<hbm>>
        tpu.enqueue_indirect_dma source(%dma_start3A_733 : memref<10000x128xf32, #tpu.memory_space<hbm>>) target(%dma_start3A_727 : memref<16x128xf32, #tpu.memory_space<vmem>>) offsets(%dma_start3A_730 : memref<16xi32, #tpu.memory_space<vmem>>) semaphore(%arg21 : memref<!tpu.dma_semaphore, #tpu.memory_space<semaphore_mem>>)
        %dma_start3A_734 = arith.constant 0 : i32
        %dma_start3A_735 = arith.constant 0 : i32
        %dma_start3A_736 = arith.constant 24 : i32
        %dma_start3A_737 = arith.constant 0 : i32
        %dma_start3A_738 = tpu.memref_slice %arg12[%dma_start3A_735, %dma_start3A_736, %dma_start3A_737] : memref<2x40x128xf32, #tpu.memory_space<vmem>> -> memref<1x16x128xf32, #tpu.memory_space<vmem>>
        %dma_start3A_739 = tpu.memref_squeeze %dma_start3A_738 : memref<1x16x128xf32, #tpu.memory_space<vmem>> -> memref<16x128xf32, #tpu.memory_space<vmem>>
        %dma_start3A_740 = arith.constant 24 : i32
        %dma_start3A_741 = tpu.memref_slice %arg9[%dma_start3A_734, %dma_start3A_740] : memref<2x40xi32, #tpu.memory_space<vmem>> -> memref<1x16xi32, #tpu.memory_space<vmem>>
        %dma_start3A_742 = tpu.memref_squeeze %dma_start3A_741 : memref<1x16xi32, #tpu.memory_space<vmem>> -> memref<16xi32, #tpu.memory_space<vmem>>
        %dma_start3A_743 = arith.constant 0 : i32
        %dma_start3A_744 = arith.constant 0 : i32
        %dma_start3A_745 = tpu.memref_slice %arg3[%dma_start3A_743, %dma_start3A_744] : memref<10000x128xf32, #tpu.memory_space<hbm>> -> memref<10000x128xf32, #tpu.memory_space<hbm>>
        tpu.enqueue_indirect_dma source(%dma_start3A_745 : memref<10000x128xf32, #tpu.memory_space<hbm>>) target(%dma_start3A_739 : memref<16x128xf32, #tpu.memory_space<vmem>>) offsets(%dma_start3A_742 : memref<16xi32, #tpu.memory_space<vmem>>) semaphore(%arg23 : memref<!tpu.dma_semaphore, #tpu.memory_space<semaphore_mem>>)
      } else {
      }
      %gt3A_597 = arith.constant 0 : i32
      %gt3A_598 = arith.cmpi sgt, %scan3A_343, %gt3A_597 : i32
      %convert_element_type3A_599 = arith.extui %gt3A_598 : i1 to i32
      %cond3A_600 = arith.constant 0 : i32
      %cond3A_601 = arith.cmpi ne, %convert_element_type3A_599, %cond3A_600 : i32
      scf.if %cond3A_601 {
        %dma_wait3A_675 = arith.constant 1 : i32
        %dma_wait3A_676 = arith.constant 1 : i32
        %dma_wait3A_677 = arith.constant 0 : i32
        %dma_wait3A_678 = arith.constant 0 : i32
        %dma_wait3A_679 = tpu.memref_slice %arg13[%dma_wait3A_675, %dma_wait3A_677, %dma_wait3A_678] : memref<2x40x128xf32, #tpu.memory_space<vmem>> -> memref<1x40x128xf32, #tpu.memory_space<vmem>>
        %dma_wait3A_680 = tpu.memref_squeeze %dma_wait3A_679 : memref<1x40x128xf32, #tpu.memory_space<vmem>> -> memref<40x128xf32, #tpu.memory_space<vmem>>
        %dma_wait3A_681 = arith.constant 0 : i32
        %dma_wait3A_682 = tpu.memref_slice %arg10[%dma_wait3A_676, %dma_wait3A_681] : memref<2x40xi32, #tpu.memory_space<vmem>> -> memref<1x40xi32, #tpu.memory_space<vmem>>
        %dma_wait3A_683 = tpu.memref_squeeze %dma_wait3A_682 : memref<1x40xi32, #tpu.memory_space<vmem>> -> memref<40xi32, #tpu.memory_space<vmem>>
        %dma_wait3A_684 = arith.constant 0 : i32
        %dma_wait3A_685 = arith.constant 0 : i32
        %dma_wait3A_686 = tpu.memref_slice %arg18[%dma_wait3A_684, %dma_wait3A_685] : memref<10240x128xf32, #tpu.memory_space<vmem_shared>> -> memref<10240x128xf32, #tpu.memory_space<vmem_shared>>
        tpu.wait_indirect_dma semaphore(%arg29 : memref<!tpu.dma_semaphore, #tpu.memory_space<semaphore_mem>>) src(%dma_wait3A_680 : memref<40x128xf32, #tpu.memory_space<vmem>>) dst(%dma_wait3A_686 : memref<10240x128xf32, #tpu.memory_space<vmem_shared>>)
      } else {
      }
      %scan3A_602 = arith.constant 0 : i32
      %scan3A_603 = arith.constant 40 : i32
      %scan3A_604 = arith.addi %scan3A_602, %scan3A_603 : i32
      %scan3A_605 = arith.constant 4 : i32
      scf.for %scan3A_675 = %scan3A_602 to %scan3A_604 step %scan3A_605  : i32 {
        %get3A_676 = arith.constant 1 : i32
        %get3A_677 = arith.index_cast %get3A_676 : i32 to index
        %get3A_678 = arith.index_cast %scan3A_675 : i32 to index
        %get3A_679 = arith.constant 0 : index
        %get3A_680 = tpu.vector_load %arg11[%get3A_677, %get3A_678, %get3A_679] {strides = array<i32>} : memref<2x40x128xf32, #tpu.memory_space<vmem>>, vector<16xf32>,
        %get3A_681 = arith.constant 1 : i32
        %get3A_682 = arith.index_cast %get3A_681 : i32 to index
        %get3A_683 = arith.index_cast %scan3A_675 : i32 to index
        %get3A_684 = arith.constant 0 : index
        %get3A_685 = tpu.vector_load %arg12[%get3A_682, %get3A_683, %get3A_684] {strides = array<i32>} : memref<2x40x128xf32, #tpu.memory_space<vmem>>, vector<16xf32>,
        %mul3A_686 = arith.mulf %get3A_680, %get3A_685 : vector<16xf32>
        %get3A_687 = arith.constant 1 : i32
        %get3A_688 = arith.index_cast %get3A_687 : i32 to index
        %get3A_689 = arith.index_cast %scan3A_675 : i32 to index
        %get3A_690 = arith.constant 16 : index
        %get3A_691 = tpu.vector_load %arg11[%get3A_688, %get3A_689, %get3A_690] {strides = array<i32>} : memref<2x40x128xf32, #tpu.memory_space<vmem>>, vector<16xf32>,
        %get3A_692 = arith.constant 1 : i32
        %get3A_693 = arith.index_cast %get3A_692 : i32 to index
        %get3A_694 = arith.index_cast %scan3A_675 : i32 to index
        %get3A_695 = arith.constant 16 : index
        %get3A_696 = tpu.vector_load %arg12[%get3A_693, %get3A_694, %get3A_695] {strides = array<i32>} : memref<2x40x128xf32, #tpu.memory_space<vmem>>, vector<16xf32>,
        %mul3A_697 = arith.mulf %get3A_691, %get3A_696 : vector<16xf32>
        %add3A_698 = arith.addf %mul3A_686, %mul3A_697 : vector<16xf32>
        %get3A_699 = arith.constant 1 : i32
        %get3A_700 = arith.index_cast %get3A_699 : i32 to index
        %get3A_701 = arith.index_cast %scan3A_675 : i32 to index
        %get3A_702 = arith.constant 32 : index
        %get3A_703 = tpu.vector_load %arg11[%get3A_700, %get3A_701, %get3A_702] {strides = array<i32>} : memref<2x40x128xf32, #tpu.memory_space<vmem>>, vector<16xf32>,
        %get3A_704 = arith.constant 1 : i32
        %get3A_705 = arith.index_cast %get3A_704 : i32 to index
        %get3A_706 = arith.index_cast %scan3A_675 : i32 to index
        %get3A_707 = arith.constant 32 : index
        %get3A_708 = tpu.vector_load %arg12[%get3A_705, %get3A_706, %get3A_707] {strides = array<i32>} : memref<2x40x128xf32, #tpu.memory_space<vmem>>, vector<16xf32>,
        %mul3A_709 = arith.mulf %get3A_703, %get3A_708 : vector<16xf32>
        %add3A_710 = arith.addf %add3A_698, %mul3A_709 : vector<16xf32>
        %get3A_711 = arith.constant 1 : i32
        %get3A_712 = arith.index_cast %get3A_711 : i32 to index
        %get3A_713 = arith.index_cast %scan3A_675 : i32 to index
        %get3A_714 = arith.constant 48 : index
        %get3A_715 = tpu.vector_load %arg11[%get3A_712, %get3A_713, %get3A_714] {strides = array<i32>} : memref<2x40x128xf32, #tpu.memory_space<vmem>>, vector<16xf32>,
        %get3A_716 = arith.constant 1 : i32
        %get3A_717 = arith.index_cast %get3A_716 : i32 to index
        %get3A_718 = arith.index_cast %scan3A_675 : i32 to index
        %get3A_719 = arith.constant 48 : index
        %get3A_720 = tpu.vector_load %arg12[%get3A_717, %get3A_718, %get3A_719] {strides = array<i32>} : memref<2x40x128xf32, #tpu.memory_space<vmem>>, vector<16xf32>,
        %mul3A_721 = arith.mulf %get3A_715, %get3A_720 : vector<16xf32>
        %add3A_722 = arith.addf %add3A_710, %mul3A_721 : vector<16xf32>
        %get3A_723 = arith.constant 1 : i32
        %get3A_724 = arith.index_cast %get3A_723 : i32 to index
        %get3A_725 = arith.index_cast %scan3A_675 : i32 to index
        %get3A_726 = arith.constant 64 : index
        %get3A_727 = tpu.vector_load %arg11[%get3A_724, %get3A_725, %get3A_726] {strides = array<i32>} : memref<2x40x128xf32, #tpu.memory_space<vmem>>, vector<16xf32>,
        %get3A_728 = arith.constant 1 : i32
        %get3A_729 = arith.index_cast %get3A_728 : i32 to index
        %get3A_730 = arith.index_cast %scan3A_675 : i32 to index
        %get3A_731 = arith.constant 64 : index
        %get3A_732 = tpu.vector_load %arg12[%get3A_729, %get3A_730, %get3A_731] {strides = array<i32>} : memref<2x40x128xf32, #tpu.memory_space<vmem>>, vector<16xf32>,
        %mul3A_733 = arith.mulf %get3A_727, %get3A_732 : vector<16xf32>
        %add3A_734 = arith.addf %add3A_722, %mul3A_733 : vector<16xf32>
        %get3A_735 = arith.constant 1 : i32
        %get3A_736 = arith.index_cast %get3A_735 : i32 to index
        %get3A_737 = arith.index_cast %scan3A_675 : i32 to index
        %get3A_738 = arith.constant 80 : index
        %get3A_739 = tpu.vector_load %arg11[%get3A_736, %get3A_737, %get3A_738] {strides = array<i32>} : memref<2x40x128xf32, #tpu.memory_space<vmem>>, vector<16xf32>,
        %get3A_740 = arith.constant 1 : i32
        %get3A_741 = arith.index_cast %get3A_740 : i32 to index
        %get3A_742 = arith.index_cast %scan3A_675 : i32 to index
        %get3A_743 = arith.constant 80 : index
        %get3A_744 = tpu.vector_load %arg12[%get3A_741, %get3A_742, %get3A_743] {strides = array<i32>} : memref<2x40x128xf32, #tpu.memory_space<vmem>>, vector<16xf32>,
        %mul3A_745 = arith.mulf %get3A_739, %get3A_744 : vector<16xf32>
        %add3A_746 = arith.addf %add3A_734, %mul3A_745 : vector<16xf32>
        %get3A_747 = arith.constant 1 : i32
        %get3A_748 = arith.index_cast %get3A_747 : i32 to index
        %get3A_749 = arith.index_cast %scan3A_675 : i32 to index
        %get3A_750 = arith.constant 96 : index
        %get3A_751 = tpu.vector_load %arg11[%get3A_748, %get3A_749, %get3A_750] {strides = array<i32>} : memref<2x40x128xf32, #tpu.memory_space<vmem>>, vector<16xf32>,
        %get3A_752 = arith.constant 1 : i32
        %get3A_753 = arith.index_cast %get3A_752 : i32 to index
        %get3A_754 = arith.index_cast %scan3A_675 : i32 to index
        %get3A_755 = arith.constant 96 : index
        %get3A_756 = tpu.vector_load %arg12[%get3A_753, %get3A_754, %get3A_755] {strides = array<i32>} : memref<2x40x128xf32, #tpu.memory_space<vmem>>, vector<16xf32>,
        %mul3A_757 = arith.mulf %get3A_751, %get3A_756 : vector<16xf32>
        %add3A_758 = arith.addf %add3A_746, %mul3A_757 : vector<16xf32>
        %get3A_759 = arith.constant 1 : i32
        %get3A_760 = arith.index_cast %get3A_759 : i32 to index
        %get3A_761 = arith.index_cast %scan3A_675 : i32 to index
        %get3A_762 = arith.constant 112 : index
        %get3A_763 = tpu.vector_load %arg11[%get3A_760, %get3A_761, %get3A_762] {strides = array<i32>} : memref<2x40x128xf32, #tpu.memory_space<vmem>>, vector<16xf32>,
        %get3A_764 = arith.constant 1 : i32
        %get3A_765 = arith.index_cast %get3A_764 : i32 to index
        %get3A_766 = arith.index_cast %scan3A_675 : i32 to index
        %get3A_767 = arith.constant 112 : index
        %get3A_768 = tpu.vector_load %arg12[%get3A_765, %get3A_766, %get3A_767] {strides = array<i32>} : memref<2x40x128xf32, #tpu.memory_space<vmem>>, vector<16xf32>,
        %mul3A_769 = arith.mulf %get3A_763, %get3A_768 : vector<16xf32>
        %add3A_770 = arith.addf %add3A_758, %mul3A_769 : vector<16xf32>
        %xor3A = arith.constant 1 : i32
        %xor3A_771 = vector.broadcast %xor3A : i32 to vector<16xi32>
        %xor3A_772 = arith.xori %iota3A, %xor3A_771 : vector<16xi32>
        %broadcast_in_dim3A = vector.shape_cast %xor3A_772 : vector<16xi32> to vector<16x1xi32>
        %gather3A = vector.shape_cast %broadcast_in_dim3A : vector<16x1xi32> to vector<16xi32>
        %gather3A_773 = tpu.dynamic_gather %add3A_770[%gather3A] in [0] : vector<16xf32>, vector<16xi32> -> vector<16xf32>
        %add3A_774 = arith.addf %add3A_770, %gather3A_773 : vector<16xf32>
        %xor3A_775 = arith.constant 2 : i32
        %xor3A_776 = vector.broadcast %xor3A_775 : i32 to vector<16xi32>
        %xor3A_777 = arith.xori %iota3A, %xor3A_776 : vector<16xi32>
        %broadcast_in_dim3A_778 = vector.shape_cast %xor3A_777 : vector<16xi32> to vector<16x1xi32>
        %gather3A_779 = vector.shape_cast %broadcast_in_dim3A_778 : vector<16x1xi32> to vector<16xi32>
        %gather3A_780 = tpu.dynamic_gather %add3A_774[%gather3A_779] in [0] : vector<16xf32>, vector<16xi32> -> vector<16xf32>
        %add3A_781 = arith.addf %add3A_774, %gather3A_780 : vector<16xf32>
        %xor3A_782 = arith.constant 4 : i32
        %xor3A_783 = vector.broadcast %xor3A_782 : i32 to vector<16xi32>
        %xor3A_784 = arith.xori %iota3A, %xor3A_783 : vector<16xi32>
        %broadcast_in_dim3A_785 = vector.shape_cast %xor3A_784 : vector<16xi32> to vector<16x1xi32>
        %gather3A_786 = vector.shape_cast %broadcast_in_dim3A_785 : vector<16x1xi32> to vector<16xi32>
        %gather3A_787 = tpu.dynamic_gather %add3A_781[%gather3A_786] in [0] : vector<16xf32>, vector<16xi32> -> vector<16xf32>
        %add3A_788 = arith.addf %add3A_781, %gather3A_787 : vector<16xf32>
        %xor3A_789 = arith.constant 8 : i32
        %xor3A_790 = vector.broadcast %xor3A_789 : i32 to vector<16xi32>
        %xor3A_791 = arith.xori %iota3A, %xor3A_790 : vector<16xi32>
        %broadcast_in_dim3A_792 = vector.shape_cast %xor3A_791 : vector<16xi32> to vector<16x1xi32>
        %gather3A_793 = vector.shape_cast %broadcast_in_dim3A_792 : vector<16x1xi32> to vector<16xi32>
        %gather3A_794 = tpu.dynamic_gather %add3A_788[%gather3A_793] in [0] : vector<16xf32>, vector<16xi32> -> vector<16xf32>
        %add3A_795 = arith.addf %add3A_788, %gather3A_794 : vector<16xf32>
        %mul3A_796 = arith.constant 7.812500e-03 : f32
        %mul3A_797 = vector.broadcast %mul3A_796 : f32 to vector<16xf32>
        %mul3A_798 = arith.mulf %add3A_795, %mul3A_797 : vector<16xf32>
        %exp3A = math.exp %mul3A_798 : vector<16xf32>
        %mul3A_799 = arith.mulf %get3A_685, %exp3A : vector<16xf32>
        %swap3A_800 = arith.constant 1 : i32
        %swap3A_801 = arith.index_cast %swap3A_800 : i32 to index
        %swap3A_802 = arith.index_cast %scan3A_675 : i32 to index
        %swap3A_803 = arith.constant 0 : index
        %swap3A_804 = tpu.vector_load %arg13[%swap3A_801, %swap3A_802, %swap3A_803] {strides = array<i32>} : memref<2x40x128xf32, #tpu.memory_space<vmem>>, vector<16xf32>,
        tpu.vector_store %arg13[%swap3A_801, %swap3A_802, %swap3A_803], %mul3A_799 {strides = array<i32>} : memref<2x40x128xf32, #tpu.memory_space<vmem>>, vector<16xf32>,
        %mul3A_805 = arith.mulf %get3A_696, %exp3A : vector<16xf32>
        %swap3A_806 = arith.constant 1 : i32
        %swap3A_807 = arith.index_cast %swap3A_806 : i32 to index
        %swap3A_808 = arith.index_cast %scan3A_675 : i32 to index
        %swap3A_809 = arith.constant 16 : index
        %swap3A_810 = tpu.vector_load %arg13[%swap3A_807, %swap3A_808, %swap3A_809] {strides = array<i32>} : memref<2x40x128xf32, #tpu.memory_space<vmem>>, vector<16xf32>,
        tpu.vector_store %arg13[%swap3A_807, %swap3A_808, %swap3A_809], %mul3A_805 {strides = array<i32>} : memref<2x40x128xf32, #tpu.memory_space<vmem>>, vector<16xf32>,
        %mul3A_811 = arith.mulf %get3A_708, %exp3A : vector<16xf32>
        %swap3A_812 = arith.constant 1 : i32
        %swap3A_813 = arith.index_cast %swap3A_812 : i32 to index
        %swap3A_814 = arith.index_cast %scan3A_675 : i32 to index
        %swap3A_815 = arith.constant 32 : index
        %swap3A_816 = tpu.vector_load %arg13[%swap3A_813, %swap3A_814, %swap3A_815] {strides = array<i32>} : memref<2x40x128xf32, #tpu.memory_space<vmem>>, vector<16xf32>,
        tpu.vector_store %arg13[%swap3A_813, %swap3A_814, %swap3A_815], %mul3A_811 {strides = array<i32>} : memref<2x40x128xf32, #tpu.memory_space<vmem>>, vector<16xf32>,
        %mul3A_817 = arith.mulf %get3A_720, %exp3A : vector<16xf32>
        %swap3A_818 = arith.constant 1 : i32
        %swap3A_819 = arith.index_cast %swap3A_818 : i32 to index
        %swap3A_820 = arith.index_cast %scan3A_675 : i32 to index
        %swap3A_821 = arith.constant 48 : index
        %swap3A_822 = tpu.vector_load %arg13[%swap3A_819, %swap3A_820, %swap3A_821] {strides = array<i32>} : memref<2x40x128xf32, #tpu.memory_space<vmem>>, vector<16xf32>,
        tpu.vector_store %arg13[%swap3A_819, %swap3A_820, %swap3A_821], %mul3A_817 {strides = array<i32>} : memref<2x40x128xf32, #tpu.memory_space<vmem>>, vector<16xf32>,
        %mul3A_823 = arith.mulf %get3A_732, %exp3A : vector<16xf32>
        %swap3A_824 = arith.constant 1 : i32
        %swap3A_825 = arith.index_cast %swap3A_824 : i32 to index
        %swap3A_826 = arith.index_cast %scan3A_675 : i32 to index
        %swap3A_827 = arith.constant 64 : index
        %swap3A_828 = tpu.vector_load %arg13[%swap3A_825, %swap3A_826, %swap3A_827] {strides = array<i32>} : memref<2x40x128xf32, #tpu.memory_space<vmem>>, vector<16xf32>,
        tpu.vector_store %arg13[%swap3A_825, %swap3A_826, %swap3A_827], %mul3A_823 {strides = array<i32>} : memref<2x40x128xf32, #tpu.memory_space<vmem>>, vector<16xf32>,
        %mul3A_829 = arith.mulf %get3A_744, %exp3A : vector<16xf32>
        %swap3A_830 = arith.constant 1 : i32
        %swap3A_831 = arith.index_cast %swap3A_830 : i32 to index
        %swap3A_832 = arith.index_cast %scan3A_675 : i32 to index
        %swap3A_833 = arith.constant 80 : index
        %swap3A_834 = tpu.vector_load %arg13[%swap3A_831, %swap3A_832, %swap3A_833] {strides = array<i32>} : memref<2x40x128xf32, #tpu.memory_space<vmem>>, vector<16xf32>,
        tpu.vector_store %arg13[%swap3A_831, %swap3A_832, %swap3A_833], %mul3A_829 {strides = array<i32>} : memref<2x40x128xf32, #tpu.memory_space<vmem>>, vector<16xf32>,
        %mul3A_835 = arith.mulf %get3A_756, %exp3A : vector<16xf32>
        %swap3A_836 = arith.constant 1 : i32
        %swap3A_837 = arith.index_cast %swap3A_836 : i32 to index
        %swap3A_838 = arith.index_cast %scan3A_675 : i32 to index
        %swap3A_839 = arith.constant 96 : index
        %swap3A_840 = tpu.vector_load %arg13[%swap3A_837, %swap3A_838, %swap3A_839] {strides = array<i32>} : memref<2x40x128xf32, #tpu.memory_space<vmem>>, vector<16xf32>,
        tpu.vector_store %arg13[%swap3A_837, %swap3A_838, %swap3A_839], %mul3A_835 {strides = array<i32>} : memref<2x40x128xf32, #tpu.memory_space<vmem>>, vector<16xf32>,
        %mul3A_841 = arith.mulf %get3A_768, %exp3A : vector<16xf32>
        %swap3A_842 = arith.constant 1 : i32
        %swap3A_843 = arith.index_cast %swap3A_842 : i32 to index
        %swap3A_844 = arith.index_cast %scan3A_675 : i32 to index
        %swap3A_845 = arith.constant 112 : index
        %swap3A_846 = tpu.vector_load %arg13[%swap3A_843, %swap3A_844, %swap3A_845] {strides = array<i32>} : memref<2x40x128xf32, #tpu.memory_space<vmem>>, vector<16xf32>,
        tpu.vector_store %arg13[%swap3A_843, %swap3A_844, %swap3A_845], %mul3A_841 {strides = array<i32>} : memref<2x40x128xf32, #tpu.memory_space<vmem>>, vector<16xf32>,
        %broadcast_in_dim3A_847 = vector.broadcast %scan3A_675 : i32 to vector<16xi32>
        %eq3A = arith.constant 0 : i32
        %eq3A_848 = vector.broadcast %eq3A : i32 to vector<16xi32>
        %eq3A_849 = arith.cmpi eq, %iota3A, %eq3A_848 : vector<16xi32>
        tpu.vector_store_idx %arg15[%broadcast_in_dim3A_847], %exp3A masked %eq3A_849 : memref<40xf32, #tpu.memory_space<vmem>>[vector<16xi32>], vector<16xf32>, vector<16xi1>
        %scan3A_850 = arith.constant 1 : i32
        %scan3A_851 = arith.addi %scan3A_675, %scan3A_850 : i32
        %get3A_852 = arith.constant 1 : i32
        %get3A_853 = arith.index_cast %get3A_852 : i32 to index
        %get3A_854 = arith.index_cast %scan3A_851 : i32 to index
        %get3A_855 = arith.constant 0 : index
        %get3A_856 = tpu.vector_load %arg11[%get3A_853, %get3A_854, %get3A_855] {strides = array<i32>} : memref<2x40x128xf32, #tpu.memory_space<vmem>>, vector<16xf32>,
        %get3A_857 = arith.constant 1 : i32
        %get3A_858 = arith.index_cast %get3A_857 : i32 to index
        %get3A_859 = arith.index_cast %scan3A_851 : i32 to index
        %get3A_860 = arith.constant 0 : index
        %get3A_861 = tpu.vector_load %arg12[%get3A_858, %get3A_859, %get3A_860] {strides = array<i32>} : memref<2x40x128xf32, #tpu.memory_space<vmem>>, vector<16xf32>,
        %mul3A_862 = arith.mulf %get3A_856, %get3A_861 : vector<16xf32>
        %get3A_863 = arith.constant 1 : i32
        %get3A_864 = arith.index_cast %get3A_863 : i32 to index
        %get3A_865 = arith.index_cast %scan3A_851 : i32 to index
        %get3A_866 = arith.constant 16 : index
        %get3A_867 = tpu.vector_load %arg11[%get3A_864, %get3A_865, %get3A_866] {strides = array<i32>} : memref<2x40x128xf32, #tpu.memory_space<vmem>>, vector<16xf32>,
        %get3A_868 = arith.constant 1 : i32
        %get3A_869 = arith.index_cast %get3A_868 : i32 to index
        %get3A_870 = arith.index_cast %scan3A_851 : i32 to index
        %get3A_871 = arith.constant 16 : index
        %get3A_872 = tpu.vector_load %arg12[%get3A_869, %get3A_870, %get3A_871] {strides = array<i32>} : memref<2x40x128xf32, #tpu.memory_space<vmem>>, vector<16xf32>,
        %mul3A_873 = arith.mulf %get3A_867, %get3A_872 : vector<16xf32>
        %add3A_874 = arith.addf %mul3A_862, %mul3A_873 : vector<16xf32>
        %get3A_875 = arith.constant 1 : i32
        %get3A_876 = arith.index_cast %get3A_875 : i32 to index
        %get3A_877 = arith.index_cast %scan3A_851 : i32 to index
        %get3A_878 = arith.constant 32 : index
        %get3A_879 = tpu.vector_load %arg11[%get3A_876, %get3A_877, %get3A_878] {strides = array<i32>} : memref<2x40x128xf32, #tpu.memory_space<vmem>>, vector<16xf32>,
        %get3A_880 = arith.constant 1 : i32
        %get3A_881 = arith.index_cast %get3A_880 : i32 to index
        %get3A_882 = arith.index_cast %scan3A_851 : i32 to index
        %get3A_883 = arith.constant 32 : index
        %get3A_884 = tpu.vector_load %arg12[%get3A_881, %get3A_882, %get3A_883] {strides = array<i32>} : memref<2x40x128xf32, #tpu.memory_space<vmem>>, vector<16xf32>,
        %mul3A_885 = arith.mulf %get3A_879, %get3A_884 : vector<16xf32>
        %add3A_886 = arith.addf %add3A_874, %mul3A_885 : vector<16xf32>
        %get3A_887 = arith.constant 1 : i32
        %get3A_888 = arith.index_cast %get3A_887 : i32 to index
        %get3A_889 = arith.index_cast %scan3A_851 : i32 to index
        %get3A_890 = arith.constant 48 : index
        %get3A_891 = tpu.vector_load %arg11[%get3A_888, %get3A_889, %get3A_890] {strides = array<i32>} : memref<2x40x128xf32, #tpu.memory_space<vmem>>, vector<16xf32>,
        %get3A_892 = arith.constant 1 : i32
        %get3A_893 = arith.index_cast %get3A_892 : i32 to index
        %get3A_894 = arith.index_cast %scan3A_851 : i32 to index
        %get3A_895 = arith.constant 48 : index
        %get3A_896 = tpu.vector_load %arg12[%get3A_893, %get3A_894, %get3A_895] {strides = array<i32>} : memref<2x40x128xf32, #tpu.memory_space<vmem>>, vector<16xf32>,
        %mul3A_897 = arith.mulf %get3A_891, %get3A_896 : vector<16xf32>
        %add3A_898 = arith.addf %add3A_886, %mul3A_897 : vector<16xf32>
        %get3A_899 = arith.constant 1 : i32
        %get3A_900 = arith.index_cast %get3A_899 : i32 to index
        %get3A_901 = arith.index_cast %scan3A_851 : i32 to index
        %get3A_902 = arith.constant 64 : index
        %get3A_903 = tpu.vector_load %arg11[%get3A_900, %get3A_901, %get3A_902] {strides = array<i32>} : memref<2x40x128xf32, #tpu.memory_space<vmem>>, vector<16xf32>,
        %get3A_904 = arith.constant 1 : i32
        %get3A_905 = arith.index_cast %get3A_904 : i32 to index
        %get3A_906 = arith.index_cast %scan3A_851 : i32 to index
        %get3A_907 = arith.constant 64 : index
        %get3A_908 = tpu.vector_load %arg12[%get3A_905, %get3A_906, %get3A_907] {strides = array<i32>} : memref<2x40x128xf32, #tpu.memory_space<vmem>>, vector<16xf32>,
        %mul3A_909 = arith.mulf %get3A_903, %get3A_908 : vector<16xf32>
        %add3A_910 = arith.addf %add3A_898, %mul3A_909 : vector<16xf32>
        %get3A_911 = arith.constant 1 : i32
        %get3A_912 = arith.index_cast %get3A_911 : i32 to index
        %get3A_913 = arith.index_cast %scan3A_851 : i32 to index
        %get3A_914 = arith.constant 80 : index
        %get3A_915 = tpu.vector_load %arg11[%get3A_912, %get3A_913, %get3A_914] {strides = array<i32>} : memref<2x40x128xf32, #tpu.memory_space<vmem>>, vector<16xf32>,
        %get3A_916 = arith.constant 1 : i32
        %get3A_917 = arith.index_cast %get3A_916 : i32 to index
        %get3A_918 = arith.index_cast %scan3A_851 : i32 to index
        %get3A_919 = arith.constant 80 : index
        %get3A_920 = tpu.vector_load %arg12[%get3A_917, %get3A_918, %get3A_919] {strides = array<i32>} : memref<2x40x128xf32, #tpu.memory_space<vmem>>, vector<16xf32>,
        %mul3A_921 = arith.mulf %get3A_915, %get3A_920 : vector<16xf32>
        %add3A_922 = arith.addf %add3A_910, %mul3A_921 : vector<16xf32>
        %get3A_923 = arith.constant 1 : i32
        %get3A_924 = arith.index_cast %get3A_923 : i32 to index
        %get3A_925 = arith.index_cast %scan3A_851 : i32 to index
        %get3A_926 = arith.constant 96 : index
        %get3A_927 = tpu.vector_load %arg11[%get3A_924, %get3A_925, %get3A_926] {strides = array<i32>} : memref<2x40x128xf32, #tpu.memory_space<vmem>>, vector<16xf32>,
        %get3A_928 = arith.constant 1 : i32
        %get3A_929 = arith.index_cast %get3A_928 : i32 to index
        %get3A_930 = arith.index_cast %scan3A_851 : i32 to index
        %get3A_931 = arith.constant 96 : index
        %get3A_932 = tpu.vector_load %arg12[%get3A_929, %get3A_930, %get3A_931] {strides = array<i32>} : memref<2x40x128xf32, #tpu.memory_space<vmem>>, vector<16xf32>,
        %mul3A_933 = arith.mulf %get3A_927, %get3A_932 : vector<16xf32>
        %add3A_934 = arith.addf %add3A_922, %mul3A_933 : vector<16xf32>
        %get3A_935 = arith.constant 1 : i32
        %get3A_936 = arith.index_cast %get3A_935 : i32 to index
        %get3A_937 = arith.index_cast %scan3A_851 : i32 to index
        %get3A_938 = arith.constant 112 : index
        %get3A_939 = tpu.vector_load %arg11[%get3A_936, %get3A_937, %get3A_938] {strides = array<i32>} : memref<2x40x128xf32, #tpu.memory_space<vmem>>, vector<16xf32>,
        %get3A_940 = arith.constant 1 : i32
        %get3A_941 = arith.index_cast %get3A_940 : i32 to index
        %get3A_942 = arith.index_cast %scan3A_851 : i32 to index
        %get3A_943 = arith.constant 112 : index
        %get3A_944 = tpu.vector_load %arg12[%get3A_941, %get3A_942, %get3A_943] {strides = array<i32>} : memref<2x40x128xf32, #tpu.memory_space<vmem>>, vector<16xf32>,
        %mul3A_945 = arith.mulf %get3A_939, %get3A_944 : vector<16xf32>
        %add3A_946 = arith.addf %add3A_934, %mul3A_945 : vector<16xf32>
        %xor3A_947 = arith.constant 1 : i32
        %xor3A_948 = vector.broadcast %xor3A_947 : i32 to vector<16xi32>
        %xor3A_949 = arith.xori %iota3A, %xor3A_948 : vector<16xi32>
        %broadcast_in_dim3A_950 = vector.shape_cast %xor3A_949 : vector<16xi32> to vector<16x1xi32>
        %gather3A_951 = vector.shape_cast %broadcast_in_dim3A_950 : vector<16x1xi32> to vector<16xi32>
        %gather3A_952 = tpu.dynamic_gather %add3A_946[%gather3A_951] in [0] : vector<16xf32>, vector<16xi32> -> vector<16xf32>
        %add3A_953 = arith.addf %add3A_946, %gather3A_952 : vector<16xf32>
        %xor3A_954 = arith.constant 2 : i32
        %xor3A_955 = vector.broadcast %xor3A_954 : i32 to vector<16xi32>
        %xor3A_956 = arith.xori %iota3A, %xor3A_955 : vector<16xi32>
        %broadcast_in_dim3A_957 = vector.shape_cast %xor3A_956 : vector<16xi32> to vector<16x1xi32>
        %gather3A_958 = vector.shape_cast %broadcast_in_dim3A_957 : vector<16x1xi32> to vector<16xi32>
        %gather3A_959 = tpu.dynamic_gather %add3A_953[%gather3A_958] in [0] : vector<16xf32>, vector<16xi32> -> vector<16xf32>
        %add3A_960 = arith.addf %add3A_953, %gather3A_959 : vector<16xf32>
        %xor3A_961 = arith.constant 4 : i32
        %xor3A_962 = vector.broadcast %xor3A_961 : i32 to vector<16xi32>
        %xor3A_963 = arith.xori %iota3A, %xor3A_962 : vector<16xi32>
        %broadcast_in_dim3A_964 = vector.shape_cast %xor3A_963 : vector<16xi32> to vector<16x1xi32>
        %gather3A_965 = vector.shape_cast %broadcast_in_dim3A_964 : vector<16x1xi32> to vector<16xi32>
        %gather3A_966 = tpu.dynamic_gather %add3A_960[%gather3A_965] in [0] : vector<16xf32>, vector<16xi32> -> vector<16xf32>
        %add3A_967 = arith.addf %add3A_960, %gather3A_966 : vector<16xf32>
        %xor3A_968 = arith.constant 8 : i32
        %xor3A_969 = vector.broadcast %xor3A_968 : i32 to vector<16xi32>
        %xor3A_970 = arith.xori %iota3A, %xor3A_969 : vector<16xi32>
        %broadcast_in_dim3A_971 = vector.shape_cast %xor3A_970 : vector<16xi32> to vector<16x1xi32>
        %gather3A_972 = vector.shape_cast %broadcast_in_dim3A_971 : vector<16x1xi32> to vector<16xi32>
        %gather3A_973 = tpu.dynamic_gather %add3A_967[%gather3A_972] in [0] : vector<16xf32>, vector<16xi32> -> vector<16xf32>
        %add3A_974 = arith.addf %add3A_967, %gather3A_973 : vector<16xf32>
        %mul3A_975 = arith.constant 7.812500e-03 : f32
        %mul3A_976 = vector.broadcast %mul3A_975 : f32 to vector<16xf32>
        %mul3A_977 = arith.mulf %add3A_974, %mul3A_976 : vector<16xf32>
        %exp3A_978 = math.exp %mul3A_977 : vector<16xf32>
        %mul3A_979 = arith.mulf %get3A_861, %exp3A_978 : vector<16xf32>
        %swap3A_980 = arith.constant 1 : i32
        %swap3A_981 = arith.index_cast %swap3A_980 : i32 to index
        %swap3A_982 = arith.index_cast %scan3A_851 : i32 to index
        %swap3A_983 = arith.constant 0 : index
        %swap3A_984 = tpu.vector_load %arg13[%swap3A_981, %swap3A_982, %swap3A_983] {strides = array<i32>} : memref<2x40x128xf32, #tpu.memory_space<vmem>>, vector<16xf32>,
        tpu.vector_store %arg13[%swap3A_981, %swap3A_982, %swap3A_983], %mul3A_979 {strides = array<i32>} : memref<2x40x128xf32, #tpu.memory_space<vmem>>, vector<16xf32>,
        %mul3A_985 = arith.mulf %get3A_872, %exp3A_978 : vector<16xf32>
        %swap3A_986 = arith.constant 1 : i32
        %swap3A_987 = arith.index_cast %swap3A_986 : i32 to index
        %swap3A_988 = arith.index_cast %scan3A_851 : i32 to index
        %swap3A_989 = arith.constant 16 : index
        %swap3A_990 = tpu.vector_load %arg13[%swap3A_987, %swap3A_988, %swap3A_989] {strides = array<i32>} : memref<2x40x128xf32, #tpu.memory_space<vmem>>, vector<16xf32>,
        tpu.vector_store %arg13[%swap3A_987, %swap3A_988, %swap3A_989], %mul3A_985 {strides = array<i32>} : memref<2x40x128xf32, #tpu.memory_space<vmem>>, vector<16xf32>,
        %mul3A_991 = arith.mulf %get3A_884, %exp3A_978 : vector<16xf32>
        %swap3A_992 = arith.constant 1 : i32
        %swap3A_993 = arith.index_cast %swap3A_992 : i32 to index
        %swap3A_994 = arith.index_cast %scan3A_851 : i32 to index
        %swap3A_995 = arith.constant 32 : index
        %swap3A_996 = tpu.vector_load %arg13[%swap3A_993, %swap3A_994, %swap3A_995] {strides = array<i32>} : memref<2x40x128xf32, #tpu.memory_space<vmem>>, vector<16xf32>,
        tpu.vector_store %arg13[%swap3A_993, %swap3A_994, %swap3A_995], %mul3A_991 {strides = array<i32>} : memref<2x40x128xf32, #tpu.memory_space<vmem>>, vector<16xf32>,
        %mul3A_997 = arith.mulf %get3A_896, %exp3A_978 : vector<16xf32>
        %swap3A_998 = arith.constant 1 : i32
        %swap3A_999 = arith.index_cast %swap3A_998 : i32 to index
        %swap3A_1000 = arith.index_cast %scan3A_851 : i32 to index
        %swap3A_1001 = arith.constant 48 : index
        %swap3A_1002 = tpu.vector_load %arg13[%swap3A_999, %swap3A_1000, %swap3A_1001] {strides = array<i32>} : memref<2x40x128xf32, #tpu.memory_space<vmem>>, vector<16xf32>,
        tpu.vector_store %arg13[%swap3A_999, %swap3A_1000, %swap3A_1001], %mul3A_997 {strides = array<i32>} : memref<2x40x128xf32, #tpu.memory_space<vmem>>, vector<16xf32>,
        %mul3A_1003 = arith.mulf %get3A_908, %exp3A_978 : vector<16xf32>
        %swap3A_1004 = arith.constant 1 : i32
        %swap3A_1005 = arith.index_cast %swap3A_1004 : i32 to index
        %swap3A_1006 = arith.index_cast %scan3A_851 : i32 to index
        %swap3A_1007 = arith.constant 64 : index
        %swap3A_1008 = tpu.vector_load %arg13[%swap3A_1005, %swap3A_1006, %swap3A_1007] {strides = array<i32>} : memref<2x40x128xf32, #tpu.memory_space<vmem>>, vector<16xf32>,
        tpu.vector_store %arg13[%swap3A_1005, %swap3A_1006, %swap3A_1007], %mul3A_1003 {strides = array<i32>} : memref<2x40x128xf32, #tpu.memory_space<vmem>>, vector<16xf32>,
        %mul3A_1009 = arith.mulf %get3A_920, %exp3A_978 : vector<16xf32>
        %swap3A_1010 = arith.constant 1 : i32
        %swap3A_1011 = arith.index_cast %swap3A_1010 : i32 to index
        %swap3A_1012 = arith.index_cast %scan3A_851 : i32 to index
        %swap3A_1013 = arith.constant 80 : index
        %swap3A_1014 = tpu.vector_load %arg13[%swap3A_1011, %swap3A_1012, %swap3A_1013] {strides = array<i32>} : memref<2x40x128xf32, #tpu.memory_space<vmem>>, vector<16xf32>,
        tpu.vector_store %arg13[%swap3A_1011, %swap3A_1012, %swap3A_1013], %mul3A_1009 {strides = array<i32>} : memref<2x40x128xf32, #tpu.memory_space<vmem>>, vector<16xf32>,
        %mul3A_1015 = arith.mulf %get3A_932, %exp3A_978 : vector<16xf32>
        %swap3A_1016 = arith.constant 1 : i32
        %swap3A_1017 = arith.index_cast %swap3A_1016 : i32 to index
        %swap3A_1018 = arith.index_cast %scan3A_851 : i32 to index
        %swap3A_1019 = arith.constant 96 : index
        %swap3A_1020 = tpu.vector_load %arg13[%swap3A_1017, %swap3A_1018, %swap3A_1019] {strides = array<i32>} : memref<2x40x128xf32, #tpu.memory_space<vmem>>, vector<16xf32>,
        tpu.vector_store %arg13[%swap3A_1017, %swap3A_1018, %swap3A_1019], %mul3A_1015 {strides = array<i32>} : memref<2x40x128xf32, #tpu.memory_space<vmem>>, vector<16xf32>,
        %mul3A_1021 = arith.mulf %get3A_944, %exp3A_978 : vector<16xf32>
        %swap3A_1022 = arith.constant 1 : i32
        %swap3A_1023 = arith.index_cast %swap3A_1022 : i32 to index
        %swap3A_1024 = arith.index_cast %scan3A_851 : i32 to index
        %swap3A_1025 = arith.constant 112 : index
        %swap3A_1026 = tpu.vector_load %arg13[%swap3A_1023, %swap3A_1024, %swap3A_1025] {strides = array<i32>} : memref<2x40x128xf32, #tpu.memory_space<vmem>>, vector<16xf32>,
        tpu.vector_store %arg13[%swap3A_1023, %swap3A_1024, %swap3A_1025], %mul3A_1021 {strides = array<i32>} : memref<2x40x128xf32, #tpu.memory_space<vmem>>, vector<16xf32>,
        %broadcast_in_dim3A_1027 = vector.broadcast %scan3A_851 : i32 to vector<16xi32>
        %eq3A_1028 = arith.constant 0 : i32
        %eq3A_1029 = vector.broadcast %eq3A_1028 : i32 to vector<16xi32>
        %eq3A_1030 = arith.cmpi eq, %iota3A, %eq3A_1029 : vector<16xi32>
        tpu.vector_store_idx %arg15[%broadcast_in_dim3A_1027], %exp3A_978 masked %eq3A_1030 : memref<40xf32, #tpu.memory_space<vmem>>[vector<16xi32>], vector<16xf32>, vector<16xi1>
        %scan3A_1031 = arith.constant 2 : i32
        %scan3A_1032 = arith.addi %scan3A_675, %scan3A_1031 : i32
        %get3A_1033 = arith.constant 1 : i32
        %get3A_1034 = arith.index_cast %get3A_1033 : i32 to index
        %get3A_1035 = arith.index_cast %scan3A_1032 : i32 to index
        %get3A_1036 = arith.constant 0 : index
        %get3A_1037 = tpu.vector_load %arg11[%get3A_1034, %get3A_1035, %get3A_1036] {strides = array<i32>} : memref<2x40x128xf32, #tpu.memory_space<vmem>>, vector<16xf32>,
        %get3A_1038 = arith.constant 1 : i32
        %get3A_1039 = arith.index_cast %get3A_1038 : i32 to index
        %get3A_1040 = arith.index_cast %scan3A_1032 : i32 to index
        %get3A_1041 = arith.constant 0 : index
        %get3A_1042 = tpu.vector_load %arg12[%get3A_1039, %get3A_1040, %get3A_1041] {strides = array<i32>} : memref<2x40x128xf32, #tpu.memory_space<vmem>>, vector<16xf32>,
        %mul3A_1043 = arith.mulf %get3A_1037, %get3A_1042 : vector<16xf32>
        %get3A_1044 = arith.constant 1 : i32
        %get3A_1045 = arith.index_cast %get3A_1044 : i32 to index
        %get3A_1046 = arith.index_cast %scan3A_1032 : i32 to index
        %get3A_1047 = arith.constant 16 : index
        %get3A_1048 = tpu.vector_load %arg11[%get3A_1045, %get3A_1046, %get3A_1047] {strides = array<i32>} : memref<2x40x128xf32, #tpu.memory_space<vmem>>, vector<16xf32>,
        %get3A_1049 = arith.constant 1 : i32
        %get3A_1050 = arith.index_cast %get3A_1049 : i32 to index
        %get3A_1051 = arith.index_cast %scan3A_1032 : i32 to index
        %get3A_1052 = arith.constant 16 : index
        %get3A_1053 = tpu.vector_load %arg12[%get3A_1050, %get3A_1051, %get3A_1052] {strides = array<i32>} : memref<2x40x128xf32, #tpu.memory_space<vmem>>, vector<16xf32>,
        %mul3A_1054 = arith.mulf %get3A_1048, %get3A_1053 : vector<16xf32>
        %add3A_1055 = arith.addf %mul3A_1043, %mul3A_1054 : vector<16xf32>
        %get3A_1056 = arith.constant 1 : i32
        %get3A_1057 = arith.index_cast %get3A_1056 : i32 to index
        %get3A_1058 = arith.index_cast %scan3A_1032 : i32 to index
        %get3A_1059 = arith.constant 32 : index
        %get3A_1060 = tpu.vector_load %arg11[%get3A_1057, %get3A_1058, %get3A_1059] {strides = array<i32>} : memref<2x40x128xf32, #tpu.memory_space<vmem>>, vector<16xf32>,
        %get3A_1061 = arith.constant 1 : i32
        %get3A_1062 = arith.index_cast %get3A_1061 : i32 to index
        %get3A_1063 = arith.index_cast %scan3A_1032 : i32 to index
        %get3A_1064 = arith.constant 32 : index
        %get3A_1065 = tpu.vector_load %arg12[%get3A_1062, %get3A_1063, %get3A_1064] {strides = array<i32>} : memref<2x40x128xf32, #tpu.memory_space<vmem>>, vector<16xf32>,
        %mul3A_1066 = arith.mulf %get3A_1060, %get3A_1065 : vector<16xf32>
        %add3A_1067 = arith.addf %add3A_1055, %mul3A_1066 : vector<16xf32>
        %get3A_1068 = arith.constant 1 : i32
        %get3A_1069 = arith.index_cast %get3A_1068 : i32 to index
        %get3A_1070 = arith.index_cast %scan3A_1032 : i32 to index
        %get3A_1071 = arith.constant 48 : index
        %get3A_1072 = tpu.vector_load %arg11[%get3A_1069, %get3A_1070, %get3A_1071] {strides = array<i32>} : memref<2x40x128xf32, #tpu.memory_space<vmem>>, vector<16xf32>,
        %get3A_1073 = arith.constant 1 : i32
        %get3A_1074 = arith.index_cast %get3A_1073 : i32 to index
        %get3A_1075 = arith.index_cast %scan3A_1032 : i32 to index
        %get3A_1076 = arith.constant 48 : index
        %get3A_1077 = tpu.vector_load %arg12[%get3A_1074, %get3A_1075, %get3A_1076] {strides = array<i32>} : memref<2x40x128xf32, #tpu.memory_space<vmem>>, vector<16xf32>,
        %mul3A_1078 = arith.mulf %get3A_1072, %get3A_1077 : vector<16xf32>
        %add3A_1079 = arith.addf %add3A_1067, %mul3A_1078 : vector<16xf32>
        %get3A_1080 = arith.constant 1 : i32
        %get3A_1081 = arith.index_cast %get3A_1080 : i32 to index
        %get3A_1082 = arith.index_cast %scan3A_1032 : i32 to index
        %get3A_1083 = arith.constant 64 : index
        %get3A_1084 = tpu.vector_load %arg11[%get3A_1081, %get3A_1082, %get3A_1083] {strides = array<i32>} : memref<2x40x128xf32, #tpu.memory_space<vmem>>, vector<16xf32>,
        %get3A_1085 = arith.constant 1 : i32
        %get3A_1086 = arith.index_cast %get3A_1085 : i32 to index
        %get3A_1087 = arith.index_cast %scan3A_1032 : i32 to index
        %get3A_1088 = arith.constant 64 : index
        %get3A_1089 = tpu.vector_load %arg12[%get3A_1086, %get3A_1087, %get3A_1088] {strides = array<i32>} : memref<2x40x128xf32, #tpu.memory_space<vmem>>, vector<16xf32>,
        %mul3A_1090 = arith.mulf %get3A_1084, %get3A_1089 : vector<16xf32>
        %add3A_1091 = arith.addf %add3A_1079, %mul3A_1090 : vector<16xf32>
        %get3A_1092 = arith.constant 1 : i32
        %get3A_1093 = arith.index_cast %get3A_1092 : i32 to index
        %get3A_1094 = arith.index_cast %scan3A_1032 : i32 to index
        %get3A_1095 = arith.constant 80 : index
        %get3A_1096 = tpu.vector_load %arg11[%get3A_1093, %get3A_1094, %get3A_1095] {strides = array<i32>} : memref<2x40x128xf32, #tpu.memory_space<vmem>>, vector<16xf32>,
        %get3A_1097 = arith.constant 1 : i32
        %get3A_1098 = arith.index_cast %get3A_1097 : i32 to index
        %get3A_1099 = arith.index_cast %scan3A_1032 : i32 to index
        %get3A_1100 = arith.constant 80 : index
        %get3A_1101 = tpu.vector_load %arg12[%get3A_1098, %get3A_1099, %get3A_1100] {strides = array<i32>} : memref<2x40x128xf32, #tpu.memory_space<vmem>>, vector<16xf32>,
        %mul3A_1102 = arith.mulf %get3A_1096, %get3A_1101 : vector<16xf32>
        %add3A_1103 = arith.addf %add3A_1091, %mul3A_1102 : vector<16xf32>
        %get3A_1104 = arith.constant 1 : i32
        %get3A_1105 = arith.index_cast %get3A_1104 : i32 to index
        %get3A_1106 = arith.index_cast %scan3A_1032 : i32 to index
        %get3A_1107 = arith.constant 96 : index
        %get3A_1108 = tpu.vector_load %arg11[%get3A_1105, %get3A_1106, %get3A_1107] {strides = array<i32>} : memref<2x40x128xf32, #tpu.memory_space<vmem>>, vector<16xf32>,
        %get3A_1109 = arith.constant 1 : i32
        %get3A_1110 = arith.index_cast %get3A_1109 : i32 to index
        %get3A_1111 = arith.index_cast %scan3A_1032 : i32 to index
        %get3A_1112 = arith.constant 96 : index
        %get3A_1113 = tpu.vector_load %arg12[%get3A_1110, %get3A_1111, %get3A_1112] {strides = array<i32>} : memref<2x40x128xf32, #tpu.memory_space<vmem>>, vector<16xf32>,
        %mul3A_1114 = arith.mulf %get3A_1108, %get3A_1113 : vector<16xf32>
        %add3A_1115 = arith.addf %add3A_1103, %mul3A_1114 : vector<16xf32>
        %get3A_1116 = arith.constant 1 : i32
        %get3A_1117 = arith.index_cast %get3A_1116 : i32 to index
        %get3A_1118 = arith.index_cast %scan3A_1032 : i32 to index
        %get3A_1119 = arith.constant 112 : index
        %get3A_1120 = tpu.vector_load %arg11[%get3A_1117, %get3A_1118, %get3A_1119] {strides = array<i32>} : memref<2x40x128xf32, #tpu.memory_space<vmem>>, vector<16xf32>,
        %get3A_1121 = arith.constant 1 : i32
        %get3A_1122 = arith.index_cast %get3A_1121 : i32 to index
        %get3A_1123 = arith.index_cast %scan3A_1032 : i32 to index
        %get3A_1124 = arith.constant 112 : index
        %get3A_1125 = tpu.vector_load %arg12[%get3A_1122, %get3A_1123, %get3A_1124] {strides = array<i32>} : memref<2x40x128xf32, #tpu.memory_space<vmem>>, vector<16xf32>,
        %mul3A_1126 = arith.mulf %get3A_1120, %get3A_1125 : vector<16xf32>
        %add3A_1127 = arith.addf %add3A_1115, %mul3A_1126 : vector<16xf32>
        %xor3A_1128 = arith.constant 1 : i32
        %xor3A_1129 = vector.broadcast %xor3A_1128 : i32 to vector<16xi32>
        %xor3A_1130 = arith.xori %iota3A, %xor3A_1129 : vector<16xi32>
        %broadcast_in_dim3A_1131 = vector.shape_cast %xor3A_1130 : vector<16xi32> to vector<16x1xi32>
        %gather3A_1132 = vector.shape_cast %broadcast_in_dim3A_1131 : vector<16x1xi32> to vector<16xi32>
        %gather3A_1133 = tpu.dynamic_gather %add3A_1127[%gather3A_1132] in [0] : vector<16xf32>, vector<16xi32> -> vector<16xf32>
        %add3A_1134 = arith.addf %add3A_1127, %gather3A_1133 : vector<16xf32>
        %xor3A_1135 = arith.constant 2 : i32
        %xor3A_1136 = vector.broadcast %xor3A_1135 : i32 to vector<16xi32>
        %xor3A_1137 = arith.xori %iota3A, %xor3A_1136 : vector<16xi32>
        %broadcast_in_dim3A_1138 = vector.shape_cast %xor3A_1137 : vector<16xi32> to vector<16x1xi32>
        %gather3A_1139 = vector.shape_cast %broadcast_in_dim3A_1138 : vector<16x1xi32> to vector<16xi32>
        %gather3A_1140 = tpu.dynamic_gather %add3A_1134[%gather3A_1139] in [0] : vector<16xf32>, vector<16xi32> -> vector<16xf32>
        %add3A_1141 = arith.addf %add3A_1134, %gather3A_1140 : vector<16xf32>
        %xor3A_1142 = arith.constant 4 : i32
        %xor3A_1143 = vector.broadcast %xor3A_1142 : i32 to vector<16xi32>
        %xor3A_1144 = arith.xori %iota3A, %xor3A_1143 : vector<16xi32>
        %broadcast_in_dim3A_1145 = vector.shape_cast %xor3A_1144 : vector<16xi32> to vector<16x1xi32>
        %gather3A_1146 = vector.shape_cast %broadcast_in_dim3A_1145 : vector<16x1xi32> to vector<16xi32>
        %gather3A_1147 = tpu.dynamic_gather %add3A_1141[%gather3A_1146] in [0] : vector<16xf32>, vector<16xi32> -> vector<16xf32>
        %add3A_1148 = arith.addf %add3A_1141, %gather3A_1147 : vector<16xf32>
        %xor3A_1149 = arith.constant 8 : i32
        %xor3A_1150 = vector.broadcast %xor3A_1149 : i32 to vector<16xi32>
        %xor3A_1151 = arith.xori %iota3A, %xor3A_1150 : vector<16xi32>
        %broadcast_in_dim3A_1152 = vector.shape_cast %xor3A_1151 : vector<16xi32> to vector<16x1xi32>
        %gather3A_1153 = vector.shape_cast %broadcast_in_dim3A_1152 : vector<16x1xi32> to vector<16xi32>
        %gather3A_1154 = tpu.dynamic_gather %add3A_1148[%gather3A_1153] in [0] : vector<16xf32>, vector<16xi32> -> vector<16xf32>
        %add3A_1155 = arith.addf %add3A_1148, %gather3A_1154 : vector<16xf32>
        %mul3A_1156 = arith.constant 7.812500e-03 : f32
        %mul3A_1157 = vector.broadcast %mul3A_1156 : f32 to vector<16xf32>
        %mul3A_1158 = arith.mulf %add3A_1155, %mul3A_1157 : vector<16xf32>
        %exp3A_1159 = math.exp %mul3A_1158 : vector<16xf32>
        %mul3A_1160 = arith.mulf %get3A_1042, %exp3A_1159 : vector<16xf32>
        %swap3A_1161 = arith.constant 1 : i32
        %swap3A_1162 = arith.index_cast %swap3A_1161 : i32 to index
        %swap3A_1163 = arith.index_cast %scan3A_1032 : i32 to index
        %swap3A_1164 = arith.constant 0 : index
        %swap3A_1165 = tpu.vector_load %arg13[%swap3A_1162, %swap3A_1163, %swap3A_1164] {strides = array<i32>} : memref<2x40x128xf32, #tpu.memory_space<vmem>>, vector<16xf32>,
        tpu.vector_store %arg13[%swap3A_1162, %swap3A_1163, %swap3A_1164], %mul3A_1160 {strides = array<i32>} : memref<2x40x128xf32, #tpu.memory_space<vmem>>, vector<16xf32>,
        %mul3A_1166 = arith.mulf %get3A_1053, %exp3A_1159 : vector<16xf32>
        %swap3A_1167 = arith.constant 1 : i32
        %swap3A_1168 = arith.index_cast %swap3A_1167 : i32 to index
        %swap3A_1169 = arith.index_cast %scan3A_1032 : i32 to index
        %swap3A_1170 = arith.constant 16 : index
        %swap3A_1171 = tpu.vector_load %arg13[%swap3A_1168, %swap3A_1169, %swap3A_1170] {strides = array<i32>} : memref<2x40x128xf32, #tpu.memory_space<vmem>>, vector<16xf32>,
        tpu.vector_store %arg13[%swap3A_1168, %swap3A_1169, %swap3A_1170], %mul3A_1166 {strides = array<i32>} : memref<2x40x128xf32, #tpu.memory_space<vmem>>, vector<16xf32>,
        %mul3A_1172 = arith.mulf %get3A_1065, %exp3A_1159 : vector<16xf32>
        %swap3A_1173 = arith.constant 1 : i32
        %swap3A_1174 = arith.index_cast %swap3A_1173 : i32 to index
        %swap3A_1175 = arith.index_cast %scan3A_1032 : i32 to index
        %swap3A_1176 = arith.constant 32 : index
        %swap3A_1177 = tpu.vector_load %arg13[%swap3A_1174, %swap3A_1175, %swap3A_1176] {strides = array<i32>} : memref<2x40x128xf32, #tpu.memory_space<vmem>>, vector<16xf32>,
        tpu.vector_store %arg13[%swap3A_1174, %swap3A_1175, %swap3A_1176], %mul3A_1172 {strides = array<i32>} : memref<2x40x128xf32, #tpu.memory_space<vmem>>, vector<16xf32>,
        %mul3A_1178 = arith.mulf %get3A_1077, %exp3A_1159 : vector<16xf32>
        %swap3A_1179 = arith.constant 1 : i32
        %swap3A_1180 = arith.index_cast %swap3A_1179 : i32 to index
        %swap3A_1181 = arith.index_cast %scan3A_1032 : i32 to index
        %swap3A_1182 = arith.constant 48 : index
        %swap3A_1183 = tpu.vector_load %arg13[%swap3A_1180, %swap3A_1181, %swap3A_1182] {strides = array<i32>} : memref<2x40x128xf32, #tpu.memory_space<vmem>>, vector<16xf32>,
        tpu.vector_store %arg13[%swap3A_1180, %swap3A_1181, %swap3A_1182], %mul3A_1178 {strides = array<i32>} : memref<2x40x128xf32, #tpu.memory_space<vmem>>, vector<16xf32>,
        %mul3A_1184 = arith.mulf %get3A_1089, %exp3A_1159 : vector<16xf32>
        %swap3A_1185 = arith.constant 1 : i32
        %swap3A_1186 = arith.index_cast %swap3A_1185 : i32 to index
        %swap3A_1187 = arith.index_cast %scan3A_1032 : i32 to index
        %swap3A_1188 = arith.constant 64 : index
        %swap3A_1189 = tpu.vector_load %arg13[%swap3A_1186, %swap3A_1187, %swap3A_1188] {strides = array<i32>} : memref<2x40x128xf32, #tpu.memory_space<vmem>>, vector<16xf32>,
        tpu.vector_store %arg13[%swap3A_1186, %swap3A_1187, %swap3A_1188], %mul3A_1184 {strides = array<i32>} : memref<2x40x128xf32, #tpu.memory_space<vmem>>, vector<16xf32>,
        %mul3A_1190 = arith.mulf %get3A_1101, %exp3A_1159 : vector<16xf32>
        %swap3A_1191 = arith.constant 1 : i32
        %swap3A_1192 = arith.index_cast %swap3A_1191 : i32 to index
        %swap3A_1193 = arith.index_cast %scan3A_1032 : i32 to index
        %swap3A_1194 = arith.constant 80 : index
        %swap3A_1195 = tpu.vector_load %arg13[%swap3A_1192, %swap3A_1193, %swap3A_1194] {strides = array<i32>} : memref<2x40x128xf32, #tpu.memory_space<vmem>>, vector<16xf32>,
        tpu.vector_store %arg13[%swap3A_1192, %swap3A_1193, %swap3A_1194], %mul3A_1190 {strides = array<i32>} : memref<2x40x128xf32, #tpu.memory_space<vmem>>, vector<16xf32>,
        %mul3A_1196 = arith.mulf %get3A_1113, %exp3A_1159 : vector<16xf32>
        %swap3A_1197 = arith.constant 1 : i32
        %swap3A_1198 = arith.index_cast %swap3A_1197 : i32 to index
        %swap3A_1199 = arith.index_cast %scan3A_1032 : i32 to index
        %swap3A_1200 = arith.constant 96 : index
        %swap3A_1201 = tpu.vector_load %arg13[%swap3A_1198, %swap3A_1199, %swap3A_1200] {strides = array<i32>} : memref<2x40x128xf32, #tpu.memory_space<vmem>>, vector<16xf32>,
        tpu.vector_store %arg13[%swap3A_1198, %swap3A_1199, %swap3A_1200], %mul3A_1196 {strides = array<i32>} : memref<2x40x128xf32, #tpu.memory_space<vmem>>, vector<16xf32>,
        %mul3A_1202 = arith.mulf %get3A_1125, %exp3A_1159 : vector<16xf32>
        %swap3A_1203 = arith.constant 1 : i32
        %swap3A_1204 = arith.index_cast %swap3A_1203 : i32 to index
        %swap3A_1205 = arith.index_cast %scan3A_1032 : i32 to index
        %swap3A_1206 = arith.constant 112 : index
        %swap3A_1207 = tpu.vector_load %arg13[%swap3A_1204, %swap3A_1205, %swap3A_1206] {strides = array<i32>} : memref<2x40x128xf32, #tpu.memory_space<vmem>>, vector<16xf32>,
        tpu.vector_store %arg13[%swap3A_1204, %swap3A_1205, %swap3A_1206], %mul3A_1202 {strides = array<i32>} : memref<2x40x128xf32, #tpu.memory_space<vmem>>, vector<16xf32>,
        %broadcast_in_dim3A_1208 = vector.broadcast %scan3A_1032 : i32 to vector<16xi32>
        %eq3A_1209 = arith.constant 0 : i32
        %eq3A_1210 = vector.broadcast %eq3A_1209 : i32 to vector<16xi32>
        %eq3A_1211 = arith.cmpi eq, %iota3A, %eq3A_1210 : vector<16xi32>
        tpu.vector_store_idx %arg15[%broadcast_in_dim3A_1208], %exp3A_1159 masked %eq3A_1211 : memref<40xf32, #tpu.memory_space<vmem>>[vector<16xi32>], vector<16xf32>, vector<16xi1>
        %scan3A_1212 = arith.constant 3 : i32
        %scan3A_1213 = arith.addi %scan3A_675, %scan3A_1212 : i32
        %get3A_1214 = arith.constant 1 : i32
        %get3A_1215 = arith.index_cast %get3A_1214 : i32 to index
        %get3A_1216 = arith.index_cast %scan3A_1213 : i32 to index
        %get3A_1217 = arith.constant 0 : index
        %get3A_1218 = tpu.vector_load %arg11[%get3A_1215, %get3A_1216, %get3A_1217] {strides = array<i32>} : memref<2x40x128xf32, #tpu.memory_space<vmem>>, vector<16xf32>,
        %get3A_1219 = arith.constant 1 : i32
        %get3A_1220 = arith.index_cast %get3A_1219 : i32 to index
        %get3A_1221 = arith.index_cast %scan3A_1213 : i32 to index
        %get3A_1222 = arith.constant 0 : index
        %get3A_1223 = tpu.vector_load %arg12[%get3A_1220, %get3A_1221, %get3A_1222] {strides = array<i32>} : memref<2x40x128xf32, #tpu.memory_space<vmem>>, vector<16xf32>,
        %mul3A_1224 = arith.mulf %get3A_1218, %get3A_1223 : vector<16xf32>
        %get3A_1225 = arith.constant 1 : i32
        %get3A_1226 = arith.index_cast %get3A_1225 : i32 to index
        %get3A_1227 = arith.index_cast %scan3A_1213 : i32 to index
        %get3A_1228 = arith.constant 16 : index
        %get3A_1229 = tpu.vector_load %arg11[%get3A_1226, %get3A_1227, %get3A_1228] {strides = array<i32>} : memref<2x40x128xf32, #tpu.memory_space<vmem>>, vector<16xf32>,
        %get3A_1230 = arith.constant 1 : i32
        %get3A_1231 = arith.index_cast %get3A_1230 : i32 to index
        %get3A_1232 = arith.index_cast %scan3A_1213 : i32 to index
        %get3A_1233 = arith.constant 16 : index
        %get3A_1234 = tpu.vector_load %arg12[%get3A_1231, %get3A_1232, %get3A_1233] {strides = array<i32>} : memref<2x40x128xf32, #tpu.memory_space<vmem>>, vector<16xf32>,
        %mul3A_1235 = arith.mulf %get3A_1229, %get3A_1234 : vector<16xf32>
        %add3A_1236 = arith.addf %mul3A_1224, %mul3A_1235 : vector<16xf32>
        %get3A_1237 = arith.constant 1 : i32
        %get3A_1238 = arith.index_cast %get3A_1237 : i32 to index
        %get3A_1239 = arith.index_cast %scan3A_1213 : i32 to index
        %get3A_1240 = arith.constant 32 : index
        %get3A_1241 = tpu.vector_load %arg11[%get3A_1238, %get3A_1239, %get3A_1240] {strides = array<i32>} : memref<2x40x128xf32, #tpu.memory_space<vmem>>, vector<16xf32>,
        %get3A_1242 = arith.constant 1 : i32
        %get3A_1243 = arith.index_cast %get3A_1242 : i32 to index
        %get3A_1244 = arith.index_cast %scan3A_1213 : i32 to index
        %get3A_1245 = arith.constant 32 : index
        %get3A_1246 = tpu.vector_load %arg12[%get3A_1243, %get3A_1244, %get3A_1245] {strides = array<i32>} : memref<2x40x128xf32, #tpu.memory_space<vmem>>, vector<16xf32>,
        %mul3A_1247 = arith.mulf %get3A_1241, %get3A_1246 : vector<16xf32>
        %add3A_1248 = arith.addf %add3A_1236, %mul3A_1247 : vector<16xf32>
        %get3A_1249 = arith.constant 1 : i32
        %get3A_1250 = arith.index_cast %get3A_1249 : i32 to index
        %get3A_1251 = arith.index_cast %scan3A_1213 : i32 to index
        %get3A_1252 = arith.constant 48 : index
        %get3A_1253 = tpu.vector_load %arg11[%get3A_1250, %get3A_1251, %get3A_1252] {strides = array<i32>} : memref<2x40x128xf32, #tpu.memory_space<vmem>>, vector<16xf32>,
        %get3A_1254 = arith.constant 1 : i32
        %get3A_1255 = arith.index_cast %get3A_1254 : i32 to index
        %get3A_1256 = arith.index_cast %scan3A_1213 : i32 to index
        %get3A_1257 = arith.constant 48 : index
        %get3A_1258 = tpu.vector_load %arg12[%get3A_1255, %get3A_1256, %get3A_1257] {strides = array<i32>} : memref<2x40x128xf32, #tpu.memory_space<vmem>>, vector<16xf32>,
        %mul3A_1259 = arith.mulf %get3A_1253, %get3A_1258 : vector<16xf32>
        %add3A_1260 = arith.addf %add3A_1248, %mul3A_1259 : vector<16xf32>
        %get3A_1261 = arith.constant 1 : i32
        %get3A_1262 = arith.index_cast %get3A_1261 : i32 to index
        %get3A_1263 = arith.index_cast %scan3A_1213 : i32 to index
        %get3A_1264 = arith.constant 64 : index
        %get3A_1265 = tpu.vector_load %arg11[%get3A_1262, %get3A_1263, %get3A_1264] {strides = array<i32>} : memref<2x40x128xf32, #tpu.memory_space<vmem>>, vector<16xf32>,
        %get3A_1266 = arith.constant 1 : i32
        %get3A_1267 = arith.index_cast %get3A_1266 : i32 to index
        %get3A_1268 = arith.index_cast %scan3A_1213 : i32 to index
        %get3A_1269 = arith.constant 64 : index
        %get3A_1270 = tpu.vector_load %arg12[%get3A_1267, %get3A_1268, %get3A_1269] {strides = array<i32>} : memref<2x40x128xf32, #tpu.memory_space<vmem>>, vector<16xf32>,
        %mul3A_1271 = arith.mulf %get3A_1265, %get3A_1270 : vector<16xf32>
        %add3A_1272 = arith.addf %add3A_1260, %mul3A_1271 : vector<16xf32>
        %get3A_1273 = arith.constant 1 : i32
        %get3A_1274 = arith.index_cast %get3A_1273 : i32 to index
        %get3A_1275 = arith.index_cast %scan3A_1213 : i32 to index
        %get3A_1276 = arith.constant 80 : index
        %get3A_1277 = tpu.vector_load %arg11[%get3A_1274, %get3A_1275, %get3A_1276] {strides = array<i32>} : memref<2x40x128xf32, #tpu.memory_space<vmem>>, vector<16xf32>,
        %get3A_1278 = arith.constant 1 : i32
        %get3A_1279 = arith.index_cast %get3A_1278 : i32 to index
        %get3A_1280 = arith.index_cast %scan3A_1213 : i32 to index
        %get3A_1281 = arith.constant 80 : index
        %get3A_1282 = tpu.vector_load %arg12[%get3A_1279, %get3A_1280, %get3A_1281] {strides = array<i32>} : memref<2x40x128xf32, #tpu.memory_space<vmem>>, vector<16xf32>,
        %mul3A_1283 = arith.mulf %get3A_1277, %get3A_1282 : vector<16xf32>
        %add3A_1284 = arith.addf %add3A_1272, %mul3A_1283 : vector<16xf32>
        %get3A_1285 = arith.constant 1 : i32
        %get3A_1286 = arith.index_cast %get3A_1285 : i32 to index
        %get3A_1287 = arith.index_cast %scan3A_1213 : i32 to index
        %get3A_1288 = arith.constant 96 : index
        %get3A_1289 = tpu.vector_load %arg11[%get3A_1286, %get3A_1287, %get3A_1288] {strides = array<i32>} : memref<2x40x128xf32, #tpu.memory_space<vmem>>, vector<16xf32>,
        %get3A_1290 = arith.constant 1 : i32
        %get3A_1291 = arith.index_cast %get3A_1290 : i32 to index
        %get3A_1292 = arith.index_cast %scan3A_1213 : i32 to index
        %get3A_1293 = arith.constant 96 : index
        %get3A_1294 = tpu.vector_load %arg12[%get3A_1291, %get3A_1292, %get3A_1293] {strides = array<i32>} : memref<2x40x128xf32, #tpu.memory_space<vmem>>, vector<16xf32>,
        %mul3A_1295 = arith.mulf %get3A_1289, %get3A_1294 : vector<16xf32>
        %add3A_1296 = arith.addf %add3A_1284, %mul3A_1295 : vector<16xf32>
        %get3A_1297 = arith.constant 1 : i32
        %get3A_1298 = arith.index_cast %get3A_1297 : i32 to index
        %get3A_1299 = arith.index_cast %scan3A_1213 : i32 to index
        %get3A_1300 = arith.constant 112 : index
        %get3A_1301 = tpu.vector_load %arg11[%get3A_1298, %get3A_1299, %get3A_1300] {strides = array<i32>} : memref<2x40x128xf32, #tpu.memory_space<vmem>>, vector<16xf32>,
        %get3A_1302 = arith.constant 1 : i32
        %get3A_1303 = arith.index_cast %get3A_1302 : i32 to index
        %get3A_1304 = arith.index_cast %scan3A_1213 : i32 to index
        %get3A_1305 = arith.constant 112 : index
        %get3A_1306 = tpu.vector_load %arg12[%get3A_1303, %get3A_1304, %get3A_1305] {strides = array<i32>} : memref<2x40x128xf32, #tpu.memory_space<vmem>>, vector<16xf32>,
        %mul3A_1307 = arith.mulf %get3A_1301, %get3A_1306 : vector<16xf32>
        %add3A_1308 = arith.addf %add3A_1296, %mul3A_1307 : vector<16xf32>
        %xor3A_1309 = arith.constant 1 : i32
        %xor3A_1310 = vector.broadcast %xor3A_1309 : i32 to vector<16xi32>
        %xor3A_1311 = arith.xori %iota3A, %xor3A_1310 : vector<16xi32>
        %broadcast_in_dim3A_1312 = vector.shape_cast %xor3A_1311 : vector<16xi32> to vector<16x1xi32>
        %gather3A_1313 = vector.shape_cast %broadcast_in_dim3A_1312 : vector<16x1xi32> to vector<16xi32>
        %gather3A_1314 = tpu.dynamic_gather %add3A_1308[%gather3A_1313] in [0] : vector<16xf32>, vector<16xi32> -> vector<16xf32>
        %add3A_1315 = arith.addf %add3A_1308, %gather3A_1314 : vector<16xf32>
        %xor3A_1316 = arith.constant 2 : i32
        %xor3A_1317 = vector.broadcast %xor3A_1316 : i32 to vector<16xi32>
        %xor3A_1318 = arith.xori %iota3A, %xor3A_1317 : vector<16xi32>
        %broadcast_in_dim3A_1319 = vector.shape_cast %xor3A_1318 : vector<16xi32> to vector<16x1xi32>
        %gather3A_1320 = vector.shape_cast %broadcast_in_dim3A_1319 : vector<16x1xi32> to vector<16xi32>
        %gather3A_1321 = tpu.dynamic_gather %add3A_1315[%gather3A_1320] in [0] : vector<16xf32>, vector<16xi32> -> vector<16xf32>
        %add3A_1322 = arith.addf %add3A_1315, %gather3A_1321 : vector<16xf32>
        %xor3A_1323 = arith.constant 4 : i32
        %xor3A_1324 = vector.broadcast %xor3A_1323 : i32 to vector<16xi32>
        %xor3A_1325 = arith.xori %iota3A, %xor3A_1324 : vector<16xi32>
        %broadcast_in_dim3A_1326 = vector.shape_cast %xor3A_1325 : vector<16xi32> to vector<16x1xi32>
        %gather3A_1327 = vector.shape_cast %broadcast_in_dim3A_1326 : vector<16x1xi32> to vector<16xi32>
        %gather3A_1328 = tpu.dynamic_gather %add3A_1322[%gather3A_1327] in [0] : vector<16xf32>, vector<16xi32> -> vector<16xf32>
        %add3A_1329 = arith.addf %add3A_1322, %gather3A_1328 : vector<16xf32>
        %xor3A_1330 = arith.constant 8 : i32
        %xor3A_1331 = vector.broadcast %xor3A_1330 : i32 to vector<16xi32>
        %xor3A_1332 = arith.xori %iota3A, %xor3A_1331 : vector<16xi32>
        %broadcast_in_dim3A_1333 = vector.shape_cast %xor3A_1332 : vector<16xi32> to vector<16x1xi32>
        %gather3A_1334 = vector.shape_cast %broadcast_in_dim3A_1333 : vector<16x1xi32> to vector<16xi32>
        %gather3A_1335 = tpu.dynamic_gather %add3A_1329[%gather3A_1334] in [0] : vector<16xf32>, vector<16xi32> -> vector<16xf32>
        %add3A_1336 = arith.addf %add3A_1329, %gather3A_1335 : vector<16xf32>
        %mul3A_1337 = arith.constant 7.812500e-03 : f32
        %mul3A_1338 = vector.broadcast %mul3A_1337 : f32 to vector<16xf32>
        %mul3A_1339 = arith.mulf %add3A_1336, %mul3A_1338 : vector<16xf32>
        %exp3A_1340 = math.exp %mul3A_1339 : vector<16xf32>
        %mul3A_1341 = arith.mulf %get3A_1223, %exp3A_1340 : vector<16xf32>
        %swap3A_1342 = arith.constant 1 : i32
        %swap3A_1343 = arith.index_cast %swap3A_1342 : i32 to index
        %swap3A_1344 = arith.index_cast %scan3A_1213 : i32 to index
        %swap3A_1345 = arith.constant 0 : index
        %swap3A_1346 = tpu.vector_load %arg13[%swap3A_1343, %swap3A_1344, %swap3A_1345] {strides = array<i32>} : memref<2x40x128xf32, #tpu.memory_space<vmem>>, vector<16xf32>,
        tpu.vector_store %arg13[%swap3A_1343, %swap3A_1344, %swap3A_1345], %mul3A_1341 {strides = array<i32>} : memref<2x40x128xf32, #tpu.memory_space<vmem>>, vector<16xf32>,
        %mul3A_1347 = arith.mulf %get3A_1234, %exp3A_1340 : vector<16xf32>
        %swap3A_1348 = arith.constant 1 : i32
        %swap3A_1349 = arith.index_cast %swap3A_1348 : i32 to index
        %swap3A_1350 = arith.index_cast %scan3A_1213 : i32 to index
        %swap3A_1351 = arith.constant 16 : index
        %swap3A_1352 = tpu.vector_load %arg13[%swap3A_1349, %swap3A_1350, %swap3A_1351] {strides = array<i32>} : memref<2x40x128xf32, #tpu.memory_space<vmem>>, vector<16xf32>,
        tpu.vector_store %arg13[%swap3A_1349, %swap3A_1350, %swap3A_1351], %mul3A_1347 {strides = array<i32>} : memref<2x40x128xf32, #tpu.memory_space<vmem>>, vector<16xf32>,
        %mul3A_1353 = arith.mulf %get3A_1246, %exp3A_1340 : vector<16xf32>
        %swap3A_1354 = arith.constant 1 : i32
        %swap3A_1355 = arith.index_cast %swap3A_1354 : i32 to index
        %swap3A_1356 = arith.index_cast %scan3A_1213 : i32 to index
        %swap3A_1357 = arith.constant 32 : index
        %swap3A_1358 = tpu.vector_load %arg13[%swap3A_1355, %swap3A_1356, %swap3A_1357] {strides = array<i32>} : memref<2x40x128xf32, #tpu.memory_space<vmem>>, vector<16xf32>,
        tpu.vector_store %arg13[%swap3A_1355, %swap3A_1356, %swap3A_1357], %mul3A_1353 {strides = array<i32>} : memref<2x40x128xf32, #tpu.memory_space<vmem>>, vector<16xf32>,
        %mul3A_1359 = arith.mulf %get3A_1258, %exp3A_1340 : vector<16xf32>
        %swap3A_1360 = arith.constant 1 : i32
        %swap3A_1361 = arith.index_cast %swap3A_1360 : i32 to index
        %swap3A_1362 = arith.index_cast %scan3A_1213 : i32 to index
        %swap3A_1363 = arith.constant 48 : index
        %swap3A_1364 = tpu.vector_load %arg13[%swap3A_1361, %swap3A_1362, %swap3A_1363] {strides = array<i32>} : memref<2x40x128xf32, #tpu.memory_space<vmem>>, vector<16xf32>,
        tpu.vector_store %arg13[%swap3A_1361, %swap3A_1362, %swap3A_1363], %mul3A_1359 {strides = array<i32>} : memref<2x40x128xf32, #tpu.memory_space<vmem>>, vector<16xf32>,
        %mul3A_1365 = arith.mulf %get3A_1270, %exp3A_1340 : vector<16xf32>
        %swap3A_1366 = arith.constant 1 : i32
        %swap3A_1367 = arith.index_cast %swap3A_1366 : i32 to index
        %swap3A_1368 = arith.index_cast %scan3A_1213 : i32 to index
        %swap3A_1369 = arith.constant 64 : index
        %swap3A_1370 = tpu.vector_load %arg13[%swap3A_1367, %swap3A_1368, %swap3A_1369] {strides = array<i32>} : memref<2x40x128xf32, #tpu.memory_space<vmem>>, vector<16xf32>,
        tpu.vector_store %arg13[%swap3A_1367, %swap3A_1368, %swap3A_1369], %mul3A_1365 {strides = array<i32>} : memref<2x40x128xf32, #tpu.memory_space<vmem>>, vector<16xf32>,
        %mul3A_1371 = arith.mulf %get3A_1282, %exp3A_1340 : vector<16xf32>
        %swap3A_1372 = arith.constant 1 : i32
        %swap3A_1373 = arith.index_cast %swap3A_1372 : i32 to index
        %swap3A_1374 = arith.index_cast %scan3A_1213 : i32 to index
        %swap3A_1375 = arith.constant 80 : index
        %swap3A_1376 = tpu.vector_load %arg13[%swap3A_1373, %swap3A_1374, %swap3A_1375] {strides = array<i32>} : memref<2x40x128xf32, #tpu.memory_space<vmem>>, vector<16xf32>,
        tpu.vector_store %arg13[%swap3A_1373, %swap3A_1374, %swap3A_1375], %mul3A_1371 {strides = array<i32>} : memref<2x40x128xf32, #tpu.memory_space<vmem>>, vector<16xf32>,
        %mul3A_1377 = arith.mulf %get3A_1294, %exp3A_1340 : vector<16xf32>
        %swap3A_1378 = arith.constant 1 : i32
        %swap3A_1379 = arith.index_cast %swap3A_1378 : i32 to index
        %swap3A_1380 = arith.index_cast %scan3A_1213 : i32 to index
        %swap3A_1381 = arith.constant 96 : index
        %swap3A_1382 = tpu.vector_load %arg13[%swap3A_1379, %swap3A_1380, %swap3A_1381] {strides = array<i32>} : memref<2x40x128xf32, #tpu.memory_space<vmem>>, vector<16xf32>,
        tpu.vector_store %arg13[%swap3A_1379, %swap3A_1380, %swap3A_1381], %mul3A_1377 {strides = array<i32>} : memref<2x40x128xf32, #tpu.memory_space<vmem>>, vector<16xf32>,
        %mul3A_1383 = arith.mulf %get3A_1306, %exp3A_1340 : vector<16xf32>
        %swap3A_1384 = arith.constant 1 : i32
        %swap3A_1385 = arith.index_cast %swap3A_1384 : i32 to index
        %swap3A_1386 = arith.index_cast %scan3A_1213 : i32 to index
        %swap3A_1387 = arith.constant 112 : index
        %swap3A_1388 = tpu.vector_load %arg13[%swap3A_1385, %swap3A_1386, %swap3A_1387] {strides = array<i32>} : memref<2x40x128xf32, #tpu.memory_space<vmem>>, vector<16xf32>,
        tpu.vector_store %arg13[%swap3A_1385, %swap3A_1386, %swap3A_1387], %mul3A_1383 {strides = array<i32>} : memref<2x40x128xf32, #tpu.memory_space<vmem>>, vector<16xf32>,
        %broadcast_in_dim3A_1389 = vector.broadcast %scan3A_1213 : i32 to vector<16xi32>
        %eq3A_1390 = arith.constant 0 : i32
        %eq3A_1391 = vector.broadcast %eq3A_1390 : i32 to vector<16xi32>
        %eq3A_1392 = arith.cmpi eq, %iota3A, %eq3A_1391 : vector<16xi32>
        tpu.vector_store_idx %arg15[%broadcast_in_dim3A_1389], %exp3A_1340 masked %eq3A_1392 : memref<40xf32, #tpu.memory_space<vmem>>[vector<16xi32>], vector<16xf32>, vector<16xi1>
      }
      %scan3A_606 = arith.constant 40 : i32
      %ge3A_607 = arith.constant 8 : i32
      %ge3A_608 = vector.broadcast %ge3A_607 : i32 to vector<16xi32>
      %ge3A_609 = arith.cmpi sge, %iota3A, %ge3A_608 : vector<16xi32>
      %get3A_610 = arith.constant 1 : i32
      %get3A_611 = arith.index_cast %get3A_610 : i32 to index
      %get3A_612 = arith.constant 0 : index
      %get3A_613 = tpu.vector_load %arg8[%get3A_611, %get3A_612] {strides = array<i32>} : memref<2x40xi32, #tpu.memory_space<vmem>>, vector<16xi32>,
      %get3A_614 = arith.constant 0 : index
      %get3A_615 = tpu.vector_load %arg15[%get3A_614] {strides = array<i32>} : memref<40xf32, #tpu.memory_space<vmem>>, vector<16xf32>,
      %shift_right_logical3A_616 = arith.constant 7 : i32
      %shift_right_logical3A_617 = vector.broadcast %shift_right_logical3A_616 : i32 to vector<16xi32>
      %shift_right_logical3A_618 = arith.shrui %get3A_613, %shift_right_logical3A_617 : vector<16xi32>
      %and3A_619 = arith.constant 127 : i32
      %and3A_620 = vector.broadcast %and3A_619 : i32 to vector<16xi32>
      %and3A_621 = arith.andi %get3A_613, %and3A_620 : vector<16xi32>
      tpu.vector_store_idx %arg17[%shift_right_logical3A_618, %and3A_621], %get3A_615 {add = true} : memref<80x128xf32, #tpu.memory_space<vmem>>[vector<16xi32>, vector<16xi32>], vector<16xf32>,
      %swap3A_622 = arith.constant 1 : i32
      %swap3A_623 = arith.index_cast %swap3A_622 : i32 to index
      %swap3A_624 = arith.constant 0 : index
      %swap3A_625 = tpu.vector_load %arg10[%swap3A_623, %swap3A_624] {strides = array<i32>} : memref<2x40xi32, #tpu.memory_space<vmem>>, vector<16xi32>,
      tpu.vector_store %arg10[%swap3A_623, %swap3A_624], %get3A_613 {strides = array<i32>} : memref<2x40xi32, #tpu.memory_space<vmem>>, vector<16xi32>,
      %get3A_626 = arith.constant 1 : i32
      %get3A_627 = arith.index_cast %get3A_626 : i32 to index
      %get3A_628 = arith.constant 16 : index
      %get3A_629 = tpu.vector_load %arg8[%get3A_627, %get3A_628] {strides = array<i32>} : memref<2x40xi32, #tpu.memory_space<vmem>>, vector<16xi32>,
      %get3A_630 = arith.constant 16 : index
      %get3A_631 = tpu.vector_load %arg15[%get3A_630] {strides = array<i32>} : memref<40xf32, #tpu.memory_space<vmem>>, vector<16xf32>,
      %shift_right_logical3A_632 = arith.constant 7 : i32
      %shift_right_logical3A_633 = vector.broadcast %shift_right_logical3A_632 : i32 to vector<16xi32>
      %shift_right_logical3A_634 = arith.shrui %get3A_629, %shift_right_logical3A_633 : vector<16xi32>
      %and3A_635 = arith.constant 127 : i32
      %and3A_636 = vector.broadcast %and3A_635 : i32 to vector<16xi32>
      %and3A_637 = arith.andi %get3A_629, %and3A_636 : vector<16xi32>
      tpu.vector_store_idx %arg17[%shift_right_logical3A_634, %and3A_637], %get3A_631 {add = true} : memref<80x128xf32, #tpu.memory_space<vmem>>[vector<16xi32>, vector<16xi32>], vector<16xf32>,
      %swap3A_638 = arith.constant 1 : i32
      %swap3A_639 = arith.index_cast %swap3A_638 : i32 to index
      %swap3A_640 = arith.constant 16 : index
      %swap3A_641 = tpu.vector_load %arg10[%swap3A_639, %swap3A_640] {strides = array<i32>} : memref<2x40xi32, #tpu.memory_space<vmem>>, vector<16xi32>,
      tpu.vector_store %arg10[%swap3A_639, %swap3A_640], %get3A_629 {strides = array<i32>} : memref<2x40xi32, #tpu.memory_space<vmem>>, vector<16xi32>,
      %get3A_642 = arith.constant 1 : i32
      %get3A_643 = arith.index_cast %get3A_642 : i32 to index
      %get3A_644 = arith.constant 24 : index
      %get3A_645 = tpu.vector_load %arg8[%get3A_643, %get3A_644] {strides = array<i32>} : memref<2x40xi32, #tpu.memory_space<vmem>>, vector<16xi32>,
      %get3A_646 = arith.constant 24 : index
      %get3A_647 = tpu.vector_load %arg15[%get3A_646] {strides = array<i32>} : memref<40xf32, #tpu.memory_space<vmem>>, vector<16xf32>,
      %shift_right_logical3A_648 = arith.constant 7 : i32
      %shift_right_logical3A_649 = vector.broadcast %shift_right_logical3A_648 : i32 to vector<16xi32>
      %shift_right_logical3A_650 = arith.shrui %get3A_645, %shift_right_logical3A_649 : vector<16xi32>
      %and3A_651 = arith.constant 127 : i32
      %and3A_652 = vector.broadcast %and3A_651 : i32 to vector<16xi32>
      %and3A_653 = arith.andi %get3A_645, %and3A_652 : vector<16xi32>
      tpu.vector_store_idx %arg17[%shift_right_logical3A_650, %and3A_653], %get3A_647 masked %ge3A_609 {add = true} : memref<80x128xf32, #tpu.memory_space<vmem>>[vector<16xi32>, vector<16xi32>], vector<16xf32>, vector<16xi1>
      %swap3A_654 = arith.constant 1 : i32
      %swap3A_655 = arith.index_cast %swap3A_654 : i32 to index
      %swap3A_656 = arith.constant 24 : index
      %swap3A_657 = tpu.vector_load %arg10[%swap3A_655, %swap3A_656] {strides = array<i32>} : memref<2x40xi32, #tpu.memory_space<vmem>>, vector<16xi32>,
      tpu.vector_store %arg10[%swap3A_655, %swap3A_656], %get3A_645 {strides = array<i32>} : memref<2x40xi32, #tpu.memory_space<vmem>>, vector<16xi32>,
      %dma_start3A_658 = arith.constant 1 : i32
      %dma_start3A_659 = arith.constant 1 : i32
      %dma_start3A_660 = arith.constant 0 : i32
      %dma_start3A_661 = arith.constant 0 : i32
      %dma_start3A_662 = tpu.memref_slice %arg13[%dma_start3A_658, %dma_start3A_660, %dma_start3A_661] : memref<2x40x128xf32, #tpu.memory_space<vmem>> -> memref<1x40x128xf32, #tpu.memory_space<vmem>>
      %dma_start3A_663 = tpu.memref_squeeze %dma_start3A_662 : memref<1x40x128xf32, #tpu.memory_space<vmem>> -> memref<40x128xf32, #tpu.memory_space<vmem>>
      %dma_start3A_664 = arith.constant 0 : i32
      %dma_start3A_665 = tpu.memref_slice %arg10[%dma_start3A_659, %dma_start3A_664] : memref<2x40xi32, #tpu.memory_space<vmem>> -> memref<1x40xi32, #tpu.memory_space<vmem>>
      %dma_start3A_666 = tpu.memref_squeeze %dma_start3A_665 : memref<1x40xi32, #tpu.memory_space<vmem>> -> memref<40xi32, #tpu.memory_space<vmem>>
      %dma_start3A_667 = arith.constant 0 : i32
      %dma_start3A_668 = arith.constant 0 : i32
      %dma_start3A_669 = tpu.memref_slice %arg18[%dma_start3A_667, %dma_start3A_668] : memref<10240x128xf32, #tpu.memory_space<vmem_shared>> -> memref<10240x128xf32, #tpu.memory_space<vmem_shared>>
      tpu.enqueue_indirect_dma source(%dma_start3A_663 : memref<40x128xf32, #tpu.memory_space<vmem>>) target(%dma_start3A_669 : memref<10240x128xf32, #tpu.memory_space<vmem_shared>>) offsets(%dma_start3A_666 : memref<40xi32, #tpu.memory_space<vmem>>) semaphore(%arg29 : memref<!tpu.dma_semaphore, #tpu.memory_space<semaphore_mem>>) {add = true}
      %lt3A_670 = arith.constant 124 : i32
      %lt3A_671 = arith.cmpi slt, %scan3A_343, %lt3A_670 : i32
      %convert_element_type3A_672 = arith.extui %lt3A_671 : i1 to i32
      %cond3A_673 = arith.constant 0 : i32
      %cond3A_674 = arith.cmpi ne, %convert_element_type3A_672, %cond3A_673 : i32
      scf.if %cond3A_674 {
        %add3A_675 = arith.constant 2 : i32
        %add3A_676 = arith.addi %add3A_543, %add3A_675 : i32
        %mul3A_677 = arith.constant 40 : i32
        %mul3A_678 = arith.muli %add3A_676, %mul3A_677 : i32
        %add3A_679 = arith.addi %mul3A_2, %mul3A_678 : i32
        %dma_start3A_680 = arith.constant 1 : i32
        %dma_start3A_681 = arith.constant 0 : i32
        %dma_start3A_682 = tpu.memref_slice %arg8[%dma_start3A_680, %dma_start3A_681] : memref<2x40xi32, #tpu.memory_space<vmem>> -> memref<1x40xi32, #tpu.memory_space<vmem>>
        %dma_start3A_683 = tpu.memref_squeeze %dma_start3A_682 : memref<1x40xi32, #tpu.memory_space<vmem>> -> memref<40xi32, #tpu.memory_space<vmem>>
        %dma_start3A_684 = tpu.memref_slice %arg4[%add3A_679] : memref<320000xi32, #tpu.memory_space<hbm>> -> memref<40xi32, #tpu.memory_space<hbm>>
        %dma_start3A_685 = arith.constant 0 : i32
        %dma_start3A_686 = tpu.memref_slice %arg8[%dma_start3A_680, %dma_start3A_685] : memref<2x40xi32, #tpu.memory_space<vmem>> -> memref<1x40xi32, #tpu.memory_space<vmem>>
        %dma_start3A_687 = tpu.memref_squeeze %dma_start3A_686 : memref<1x40xi32, #tpu.memory_space<vmem>> -> memref<40xi32, #tpu.memory_space<vmem>>
        %dma_start3A_688 = tpu.memref_slice %arg4[%add3A_679] : memref<320000xi32, #tpu.memory_space<hbm>> -> memref<40xi32, #tpu.memory_space<hbm>>
        tpu.enqueue_dma source(%dma_start3A_688 : memref<40xi32, #tpu.memory_space<hbm>>) target(%dma_start3A_687 : memref<40xi32, #tpu.memory_space<vmem>>) target_semaphore(%arg31 : memref<!tpu.dma_semaphore, #tpu.memory_space<semaphore_mem>>)
        %dma_start3A_689 = arith.constant 1 : i32
        %dma_start3A_690 = arith.constant 0 : i32
        %dma_start3A_691 = tpu.memref_slice %arg9[%dma_start3A_689, %dma_start3A_690] : memref<2x40xi32, #tpu.memory_space<vmem>> -> memref<1x40xi32, #tpu.memory_space<vmem>>
        %dma_start3A_692 = tpu.memref_squeeze %dma_start3A_691 : memref<1x40xi32, #tpu.memory_space<vmem>> -> memref<40xi32, #tpu.memory_space<vmem>>
        %dma_start3A_693 = tpu.memref_slice %arg5[%add3A_679] : memref<320000xi32, #tpu.memory_space<hbm>> -> memref<40xi32, #tpu.memory_space<hbm>>
        %dma_start3A_694 = arith.constant 0 : i32
        %dma_start3A_695 = tpu.memref_slice %arg9[%dma_start3A_689, %dma_start3A_694] : memref<2x40xi32, #tpu.memory_space<vmem>> -> memref<1x40xi32, #tpu.memory_space<vmem>>
        %dma_start3A_696 = tpu.memref_squeeze %dma_start3A_695 : memref<1x40xi32, #tpu.memory_space<vmem>> -> memref<40xi32, #tpu.memory_space<vmem>>
        %dma_start3A_697 = tpu.memref_slice %arg5[%add3A_679] : memref<320000xi32, #tpu.memory_space<hbm>> -> memref<40xi32, #tpu.memory_space<hbm>>
        tpu.enqueue_dma source(%dma_start3A_697 : memref<40xi32, #tpu.memory_space<hbm>>) target(%dma_start3A_696 : memref<40xi32, #tpu.memory_space<vmem>>) target_semaphore(%arg31 : memref<!tpu.dma_semaphore, #tpu.memory_space<semaphore_mem>>)
      } else {
      }
    }
    %scan3A_308 = arith.constant 125 : i32
    %dma_wait3A_309 = arith.constant 0 : i32
    %dma_wait3A_310 = arith.constant 0 : i32
    %dma_wait3A_311 = arith.constant 0 : i32
    %dma_wait3A_312 = arith.constant 0 : i32
    %dma_wait3A_313 = tpu.memref_slice %arg13[%dma_wait3A_309, %dma_wait3A_311, %dma_wait3A_312] : memref<2x40x128xf32, #tpu.memory_space<vmem>> -> memref<1x40x128xf32, #tpu.memory_space<vmem>>
    %dma_wait3A_314 = tpu.memref_squeeze %dma_wait3A_313 : memref<1x40x128xf32, #tpu.memory_space<vmem>> -> memref<40x128xf32, #tpu.memory_space<vmem>>
    %dma_wait3A_315 = arith.constant 0 : i32
    %dma_wait3A_316 = tpu.memref_slice %arg10[%dma_wait3A_310, %dma_wait3A_315] : memref<2x40xi32, #tpu.memory_space<vmem>> -> memref<1x40xi32, #tpu.memory_space<vmem>>
    %dma_wait3A_317 = tpu.memref_squeeze %dma_wait3A_316 : memref<1x40xi32, #tpu.memory_space<vmem>> -> memref<40xi32, #tpu.memory_space<vmem>>
    %dma_wait3A_318 = arith.constant 0 : i32
    %dma_wait3A_319 = arith.constant 0 : i32
    %dma_wait3A_320 = tpu.memref_slice %arg18[%dma_wait3A_318, %dma_wait3A_319] : memref<10240x128xf32, #tpu.memory_space<vmem_shared>> -> memref<10240x128xf32, #tpu.memory_space<vmem_shared>>
    tpu.wait_indirect_dma semaphore(%arg28 : memref<!tpu.dma_semaphore, #tpu.memory_space<semaphore_mem>>) src(%dma_wait3A_314 : memref<40x128xf32, #tpu.memory_space<vmem>>) dst(%dma_wait3A_320 : memref<10240x128xf32, #tpu.memory_space<vmem_shared>>)
    %dma_wait3A_321 = arith.constant 1 : i32
    %dma_wait3A_322 = arith.constant 1 : i32
    %dma_wait3A_323 = arith.constant 0 : i32
    %dma_wait3A_324 = arith.constant 0 : i32
    %dma_wait3A_325 = tpu.memref_slice %arg13[%dma_wait3A_321, %dma_wait3A_323, %dma_wait3A_324] : memref<2x40x128xf32, #tpu.memory_space<vmem>> -> memref<1x40x128xf32, #tpu.memory_space<vmem>>
    %dma_wait3A_326 = tpu.memref_squeeze %dma_wait3A_325 : memref<1x40x128xf32, #tpu.memory_space<vmem>> -> memref<40x128xf32, #tpu.memory_space<vmem>>
    %dma_wait3A_327 = arith.constant 0 : i32
    %dma_wait3A_328 = tpu.memref_slice %arg10[%dma_wait3A_322, %dma_wait3A_327] : memref<2x40xi32, #tpu.memory_space<vmem>> -> memref<1x40xi32, #tpu.memory_space<vmem>>
    %dma_wait3A_329 = tpu.memref_squeeze %dma_wait3A_328 : memref<1x40xi32, #tpu.memory_space<vmem>> -> memref<40xi32, #tpu.memory_space<vmem>>
    %dma_wait3A_330 = arith.constant 0 : i32
    %dma_wait3A_331 = arith.constant 0 : i32
    %dma_wait3A_332 = tpu.memref_slice %arg18[%dma_wait3A_330, %dma_wait3A_331] : memref<10240x128xf32, #tpu.memory_space<vmem_shared>> -> memref<10240x128xf32, #tpu.memory_space<vmem_shared>>
    tpu.wait_indirect_dma semaphore(%arg29 : memref<!tpu.dma_semaphore, #tpu.memory_space<semaphore_mem>>) src(%dma_wait3A_326 : memref<40x128xf32, #tpu.memory_space<vmem>>) dst(%dma_wait3A_332 : memref<10240x128xf32, #tpu.memory_space<vmem_shared>>)
    "tpu.region"() ({
      %run_scoped3A = tpu.sem_alloc : memref<!tpu.dma_semaphore, #tpu.memory_space<semaphore_mem>>
      %dma_start3A_343 = arith.constant 0 : i32
      %dma_start3A_344 = arith.constant 0 : i32
      %dma_start3A_345 = tpu.memref_slice %arg19[%dma_start3A_343, %dma_start3A_344] : memref<80x128xf32, #tpu.memory_space<vmem_shared>> -> memref<80x128xf32, #tpu.memory_space<vmem_shared>>
      tpu.enqueue_indirect_dma source(%arg17 : memref<80x128xf32, #tpu.memory_space<vmem>>) target(%dma_start3A_345 : memref<80x128xf32, #tpu.memory_space<vmem_shared>>) offsets(%arg16 : memref<80xi32, #tpu.memory_space<vmem>>) semaphore(%run_scoped3A : memref<!tpu.dma_semaphore, #tpu.memory_space<semaphore_mem>>) {add = true}
      %dma_wait3A_346 = arith.constant 0 : i32
      %dma_wait3A_347 = arith.constant 0 : i32
      %dma_wait3A_348 = tpu.memref_slice %arg19[%dma_wait3A_346, %dma_wait3A_347] : memref<80x128xf32, #tpu.memory_space<vmem_shared>> -> memref<80x128xf32, #tpu.memory_space<vmem_shared>>
      tpu.wait_indirect_dma semaphore(%run_scoped3A : memref<!tpu.dma_semaphore, #tpu.memory_space<semaphore_mem>>) src(%arg17 : memref<80x128xf32, #tpu.memory_space<vmem>>) dst(%dma_wait3A_348 : memref<80x128xf32, #tpu.memory_space<vmem_shared>>)
      tpu.yield
    }) : () -> ()
    %barrier3A_333 = arith.constant 0 : index
    tpu.barrier barrier_id(%barrier3A_333)
    %mul3A_334 = arith.constant 640 : i32
    %mul3A_335 = arith.muli %arg1, %mul3A_334 : i32
    %mul3A_336 = arith.constant 640 : i32
    %mul3A_337 = arith.muli %arg1, %mul3A_336 : i32
    "tpu.region"() ({
      %run_scoped3A = tpu.sem_alloc : memref<!tpu.dma_semaphore, #tpu.memory_space<semaphore_mem>>
      %dma_start3A_343 = arith.constant 0 : i32
      %dma_start3A_344 = tpu.memref_slice %arg6[%arg0, %mul3A_337, %dma_start3A_343] : memref<2x10240x128xf32, #tpu.memory_space<hbm>> -> memref<1x640x128xf32, #tpu.memory_space<hbm>>
      %dma_start3A_345 = tpu.memref_squeeze %dma_start3A_344 : memref<1x640x128xf32, #tpu.memory_space<hbm>> -> memref<640x128xf32, #tpu.memory_space<hbm>>
      %dma_start3A_346 = arith.constant 0 : i32
      %dma_start3A_347 = tpu.memref_slice %arg18[%mul3A_335, %dma_start3A_346] : memref<10240x128xf32, #tpu.memory_space<vmem_shared>> -> memref<640x128xf32, #tpu.memory_space<vmem_shared>>
      tpu.enqueue_dma source(%dma_start3A_347 : memref<640x128xf32, #tpu.memory_space<vmem_shared>>) target(%dma_start3A_345 : memref<640x128xf32, #tpu.memory_space<hbm>>) target_semaphore(%run_scoped3A : memref<!tpu.dma_semaphore, #tpu.memory_space<semaphore_mem>>)
      %dma_wait3A_348 = arith.constant 0 : i32
      %dma_wait3A_349 = tpu.memref_slice %arg6[%arg0, %mul3A_337, %dma_wait3A_348] : memref<2x10240x128xf32, #tpu.memory_space<hbm>> -> memref<1x640x128xf32, #tpu.memory_space<hbm>>
      %dma_wait3A_350 = tpu.memref_squeeze %dma_wait3A_349 : memref<1x640x128xf32, #tpu.memory_space<hbm>> -> memref<640x128xf32, #tpu.memory_space<hbm>>
      %dma_wait3A_351 = arith.constant 0 : i32
      %dma_wait3A_352 = tpu.memref_slice %arg18[%mul3A_335, %dma_wait3A_351] : memref<10240x128xf32, #tpu.memory_space<vmem_shared>> -> memref<640x128xf32, #tpu.memory_space<vmem_shared>>
      tpu.wait_dma2 semaphore(%run_scoped3A : memref<!tpu.dma_semaphore, #tpu.memory_space<semaphore_mem>>) src(%dma_wait3A_352 : memref<640x128xf32, #tpu.memory_space<vmem_shared>>) dst(%dma_wait3A_350 : memref<640x128xf32, #tpu.memory_space<hbm>>)
      tpu.yield
    }) : () -> ()
    %lt3A_338 = arith.constant 10 : i32
    %lt3A_339 = arith.cmpi slt, %arg1, %lt3A_338 : i32
    %convert_element_type3A_340 = arith.extui %lt3A_339 : i1 to i32
    %cond3A_341 = arith.constant 0 : i32
    %cond3A_342 = arith.cmpi ne, %convert_element_type3A_340, %cond3A_341 : i32
    scf.if %cond3A_342 {
      %mul3A_343 = arith.constant 8 : i32
      %mul3A_344 = arith.muli %arg1, %mul3A_343 : i32
      %mul3A_345 = arith.constant 8 : i32
      %mul3A_346 = arith.muli %arg1, %mul3A_345 : i32
      "tpu.region"() ({
        %run_scoped3A = tpu.sem_alloc : memref<!tpu.dma_semaphore, #tpu.memory_space<semaphore_mem>>
        %dma_start3A_347 = arith.constant 0 : i32
        %dma_start3A_348 = tpu.memref_slice %arg7[%arg0, %mul3A_346, %dma_start3A_347] : memref<2x80x128xf32, #tpu.memory_space<hbm>> -> memref<1x8x128xf32, #tpu.memory_space<hbm>>
        %dma_start3A_349 = tpu.memref_squeeze %dma_start3A_348 : memref<1x8x128xf32, #tpu.memory_space<hbm>> -> memref<8x128xf32, #tpu.memory_space<hbm>>
        %dma_start3A_350 = arith.constant 0 : i32
        %dma_start3A_351 = tpu.memref_slice %arg19[%mul3A_344, %dma_start3A_350] : memref<80x128xf32, #tpu.memory_space<vmem_shared>> -> memref<8x128xf32, #tpu.memory_space<vmem_shared>>
        tpu.enqueue_dma source(%dma_start3A_351 : memref<8x128xf32, #tpu.memory_space<vmem_shared>>) target(%dma_start3A_349 : memref<8x128xf32, #tpu.memory_space<hbm>>) target_semaphore(%run_scoped3A : memref<!tpu.dma_semaphore, #tpu.memory_space<semaphore_mem>>)
        %dma_wait3A_352 = arith.constant 0 : i32
        %dma_wait3A_353 = tpu.memref_slice %arg7[%arg0, %mul3A_346, %dma_wait3A_352] : memref<2x80x128xf32, #tpu.memory_space<hbm>> -> memref<1x8x128xf32, #tpu.memory_space<hbm>>
        %dma_wait3A_354 = tpu.memref_squeeze %dma_wait3A_353 : memref<1x8x128xf32, #tpu.memory_space<hbm>> -> memref<8x128xf32, #tpu.memory_space<hbm>>
        %dma_wait3A_355 = arith.constant 0 : i32
        %dma_wait3A_356 = tpu.memref_slice %arg19[%mul3A_344, %dma_wait3A_355] : memref<80x128xf32, #tpu.memory_space<vmem_shared>> -> memref<8x128xf32, #tpu.memory_space<vmem_shared>>
        tpu.wait_dma2 semaphore(%run_scoped3A : memref<!tpu.dma_semaphore, #tpu.memory_space<semaphore_mem>>) src(%dma_wait3A_356 : memref<8x128xf32, #tpu.memory_space<vmem_shared>>) dst(%dma_wait3A_354 : memref<8x128xf32, #tpu.memory_space<hbm>>)
        tpu.yield
      }) : () -> ()
    } else {
    }
    return
  }
}

module attributes {stable_mosaic.version = 14 : i64} {
  func.func @_tc_body(%arg0: i32, %arg1: memref<2x1024x128xf32, #tpu.memory_space<vmem>>, %arg2: memref<2x1024x1xf32, #tpu.memory_space<vmem>>, %arg3: memref<128x128xf32, #tpu.memory_space<vmem>>, %arg4: memref<1x128xf32, #tpu.memory_space<vmem>>, %arg5: memref<1024x128xf32, #tpu.memory_space<vmem>>) attributes {dimension_semantics = [#tpu.dimension_semantics<arbitrary>], iteration_bounds = array<i64: 10>, scalar_prefetch = 0 : i64, scratch_operands = 0 : i64, tpu.core_type = #tpu.core_type<tc>, window_params = [{transform_indices = @transform_0, window_bounds = array<i64: 2, 1024, 128>}, {transform_indices = @transform_1, window_bounds = array<i64: 2, 1024, 1>}, {pipeline_mode = #tpu.pipeline_mode<synchronous>, transform_indices = @transform_2, window_bounds = array<i64: 128, 128>}, {pipeline_mode = #tpu.pipeline_mode<synchronous>, transform_indices = @transform_3, window_bounds = array<i64: 1, 128>}, {transform_indices = @transform_4, window_bounds = array<i64: 1024, 128>}]} {
    %get3A = arith.constant 0 : index
    %get3A_0 = arith.constant 0 : index
    %get3A_1 = arith.constant 0 : index
    %get3A_2 = vector.load %arg1[%get3A, %get3A_0, %get3A_1] : memref<2x1024x128xf32, #tpu.memory_space<vmem>>, vector<2x1024x128xf32>
    %slice3A = vector.extract_strided_slice %get3A_2 {offsets = [0, 0, 0], sizes = [1, 1024, 128], strides = [1, 1, 1]} : vector<2x1024x128xf32> to vector<1x1024x128xf32>
    %squeeze3A = vector.shape_cast %slice3A : vector<1x1024x128xf32> to vector<1024x128xf32>
    %slice3A_3 = vector.extract_strided_slice %get3A_2 {offsets = [1, 0, 0], sizes = [1, 1024, 128], strides = [1, 1, 1]} : vector<2x1024x128xf32> to vector<1x1024x128xf32>
    %squeeze3A_4 = vector.shape_cast %slice3A_3 : vector<1x1024x128xf32> to vector<1024x128xf32>
    %add3A = arith.addf %squeeze3A, %squeeze3A_4 : vector<1024x128xf32>
    %get3A_5 = arith.constant 0 : index
    %get3A_6 = arith.constant 0 : index
    %get3A_7 = arith.constant 0 : index
    %get3A_8 = vector.load %arg2[%get3A_5, %get3A_6, %get3A_7] : memref<2x1024x1xf32, #tpu.memory_space<vmem>>, vector<2x1024x1xf32>
    %slice3A_9 = vector.extract_strided_slice %get3A_8 {offsets = [0, 0, 0], sizes = [1, 1024, 1], strides = [1, 1, 1]} : vector<2x1024x1xf32> to vector<1x1024x1xf32>
    %squeeze3A_10 = vector.shape_cast %slice3A_9 : vector<1x1024x1xf32> to vector<1024x1xf32>
    %slice3A_11 = vector.extract_strided_slice %get3A_8 {offsets = [1, 0, 0], sizes = [1, 1024, 1], strides = [1, 1, 1]} : vector<2x1024x1xf32> to vector<1x1024x1xf32>
    %squeeze3A_12 = vector.shape_cast %slice3A_11 : vector<1x1024x1xf32> to vector<1024x1xf32>
    %add3A_13 = arith.addf %squeeze3A_10, %squeeze3A_12 : vector<1024x1xf32>
    %add3A_14 = arith.constant 9.99999971E-10 : f32
    %add3A_15 = vector.broadcast %add3A_14 : f32 to vector<1024x1xf32>
    %add3A_16 = arith.addf %add3A_13, %add3A_15 : vector<1024x1xf32>
    %div3A = vector.broadcast %add3A_16 : vector<1024x1xf32> to vector<1024x128xf32>
    %div3A_17 = arith.divf %add3A, %div3A : vector<1024x128xf32>
    %get3A_18 = arith.constant 0 : index
    %get3A_19 = arith.constant 0 : index
    %get3A_20 = vector.load %arg3[%get3A_18, %get3A_19] : memref<128x128xf32, #tpu.memory_space<vmem>>, vector<128x128xf32>
    %dot_general3A = arith.constant dense<0.000000e+00> : vector<1024x128xf32>
    %dot_general3A_21 = tpu.matmul %div3A_17, %get3A_20, %dot_general3A {dimension_numbers = #tpu.dot_dimension_numbers<[1], [0], [0], [1], [0, 0, 1, 1], [], []>, transpose_lhs_hint = false} : vector<1024x128xf32>, vector<128x128xf32>, vector<1024x128xf32> -> vector<1024x128xf32>
    %get3A_22 = arith.constant 0 : index
    %get3A_23 = arith.constant 0 : index
    %get3A_24 = vector.load %arg4[%get3A_22, %get3A_23] : memref<1x128xf32, #tpu.memory_space<vmem>>, vector<1x128xf32>
    %add3A_25 = vector.broadcast %get3A_24 : vector<1x128xf32> to vector<1024x128xf32>
    %add3A_26 = arith.addf %dot_general3A_21, %add3A_25 : vector<1024x128xf32>
    %swap3A = arith.constant 0 : index
    %swap3A_27 = arith.constant 0 : index
    %swap3A_28 = vector.load %arg5[%swap3A, %swap3A_27] : memref<1024x128xf32, #tpu.memory_space<vmem>>, vector<1024x128xf32>
    tpu.vector_store %arg5[%swap3A, %swap3A_27], %add3A_26 {strides = array<i32>} : memref<1024x128xf32, #tpu.memory_space<vmem>>, vector<1024x128xf32>,
    return
  }
  func.func @transform_0(%arg0: i32) -> (i32, i32, i32) {
    %c0_i32 = arith.constant 0 : i32
    %c0_i32_0 = arith.constant 0 : i32
    %c0_i32_1 = arith.constant 0 : i32
    return %c0_i32, %arg0, %c0_i32_0 : i32, i32, i32
  }
  func.func @transform_1(%arg0: i32) -> (i32, i32, i32) {
    %c0_i32 = arith.constant 0 : i32
    %c0_i32_0 = arith.constant 0 : i32
    %c0_i32_1 = arith.constant 0 : i32
    return %c0_i32, %arg0, %c0_i32_0 : i32, i32, i32
  }
  func.func @transform_2(%arg0: i32) -> (i32, i32) {
    %c0_i32 = arith.constant 0 : i32
    %c0_i32_0 = arith.constant 0 : i32
    %c0_i32_1 = arith.constant 0 : i32
    return %c0_i32, %c0_i32_0 : i32, i32
  }
  func.func @transform_3(%arg0: i32) -> (i32, i32) {
    %c0_i32 = arith.constant 0 : i32
    %c0_i32_0 = arith.constant 0 : i32
    %c0_i32_1 = arith.constant 0 : i32
    return %c0_i32, %c0_i32_0 : i32, i32
  }
  func.func @transform_4(%arg0: i32) -> (i32, i32) {
    %c0_i32 = arith.constant 0 : i32
    %c0_i32_0 = arith.constant 0 : i32
    return %arg0, %c0_i32 : i32, i32
  }
}

</mosaic_0001>

<sc_bundles>
// kernel: kernel.4.cloned.1.call-start
scs
__scs_entry_jumppad:
0x0: {  	(pc) =	sbr.rel $0x88, $3  }
0x1: {  	(tag) =	ssettag $0x0;
	lr =	simm.s32 $0x1  }
0x2: {  	[smem:$0x3F9C] =	sst lr;
	_ =	strace $0xD0000000  }
0x3: {  	_ = 	snop  }
0x4: {  	_ = 	snop  }
0x5: {  	_ = 	snop  }
0x6: {  	_ = 	snop  }
0x7: {  	_ = 	snop  }
__scs_overlays_trampoline_lowered:
0x8: {  	[smem:$0x3FAB] =	sst s0  }
0x9: {  	[smem:$0x3FAC] =	sst s1  }
0xa: {  	[smem:$0x3FAD] =	sst s2  }
0xb: {  	[smem:$0x3FAE] =	sst s3  }
0xc: {  	[smem:$0x3FAF] =	sst s4  }
0xd: {  	[smem:$0x3FB0] =	sst s5  }
0xe: {  	[smem:$0x3FB1] =	sst s6  }
0xf: {  	[smem:$0x3FB2] =	sst s7  }
0x10: {  	[smem:$0x3FB3] =	sst s8  }
0x11: {  	[smem:$0x3FB4] =	sst s9;
	s0 =	simm.s32 @!p0 $0x0  }
0x12: {  	s1 =	sld [smem:$0x3F9A];
	s0 =	simm.s32 @p0 $0x1  }
0x13: {  	[smem:$0x3FB5] =	sst s0;
	s0 =	simm.s32 @!p1 $0x0  }
0x14: {  	s2 =	sld [smem:$0x3F99];
	s0 =	simm.s32 @p1 $0x1  }
0x15: {  	[smem:$0x3FB6] =	sst s0;
	s0 =	simm.s32 @!p2 $0x0  }
0x16: {  	s3 =	sld [smem:$0x3FDB];
	s0 =	simm.s32 @p2 $0x1  }
0x17: {  	s4 =	simm.s32 $0x1BF5;
	[smem:$0x3FB8] =	sst s0  }
0x18: {  	s0 =	sld [smem:$0x3F9B];
	_ =	swait.ge [sflag:s4], $0x0  }
0x19: {  	s7 =	sld [smem:$0x3F9C]  }
0x1a: {  	s8 =	sadd.s32 $0xFFFFE003, lr  }
0x1b: {  	s9 =	sadd.s32 $0xFFFFFEF7, lr;
	s5 =	simm.s32 $0xFFFFFFFF;
	p2 =	slt.u32 s8, $0xFFFFF086  }
0x1c: {  	p1 =	slt.u32 s9, $0xF7A;
	s5 =	simm.s32 @!p2 $0x0  }
0x1d: {  	s5 =	simm.s32 @p1 $0x1;
	p0 =	seq.s32 s7, s2  }
0x1e: {  	s7 =	smul.u32 @!p0 $0xF7A, s2;
	p2 =	seq.s32 @!p0 s5, $0x0  }
0x1f: {  	s9 =	smul.u32 $0xF7A, s1;
	s8 =	simm.s32 @!p0 $0x1BF5;
	p2 =	por !p2, p0  }
0x20: {  	[sflag:s8] =	ssyncset.s32 @!p0 $0xFFFFF086;
	s6 =	sadd.s32 @!p0 s3, s7;
	s7 =	simm.s32 @!p0 $0x108  }
0x21: {  	s3 =	sadd.s32 s3, s9;
	s6 =	sadd.s32 @!p0 $0x88, s6;
	s7 =	simm.s32 @p2 $0x1082  }
0x22: {  	[simem:s7], [sflag:s8] =	dma.local @!p0 [hbm:s6], $0xF7A  }
0x23: {  	s9 =	sor.u32 $0xD0000000, s2;
	s6 =	simm.s32 $0x108;
	_ =	swait.ge @!p0 [sflag:s8], $0x0  }
0x24: {  	s3 =	sadd.s32 $0x88, s3;
	s6 =	simm.s32 @!p1 $0x1082;
	[sflag:s4] =	ssyncset.s32 $0xFFFFF086  }
0x25: {  	[simem:s6], [sflag:s4] =	dma.local [hbm:s3], $0xF7A  }
0x26: {  	[smem:$0x3F9C] =	sst s1;
	(tag) =	ssettag s2;
	_ =	strace s9  }
0x27: {  	s1 =	sld [smem:$0x3FAC]  }
0x28: {  	s2 =	sld [smem:$0x3FAD]  }
0x29: {  	s4 =	sld [smem:$0x3FAF]  }
0x2a: {  	p0 =	seq.s32 s5, $0x0;
	s5 =	sld [smem:$0x3FB0]  }
0x2b: {  	s6 =	sld [smem:$0x3FB1]  }
0x2c: {  	s7 =	sld [smem:$0x3FB2]  }
0x2d: {  	s3 =	simm.s32 $0x108;
	s8 =	sld [smem:$0x3FB3]  }
0x2e: {  	s3 =	simm.s32 @!p0 $0x1082;
	s9 =	sld [smem:$0x3FB4]  }
0x2f: {  	lr =	sadd.s32 s0, s3;
	s0 =	sld [smem:$0x3FAB]  }
0x30: {  	s3 =	sld [smem:$0x3FAE]  }
0x31: {  	[smem:$0x3FB7] =	sst s10  }
0x32: {  	s10 =	sld [smem:$0x3FB5];
	_ =	sdelay $0x3  }
0x33: {  	p0 =	seq.s32 s10, $0x1;
	s10 =	sld [smem:$0x3FB7];
	_ =	sdelay $0x3  }
0x34: {  	[smem:$0x3FB7] =	sst s10  }
0x35: {  	s10 =	sld [smem:$0x3FB6];
	_ =	sdelay $0x3  }
0x36: {  	p1 =	seq.s32 s10, $0x1;
	s10 =	sld [smem:$0x3FB7];
	_ =	sdelay $0x3  }
0x37: {  	[smem:$0x3FB7] =	sst s10  }
0x38: {  	s10 =	sld [smem:$0x3FB8]  }
0x39: {  	_ = 	snop;
	(pc) =	sbr.ind lr, $3  }
0x3a: {  	_ = 	snop  }
0x3b: {  	_ = 	snop  }
0x3c: {  	p2 =	seq.s32 s10, $0x1;
	s10 =	sld [smem:$0x3FB7]  }
0x3d: {  	_ =	shalt  }
0x3e: {  	_ =	shalt  }
0x3f: {  	_ =	shalt  }
0x40: {  	_ =	shalt  }
0x41: {  	_ =	shalt  }
0x42: {  	_ =	shalt  }
0x43: {  	_ =	shalt  }
0x44: {  	_ =	shalt  }
0x45: {  	_ =	shalt  }
0x46: {  	_ =	shalt  }
0x47: {  	_ =	shalt  }
0x48: {  	_ =	shalt  }
0x49: {  	_ =	shalt  }
0x4a: {  	_ =	shalt  }
0x4b: {  	_ =	shalt  }
0x4c: {  	_ =	shalt  }
0x4d: {  	_ =	shalt  }
0x4e: {  	_ =	shalt  }
0x4f: {  	_ =	shalt  }
0x50: {  	_ =	shalt  }
0x51: {  	_ =	shalt  }
0x52: {  	_ =	shalt  }
0x53: {  	_ =	shalt  }
0x54: {  	_ =	shalt  }
0x55: {  	_ =	shalt  }
0x56: {  	_ =	shalt  }
0x57: {  	_ =	shalt  }
0x58: {  	_ =	shalt  }
0x59: {  	_ =	shalt  }
0x5a: {  	_ =	shalt  }
0x5b: {  	_ =	shalt  }
0x5c: {  	_ =	shalt  }
0x5d: {  	_ =	shalt  }
0x5e: {  	_ =	shalt  }
0x5f: {  	_ =	shalt  }
0x60: {  	_ =	shalt  }
0x61: {  	_ =	shalt  }
0x62: {  	_ =	shalt  }
0x63: {  	_ =	shalt  }
0x64: {  	_ =	shalt  }
0x65: {  	_ =	shalt  }
0x66: {  	_ =	shalt  }
0x67: {  	_ =	shalt  }
0x68: {  	_ =	shalt  }
0x69: {  	_ =	shalt  }
0x6a: {  	_ =	shalt  }
0x6b: {  	_ =	shalt  }
0x6c: {  	_ =	shalt  }
0x6d: {  	_ =	shalt  }
0x6e: {  	_ =	shalt  }
0x6f: {  	_ =	shalt  }
0x70: {  	_ =	shalt  }
0x71: {  	_ =	shalt  }
0x72: {  	_ =	shalt  }
0x73: {  	_ =	shalt  }
0x74: {  	_ =	shalt  }
0x75: {  	_ =	shalt  }
0x76: {  	_ =	shalt  }
0x77: {  	_ =	shalt  }
0x78: {  	_ =	shalt  }
0x79: {  	_ =	shalt  }
0x7a: {  	_ =	shalt  }
0x7b: {  	_ =	shalt  }
0x7c: {  	_ =	shalt  }
0x7d: {  	_ =	shalt  }
0x7e: {  	_ =	shalt  }
0x7f: {  	_ =	shalt  }
0x80: {  	_ =	shalt  }
0x81: {  	_ =	shalt  }
0x82: {  	_ =	shalt  }
0x83: {  	_ =	shalt  }
0x84: {  	_ =	shalt  }
0x85: {  	_ =	shalt  }
0x86: {  	_ =	shalt  }
0x87: {  	_ =	shalt  }
.Lfunc_end0:
.L_simem_size_0:
called_computation_lowered:
.L_overlay_start_0:
0x88: {  	s2 =	sld [smem:$0x3FD9]  }
0x89: {  	s3 =	sld [smem:$0x3FFE];
	_ =	sdelay $0x1  }
0x8a: {  	s1 =	srdreg.scid  }
0x8b: {  	s0 =	sand.u32 $0x1, s1  }
0x8c: {  	s17 =	sshll.u32 s0, $0xA;
	s2 =	sadd.s32 s3, s2  }
0x8d: {  	s2 =	sadd.s32 s2, s17  }
0x8e: {  	[smem:$0x3FC3] =	sst s2  }
0x8f: {  	_ = 	snop  }
0x90: {  	s2 =	sld [smem:$0x3FC9]  }
0x91: {  	s18 =	sld [smem:$0x3FC8]  }
0x92: {  	s4 =	sld [smem:$0x3FD0];
	(tm) =	ssettm $0x1  }
0x93: {  	s5 =	sld [smem:$0x3FFB];
	_ =	sdelay $0x3  }
0x94: {  	_ =	strace s5  }
0x95: {  	s5 =	sld [smem:$0x3FFC];
	_ =	sdelay $0x3  }
0x96: {  	_ =	strace s5  }
0x97: {  	s5 =	sld [smem:$0x3FFD];
	_ =	sdelay $0x3  }
0x98: {  	_ =	strace s5  }
0x99: {  	_ =	strace $0x8FFFFFFF  }
0x9a: {  	s19 =	sld [smem:$0x3FDB];
	_ =	sdelay $0x1  }
0x9b: {  	s6 =	simm.s32 $_scs_section_size  }
0x9c: {  	s7 =	simm.s32 $_size__tile_overlayer_lowered;
	s8 =	simm.s32 $_tile_overlayer_lowered  }
0x9d: {  	s22 =	simm.s32 $0x1BFF;
	s21 =	sshll.u32 s8, $0x1;
	s5 =	sadd.s32 s6, s19  }
0x9e: {  	s9 =	simm.s32 $0x0;
	s20 =	sshll.u32 s7, $0x1;
	s7 =	sadd.s32 s21, s5  }
0x9f: {  	[timem:s9], [sflag:s22] =	dma.local [hbm:s7], s20  }
0xa0: {  	_ =	swait.ge [sflag:s22], s20  }
0xa1: {  	s6 =	ssub.s32 $0x0, s20;
	[sflag:s22] =	ssyncset.done $0x0  }
0xa2: {  	[sflag:s22] =	ssyncadd.s32 s6;
	_ =	sdelay $0x1  }
0xa3: {  	s23 =	simm.s32 $0x1B8B  }
0xa4: {  	_ =	swait.ge [sflag:s23], $0x1  }
0xa5: {  	[sflag:s23] =	ssyncset.done $0x0  }
0xa6: {  	s25 =	simm.s32 $0x1B8E;
	s24 =	sld [smem:$0x3FFE];
	[sflag:s23] =	ssyncadd.s32 $0xFFFFFFFF  }
0xa7: {  	s26 =	simm.s32 $execute0_lowered;
	[smem:$0x3FD2] =	sst s25  }
0xa8: {  	s7 =	sshll.u32 s26, $0x1;
	_ =	strace $0x80000046;
	[dreg:$0x1] =	wrdreg $0xFFFFFFFF  }
0xa9: {  	s28 =	simm.s32 $_size_execute0_lowered;
	s5 =	sadd.s32 s5, s7;
	[dreg:$0x0] =	wrdreg $0x0  }
0xaa: {  	s7 =	sshll.u32 s28, $0x1;
	[dreg:$0x2] =	wrdreg s5  }
0xab: {  	[dreg:$0x3] =	wrdreg s7  }
0xac: {  	[dreg:$0x4] =	wrdreg $0xC0  }
0xad: {  	_ =	task [dreg:s9], $0x5FFFF  }
0xae: {  	[dreg:$0x1] =	wrdreg $0xFFFFFFFF  }
0xaf: {  	[dreg:$0x0] =	wrdreg $0x60  }
0xb0: {  	[dreg:$0x2] =	wrdreg s2  }
0xb1: {  	[dreg:$0x3] =	wrdreg s18  }
0xb2: {  	[dreg:$0x4] =	wrdreg s24  }
0xb3: {  	[dreg:$0x5] =	wrdreg s4  }
0xb4: {  	[dreg:$0x6] =	wrdreg $0xAC000  }
0xb5: {  	[dreg:$0x7] =	wrdreg $0x1EC000  }
0xb6: {  	[dreg:$0x8] =	wrdreg $0x9  }
0xb7: {  	_ =	task.clear_ibuf [dreg:s9], $0x9FFFF;
	_ =	strace $0x90000046  }
0xb8: {  	s29 =	simm.s32 $0x9;
	_ =	strace $0x80000048  }
0xb9: {  	_ =	swait.ge [sflag:s29], $0x1  }
0xba: {  	[sflag:s29] =	ssyncadd.s32 $0xFFFFFFFF  }
0xbb: {  	_ =	strace $0x90000048  }
0xbc: {  	_ =	sfence  }
0xbd: {  	s30 =	sld [smem:$0x0];
	_ =	sdelay $0x2  }
0xbe: {  	s31 =	sshll.u32 s1, $0xD;
	s1 =	sshrl.u32 s1, $0x2  }
0xbf: {  	s3 =	sand.u32 $0x4000, s31;
	s1 =	sadd.s32 s1, s30  }
0xc0: {  	s0 =	sor.u32 s3, s0;
	s1 =	sshll.u32 s1, $0x11  }
0xc1: {  	s0 =	sor.u32 s1, s0  }
0xc2: {  	s0 =	sadd.s32 $0x8F2B, s0  }
0xc3: {  	[sflag:s0] =	ssyncadd.remote.s32 $0x1  }
0xc4: {  	_ =	sfence.sel $0xFFFF  }
0xc5: {  	[dreg:$0x0] =	wrdreg $0xFFFFFFFF;
	(pc) =	sbr.abs _section_cstart, $3  }
0xc6: {  	[dreg:$0x1] =	wrdreg $0xFFFFFFFF  }
0xc7: {  	_ =	task.clear_ibuf [dreg:s9], $0x2FFFF;
	_ =	strace $0x9FFFFFFF  }
0xc8: {  	(tm) =	ssettm $0x7FFFFFFF  }
0xc9: {  	_ =	shalt  }
tec
execute0_lowered:
.L_overlay_start_1:
0x0: {  	(tag) =	ssettag $0x1  }
0x1: {  	s0 =	rddreg [dreg:$0x0]  }
0x2: {  	s1 =	rddreg [dreg:$0x1]  }
0x3: {  	s3 =	rddreg [dreg:$0x2]  }
0x4: {  	s2 =	rddreg [dreg:$0x3]  }
0x5: {  	s5 =	rddreg [dreg:$0x4]  }
0x6: {  	s4 =	srdreg.scid;
	s7 =	stileid.u32  }
0x7: {  	s13 =	rddreg [dreg:$0x5];
	s8 =	smul.u32 $0x14000, s7  }
0x8: {  	s9 =	simm.s32 $0x0;
	s4 =	sand.u32 $0x1, s4;
	s11 =	smul.u32 $0x50000, s7  }
0x9: {  	[smem:$0x7FF] =	sst s9;
	s6 =	smul.u32 $0x140000, s4  }
0xa: {  	s10 =	sshll.u32 s7, $0xA;
	p0 =	sgt.u32 s7, $0x9;
	s15 =	smul.u32 $0x2800, s4  }
0xb: {  	_ =	strace $0x80000047;
	s16 =	ssub.s32 $0x2, s4;
	s11 =	sshrl.u32 s11, $0x2  }
0xc: {  	s4 =	sshll.u32 s4, $0x4;
	s12 =	sshrl.u32 s16, $0x1;
	s14 =	sadd.s32 s11, s5  }
0xd: {  	s4 =	sor.u32 s7, s4;
	s11 =	sadd.s32 $0x800, s14;
	[dreg:$0x7] =	wrdreg s14  }
0xe: {  	s6 =	sadd.s32 s8, s6;
	s17 =	sadd.s32 $0x1000, s14;
	[dreg:$0x8] =	wrdreg s11  }
0xf: {  	s8 =	sadd.s32 $0x600, s3;
	s18 =	sadd.s32 $0x1800, s14;
	[dreg:$0x9] =	wrdreg s17  }
0x10: {  	s9 =	sadd.s32 s10, s15;
	s19 =	sadd.s32 $0x2000, s14;
	[dreg:$0xa] =	wrdreg s18  }
0x11: {  	s6 =	sshrl.u32 s6, $0x3;
	s20 =	sadd.s32 $0x2800, s14;
	[dreg:$0xb] =	wrdreg s19  }
0x12: {  	s9 =	sshrl.u32 s9, $0x3;
	s21 =	sadd.s32 $0x3000, s14;
	[dreg:$0xc] =	wrdreg s20  }
0x13: {  	s7 =	sadd.s32 $0x4000, s14;
	s15 =	sadd.s32 $0x7000, s14;
	[dreg:$0xd] =	wrdreg s21  }
0x14: {  	s6 =	sadd.s32 s6, s3;
	s3 =	sadd.s32 s9, s3;
	[dreg:$0x17] =	wrdreg s7  }
0x15: {  	s9 =	ssub.s32 s16, s12;
	s12 =	sadd.s32 $0x6000, s14;
	[dreg:$0x1d] =	wrdreg s15  }
0x16: {  	s16 =	sadd.s32 s10, s13;
	s13 =	sadd.s32 $0x6800, s14;
	[dreg:$0x1b] =	wrdreg s12  }
0x17: {  	s17 =	sadd.s32 $0x7800, s14;
	[dreg:$0x1c] =	wrdreg s13  }
0x18: {  	s18 =	sadd.s32 $0x8000, s14;
	[dreg:$0x1e] =	wrdreg s17  }
0x19: {  	s19 =	sadd.s32 $0x8800, s14;
	[dreg:$0x1f] =	wrdreg s18  }
0x1a: {  	s20 =	sadd.s32 $0x9000, s14;
	[smem:$0x7E7] =	sst s19  }
0x1b: {  	s4 =	smul.u32 $0x2710, s4;
	s7 =	sadd.s32 $0xC800, s14;
	[smem:$0x7E8] =	sst s20  }
0x1c: {  	s15 =	sadd.s32 $0xF800, s14;
	[smem:$0x7EF] =	sst s7  }
0x1d: {  	s22 =	sshrl.u32 s4, $0x3;
	[smem:$0x7F5] =	sst s15  }
0x1e: {  	s24 =	sadd.s32 s8, s22;
	[dreg:$0xe] =	wrdreg s16  }
0x1f: {  	s10 =	sadd.s32 s2, s22;
	[dreg:$0xf] =	wrdreg s24  }
0x20: {  	s23 =	sadd.s32 $0x28, s4;
	s26 =	sadd.s32 $0xAE00, s6;
	[dreg:$0x10] =	wrdreg s10  }
0x21: {  	s21 =	sadd.s32 $0x50, s4;
	s3 =	sadd.s32 $0xA400, s3;
	[dreg:$0x13] =	wrdreg s26  }
0x22: {  	s22 =	sadd.s32 $0x78, s4;
	s4 =	smax.u32 s9, $0x1;
	[dreg:$0x14] =	wrdreg s3  }
0x23: {  	s6 =	sadd.s32 $0x3800, s14;
	[dreg:$0x15] =	wrdreg s4  }
0x24: {  	s9 =	sadd.s32 $0x4800, s14;
	[dreg:$0x16] =	wrdreg s6  }
0x25: {  	s25 =	sshrl.u32 s23, $0x3;
	s23 =	sadd.s32 $0x9800, s14;
	[dreg:$0x18] =	wrdreg s9  }
0x26: {  	s12 =	sadd.s32 $0xE800, s14;
	[smem:$0x7E9] =	sst s23  }
0x27: {  	s13 =	sadd.s32 $0xF000, s14;
	[smem:$0x7F3] =	sst s12  }
0x28: {  	s17 =	sadd.s32 $0x10000, s14;
	[smem:$0x7F4] =	sst s13  }
0x29: {  	s18 =	sadd.s32 $0x10800, s14;
	[smem:$0x7F6] =	sst s17  }
0x2a: {  	s28 =	simm.s32 $0x2;
	s19 =	sadd.s32 $0x11000, s14;
	[smem:$0x7F7] =	sst s18  }
0x2b: {  	s29 =	simm.s32 $0x4;
	s20 =	sadd.s32 $0x11800, s14;
	[smem:$0x7F8] =	sst s19  }
0x2c: {  	s30 =	simm.s32 $0x7;
	s11 =	sadd.s32 s8, s25;
	[smem:$0x7F9] =	sst s20  }
0x2d: {  	s31 =	simm.s32 $0x6;
	s10 =	sadd.s32 s2, s25;
	[dreg:$0x11] =	wrdreg s11  }
0x2e: {  	v0 =	vimm.s32 $0xEFCDAB89;
	s15 =	simm.s32 $0xD;
	s24 =	sadd.s32 $0xA000, s14;
	[dreg:$0x12] =	wrdreg s10  }
0x2f: {  	v1 =	vimm.s32 $0x67452301;
	v3 =	vimm.s32 $0xDCFE98BA;
	s7 =	simm.s32 $0x0;
	s25 =	sadd.s32 $0xA800, s14;
	[smem:$0x7EA] =	sst s24  }
0x30: {  	v8 =	vimm.s32 $0x32107654;
	v2 =	vunpack.c.l.s4.s8 v0;
	v1 =	vunpack.c.l.s4.s8 v1;
	s26 =	sadd.s32 $0xB000, s14;
	s4 =	sadd.s32 $0xB800, s14;
	[smem:$0x7EB] =	sst s25  }
0x31: {  	v9 =	vimm.s32 $0xFEDCBA98;
	s6 =	sadd.s32 $0xC000, s14;
	s9 =	sadd.s32 $0xD000, s14;
	[smem:$0x7EC] =	sst s26  }
0x32: {  	v10 =	vimm.s32 $0x76543210;
	v4 =	vunpack.c.0.s8.s32 v2;
	v5 =	vunpack.c.0.s8.s32 v1;
	s23 =	sadd.s32 $0x12000, s14;
	s18 =	simm.s32 $0x80;
	[smem:$0x7ED] =	sst s4  }
0x33: {  	vm0 =	vcmask $0x3F20;
	v6 =	vunpack.c.l.s4.s8 v3;
	s19 =	simm.s32 $0x180;
	s17 =	simm.s32 $0xC;
	[smem:$0x7EE] =	sst s6  }
0x34: {  	v0 =	vlaneseq.u32;
	v8 =	vunpack.c.l.s4.s8 v8;
	v7 =	vcombine.low v5, v4;
	s12 =	simm.s32 $0x8400;
	s13 =	simm.s32 $0x28;
	[smem:$0x7F0] =	sst s9  }
0x35: {  	v4 =	vunpack.c.0.s8.s32 v6;
	v5 =	vimm.s32 $0x54761032;
	v6 =	vimm.s32 $0xBA98FEDC;
	s3 =	simm.s32 $0x8;
	s10 =	sadd.s32 $0x5000, s14;
	[smem:$0x7FA] =	sst s23  }
0x36: {  	v9 =	vunpack.c.l.s4.s8 v9;
	v5 =	vunpack.c.l.s4.s8 v5;
	v6 =	vunpack.c.l.s4.s8 v6;
	s11 =	sadd.s32 $0x5800, s14;
	s24 =	sadd.s32 $0x12800, s14;
	[dreg:$0x19] =	wrdreg s10  }
0x37: {  	v10 =	vunpack.c.l.s4.s8 v10;
	v3 =	vor.u32 $0x20, v0;
	v8 =	vunpack.c.0.s8.s32 v8;
	s25 =	sadd.s32 $0x13000, s14;
	s26 =	sadd.s32 $0x13800, s14;
	[dreg:$0x1a] =	wrdreg s11  }
.Ltmp0:
0x38: {  	v9 =	vunpack.c.0.s8.s32 v9;
	v5 =	vunpack.c.0.s8.s32 v5;
	v6 =	vunpack.c.0.s8.s32 v6;
	s23 =	simm.s32 $0x18;
	[smem:$0x7FB] =	sst s24;
	(pc) =	sbr.rel .LBB2_1-.Ltmp0, $4  }
0x39: {  	v1 =	vimm.f32 $0.0e+00;
	v2 =	vor.u32 $0x10, v0;
	v10 =	vunpack.c.0.s8.s32 v10;
	s9 =	simm.s32 $0x5;
	s10 =	sadd.s32 $0xD800, s14;
	[smem:$0x7FC] =	sst s25  }
0x3a: {  	v9 =	vand.u32 $0xF, v9;
	s11 =	sadd.s32 $0xE000, s14;
	[smem:$0x7FD] =	sst s26;
	s24 =	simm.s32 $0x10;
	v11 =	vcombine.low v5, v4;
	v8 =	vcombine.low v8, v6  }
0x3b: {  	v9 =	vcombine.low v9, v10;
	s25 =	simm.s32 $0x1;
	s26 =	simm.s32 $0x3;
	v4 =	vor.u32 $0x30, v0;
	v5 =	vor.u32 $0x40, v0;
	[smem:$0x7F1] =	sst s10  }
0x3c: {  	v6 =	vand.u32 $0xF, v7;
	[smem:$0x7F2] =	sst s11;
	s11 =	simm.s32 $0x8300;
	s10 =	simm.s32 $0xA;
	v7 =	vand.u32 $0xF, v11;
	v8 =	vand.u32 $0xF, v8  }
.LBB2_12:
0x3d: {  	s4 =	simm.s32 $0x9  }
0x3e: {  	_ =	swait.ge [sflag:s4], $0x1400  }
0x3f: {  	[sflag:s4] =	ssyncset.done $0x0  }
0x40: {  	[sflag:s4] =	ssyncadd.s32 $0xFFFFEC00  }
0x41: {  	_ =	swait.ge [sflag:s10], $0x1400  }
0x42: {  	[sflag:s10] =	ssyncset.done $0x0  }
0x43: {  	[sflag:s10] =	ssyncadd.s32 $0xFFFFEC00  }
0x44: {  	s6 =	simm.s32 $0x50;
	s7 =	simm.s32 $0x8380;
	s20 =	rddreg [dreg:$0x5]  }
0x45: {  	[spmem:s20] =	stream.indirect.scatter.add.f32 [tilespmem:s12], [sflag:$0xD], $0x80, s7, s6, $0xb8;
	[tilespmem:$0x1EE80] =	vst v63  }
0x46: {  	_ =	swait.ge [sflag:s15], $0x2800  }
0x47: {  	[sflag:s15] =	ssyncset.done $0x0  }
0x48: {  	[sflag:s15] =	ssyncadd.s32 $0xFFFFD800  }
0x49: {  	s14 =	stileid.u32;
	[bflag:$0x0] =	sbarrier.arrive $0xFFFF  }
0x4a: {  	s4 =	sshll.u32 s14, $0x6;
	s14 =	rddreg [dreg:$0x7]  }
0x4b: {  	s4 =	sor.u32 $0x1C0D, s4;
	s20 =	rddreg [dreg:$0x13];
	s16 =	sshrl.u32 s14, $0x3  }
0x4c: {  	[hbm:s20], [sflag:s4] =	dma.local [spmem:s16], $0x2800  }
0x4d: {  	_ =	swait.ge [sflag:s15], $0x2800  }
0x4e: {  	[sflag:s15] =	ssyncset.done $0x0;
	s16 =	rddreg [dreg:$0xe]  }
0x4f: {  	s7 =	rddreg [dreg:$0x14];
	[sflag:s15] =	ssyncadd.s32 $0xFFFFD800;
	s6 =	sshrl.u32 @!p0 s16, $0x3  }
0x50: {  	[hbm:s7], [sflag:s4] =	dma.local @!p0 [spmem:s6], $0x80  }
0x51: {  	s4 =	simm.s32 @!p0 $0xD  }
0x52: {  	_ =	swait.ge @!p0 [sflag:s4], $0x80  }
0x53: {  	s6 =	sld [smem:$0x7E6];
	_ =	sdelay $0x2  }
0x54: {  	s20 =	rddreg [dreg:$0x15];
	s7 =	sadd.s32 $0x1, s6  }
0x55: {  	p1 =	sne.s32 s7, s20  }
.Ltmp1:
0x56: {  	_ = 	snop;
	(pc) =	sbr.rel @!p1 .LBB2_13-.Ltmp1, $3  }
0x57: {  	_ =	sdelay $0x1  }
0x58: {  	[sflag:s4] =	ssyncset.done @!p0 $0x0  }
0x59: {  	[sflag:s4] =	ssyncadd.s32 @!p0 $0xFFFFFF80  }
.LBB2_1:
0x5a: {  	s4 =	simm.s32 $0x0;
	s6 =	simm.s32 $0x200  }
.LBB2_2:
0x5b: {  	p1 =	sne.s32 s6, $0x1E00;
	[tilespmem:s4+$0x7B70] =	vst v1  }
0x5c: {  	[tilespmem:s4+$0x7B00] =	vst v1  }
0x5d: {  	[tilespmem:s4+$0x7B10] =	vst v1  }
.Ltmp2:
0x5e: {  	[tilespmem:s4+$0x7B20] =	vst v1;
	(pc) =	sbr.rel @p1 .LBB2_2-.Ltmp2, $4  }
0x5f: {  	[tilespmem:s4+$0x7B30] =	vst v1  }
0x60: {  	[tilespmem:s4+$0x7B40] =	vst v1  }
0x61: {  	[tilespmem:s4+$0x7B50] =	vst v1  }
0x62: {  	[tilespmem:s4+$0x7B60] =	vst v1;
	s4 =	sshra.s32 s6, $0x2;
	s6 =	sadd.s32 $0x200, s6  }
0x63: {  	[tilespmem:s4+$0x7B70] =	vst v1  }
0x64: {  	[tilespmem:s4+$0x7B00] =	vst v1  }
0x65: {  	[tilespmem:s4+$0x7B10] =	vst v1  }
0x66: {  	[tilespmem:s4+$0x7B20] =	vst v1  }
0x67: {  	[tilespmem:s4+$0x7B30] =	vst v1  }
0x68: {  	[tilespmem:s4+$0x7B40] =	vst v1  }
0x69: {  	[tilespmem:s4+$0x7B50] =	vst v1  }
0x6a: {  	[smem:$0x7E6] =	sst s7;
	[tilespmem:s4+$0x7B60] =	vst v1;
	s6 =	simm.s32 $0x7B00  }
0x6b: {  	[spmem:s14] =	stream.linear.scatter [tilespmem:s6], [sflag:$0xD], $0x800, $0x38;
	[tilespmem:$0x1EE80] =	vst v63  }
0x6c: {  	_ =	swait.ge [sflag:s15], $0x800  }
0x6d: {  	[sflag:s15] =	ssyncset.done $0x0  }
0x6e: {  	s7 =	rddreg [dreg:$0x8];
	[sflag:s15] =	ssyncadd.s32 $0xFFFFF800  }
0x6f: {  	[spmem:s7] =	stream.linear.scatter [tilespmem:s6], [sflag:$0xD], $0x800, $0x38;
	[tilespmem:$0x1EE80] =	vst v63  }
0x70: {  	_ =	swait.ge [sflag:s15], $0x800  }
0x71: {  	[sflag:s15] =	ssyncset.done $0x0  }
0x72: {  	s14 =	rddreg [dreg:$0x9];
	[sflag:s15] =	ssyncadd.s32 $0xFFFFF800  }
0x73: {  	[spmem:s14] =	stream.linear.scatter [tilespmem:s6], [sflag:$0xD], $0x800, $0x38;
	[tilespmem:$0x1EE80] =	vst v63  }
0x74: {  	_ =	swait.ge [sflag:s15], $0x800  }
0x75: {  	[sflag:s15] =	ssyncset.done $0x0  }
0x76: {  	s20 =	rddreg [dreg:$0xa];
	[sflag:s15] =	ssyncadd.s32 $0xFFFFF800  }
0x77: {  	[spmem:s20] =	stream.linear.scatter [tilespmem:s6], [sflag:$0xD], $0x800, $0x38;
	[tilespmem:$0x1EE80] =	vst v63  }
0x78: {  	_ =	swait.ge [sflag:s15], $0x800  }
0x79: {  	[sflag:s15] =	ssyncset.done $0x0  }
0x7a: {  	s7 =	rddreg [dreg:$0xb];
	[sflag:s15] =	ssyncadd.s32 $0xFFFFF800  }
0x7b: {  	[spmem:s7] =	stream.linear.scatter [tilespmem:s6], [sflag:$0xD], $0x800, $0x38;
	[tilespmem:$0x1EE80] =	vst v63  }
0x7c: {  	_ =	swait.ge [sflag:s15], $0x800  }
0x7d: {  	[sflag:s15] =	ssyncset.done $0x0  }
0x7e: {  	s14 =	rddreg [dreg:$0xc];
	[sflag:s15] =	ssyncadd.s32 $0xFFFFF800  }
0x7f: {  	[spmem:s14] =	stream.linear.scatter [tilespmem:s6], [sflag:$0xD], $0x800, $0x38;
	[tilespmem:$0x1EE80] =	vst v63  }
0x80: {  	_ =	swait.ge [sflag:s15], $0x800  }
0x81: {  	[sflag:s15] =	ssyncset.done $0x0  }
0x82: {  	s20 =	rddreg [dreg:$0xd];
	[sflag:s15] =	ssyncadd.s32 $0xFFFFF800  }
0x83: {  	[spmem:s20] =	stream.linear.scatter [tilespmem:s6], [sflag:$0xD], $0x800, $0x38;
	[tilespmem:$0x1EE80] =	vst v63  }
0x84: {  	_ =	swait.ge [sflag:s15], $0x800  }
0x85: {  	[sflag:s15] =	ssyncset.done $0x0  }
0x86: {  	s7 =	rddreg [dreg:$0x16];
	[sflag:s15] =	ssyncadd.s32 $0xFFFFF800  }
0x87: {  	[spmem:s7] =	stream.linear.scatter [tilespmem:s6], [sflag:$0xD], $0x800, $0x38;
	[tilespmem:$0x1EE80] =	vst v63  }
0x88: {  	_ =	swait.ge [sflag:s15], $0x800  }
0x89: {  	[sflag:s15] =	ssyncset.done $0x0  }
0x8a: {  	s14 =	rddreg [dreg:$0x17];
	[sflag:s15] =	ssyncadd.s32 $0xFFFFF800  }
0x8b: {  	[spmem:s14] =	stream.linear.scatter [tilespmem:s6], [sflag:$0xD], $0x800, $0x38;
	[tilespmem:$0x1EE80] =	vst v63  }
0x8c: {  	_ =	swait.ge [sflag:s15], $0x800  }
0x8d: {  	[sflag:s15] =	ssyncset.done $0x0  }
0x8e: {  	s20 =	rddreg [dreg:$0x18];
	[sflag:s15] =	ssyncadd.s32 $0xFFFFF800  }
0x8f: {  	[spmem:s20] =	stream.linear.scatter [tilespmem:s6], [sflag:$0xD], $0x800, $0x38;
	[tilespmem:$0x1EE80] =	vst v63  }
0x90: {  	_ =	swait.ge [sflag:s15], $0x800  }
0x91: {  	[sflag:s15] =	ssyncset.done $0x0  }
0x92: {  	s7 =	rddreg [dreg:$0x19];
	[sflag:s15] =	ssyncadd.s32 $0xFFFFF800  }
0x93: {  	[spmem:s7] =	stream.linear.scatter [tilespmem:s6], [sflag:$0xD], $0x800, $0x38;
	[tilespmem:$0x1EE80] =	vst v63  }
0x94: {  	_ =	swait.ge [sflag:s15], $0x800  }
0x95: {  	[sflag:s15] =	ssyncset.done $0x0  }
0x96: {  	s14 =	rddreg [dreg:$0x1a];
	[sflag:s15] =	ssyncadd.s32 $0xFFFFF800  }
0x97: {  	[spmem:s14] =	stream.linear.scatter [tilespmem:s6], [sflag:$0xD], $0x800, $0x38;
	[tilespmem:$0x1EE80] =	vst v63  }
0x98: {  	_ =	swait.ge [sflag:s15], $0x800  }
0x99: {  	[sflag:s15] =	ssyncset.done $0x0  }
0x9a: {  	s20 =	rddreg [dreg:$0x1b];
	[sflag:s15] =	ssyncadd.s32 $0xFFFFF800  }
0x9b: {  	[spmem:s20] =	stream.linear.scatter [tilespmem:s6], [sflag:$0xD], $0x800, $0x38;
	[tilespmem:$0x1EE80] =	vst v63  }
0x9c: {  	_ =	swait.ge [sflag:s15], $0x800  }
0x9d: {  	[sflag:s15] =	ssyncset.done $0x0  }
0x9e: {  	s7 =	rddreg [dreg:$0x1c];
	[sflag:s15] =	ssyncadd.s32 $0xFFFFF800  }
0x9f: {  	[spmem:s7] =	stream.linear.scatter [tilespmem:s6], [sflag:$0xD], $0x800, $0x38;
	[tilespmem:$0x1EE80] =	vst v63  }
0xa0: {  	_ =	swait.ge [sflag:s15], $0x800  }
0xa1: {  	[sflag:s15] =	ssyncset.done $0x0  }
0xa2: {  	s14 =	rddreg [dreg:$0x1d];
	[sflag:s15] =	ssyncadd.s32 $0xFFFFF800  }
0xa3: {  	[spmem:s14] =	stream.linear.scatter [tilespmem:s6], [sflag:$0xD], $0x800, $0x38;
	[tilespmem:$0x1EE80] =	vst v63  }
0xa4: {  	_ =	swait.ge [sflag:s15], $0x800  }
0xa5: {  	[sflag:s15] =	ssyncset.done $0x0  }
0xa6: {  	s20 =	rddreg [dreg:$0x1e];
	[sflag:s15] =	ssyncadd.s32 $0xFFFFF800  }
0xa7: {  	[spmem:s20] =	stream.linear.scatter [tilespmem:s6], [sflag:$0xD], $0x800, $0x38;
	[tilespmem:$0x1EE80] =	vst v63  }
0xa8: {  	_ =	swait.ge [sflag:s15], $0x800  }
0xa9: {  	[sflag:s15] =	ssyncset.done $0x0  }
0xaa: {  	s7 =	rddreg [dreg:$0x1f];
	[sflag:s15] =	ssyncadd.s32 $0xFFFFF800  }
0xab: {  	[spmem:s7] =	stream.linear.scatter [tilespmem:s6], [sflag:$0xD], $0x800, $0x38;
	[tilespmem:$0x1EE80] =	vst v63  }
0xac: {  	_ =	swait.ge [sflag:s15], $0x800  }
0xad: {  	s14 =	sld [smem:$0x7E7]  }
0xae: {  	[sflag:s15] =	ssyncset.done $0x0  }
0xaf: {  	[sflag:s15] =	ssyncadd.s32 $0xFFFFF800  }
0xb0: {  	[spmem:s14] =	stream.linear.scatter [tilespmem:s6], [sflag:$0xD], $0x800, $0x38;
	[tilespmem:$0x1EE80] =	vst v63  }
0xb1: {  	_ =	swait.ge [sflag:s15], $0x800  }
0xb2: {  	s20 =	sld [smem:$0x7E8]  }
0xb3: {  	[sflag:s15] =	ssyncset.done $0x0  }
0xb4: {  	[sflag:s15] =	ssyncadd.s32 $0xFFFFF800  }
0xb5: {  	[spmem:s20] =	stream.linear.scatter [tilespmem:s6], [sflag:$0xD], $0x800, $0x38;
	[tilespmem:$0x1EE80] =	vst v63  }
0xb6: {  	_ =	swait.ge [sflag:s15], $0x800  }
0xb7: {  	s7 =	sld [smem:$0x7E9]  }
0xb8: {  	[sflag:s15] =	ssyncset.done $0x0  }
0xb9: {  	[sflag:s15] =	ssyncadd.s32 $0xFFFFF800  }
0xba: {  	[spmem:s7] =	stream.linear.scatter [tilespmem:s6], [sflag:$0xD], $0x800, $0x38;
	[tilespmem:$0x1EE80] =	vst v63  }
0xbb: {  	_ =	swait.ge [sflag:s15], $0x800  }
0xbc: {  	s14 =	sld [smem:$0x7EA]  }
0xbd: {  	[sflag:s15] =	ssyncset.done $0x0  }
0xbe: {  	[sflag:s15] =	ssyncadd.s32 $0xFFFFF800  }
0xbf: {  	[spmem:s14] =	stream.linear.scatter [tilespmem:s6], [sflag:$0xD], $0x800, $0x38;
	[tilespmem:$0x1EE80] =	vst v63  }
0xc0: {  	_ =	swait.ge [sflag:s15], $0x800  }
0xc1: {  	s20 =	sld [smem:$0x7EB]  }
0xc2: {  	[sflag:s15] =	ssyncset.done $0x0  }
0xc3: {  	[sflag:s15] =	ssyncadd.s32 $0xFFFFF800  }
0xc4: {  	[spmem:s20] =	stream.linear.scatter [tilespmem:s6], [sflag:$0xD], $0x800, $0x38;
	[tilespmem:$0x1EE80] =	vst v63  }
0xc5: {  	_ =	swait.ge [sflag:s15], $0x800  }
0xc6: {  	s7 =	sld [smem:$0x7EC]  }
0xc7: {  	[sflag:s15] =	ssyncset.done $0x0  }
0xc8: {  	[sflag:s15] =	ssyncadd.s32 $0xFFFFF800  }
0xc9: {  	[spmem:s7] =	stream.linear.scatter [tilespmem:s6], [sflag:$0xD], $0x800, $0x38;
	[tilespmem:$0x1EE80] =	vst v63  }
0xca: {  	_ =	swait.ge [sflag:s15], $0x800  }
0xcb: {  	s14 =	sld [smem:$0x7ED]  }
0xcc: {  	[sflag:s15] =	ssyncset.done $0x0  }
0xcd: {  	[sflag:s15] =	ssyncadd.s32 $0xFFFFF800  }
0xce: {  	[spmem:s14] =	stream.linear.scatter [tilespmem:s6], [sflag:$0xD], $0x800, $0x38;
	[tilespmem:$0x1EE80] =	vst v63  }
0xcf: {  	_ =	swait.ge [sflag:s15], $0x800  }
0xd0: {  	s20 =	sld [smem:$0x7EE]  }
0xd1: {  	[sflag:s15] =	ssyncset.done $0x0  }
0xd2: {  	[sflag:s15] =	ssyncadd.s32 $0xFFFFF800  }
0xd3: {  	[spmem:s20] =	stream.linear.scatter [tilespmem:s6], [sflag:$0xD], $0x800, $0x38;
	[tilespmem:$0x1EE80] =	vst v63  }
0xd4: {  	_ =	swait.ge [sflag:s15], $0x800  }
0xd5: {  	s7 =	sld [smem:$0x7EF]  }
0xd6: {  	[sflag:s15] =	ssyncset.done $0x0  }
0xd7: {  	[sflag:s15] =	ssyncadd.s32 $0xFFFFF800  }
0xd8: {  	[spmem:s7] =	stream.linear.scatter [tilespmem:s6], [sflag:$0xD], $0x800, $0x38;
	[tilespmem:$0x1EE80] =	vst v63  }
0xd9: {  	_ =	swait.ge [sflag:s15], $0x800  }
0xda: {  	s14 =	sld [smem:$0x7F0]  }
0xdb: {  	[sflag:s15] =	ssyncset.done $0x0  }
0xdc: {  	[sflag:s15] =	ssyncadd.s32 $0xFFFFF800  }
0xdd: {  	[spmem:s14] =	stream.linear.scatter [tilespmem:s6], [sflag:$0xD], $0x800, $0x38;
	[tilespmem:$0x1EE80] =	vst v63  }
0xde: {  	_ =	swait.ge [sflag:s15], $0x800  }
0xdf: {  	s20 =	sld [smem:$0x7F1]  }
0xe0: {  	[sflag:s15] =	ssyncset.done $0x0  }
0xe1: {  	[sflag:s15] =	ssyncadd.s32 $0xFFFFF800  }
0xe2: {  	[spmem:s20] =	stream.linear.scatter [tilespmem:s6], [sflag:$0xD], $0x800, $0x38;
	[tilespmem:$0x1EE80] =	vst v63  }
0xe3: {  	_ =	swait.ge [sflag:s15], $0x800  }
0xe4: {  	s7 =	sld [smem:$0x7F2]  }
0xe5: {  	[sflag:s15] =	ssyncset.done $0x0  }
0xe6: {  	[sflag:s15] =	ssyncadd.s32 $0xFFFFF800  }
0xe7: {  	[spmem:s7] =	stream.linear.scatter [tilespmem:s6], [sflag:$0xD], $0x800, $0x38;
	[tilespmem:$0x1EE80] =	vst v63  }
0xe8: {  	_ =	swait.ge [sflag:s15], $0x800  }
0xe9: {  	s14 =	sld [smem:$0x7F3]  }
0xea: {  	[sflag:s15] =	ssyncset.done $0x0  }
0xeb: {  	[sflag:s15] =	ssyncadd.s32 $0xFFFFF800  }
0xec: {  	[spmem:s14] =	stream.linear.scatter [tilespmem:s6], [sflag:$0xD], $0x800, $0x38;
	[tilespmem:$0x1EE80] =	vst v63  }
0xed: {  	_ =	swait.ge [sflag:s15], $0x800  }
0xee: {  	s20 =	sld [smem:$0x7F4]  }
0xef: {  	[sflag:s15] =	ssyncset.done $0x0  }
0xf0: {  	[sflag:s15] =	ssyncadd.s32 $0xFFFFF800  }
0xf1: {  	[spmem:s20] =	stream.linear.scatter [tilespmem:s6], [sflag:$0xD], $0x800, $0x38;
	[tilespmem:$0x1EE80] =	vst v63  }
0xf2: {  	_ =	swait.ge [sflag:s15], $0x800  }
0xf3: {  	s7 =	sld [smem:$0x7F5]  }
0xf4: {  	[sflag:s15] =	ssyncset.done $0x0  }
0xf5: {  	[sflag:s15] =	ssyncadd.s32 $0xFFFFF800  }
0xf6: {  	[spmem:s7] =	stream.linear.scatter [tilespmem:s6], [sflag:$0xD], $0x800, $0x38;
	[tilespmem:$0x1EE80] =	vst v63  }
0xf7: {  	_ =	swait.ge [sflag:s15], $0x800  }
0xf8: {  	s14 =	sld [smem:$0x7F6]  }
0xf9: {  	[sflag:s15] =	ssyncset.done $0x0  }
0xfa: {  	[sflag:s15] =	ssyncadd.s32 $0xFFFFF800  }
0xfb: {  	[spmem:s14] =	stream.linear.scatter [tilespmem:s6], [sflag:$0xD], $0x800, $0x38;
	[tilespmem:$0x1EE80] =	vst v63  }
0xfc: {  	_ =	swait.ge [sflag:s15], $0x800  }
0xfd: {  	s20 =	sld [smem:$0x7F7]  }
0xfe: {  	[sflag:s15] =	ssyncset.done $0x0  }
0xff: {  	[sflag:s15] =	ssyncadd.s32 $0xFFFFF800  }
0x100: {  	[spmem:s20] =	stream.linear.scatter [tilespmem:s6], [sflag:$0xD], $0x800, $0x38;
	[tilespmem:$0x1EE80] =	vst v63  }
0x101: {  	_ =	swait.ge [sflag:s15], $0x800  }
0x102: {  	s7 =	sld [smem:$0x7F8]  }
0x103: {  	[sflag:s15] =	ssyncset.done $0x0  }
0x104: {  	[sflag:s15] =	ssyncadd.s32 $0xFFFFF800  }
0x105: {  	[spmem:s7] =	stream.linear.scatter [tilespmem:s6], [sflag:$0xD], $0x800, $0x38;
	[tilespmem:$0x1EE80] =	vst v63  }
0x106: {  	_ =	swait.ge [sflag:s15], $0x800  }
0x107: {  	s14 =	sld [smem:$0x7F9]  }
0x108: {  	[sflag:s15] =	ssyncset.done $0x0  }
0x109: {  	[sflag:s15] =	ssyncadd.s32 $0xFFFFF800  }
0x10a: {  	[spmem:s14] =	stream.linear.scatter [tilespmem:s6], [sflag:$0xD], $0x800, $0x38;
	[tilespmem:$0x1EE80] =	vst v63  }
0x10b: {  	_ =	swait.ge [sflag:s15], $0x800  }
0x10c: {  	s20 =	sld [smem:$0x7FA]  }
0x10d: {  	[sflag:s15] =	ssyncset.done $0x0  }
0x10e: {  	[sflag:s15] =	ssyncadd.s32 $0xFFFFF800  }
0x10f: {  	[spmem:s20] =	stream.linear.scatter [tilespmem:s6], [sflag:$0xD], $0x800, $0x38;
	[tilespmem:$0x1EE80] =	vst v63  }
0x110: {  	_ =	swait.ge [sflag:s15], $0x800  }
0x111: {  	s7 =	sld [smem:$0x7FB]  }
0x112: {  	[sflag:s15] =	ssyncset.done $0x0  }
0x113: {  	[sflag:s15] =	ssyncadd.s32 $0xFFFFF800  }
0x114: {  	[spmem:s7] =	stream.linear.scatter [tilespmem:s6], [sflag:$0xD], $0x800, $0x38;
	[tilespmem:$0x1EE80] =	vst v63  }
0x115: {  	_ =	swait.ge [sflag:s15], $0x800  }
0x116: {  	s14 =	sld [smem:$0x7FC]  }
0x117: {  	[sflag:s15] =	ssyncset.done $0x0  }
0x118: {  	[sflag:s15] =	ssyncadd.s32 $0xFFFFF800  }
0x119: {  	[spmem:s14] =	stream.linear.scatter [tilespmem:s6], [sflag:$0xD], $0x800, $0x38;
	[tilespmem:$0x1EE80] =	vst v63  }
0x11a: {  	_ =	swait.ge [sflag:s15], $0x800  }
0x11b: {  	s20 =	sld [smem:$0x7FD]  }
0x11c: {  	[sflag:s15] =	ssyncset.done $0x0  }
0x11d: {  	[sflag:s15] =	ssyncadd.s32 $0xFFFFF800  }
0x11e: {  	[spmem:s20] =	stream.linear.scatter [tilespmem:s6], [sflag:$0xD], $0x800, $0x38;
	[tilespmem:$0x1EE80] =	vst v63  }
0x11f: {  	_ =	swait.ge [sflag:s15], $0x800  }
0x120: {  	[sflag:s15] =	ssyncset.done $0x0  }
0x121: {  	s4 =	simm.s32 $0x0;
	s6 =	simm.s32 $0x200;
	[sflag:s15] =	ssyncadd.s32 $0xFFFFF800  }
.LBB2_4:
0x122: {  	p1 =	sne.s32 s6, $0x9E00;
	[tilespmem:s4+$0x8470] =	vst v1  }
0x123: {  	[tilespmem:s4+$0x8400] =	vst v1  }
0x124: {  	[tilespmem:s4+$0x8410] =	vst v1  }
.Ltmp3:
0x125: {  	[tilespmem:s4+$0x8420] =	vst v1;
	(pc) =	sbr.rel @p1 .LBB2_4-.Ltmp3, $4  }
0x126: {  	[tilespmem:s4+$0x8430] =	vst v1  }
0x127: {  	[tilespmem:s4+$0x8440] =	vst v1  }
0x128: {  	[tilespmem:s4+$0x8450] =	vst v1  }
0x129: {  	[tilespmem:s4+$0x8460] =	vst v1;
	s4 =	sshra.s32 s6, $0x2;
	s6 =	sadd.s32 $0x200, s6  }
0x12a: {  	[tilespmem:s4+$0x8470] =	vst v1  }
0x12b: {  	[tilespmem:s4+$0x8400] =	vst v1  }
0x12c: {  	[tilespmem:s4+$0x8410] =	vst v1  }
0x12d: {  	[tilespmem:s4+$0x8420] =	vst v1  }
0x12e: {  	[tilespmem:s4+$0x8430] =	vst v1  }
0x12f: {  	[tilespmem:s4+$0x8440] =	vst v1  }
0x130: {  	[tilespmem:s4+$0x8450] =	vst v1  }
0x131: {  	[tilespmem:s4+$0x8460] =	vst v1;
	s4 =	simm.s32 @!p0 $0x7B00  }
0x132: {  	[spmem:s16] =	stream.linear.scatter @!p0 [tilespmem:s4], [sflag:$0xD], $0x400, $0x38;
	[tilespmem:$0x1EE80] =	vst v63  }
0x133: {  	s4 =	simm.s32 @!p0 $0xD  }
0x134: {  	_ =	swait.ge @!p0 [sflag:s4], $0x400  }
0x135: {  	[sflag:s4] =	ssyncset.done @!p0 $0x0  }
0x136: {  	[sflag:s4] =	ssyncadd.s32 @!p0 $0xFFFFFC00  }
0x137: {  	[tilespmem:$0x8380] =	vst v0  }
0x138: {  	[tilespmem:$0x8390] =	vst v2  }
0x139: {  	[tilespmem:$0x83A0] =	vst v3  }
0x13a: {  	[tilespmem:$0x83B0] =	vst v4  }
0x13b: {  	[tilespmem:$0x83C0] =	vst v5  }
0x13c: {  	[bflag:$0x0] =	sbarrier.arrive $0xFFFF  }
0x13d: {  	s16 =	simm.s32 $0x0;
	s6 =	rddreg [dreg:$0xf]  }
0x13e: {  	[tilespmem:s16], [sflag:$0xB] =	stream.linear.gather [hbm4b:s6+s16], $0x28, $0x38;
	[tilespmem:$0x1EE80] =	vst v63  }
0x13f: {  	s7 =	rddreg [dreg:$0x10];
	s6 =	simm.s32 $0x100  }
0x140: {  	[tilespmem:s6], [sflag:$0xB] =	stream.linear.gather [hbm4b:s7+s16], $0x28, $0x38;
	[tilespmem:$0x1EE80] =	vst v63  }
0x141: {  	s14 =	rddreg [dreg:$0x11]  }
0x142: {  	[tilespmem:s18], [sflag:$0xC] =	stream.linear.gather [hbm4b:s14+s16], $0x28, $0x38;
	[tilespmem:$0x1EE80] =	vst v63  }
0x143: {  	s20 =	rddreg [dreg:$0x12];
	s7 =	simm.s32 $0xB  }
0x144: {  	[tilespmem:s19], [sflag:$0xC] =	stream.linear.gather [hbm4b:s20+s16], $0x28, $0x38;
	[tilespmem:$0x1EE80] =	vst v63  }
0x145: {  	_ =	swait.ge [sflag:s7], $0x28  }
0x146: {  	[sflag:s7] =	ssyncset.done $0x0  }
0x147: {  	[sflag:s7] =	ssyncadd.s32 $0xFFFFFFD8  }
0x148: {  	_ =	swait.ge [sflag:s7], $0x28  }
0x149: {  	[sflag:s7] =	ssyncset.done $0x0  }
0x14a: {  	s14 =	simm.s32 $0x300;
	[sflag:s7] =	ssyncadd.s32 $0xFFFFFFD8  }
0x14b: {  	[tilespmem:s14], [sflag:$0x1] =	stream.indirect.gather [hbm4b:s0+s23], $0x80, s16, s23, $0xb8;
	[tilespmem:$0x1EE80] =	vst v63  }
0x14c: {  	s20 =	simm.s32 $0x2B00  }
0x14d: {  	[tilespmem:s20], [sflag:$0x3] =	stream.indirect.gather [hbm4b:s1+s23], $0x80, s6, s23, $0xb8;
	[tilespmem:$0x1EE80] =	vst v63  }
0x14e: {  	s7 =	simm.s32 $0xF00  }
0x14f: {  	[tilespmem:s7], [sflag:$0x2] =	stream.indirect.gather [hbm4b:s0+s24], $0x80, s23, s24, $0xb8;
	[tilespmem:$0x1EE80] =	vst v63  }
0x150: {  	s14 =	simm.s32 $0x118;
	s20 =	simm.s32 $0x3700  }
0x151: {  	[tilespmem:s20], [sflag:$0x4] =	stream.indirect.gather [hbm4b:s1+s24], $0x80, s14, s24, $0xb8;
	[tilespmem:$0x1EE80] =	vst v63  }
.LBB2_6:
0x152: {  	_ =	swait.ge [sflag:s25], $0xC00  }
0x153: {  	[sflag:s25] =	ssyncset.done $0x0  }
0x154: {  	[sflag:s25] =	ssyncadd.s32 $0xFFFFF400  }
0x155: {  	_ =	swait.ge [sflag:s26], $0xC00  }
0x156: {  	[sflag:s26] =	ssyncset.done $0x0  }
0x157: {  	[sflag:s26] =	ssyncadd.s32 $0xFFFFF400  }
0x158: {  	_ =	swait.ge [sflag:s28], $0x800  }
0x159: {  	[sflag:s28] =	ssyncset.done $0x0  }
0x15a: {  	[sflag:s28] =	ssyncadd.s32 $0xFFFFF800  }
0x15b: {  	_ =	swait.ge [sflag:s29], $0x800  }
0x15c: {  	[sflag:s29] =	ssyncset.done $0x0  }
0x15d: {  	[sflag:s29] =	ssyncadd.s32 $0xFFFFF800  }
0x15e: {  	_ =	swait.ge [sflag:s17], $0x28  }
0x15f: {  	[sflag:s17] =	ssyncset.done $0x0  }
0x160: {  	[sflag:s17] =	ssyncadd.s32 $0xFFFFFFD8  }
0x161: {  	_ =	swait.ge [sflag:s17], $0x28  }
0x162: {  	[sflag:s17] =	ssyncset.done $0x0  }
0x163: {  	s4 =	simm.s32 $0x1700;
	[sflag:s17] =	ssyncadd.s32 $0xFFFFFFD8  }
0x164: {  	[tilespmem:s4], [sflag:$0x5] =	stream.indirect.gather [hbm4b:s0+s23], $0x80, s18, s23, $0xb8;
	[tilespmem:$0x1EE80] =	vst v63  }
0x165: {  	s6 =	simm.s32 $0x3F00  }
0x166: {  	[tilespmem:s6], [sflag:$0x7] =	stream.indirect.gather [hbm4b:s1+s23], $0x80, s19, s23, $0xb8;
	[tilespmem:$0x1EE80] =	vst v63  }
0x167: {  	s7 =	simm.s32 $0x98;
	p1 =	seq.s32 s16, $0x0;
	s6 =	simm.s32 $0x2300  }
0x168: {  	[tilespmem:s6], [sflag:$0x6] =	stream.indirect.gather [hbm4b:s0+s24], $0x80, s7, s24, $0xb8;
	[tilespmem:$0x1EE80] =	vst v63  }
0x169: {  	s14 =	simm.s32 $0x198;
	s20 =	simm.s32 $0x4B00;
	s4 =	simm.s32 @!p1 $0x9  }
0x16a: {  	[tilespmem:s20], [sflag:$0x8] =	stream.indirect.gather [hbm4b:s1+s24], $0x80, s14, s24, $0xb8;
	[tilespmem:$0x1EE80] =	vst v63  }
0x16b: {  	_ =	swait.ge @!p1 [sflag:s4], $0x1400  }
0x16c: {  	s6 =	simm.s32 $0x5400;
	s20 =	simm.s32 $0x2C00;
	[sflag:s4] =	ssyncset.done @!p1 $0x0  }
0x16d: {  	s14 =	simm.s32 $0x0;
	[sflag:s4] =	ssyncadd.s32 @!p1 $0xFFFFEC00;
	s4 =	simm.s32 $0x400  }
.LBB2_7:
0x16e: {  	v10 =	vld [tilespmem:s4+$0xFFFFFF00]  }
0x16f: {  	v11 =	vld [tilespmem:s20+$0xFFFFFF00]  }
0x170: {  	v12 =	vld [tilespmem:s4+$0xFFFFFF10]  }
0x171: {  	v13 =	vld [tilespmem:s20+$0xFFFFFF10]  }
0x172: {  	v14 =	vld [tilespmem:s4+$0xFFFFFF20]  }
0x173: {  	v15 =	vld [tilespmem:s20+$0xFFFFFF20]  }
0x174: {  	v16 =	vld [tilespmem:s4+$0xFFFFFF30]  }
0x175: {  	v17 =	vld [tilespmem:s20+$0xFFFFFF30]  }
0x176: {  	v18 =	vld [tilespmem:s4+$0xFFFFFF40];
	v10 =	vmul.f32 v11, v10;
	v12 =	vmul.f32 v13, v12  }
0x177: {  	v19 =	vld [tilespmem:s20+$0xFFFFFF40]  }
0x178: {  	v62 =	vld [tilespmem:s4+$0xFFFFFF50];
	v61 =	vmul.f32 v15, v14;
	v10 =	vadd.f32 v12, v10  }
0x179: {  	v20 =	vld [tilespmem:s20+$0xFFFFFF50]  }
0x17a: {  	v24 =	vld [tilespmem:s4+$0xFFFFFF60];
	v63 =	vmul.f32 v17, v16;
	v10 =	vadd.f32 v61, v10  }
0x17b: {  	v21 =	vld [tilespmem:s20+$0xFFFFFF60]  }
0x17c: {  	v26 =	vld [tilespmem:s4+$0xFFFFFF70];
	v25 =	vmul.f32 v19, v18;
	v10 =	vadd.f32 v63, v10  }
0x17d: {  	v22 =	vld [tilespmem:s20+$0xFFFFFF70]  }
0x17e: {  	v27 =	vmul.f32 v20, v62;
	v10 =	vadd.f32 v25, v10;
	_ =	sdelay $0x1  }
0x17f: {  	v28 =	vmul.f32 v21, v24;
	v10 =	vadd.f32 v27, v10;
	_ =	sdelay $0x1  }
0x180: {  	v29 =	vmul.f32 v22, v26;
	v10 =	vadd.f32 v28, v10;
	_ =	sdelay $0x1  }
0x181: {  	v10 =	vadd.f32 v29, v10;
	_ =	sdelay $0x1  }
0x182: {  	v12 =	vperm.xlane v10, v6;
	_ =	sdelay $0x1  }
0x183: {  	v10 =	vadd.f32 v10, v12;
	_ =	sdelay $0x1  }
0x184: {  	v12 =	vperm.xlane v10, v7;
	_ =	sdelay $0x1  }
0x185: {  	v10 =	vadd.f32 v10, v12;
	_ =	sdelay $0x1  }
0x186: {  	v12 =	vperm.xlane v10, v8;
	_ =	sdelay $0x1  }
0x187: {  	v10 =	vadd.f32 v10, v12;
	_ =	sdelay $0x1  }
0x188: {  	v12 =	vperm.xlane v10, v9;
	_ =	sdelay $0x1  }
0x189: {  	v10 =	vadd.f32 v10, v12;
	_ =	sdelay $0x1  }
0x18a: {  	v10 =	vmul.f32 $7.812500000e-03, v10;
	_ =	sdelay $0x1  }
0x18b: {  	v10 =	vmul.f32 $1.442695020e+00, v10;
	_ =	sdelay $0x1  }
0x18c: {  	(erf) = vpow2.f32 v10;
	_ =	sdelay $0x8  }
0x18d: {  	v10 =	vpop (erf)  }
0x18e: {  	v11 =	vmul.f32 v10, v11  }
0x18f: {  	v30 =	vmul.f32 v10, v13  }
0x190: {  	v31 =	vmov s14;
	v32 =	vmul.f32 v10, v17;
	[tilespmem:s6+$0xFFFFFF00] =	vst v11  }
0x191: {  	v13 =	vand.u32 $0xFFFFFFFC, v31;
	v11 =	vmul.f32 v10, v15;
	[tilespmem:s6+$0xFFFFFF10] =	vst v30  }
0x192: {  	v33 =	vmul.f32 v10, v20;
	v13 =	vbroadcast v13, $0x0;
	[tilespmem:s6+$0xFFFFFF30] =	vst v32  }
0x193: {  	[tilespmem:s6+$0xFFFFFF20] =	vst v11;
	v11 =	vmul.f32 v10, v19  }
0x194: {  	v34 =	vmul.f32 v10, v22;
	[tilespmem:s6+$0xFFFFFF50] =	vst v33  }
0x195: {  	[tilespmem:s6+$0xFFFFFF40] =	vst v11;
	v11 =	vmul.f32 v10, v21  }
0x196: {  	[tilespmem:s6+$0xFFFFFF70] =	vst v34  }
0x197: {  	[tilespmem:s6+$0xFFFFFF60] =	vst v11  }
0x198: {  	[tilespmem:v13+s11+$0x0] =	vst.idx.msk $0x1, v10  }
0x199: {  	v10 =	vld [tilespmem:s4+$0xFFFFFF80]  }
0x19a: {  	v11 =	vld [tilespmem:s20+$0xFFFFFF80]  }
0x19b: {  	v12 =	vld [tilespmem:s4+$0xFFFFFF90]  }
0x19c: {  	v13 =	vld [tilespmem:s20+$0xFFFFFF90]  }
0x19d: {  	v35 =	vld [tilespmem:s4+$0xFFFFFFA0]  }
0x19e: {  	v36 =	vld [tilespmem:s20+$0xFFFFFFA0]  }
0x19f: {  	v37 =	vld [tilespmem:s4+$0xFFFFFFB0]  }
0x1a0: {  	v38 =	vld [tilespmem:s20+$0xFFFFFFB0]  }
0x1a1: {  	v39 =	vld [tilespmem:s4+$0xFFFFFFC0];
	v10 =	vmul.f32 v11, v10;
	v12 =	vmul.f32 v13, v12  }
0x1a2: {  	v40 =	vld [tilespmem:s20+$0xFFFFFFC0]  }
0x1a3: {  	v42 =	vld [tilespmem:s4+$0xFFFFFFD0];
	v41 =	vmul.f32 v36, v35;
	v10 =	vadd.f32 v12, v10  }
0x1a4: {  	v43 =	vld [tilespmem:s20+$0xFFFFFFD0]  }
0x1a5: {  	v45 =	vld [tilespmem:s4+$0xFFFFFFE0];
	v44 =	vmul.f32 v38, v37;
	v10 =	vadd.f32 v41, v10  }
0x1a6: {  	v46 =	vld [tilespmem:s20+$0xFFFFFFE0]  }
0x1a7: {  	v48 =	vld [tilespmem:s4+$0xFFFFFFF0];
	v47 =	vmul.f32 v40, v39;
	v10 =	vadd.f32 v44, v10  }
0x1a8: {  	v49 =	vld [tilespmem:s20+$0xFFFFFFF0]  }
0x1a9: {  	v50 =	vmul.f32 v43, v42;
	v10 =	vadd.f32 v47, v10;
	_ =	sdelay $0x1  }
0x1aa: {  	v51 =	vmul.f32 v46, v45;
	v10 =	vadd.f32 v50, v10;
	_ =	sdelay $0x1  }
0x1ab: {  	v52 =	vmul.f32 v49, v48;
	v10 =	vadd.f32 v51, v10;
	_ =	sdelay $0x1  }
0x1ac: {  	v10 =	vadd.f32 v52, v10;
	_ =	sdelay $0x1  }
0x1ad: {  	v12 =	vperm.xlane v10, v6;
	_ =	sdelay $0x1  }
0x1ae: {  	v10 =	vadd.f32 v10, v12;
	_ =	sdelay $0x1  }
0x1af: {  	v12 =	vperm.xlane v10, v7;
	_ =	sdelay $0x1  }
0x1b0: {  	v10 =	vadd.f32 v10, v12;
	_ =	sdelay $0x1  }
0x1b1: {  	v12 =	vperm.xlane v10, v8;
	_ =	sdelay $0x1  }
0x1b2: {  	v10 =	vadd.f32 v10, v12;
	_ =	sdelay $0x1  }
0x1b3: {  	v12 =	vperm.xlane v10, v9;
	_ =	sdelay $0x1  }
0x1b4: {  	v10 =	vadd.f32 v10, v12;
	_ =	sdelay $0x1  }
0x1b5: {  	v10 =	vmul.f32 $7.812500000e-03, v10;
	_ =	sdelay $0x1  }
0x1b6: {  	v10 =	vmul.f32 $1.442695020e+00, v10;
	_ =	sdelay $0x1  }
0x1b7: {  	(erf) = vpow2.f32 v10;
	_ =	sdelay $0x8  }
0x1b8: {  	v10 =	vpop (erf)  }
0x1b9: {  	v11 =	vmul.f32 v10, v11  }
0x1ba: {  	s7 =	sadd.s32 $0x1, s14;
	v53 =	vmul.f32 v10, v13  }
0x1bb: {  	v54 =	vmov s7;
	v55 =	vmul.f32 v10, v38;
	[tilespmem:s6+$0xFFFFFF80] =	vst v11  }
0x1bc: {  	v13 =	vand.u32 $0xFFFFFFFD, v54;
	v11 =	vmul.f32 v10, v36;
	[tilespmem:s6+$0xFFFFFF90] =	vst v53  }
0x1bd: {  	v56 =	vmul.f32 v10, v43;
	v13 =	vbroadcast v13, $0x0;
	[tilespmem:s6+$0xFFFFFFB0] =	vst v55  }
0x1be: {  	[tilespmem:s6+$0xFFFFFFA0] =	vst v11;
	v11 =	vmul.f32 v10, v40  }
0x1bf: {  	v57 =	vmul.f32 v10, v49;
	[tilespmem:s6+$0xFFFFFFD0] =	vst v56  }
0x1c0: {  	[tilespmem:s6+$0xFFFFFFC0] =	vst v11;
	v11 =	vmul.f32 v10, v46  }
0x1c1: {  	[tilespmem:s6+$0xFFFFFFF0] =	vst v57  }
0x1c2: {  	[tilespmem:s6+$0xFFFFFFE0] =	vst v11  }
0x1c3: {  	[tilespmem:v13+s11+$0x0] =	vst.idx.msk $0x1, v10  }
0x1c4: {  	v10 =	vld [tilespmem:s4+$0x0]  }
0x1c5: {  	v11 =	vld [tilespmem:s20+$0x0]  }
0x1c6: {  	v12 =	vld [tilespmem:s4+$0x10]  }
0x1c7: {  	v13 =	vld [tilespmem:s20+$0x10]  }
0x1c8: {  	v58 =	vld [tilespmem:s4+$0x20]  }
0x1c9: {  	v59 =	vld [tilespmem:s20+$0x20]  }
0x1ca: {  	v60 =	vld [tilespmem:s4+$0x30]  }
0x1cb: {  	v61 =	vld [tilespmem:s20+$0x30]  }
0x1cc: {  	v62 =	vld [tilespmem:s4+$0x40];
	v10 =	vmul.f32 v11, v10;
	v12 =	vmul.f32 v13, v12  }
0x1cd: {  	v63 =	vld [tilespmem:s20+$0x40]  }
0x1ce: {  	v25 =	vld [tilespmem:s4+$0x50];
	v24 =	vmul.f32 v59, v58;
	v10 =	vadd.f32 v12, v10  }
0x1cf: {  	v26 =	vld [tilespmem:s20+$0x50]  }
0x1d0: {  	v28 =	vld [tilespmem:s4+$0x60];
	v27 =	vmul.f32 v61, v60;
	v10 =	vadd.f32 v24, v10  }
0x1d1: {  	v29 =	vld [tilespmem:s20+$0x60]  }
0x1d2: {  	v31 =	vld [tilespmem:s4+$0x70];
	v30 =	vmul.f32 v63, v62;
	v10 =	vadd.f32 v27, v10  }
0x1d3: {  	v32 =	vld [tilespmem:s20+$0x70]  }
0x1d4: {  	v33 =	vmul.f32 v26, v25;
	v10 =	vadd.f32 v30, v10;
	_ =	sdelay $0x1  }
0x1d5: {  	v34 =	vmul.f32 v29, v28;
	v10 =	vadd.f32 v33, v10;
	_ =	sdelay $0x1  }
0x1d6: {  	v35 =	vmul.f32 v32, v31;
	v10 =	vadd.f32 v34, v10;
	_ =	sdelay $0x1  }
0x1d7: {  	v10 =	vadd.f32 v35, v10;
	_ =	sdelay $0x1  }
0x1d8: {  	v12 =	vperm.xlane v10, v6;
	_ =	sdelay $0x1  }
0x1d9: {  	v10 =	vadd.f32 v10, v12;
	_ =	sdelay $0x1  }
0x1da: {  	v12 =	vperm.xlane v10, v7;
	_ =	sdelay $0x1  }
0x1db: {  	v10 =	vadd.f32 v10, v12;
	_ =	sdelay $0x1  }
0x1dc: {  	v12 =	vperm.xlane v10, v8;
	_ =	sdelay $0x1  }
0x1dd: {  	v10 =	vadd.f32 v10, v12;
	_ =	sdelay $0x1  }
0x1de: {  	v12 =	vperm.xlane v10, v9;
	_ =	sdelay $0x1  }
0x1df: {  	v10 =	vadd.f32 v10, v12;
	_ =	sdelay $0x1  }
0x1e0: {  	v10 =	vmul.f32 $7.812500000e-03, v10;
	_ =	sdelay $0x1  }
0x1e1: {  	v10 =	vmul.f32 $1.442695020e+00, v10;
	_ =	sdelay $0x1  }
0x1e2: {  	(erf) = vpow2.f32 v10;
	_ =	sdelay $0x8  }
0x1e3: {  	v10 =	vpop (erf)  }
0x1e4: {  	v11 =	vmul.f32 v10, v11  }
0x1e5: {  	s7 =	sadd.s32 $0x2, s14;
	v36 =	vmul.f32 v10, v13  }
0x1e6: {  	v37 =	vmov s7;
	v38 =	vmul.f32 v10, v61;
	[tilespmem:s6+$0x0] =	vst v11  }
0x1e7: {  	v13 =	vand.u32 $0xFFFFFFFE, v37;
	v11 =	vmul.f32 v10, v59;
	[tilespmem:s6+$0x10] =	vst v36  }
0x1e8: {  	v39 =	vmul.f32 v10, v26;
	v13 =	vbroadcast v13, $0x0;
	[tilespmem:s6+$0x30] =	vst v38  }
0x1e9: {  	[tilespmem:s6+$0x20] =	vst v11;
	v11 =	vmul.f32 v10, v63  }
0x1ea: {  	v40 =	vmul.f32 v10, v32;
	[tilespmem:s6+$0x50] =	vst v39  }
0x1eb: {  	[tilespmem:s6+$0x40] =	vst v11;
	v11 =	vmul.f32 v10, v29  }
0x1ec: {  	[tilespmem:s6+$0x70] =	vst v40  }
0x1ed: {  	[tilespmem:s6+$0x60] =	vst v11  }
0x1ee: {  	[tilespmem:v13+s11+$0x0] =	vst.idx.msk $0x1, v10  }
0x1ef: {  	v10 =	vld [tilespmem:s4+$0x80]  }
0x1f0: {  	v11 =	vld [tilespmem:s20+$0x80]  }
0x1f1: {  	v12 =	vld [tilespmem:s4+$0x90]  }
0x1f2: {  	v13 =	vld [tilespmem:s20+$0x90]  }
0x1f3: {  	v41 =	vld [tilespmem:s4+$0xA0]  }
0x1f4: {  	v42 =	vld [tilespmem:s20+$0xA0]  }
0x1f5: {  	v43 =	vld [tilespmem:s4+$0xB0]  }
0x1f6: {  	v44 =	vld [tilespmem:s20+$0xB0]  }
0x1f7: {  	v45 =	vld [tilespmem:s4+$0xC0];
	v10 =	vmul.f32 v11, v10;
	v12 =	vmul.f32 v13, v12  }
0x1f8: {  	v46 =	vld [tilespmem:s20+$0xC0]  }
0x1f9: {  	v48 =	vld [tilespmem:s4+$0xD0];
	v47 =	vmul.f32 v42, v41;
	v10 =	vadd.f32 v12, v10  }
0x1fa: {  	v49 =	vld [tilespmem:s20+$0xD0]  }
0x1fb: {  	v51 =	vld [tilespmem:s4+$0xE0];
	v50 =	vmul.f32 v44, v43;
	v10 =	vadd.f32 v47, v10  }
0x1fc: {  	v52 =	vld [tilespmem:s20+$0xE0]  }
0x1fd: {  	v54 =	vld [tilespmem:s4+$0xF0];
	v53 =	vmul.f32 v46, v45;
	v10 =	vadd.f32 v50, v10  }
0x1fe: {  	v55 =	vld [tilespmem:s20+$0xF0]  }
0x1ff: {  	v56 =	vmul.f32 v49, v48;
	v10 =	vadd.f32 v53, v10;
	_ =	sdelay $0x1  }
0x200: {  	v57 =	vmul.f32 v52, v51;
	v10 =	vadd.f32 v56, v10;
	_ =	sdelay $0x1  }
0x201: {  	v58 =	vmul.f32 v55, v54;
	v10 =	vadd.f32 v57, v10;
	_ =	sdelay $0x1  }
0x202: {  	v10 =	vadd.f32 v58, v10;
	_ =	sdelay $0x1  }
0x203: {  	v12 =	vperm.xlane v10, v6;
	_ =	sdelay $0x1  }
0x204: {  	v10 =	vadd.f32 v10, v12;
	_ =	sdelay $0x1  }
0x205: {  	v12 =	vperm.xlane v10, v7;
	_ =	sdelay $0x1  }
0x206: {  	v10 =	vadd.f32 v10, v12;
	_ =	sdelay $0x1  }
0x207: {  	v12 =	vperm.xlane v10, v8;
	_ =	sdelay $0x1  }
0x208: {  	v10 =	vadd.f32 v10, v12;
	_ =	sdelay $0x1  }
0x209: {  	v12 =	vperm.xlane v10, v9;
	_ =	sdelay $0x1  }
0x20a: {  	v10 =	vadd.f32 v10, v12;
	_ =	sdelay $0x1  }
0x20b: {  	v10 =	vmul.f32 $7.812500000e-03, v10;
	_ =	sdelay $0x1  }
0x20c: {  	v10 =	vmul.f32 $1.442695020e+00, v10;
	_ =	sdelay $0x1  }
0x20d: {  	(erf) = vpow2.f32 v10;
	_ =	sdelay $0x8  }
0x20e: {  	v10 =	vpop (erf)  }
0x20f: {  	v11 =	vmul.f32 v10, v11  }
0x210: {  	v59 =	vmul.f32 v10, v13  }
0x211: {  	v60 =	vmul.f32 v10, v44;
	[tilespmem:s6+$0x80] =	vst v11  }
0x212: {  	v11 =	vmul.f32 v10, v42;
	[tilespmem:s6+$0x90] =	vst v59  }
0x213: {  	s7 =	sadd.s32 $0x3, s14;
	v61 =	vmul.f32 v10, v49;
	[tilespmem:s6+$0xB0] =	vst v60  }
0x214: {  	p1 =	slt.u32 s14, $0x24;
	v62 =	vmov s7;
	[tilespmem:s6+$0xA0] =	vst v11;
	v11 =	vmul.f32 v10, v46  }
.Ltmp4:
0x215: {  	v63 =	vmul.f32 v10, v55;
	[tilespmem:s6+$0xD0] =	vst v61;
	(pc) =	sbr.rel @p1 .LBB2_7-.Ltmp4, $4  }
0x216: {  	[tilespmem:s6+$0xC0] =	vst v11;
	v11 =	vmul.f32 v10, v52  }
0x217: {  	[tilespmem:s6+$0xF0] =	vst v63  }
0x218: {  	s14 =	sadd.s32 $0x4, s14;
	[tilespmem:s6+$0xE0] =	vst v11  }
0x219: {  	s20 =	sadd.s32 $0x200, s20;
	s4 =	sadd.s32 $0x200, s4;
	s6 =	sadd.s32 $0x200, s6;
	[tilespmem:v62+s11+$0x0] =	vst.idx.msk $0x1, v10  }
0x21a: {  	v10 =	vld [tilespmem:$0x0];
	_ =	sdelay $0x2  }
0x21b: {  	v11 =	vld [tilespmem:$0x8300];
	_ =	sdelay $0x4  }
0x21c: {  	[tilespmem:v10+s12+$0x0] =	vst.idx.add.f32.msk $0xffff, v11  }
0x21d: {  	v11 =	vld [tilespmem:$0x10];
	_ =	sdelay $0x2  }
0x21e: {  	v12 =	vld [tilespmem:$0x8310];
	_ =	sdelay $0x3  }
0x21f: {  	[tilespmem:$0x200] =	vst v10  }
0x220: {  	[tilespmem:v11+s12+$0x0] =	vst.idx.add.f32.msk $0xffff, v12  }
0x221: {  	v10 =	vld [tilespmem:$0x18];
	_ =	sdelay $0x2  }
0x222: {  	v12 =	vld [tilespmem:$0x8318];
	_ =	sdelay $0x1  }
0x223: {  	p1 =	seq.s32 s16, $0x7C  }
0x224: {  	s4 =	smul.u32 @!p1 $0x50, s16  }
0x225: {  	[tilespmem:$0x210] =	vst v11  }
0x226: {  	s4 =	sadd.s32 @!p1 s4, s21;
	[tilespmem:v10+s12+$0x0] =	vst.idx.add.f32.msk vm0, v12  }
0x227: {  	s6 =	simm.s32 $0x200;
	s7 =	simm.s32 $0x5300;
	s4 =	sshrl.u32 @!p1 s4, $0x3;
	[tilespmem:$0x218] =	vst v10  }
0x228: {  	[spmem:s5] =	stream.indirect.scatter.add.f32 [tilespmem:s7], [sflag:$0x9], $0x80, s6, s13, $0xb8;
	[tilespmem:$0x1EE80] =	vst v63  }
0x229: {  	s6 =	sadd.s32 @!p1 s8, s4;
	s7 =	simm.s32 @!p1 $0x0  }
0x22a: {  	[tilespmem:s7], [sflag:$0xB] =	stream.linear.gather @!p1 [hbm4b:s6+s7], $0x28, $0x38;
	[tilespmem:$0x1EE80] =	vst v63  }
0x22b: {  	s4 =	sadd.s32 @!p1 s2, s4;
	s6 =	simm.s32 @!p1 $0x100  }
0x22c: {  	[tilespmem:s6], [sflag:$0xB] =	stream.linear.gather @!p1 [hbm4b:s4+s7], $0x28, $0x38;
	[tilespmem:$0x1EE80] =	vst v63  }
0x22d: {  	_ =	swait.ge [sflag:s9], $0xC00  }
0x22e: {  	[sflag:s9] =	ssyncset.done $0x0  }
0x22f: {  	[sflag:s9] =	ssyncadd.s32 $0xFFFFF400  }
0x230: {  	_ =	swait.ge [sflag:s30], $0xC00  }
0x231: {  	[sflag:s30] =	ssyncset.done $0x0  }
0x232: {  	[sflag:s30] =	ssyncadd.s32 $0xFFFFF400  }
0x233: {  	_ =	swait.ge [sflag:s31], $0x800  }
0x234: {  	[sflag:s31] =	ssyncset.done $0x0  }
0x235: {  	[sflag:s31] =	ssyncadd.s32 $0xFFFFF800  }
0x236: {  	_ =	swait.ge [sflag:s3], $0x800  }
0x237: {  	[sflag:s3] =	ssyncset.done $0x0  }
0x238: {  	s4 =	simm.s32 @!p1 $0xB;
	[sflag:s3] =	ssyncadd.s32 $0xFFFFF800  }
0x239: {  	_ =	swait.ge @!p1 [sflag:s4], $0x28  }
0x23a: {  	[sflag:s4] =	ssyncset.done @!p1 $0x0  }
0x23b: {  	[sflag:s4] =	ssyncadd.s32 @!p1 $0xFFFFFFD8  }
0x23c: {  	_ =	swait.ge @!p1 [sflag:s4], $0x28  }
0x23d: {  	[sflag:s4] =	ssyncset.done @!p1 $0x0  }
0x23e: {  	s14 =	simm.s32 @!p1 $0x300;
	[sflag:s4] =	ssyncadd.s32 @!p1 $0xFFFFFFD8;
	s4 =	simm.s32 @!p1 $0x18  }
0x23f: {  	[tilespmem:s14], [sflag:$0x1] =	stream.indirect.gather @!p1 [hbm4b:s0+s4], $0x80, s7, s4, $0xb8;
	[tilespmem:$0x1EE80] =	vst v63  }
0x240: {  	s7 =	simm.s32 @!p1 $0x2B00  }
0x241: {  	[tilespmem:s7], [sflag:$0x3] =	stream.indirect.gather @!p1 [hbm4b:s1+s4], $0x80, s6, s4, $0xb8;
	[tilespmem:$0x1EE80] =	vst v63  }
0x242: {  	p2 =	seq.s32 @!p1 s16, $0x0;
	s6 =	simm.s32 @!p1 $0x10;
	s7 =	simm.s32 @!p1 $0xF00  }
0x243: {  	[tilespmem:s7], [sflag:$0x2] =	stream.indirect.gather @!p1 [hbm4b:s0+s6], $0x80, s4, s6, $0xb8;
	[tilespmem:$0x1EE80] =	vst v63  }
0x244: {  	p2 =	por p1, !p2;
	s4 =	simm.s32 @!p1 $0x118;
	s7 =	simm.s32 @!p1 $0x3700  }
0x245: {  	[tilespmem:s7], [sflag:$0x4] =	stream.indirect.gather @!p1 [hbm4b:s1+s6], $0x80, s4, s6, $0xb8;
	[tilespmem:$0x1EE80] =	vst v63  }
0x246: {  	_ =	swait.ge @p2 [sflag:s10], $0x1400  }
0x247: {  	s20 =	simm.s32 $0x0;
	s14 =	simm.s32 $0x18F0;
	[sflag:s10] =	ssyncset.done @p2 $0x0  }
0x248: {  	s6 =	simm.s32 $0x68F0;
	s4 =	simm.s32 $0x40F0;
	[sflag:s10] =	ssyncadd.s32 @p2 $0xFFFFEC00  }
.LBB2_9:
0x249: {  	v10 =	vld [tilespmem:s14+$0xFFFFFE10]  }
0x24a: {  	v11 =	vld [tilespmem:s4+$0xFFFFFE10]  }
0x24b: {  	v12 =	vld [tilespmem:s14+$0xFFFFFE20]  }
0x24c: {  	v13 =	vld [tilespmem:s4+$0xFFFFFE20]  }
0x24d: {  	v14 =	vld [tilespmem:s14+$0xFFFFFE30]  }
0x24e: {  	v15 =	vld [tilespmem:s4+$0xFFFFFE30]  }
0x24f: {  	v16 =	vld [tilespmem:s14+$0xFFFFFE40]  }
0x250: {  	v17 =	vld [tilespmem:s4+$0xFFFFFE40]  }
0x251: {  	v18 =	vld [tilespmem:s14+$0xFFFFFE50];
	v10 =	vmul.f32 v11, v10;
	v12 =	vmul.f32 v13, v12  }
0x252: {  	v19 =	vld [tilespmem:s4+$0xFFFFFE50]  }
0x253: {  	v62 =	vld [tilespmem:s14+$0xFFFFFE60];
	v61 =	vmul.f32 v15, v14;
	v10 =	vadd.f32 v12, v10  }
0x254: {  	v20 =	vld [tilespmem:s4+$0xFFFFFE60]  }
0x255: {  	v24 =	vld [tilespmem:s14+$0xFFFFFE70];
	v63 =	vmul.f32 v17, v16;
	v10 =	vadd.f32 v61, v10  }
0x256: {  	v21 =	vld [tilespmem:s4+$0xFFFFFE70]  }
0x257: {  	v26 =	vld [tilespmem:s14+$0xFFFFFE80];
	v25 =	vmul.f32 v19, v18;
	v10 =	vadd.f32 v63, v10  }
0x258: {  	v22 =	vld [tilespmem:s4+$0xFFFFFE80]  }
0x259: {  	v27 =	vmul.f32 v20, v62;
	v10 =	vadd.f32 v25, v10;
	_ =	sdelay $0x1  }
0x25a: {  	v28 =	vmul.f32 v21, v24;
	v10 =	vadd.f32 v27, v10;
	_ =	sdelay $0x1  }
0x25b: {  	v29 =	vmul.f32 v22, v26;
	v10 =	vadd.f32 v28, v10;
	_ =	sdelay $0x1  }
0x25c: {  	v10 =	vadd.f32 v29, v10;
	_ =	sdelay $0x1  }
0x25d: {  	v12 =	vperm.xlane v10, v6;
	_ =	sdelay $0x1  }
0x25e: {  	v10 =	vadd.f32 v10, v12;
	_ =	sdelay $0x1  }
0x25f: {  	v12 =	vperm.xlane v10, v7;
	_ =	sdelay $0x1  }
0x260: {  	v10 =	vadd.f32 v10, v12;
	_ =	sdelay $0x1  }
0x261: {  	v12 =	vperm.xlane v10, v8;
	_ =	sdelay $0x1  }
0x262: {  	v10 =	vadd.f32 v10, v12;
	_ =	sdelay $0x1  }
0x263: {  	v12 =	vperm.xlane v10, v9;
	_ =	sdelay $0x1  }
0x264: {  	v10 =	vadd.f32 v10, v12;
	_ =	sdelay $0x1  }
0x265: {  	v10 =	vmul.f32 $7.812500000e-03, v10;
	_ =	sdelay $0x1  }
0x266: {  	v10 =	vmul.f32 $1.442695020e+00, v10;
	_ =	sdelay $0x1  }
0x267: {  	(erf) = vpow2.f32 v10;
	_ =	sdelay $0x8  }
0x268: {  	v10 =	vpop (erf)  }
0x269: {  	v11 =	vmul.f32 v10, v11  }
0x26a: {  	v30 =	vmul.f32 v10, v13  }
0x26b: {  	v31 =	vmov s20;
	v32 =	vmul.f32 v10, v17;
	[tilespmem:s6+$0xFFFFFE10] =	vst v11  }
0x26c: {  	v13 =	vand.u32 $0xFFFFFFFC, v31;
	v11 =	vmul.f32 v10, v15;
	[tilespmem:s6+$0xFFFFFE20] =	vst v30  }
0x26d: {  	v33 =	vmul.f32 v10, v20;
	v13 =	vbroadcast v13, $0x0;
	[tilespmem:s6+$0xFFFFFE40] =	vst v32  }
0x26e: {  	[tilespmem:s6+$0xFFFFFE30] =	vst v11;
	v11 =	vmul.f32 v10, v19  }
0x26f: {  	v34 =	vmul.f32 v10, v22;
	[tilespmem:s6+$0xFFFFFE60] =	vst v33  }
0x270: {  	[tilespmem:s6+$0xFFFFFE50] =	vst v11;
	v11 =	vmul.f32 v10, v21  }
0x271: {  	[tilespmem:s6+$0xFFFFFE80] =	vst v34  }
0x272: {  	[tilespmem:s6+$0xFFFFFE70] =	vst v11  }
0x273: {  	[tilespmem:v13+s11+$0x0] =	vst.idx.msk $0x1, v10  }
0x274: {  	v10 =	vld [tilespmem:s14+$0xFFFFFE90]  }
0x275: {  	v11 =	vld [tilespmem:s4+$0xFFFFFE90]  }
0x276: {  	v12 =	vld [tilespmem:s14+$0xFFFFFEA0]  }
0x277: {  	v13 =	vld [tilespmem:s4+$0xFFFFFEA0]  }
0x278: {  	v35 =	vld [tilespmem:s14+$0xFFFFFEB0]  }
0x279: {  	v36 =	vld [tilespmem:s4+$0xFFFFFEB0]  }
0x27a: {  	v37 =	vld [tilespmem:s14+$0xFFFFFEC0]  }
0x27b: {  	v38 =	vld [tilespmem:s4+$0xFFFFFEC0]  }
0x27c: {  	v39 =	vld [tilespmem:s14+$0xFFFFFED0];
	v10 =	vmul.f32 v11, v10;
	v12 =	vmul.f32 v13, v12  }
0x27d: {  	v40 =	vld [tilespmem:s4+$0xFFFFFED0]  }
0x27e: {  	v42 =	vld [tilespmem:s14+$0xFFFFFEE0];
	v41 =	vmul.f32 v36, v35;
	v10 =	vadd.f32 v12, v10  }
0x27f: {  	v43 =	vld [tilespmem:s4+$0xFFFFFEE0]  }
0x280: {  	v45 =	vld [tilespmem:s14+$0xFFFFFEF0];
	v44 =	vmul.f32 v38, v37;
	v10 =	vadd.f32 v41, v10  }
0x281: {  	v46 =	vld [tilespmem:s4+$0xFFFFFEF0]  }
0x282: {  	v48 =	vld [tilespmem:s14+$0xFFFFFF00];
	v47 =	vmul.f32 v40, v39;
	v10 =	vadd.f32 v44, v10  }
0x283: {  	v49 =	vld [tilespmem:s4+$0xFFFFFF00]  }
0x284: {  	v50 =	vmul.f32 v43, v42;
	v10 =	vadd.f32 v47, v10;
	_ =	sdelay $0x1  }
0x285: {  	v51 =	vmul.f32 v46, v45;
	v10 =	vadd.f32 v50, v10;
	_ =	sdelay $0x1  }
0x286: {  	v52 =	vmul.f32 v49, v48;
	v10 =	vadd.f32 v51, v10;
	_ =	sdelay $0x1  }
0x287: {  	v10 =	vadd.f32 v52, v10;
	_ =	sdelay $0x1  }
0x288: {  	v12 =	vperm.xlane v10, v6;
	_ =	sdelay $0x1  }
0x289: {  	v10 =	vadd.f32 v10, v12;
	_ =	sdelay $0x1  }
0x28a: {  	v12 =	vperm.xlane v10, v7;
	_ =	sdelay $0x1  }
0x28b: {  	v10 =	vadd.f32 v10, v12;
	_ =	sdelay $0x1  }
0x28c: {  	v12 =	vperm.xlane v10, v8;
	_ =	sdelay $0x1  }
0x28d: {  	v10 =	vadd.f32 v10, v12;
	_ =	sdelay $0x1  }
0x28e: {  	v12 =	vperm.xlane v10, v9;
	_ =	sdelay $0x1  }
0x28f: {  	v10 =	vadd.f32 v10, v12;
	_ =	sdelay $0x1  }
0x290: {  	v10 =	vmul.f32 $7.812500000e-03, v10;
	_ =	sdelay $0x1  }
0x291: {  	v10 =	vmul.f32 $1.442695020e+00, v10;
	_ =	sdelay $0x1  }
0x292: {  	(erf) = vpow2.f32 v10;
	_ =	sdelay $0x8  }
0x293: {  	v10 =	vpop (erf)  }
0x294: {  	v11 =	vmul.f32 v10, v11  }
0x295: {  	s7 =	sadd.s32 $0x1, s20;
	v53 =	vmul.f32 v10, v13  }
0x296: {  	v54 =	vmov s7;
	v55 =	vmul.f32 v10, v38;
	[tilespmem:s6+$0xFFFFFE90] =	vst v11  }
0x297: {  	v13 =	vand.u32 $0xFFFFFFFD, v54;
	v11 =	vmul.f32 v10, v36;
	[tilespmem:s6+$0xFFFFFEA0] =	vst v53  }
0x298: {  	v56 =	vmul.f32 v10, v43;
	v13 =	vbroadcast v13, $0x0;
	[tilespmem:s6+$0xFFFFFEC0] =	vst v55  }
0x299: {  	[tilespmem:s6+$0xFFFFFEB0] =	vst v11;
	v11 =	vmul.f32 v10, v40  }
0x29a: {  	v57 =	vmul.f32 v10, v49;
	[tilespmem:s6+$0xFFFFFEE0] =	vst v56  }
0x29b: {  	[tilespmem:s6+$0xFFFFFED0] =	vst v11;
	v11 =	vmul.f32 v10, v46  }
0x29c: {  	[tilespmem:s6+$0xFFFFFF00] =	vst v57  }
0x29d: {  	[tilespmem:s6+$0xFFFFFEF0] =	vst v11  }
0x29e: {  	[tilespmem:v13+s11+$0x0] =	vst.idx.msk $0x1, v10  }
0x29f: {  	v10 =	vld [tilespmem:s14+$0xFFFFFF10]  }
0x2a0: {  	v11 =	vld [tilespmem:s4+$0xFFFFFF10]  }
0x2a1: {  	v12 =	vld [tilespmem:s14+$0xFFFFFF20]  }
0x2a2: {  	v13 =	vld [tilespmem:s4+$0xFFFFFF20]  }
0x2a3: {  	v58 =	vld [tilespmem:s14+$0xFFFFFF30]  }
0x2a4: {  	v59 =	vld [tilespmem:s4+$0xFFFFFF30]  }
0x2a5: {  	v60 =	vld [tilespmem:s14+$0xFFFFFF40]  }
0x2a6: {  	v61 =	vld [tilespmem:s4+$0xFFFFFF40]  }
0x2a7: {  	v62 =	vld [tilespmem:s14+$0xFFFFFF50];
	v10 =	vmul.f32 v11, v10;
	v12 =	vmul.f32 v13, v12  }
0x2a8: {  	v63 =	vld [tilespmem:s4+$0xFFFFFF50]  }
0x2a9: {  	v25 =	vld [tilespmem:s14+$0xFFFFFF60];
	v24 =	vmul.f32 v59, v58;
	v10 =	vadd.f32 v12, v10  }
0x2aa: {  	v26 =	vld [tilespmem:s4+$0xFFFFFF60]  }
0x2ab: {  	v28 =	vld [tilespmem:s14+$0xFFFFFF70];
	v27 =	vmul.f32 v61, v60;
	v10 =	vadd.f32 v24, v10  }
0x2ac: {  	v29 =	vld [tilespmem:s4+$0xFFFFFF70]  }
0x2ad: {  	v31 =	vld [tilespmem:s14+$0xFFFFFF80];
	v30 =	vmul.f32 v63, v62;
	v10 =	vadd.f32 v27, v10  }
0x2ae: {  	v32 =	vld [tilespmem:s4+$0xFFFFFF80]  }
0x2af: {  	v33 =	vmul.f32 v26, v25;
	v10 =	vadd.f32 v30, v10;
	_ =	sdelay $0x1  }
0x2b0: {  	v34 =	vmul.f32 v29, v28;
	v10 =	vadd.f32 v33, v10;
	_ =	sdelay $0x1  }
0x2b1: {  	v35 =	vmul.f32 v32, v31;
	v10 =	vadd.f32 v34, v10;
	_ =	sdelay $0x1  }
0x2b2: {  	v10 =	vadd.f32 v35, v10;
	_ =	sdelay $0x1  }
0x2b3: {  	v12 =	vperm.xlane v10, v6;
	_ =	sdelay $0x1  }
0x2b4: {  	v10 =	vadd.f32 v10, v12;
	_ =	sdelay $0x1  }
0x2b5: {  	v12 =	vperm.xlane v10, v7;
	_ =	sdelay $0x1  }
0x2b6: {  	v10 =	vadd.f32 v10, v12;
	_ =	sdelay $0x1  }
0x2b7: {  	v12 =	vperm.xlane v10, v8;
	_ =	sdelay $0x1  }
0x2b8: {  	v10 =	vadd.f32 v10, v12;
	_ =	sdelay $0x1  }
0x2b9: {  	v12 =	vperm.xlane v10, v9;
	_ =	sdelay $0x1  }
0x2ba: {  	v10 =	vadd.f32 v10, v12;
	_ =	sdelay $0x1  }
0x2bb: {  	v10 =	vmul.f32 $7.812500000e-03, v10;
	_ =	sdelay $0x1  }
0x2bc: {  	v10 =	vmul.f32 $1.442695020e+00, v10;
	_ =	sdelay $0x1  }
0x2bd: {  	(erf) = vpow2.f32 v10;
	_ =	sdelay $0x8  }
0x2be: {  	v10 =	vpop (erf)  }
0x2bf: {  	v11 =	vmul.f32 v10, v11  }
0x2c0: {  	s7 =	sadd.s32 $0x2, s20;
	v36 =	vmul.f32 v10, v13  }
0x2c1: {  	v37 =	vmov s7;
	v38 =	vmul.f32 v10, v61;
	[tilespmem:s6+$0xFFFFFF10] =	vst v11  }
0x2c2: {  	v13 =	vand.u32 $0xFFFFFFFE, v37;
	v11 =	vmul.f32 v10, v59;
	[tilespmem:s6+$0xFFFFFF20] =	vst v36  }
0x2c3: {  	v39 =	vmul.f32 v10, v26;
	v13 =	vbroadcast v13, $0x0;
	[tilespmem:s6+$0xFFFFFF40] =	vst v38  }
0x2c4: {  	[tilespmem:s6+$0xFFFFFF30] =	vst v11;
	v11 =	vmul.f32 v10, v63  }
0x2c5: {  	v40 =	vmul.f32 v10, v32;
	[tilespmem:s6+$0xFFFFFF60] =	vst v39  }
0x2c6: {  	[tilespmem:s6+$0xFFFFFF50] =	vst v11;
	v11 =	vmul.f32 v10, v29  }
0x2c7: {  	[tilespmem:s6+$0xFFFFFF80] =	vst v40  }
0x2c8: {  	[tilespmem:s6+$0xFFFFFF70] =	vst v11  }
0x2c9: {  	[tilespmem:v13+s11+$0x0] =	vst.idx.msk $0x1, v10  }
0x2ca: {  	v10 =	vld [tilespmem:s14+$0xFFFFFF90]  }
0x2cb: {  	v11 =	vld [tilespmem:s4+$0xFFFFFF90]  }
0x2cc: {  	v12 =	vld [tilespmem:s14+$0xFFFFFFA0]  }
0x2cd: {  	v13 =	vld [tilespmem:s4+$0xFFFFFFA0]  }
0x2ce: {  	v41 =	vld [tilespmem:s14+$0xFFFFFFB0]  }
0x2cf: {  	v42 =	vld [tilespmem:s4+$0xFFFFFFB0]  }
0x2d0: {  	v43 =	vld [tilespmem:s14+$0xFFFFFFC0]  }
0x2d1: {  	v44 =	vld [tilespmem:s4+$0xFFFFFFC0]  }
0x2d2: {  	v45 =	vld [tilespmem:s14+$0xFFFFFFD0];
	v10 =	vmul.f32 v11, v10;
	v12 =	vmul.f32 v13, v12  }
0x2d3: {  	v46 =	vld [tilespmem:s4+$0xFFFFFFD0]  }
0x2d4: {  	v48 =	vld [tilespmem:s14+$0xFFFFFFE0];
	v47 =	vmul.f32 v42, v41;
	v10 =	vadd.f32 v12, v10  }
0x2d5: {  	v49 =	vld [tilespmem:s4+$0xFFFFFFE0]  }
0x2d6: {  	v51 =	vld [tilespmem:s14+$0xFFFFFFF0];
	v50 =	vmul.f32 v44, v43;
	v10 =	vadd.f32 v47, v10  }
0x2d7: {  	v52 =	vld [tilespmem:s4+$0xFFFFFFF0]  }
0x2d8: {  	v54 =	vld [tilespmem:s14+$0x0];
	v53 =	vmul.f32 v46, v45;
	v10 =	vadd.f32 v50, v10  }
0x2d9: {  	v55 =	vld [tilespmem:s4+$0x0]  }
0x2da: {  	v56 =	vmul.f32 v49, v48;
	v10 =	vadd.f32 v53, v10;
	_ =	sdelay $0x1  }
0x2db: {  	v57 =	vmul.f32 v52, v51;
	v10 =	vadd.f32 v56, v10;
	_ =	sdelay $0x1  }
0x2dc: {  	v58 =	vmul.f32 v55, v54;
	v10 =	vadd.f32 v57, v10;
	_ =	sdelay $0x1  }
0x2dd: {  	v10 =	vadd.f32 v58, v10;
	_ =	sdelay $0x1  }
0x2de: {  	v12 =	vperm.xlane v10, v6;
	_ =	sdelay $0x1  }
0x2df: {  	v10 =	vadd.f32 v10, v12;
	_ =	sdelay $0x1  }
0x2e0: {  	v12 =	vperm.xlane v10, v7;
	_ =	sdelay $0x1  }
0x2e1: {  	v10 =	vadd.f32 v10, v12;
	_ =	sdelay $0x1  }
0x2e2: {  	v12 =	vperm.xlane v10, v8;
	_ =	sdelay $0x1  }
0x2e3: {  	v10 =	vadd.f32 v10, v12;
	_ =	sdelay $0x1  }
0x2e4: {  	v12 =	vperm.xlane v10, v9;
	_ =	sdelay $0x1  }
0x2e5: {  	v10 =	vadd.f32 v10, v12;
	_ =	sdelay $0x1  }
0x2e6: {  	v10 =	vmul.f32 $7.812500000e-03, v10;
	_ =	sdelay $0x1  }
0x2e7: {  	v10 =	vmul.f32 $1.442695020e+00, v10;
	_ =	sdelay $0x1  }
0x2e8: {  	(erf) = vpow2.f32 v10;
	_ =	sdelay $0x8  }
0x2e9: {  	v10 =	vpop (erf)  }
0x2ea: {  	v11 =	vmul.f32 v10, v11  }
0x2eb: {  	v59 =	vmul.f32 v10, v13  }
0x2ec: {  	v60 =	vmul.f32 v10, v44;
	[tilespmem:s6+$0xFFFFFF90] =	vst v11  }
0x2ed: {  	v11 =	vmul.f32 v10, v42;
	[tilespmem:s6+$0xFFFFFFA0] =	vst v59  }
0x2ee: {  	s7 =	sadd.s32 $0x3, s20;
	v61 =	vmul.f32 v10, v49;
	[tilespmem:s6+$0xFFFFFFC0] =	vst v60  }
0x2ef: {  	p2 =	slt.u32 s20, $0x24;
	v62 =	vmov s7;
	[tilespmem:s6+$0xFFFFFFB0] =	vst v11;
	v11 =	vmul.f32 v10, v46  }
.Ltmp5:
0x2f0: {  	v63 =	vmul.f32 v10, v55;
	[tilespmem:s6+$0xFFFFFFE0] =	vst v61;
	(pc) =	sbr.rel @p2 .LBB2_9-.Ltmp5, $4  }
0x2f1: {  	[tilespmem:s6+$0xFFFFFFD0] =	vst v11;
	v11 =	vmul.f32 v10, v52  }
0x2f2: {  	[tilespmem:s6+$0x0] =	vst v63  }
0x2f3: {  	s20 =	sadd.s32 $0x4, s20;
	[tilespmem:s6+$0xFFFFFFF0] =	vst v11  }
0x2f4: {  	s4 =	sadd.s32 $0x200, s4;
	s14 =	sadd.s32 $0x200, s14;
	s6 =	sadd.s32 $0x200, s6;
	[tilespmem:v62+s11+$0x0] =	vst.idx.msk $0x1, v10  }
0x2f5: {  	v10 =	vld [tilespmem:$0x80];
	_ =	sdelay $0x2  }
0x2f6: {  	v11 =	vld [tilespmem:$0x8300];
	_ =	sdelay $0x4  }
0x2f7: {  	[tilespmem:v10+s12+$0x0] =	vst.idx.add.f32.msk $0xffff, v11  }
0x2f8: {  	v11 =	vld [tilespmem:$0x90];
	_ =	sdelay $0x2  }
0x2f9: {  	v12 =	vld [tilespmem:$0x8310];
	_ =	sdelay $0x3  }
0x2fa: {  	[tilespmem:$0x280] =	vst v10  }
0x2fb: {  	[tilespmem:v11+s12+$0x0] =	vst.idx.add.f32.msk $0xffff, v12  }
0x2fc: {  	v10 =	vld [tilespmem:$0x98];
	_ =	sdelay $0x2  }
0x2fd: {  	v12 =	vld [tilespmem:$0x8318];
	_ =	sdelay $0x2  }
.Ltmp6:
0x2fe: {  	_ = 	snop;
	(pc) =	sbr.rel @p1 .LBB2_12-.Ltmp6, $4  }
0x2ff: {  	[tilespmem:$0x290] =	vst v11  }
0x300: {  	[tilespmem:v10+s12+$0x0] =	vst.idx.add.f32.msk vm0, v12  }
0x301: {  	s4 =	simm.s32 $0x280;
	s6 =	simm.s32 $0x6700;
	[tilespmem:$0x298] =	vst v10  }
0x302: {  	[spmem:s5] =	stream.indirect.scatter.add.f32 [tilespmem:s6], [sflag:$0xA], $0x80, s4, s13, $0xb8;
	[tilespmem:$0x1EE80] =	vst v63  }
0x303: {  	s4 =	smul.u32 $0x50, s16;
	_ =	sdelay $0x1  }
0x304: {  	s4 =	sadd.s32 s4, s22  }
.Ltmp7:
0x305: {  	s4 =	sshrl.u32 s4, $0x3;
	(pc) =	sbr.rel .LBB2_6-.Ltmp7, $4  }
0x306: {  	s7 =	simm.s32 $0x0;
	s6 =	sadd.s32 s8, s4  }
0x307: {  	[tilespmem:s18], [sflag:$0xC] =	stream.linear.gather [hbm4b:s6+s7], $0x28, $0x38;
	[tilespmem:$0x1EE80] =	vst v63  }
0x308: {  	s16 =	sadd.s32 $0x1, s16;
	s4 =	sadd.s32 s2, s4  }
0x309: {  	[tilespmem:s19], [sflag:$0xC] =	stream.linear.gather [hbm4b:s4+s7], $0x28, $0x38;
	[tilespmem:$0x1EE80] =	vst v63  }
.LBB2_13:
0x30a: {  	_ =	sfence.sel $0x180000  }
0x30b: {  	[bflag:$0x0] =	sbarrier.arrive $0xFFFF  }
0x30c: {  	_ =	strace $0x90000047  }
0x30d: {  	s0 =	stileid.u32;
	[bflag:$0x2] =	sbarrier.arrive $0xFFFF  }
0x30e: {  	p0 =	sne.s32 s0, $0x0;
	s0 =	rddreg [dreg:$0x6]  }
0x30f: {  	s0 =	sadd.s32 @!p0 $0x100000, s0  }
0x310: {  	[sflag:s0] =	ssyncadd.tile.s32 @!p0 $0x1;
	_ =	shalt  }
.Lfunc_end2:
_tile_overlayer_lowered:
.L_overlay_start_2:
0x311: {  	(tag) =	ssettag $0x2  }
0x312: {  	s0 =	rddreg [dreg:$0x0];
	s2 =	stileid.u32  }
0x313: {  	s1 =	rddreg [dreg:$0x1];
	p0 =	sne.s32 s2, $0x0  }
0x314: {  	s3 =	rddreg [dreg:$0x2];
	[bflag:$0x3] =	sbarrier.arrive $0xFFFF;
	s2 =	simm.s32 @!p0 $0x1C0D  }
0x315: {  	[timem:s3], [sflag:s2] =	dma.local @!p0 [hbm:s0], s1  }
0x316: {  	s0 =	simm.s32 @!p0 $0xD  }
0x317: {  	_ =	swait.ge @!p0 [sflag:s0], s1  }
0x318: {  	s1 =	ssub.s32 @!p0 $0x0, s1;
	[sflag:s0] =	ssyncset.done @!p0 $0x0  }
0x319: {  	[sflag:s0] =	ssyncadd.s32 @!p0 s1  }
0x31a: {  	[bflag:$0x3] =	sbarrier.arrive $0xFFFF  }
0x31b: {  	_ =	shalt  }

</sc_bundles>
